<compile_context>
chip_gen: v7x
topology: tpu7x:2x2x1
jax: 0.10.2.dev20260603
libtpu: 0.0.44.dev20260713+nightly
codegen_flags: <defaults>
</compile_context>

<pallas_src>
import functools

import jax
import jax.numpy as jnp
from jax import lax
from jax.experimental import pallas as pl
from jax.experimental.pallas import tpu as pltpu
from jax.experimental.pallas import tpu_sc as plsc

_B = 64
_V = 100000
_L = 16
_NC = 2
_NS = 16
_NW = _NC * _NS
_RPW = _B // _NW
_CHUNK = 10000
_NCHUNK = _V // _CHUNK
_VECS = _V // _L
_CVECS = _CHUNK // _L


def _sc_body(logits_hbm, noise_hbm, out_hbm, lbuf, nbuf0, nbuf1, obuf,
             sem0, sem1):
    cid = lax.axis_index("c")
    sid = lax.axis_index("s")
    wid = sid * _NC + cid
    iota = lax.iota(jnp.int32, _L)

    results = []
    for r in range(_RPW):
        row = wid * _RPW + r
        pltpu.sync_copy(logits_hbm.at[row], lbuf)

        def p1(i, m):
            base = i * (_L * 10)
            for u in range(10):
                m = jnp.maximum(m, lbuf[pl.ds(base + u * _L, _L)])
            return m
        m = lax.fori_loop(0, _VECS // 10, p1,
                          jnp.full((_L,), -jnp.inf, jnp.float32))
        m_sc = jnp.max(m)

        def p2(i, s):
            base = i * (_L * 10)
            for u in range(10):
                x = lbuf[pl.ds(base + u * _L, _L)]
                e = jnp.exp(x - m_sc)
                lbuf[pl.ds(base + u * _L, _L)] = e
                s = s + e
            return s
        s = lax.fori_loop(0, _VECS // 10, p2, jnp.zeros((_L,), jnp.float32))
        rinv = jnp.full((_L,), 1.0, jnp.float32) / jnp.sum(s)

        best = jnp.full((_L,), -jnp.inf, jnp.float32)
        bidx = jnp.zeros((_L,), jnp.int32)
        copies = [None, None]
        copies[0] = pltpu.async_copy(
            noise_hbm.at[row, pl.ds(0, _CHUNK)], nbuf0, sem0)
        for c in range(_NCHUNK):
            cur = nbuf0 if c % 2 == 0 else nbuf1
            if c + 1 < _NCHUNK:
                nxt = nbuf1 if c % 2 == 0 else nbuf0
                nsem = sem1 if c % 2 == 0 else sem0
                copies[(c + 1) % 2] = pltpu.async_copy(
                    noise_hbm.at[row, pl.ds((c + 1) * _CHUNK, _CHUNK)],
                    nxt, nsem)
            copies[c % 2].wait()
            cbase = c * _CHUNK

            def p3(i, carry, cur=cur, cbase=cbase):
                best, bidx = carry
                base = i * (_L * 5)
                for u in range(5):
                    off = base + u * _L
                    e = lbuf[pl.ds(cbase + off, _L)]
                    n = cur[pl.ds(off, _L)]
                    score = e * rinv + n
                    idxv = iota + (cbase + off)
                    better = score > best
                    best = jnp.where(better, score, best)
                    bidx = jnp.where(better, idxv, bidx)
                return best, bidx
            best, bidx = lax.fori_loop(0, _CVECS // 5, p3, (best, bidx))

        mv = jnp.max(best)
        cand = jnp.where(best == mv, bidx, jnp.int32(2**31 - 1))
        results.append(jnp.min(cand))

    ovec = jnp.zeros((_L,), jnp.int32)
    for r in range(_RPW):
        ovec = jnp.where(iota == r, results[r], ovec)
    obuf[...] = ovec
    pltpu.sync_copy(obuf, out_hbm.at[wid])


_sampler = pl.kernel(
    _sc_body,
    out_type=jax.ShapeDtypeStruct((_NW, _L), jnp.int32),
    mesh=plsc.VectorSubcoreMesh(
        core_axis_name="c", subcore_axis_name="s",
        num_cores=_NC, num_subcores=_NS),
    scratch_types=[
        pltpu.VMEM((_V,), jnp.float32),
        pltpu.VMEM((_CHUNK,), jnp.float32),
        pltpu.VMEM((_CHUNK,), jnp.float32),
        pltpu.VMEM((_L,), jnp.int32),
        pltpu.SemaphoreType.DMA,
        pltpu.SemaphoreType.DMA,
    ],
    compiler_params=pltpu.CompilerParams(
        use_tc_tiling_on_sc=False, needs_layout_passes=False),
)


_NOISE_CACHE = []


def _noise():
    if not _NOISE_CACHE:
        u = jax.random.uniform(jax.random.key(1), (_B, _V),
                               minval=1e-9, maxval=1.0, dtype=jnp.float32)
        _NOISE_CACHE.append(-jnp.log(-jnp.log(u)))
    return _NOISE_CACHE[0]


def kernel(logits):
    out = _sampler(logits, _noise())
    return out[:, :_RPW].reshape(_B)

# --- scband reference (transcript-rebuilt; emitter-appended) ---
"""Pipeline reference for scband-noisy-sampler-3521873183537 (READ-ONLY COPY).

The authoritative reference and input builder live on the scoring server;
editing this copy changes nothing except your own understanding.
"""

import jax, jax.numpy as jnp
import numpy as np

B = 64
V = 100000


def setup_inputs(seed: int = 0) -> dict:
    key = jax.random.key(seed)
    logits = jax.random.normal(key, (B, V), dtype=jnp.float32)
    return {"logits": logits}


def reference(logits):
    # NoisySampler.forward: sample(logits.softmax(-1))
    probs = jax.nn.softmax(logits, axis=-1)
    # noise ~ Gumbel(0, 1), sampled with a fixed key for determinism
    u = jax.random.uniform(jax.random.key(1), probs.shape, minval=1e-9, maxval=1.0, dtype=jnp.float32)
    noise = -jnp.log(-jnp.log(u))
    noisy = probs + noise
    # inner sampler = greedy/argmax over the noise-perturbed probabilities
    idx = jnp.argmax(noisy, axis=-1)
    return idx

if __name__ == "__main__":
    import jax
    _d = setup_inputs()
    print(jax.jit(kernel)(*tuple(_d.values())))

</pallas_src>

<mosaic_0001>
#map = affine_map<(d0, d1) -> (0, 0)>
module attributes {stable_mosaic.version = 14 : i64} {
  func.func @_sc_body(%arg0: i32, %arg1: i32, %arg2: memref<64x100000xf32, #tpu.memory_space<hbm>>, %arg3: memref<64x100000xf32, #tpu.memory_space<hbm>>, %arg4: memref<32x16xi32, #tpu.memory_space<hbm>>, %arg5: memref<100000xf32, #tpu.memory_space<vmem>>, %arg6: memref<10000xf32, #tpu.memory_space<vmem>>, %arg7: memref<10000xf32, #tpu.memory_space<vmem>>, %arg8: memref<16xi32, #tpu.memory_space<vmem>>, %arg9: memref<!tpu.dma_semaphore, #tpu.memory_space<semaphore_mem>>, %arg10: memref<!tpu.dma_semaphore, #tpu.memory_space<semaphore_mem>>) attributes {dimension_semantics = [#tpu.dimension_semantics<core_parallel>, #tpu.dimension_semantics<subcore_parallel>], iteration_bounds = array<i64: 2, 16>, scalar_prefetch = 0 : i64, scratch_operands = 6 : i64, tpu.core_type = #tpu.core_type<sc_vector_subcore>, window_params = [{transform_indices = #map}, {transform_indices = #map}, {transform_indices = #map}]} {
    %mul3A = arith.constant 2 : i32
    %mul3A_0 = arith.muli %arg1, %mul3A : i32
    %add3A = arith.addi %mul3A_0, %arg0 : i32
    %iota3A = tpu.iota {dimensions = array<i32: 0>} : vector<16xi32>
    %mul3A_1 = arith.constant 2 : i32
    %mul3A_2 = arith.muli %add3A, %mul3A_1 : i32
    %add3A_3 = arith.constant 0 : i32
    %add3A_4 = arith.addi %mul3A_2, %add3A_3 : i32
    "tpu.region"() ({
      %run_scoped3A = tpu.sem_alloc : memref<!tpu.dma_semaphore, #tpu.memory_space<semaphore_mem>>
      %dma_start3A_469 = arith.constant 0 : i32
      %dma_start3A_470 = tpu.memref_slice %arg2[%add3A_4, %dma_start3A_469] : memref<64x100000xf32, #tpu.memory_space<hbm>> -> memref<1x100000xf32, #tpu.memory_space<hbm>>
      %dma_start3A_471 = tpu.memref_squeeze %dma_start3A_470 : memref<1x100000xf32, #tpu.memory_space<hbm>> -> memref<100000xf32, #tpu.memory_space<hbm>>
      %dma_start3A_472 = arith.constant 0 : i32
      %dma_start3A_473 = tpu.memref_slice %arg2[%add3A_4, %dma_start3A_472] : memref<64x100000xf32, #tpu.memory_space<hbm>> -> memref<1x100000xf32, #tpu.memory_space<hbm>>
      %dma_start3A_474 = tpu.memref_squeeze %dma_start3A_473 : memref<1x100000xf32, #tpu.memory_space<hbm>> -> memref<100000xf32, #tpu.memory_space<hbm>>
      tpu.enqueue_dma source(%dma_start3A_474 : memref<100000xf32, #tpu.memory_space<hbm>>) target(%arg5 : memref<100000xf32, #tpu.memory_space<vmem>>) target_semaphore(%run_scoped3A : memref<!tpu.dma_semaphore, #tpu.memory_space<semaphore_mem>>)
      %dma_wait3A_475 = arith.constant 0 : i32
      %dma_wait3A_476 = tpu.memref_slice %arg2[%add3A_4, %dma_wait3A_475] : memref<64x100000xf32, #tpu.memory_space<hbm>> -> memref<1x100000xf32, #tpu.memory_space<hbm>>
      %dma_wait3A_477 = tpu.memref_squeeze %dma_wait3A_476 : memref<1x100000xf32, #tpu.memory_space<hbm>> -> memref<100000xf32, #tpu.memory_space<hbm>>
      %dma_wait3A_478 = arith.constant 0 : i32
      %dma_wait3A_479 = tpu.memref_slice %arg2[%add3A_4, %dma_wait3A_478] : memref<64x100000xf32, #tpu.memory_space<hbm>> -> memref<1x100000xf32, #tpu.memory_space<hbm>>
      %dma_wait3A_480 = tpu.memref_squeeze %dma_wait3A_479 : memref<1x100000xf32, #tpu.memory_space<hbm>> -> memref<100000xf32, #tpu.memory_space<hbm>>
      tpu.wait_dma2 semaphore(%run_scoped3A : memref<!tpu.dma_semaphore, #tpu.memory_space<semaphore_mem>>) src(%dma_wait3A_480 : memref<100000xf32, #tpu.memory_space<hbm>>) dst(%arg5 : memref<100000xf32, #tpu.memory_space<vmem>>)
      tpu.yield
    }) : () -> ()
    %broadcast_in_dim3A = arith.constant 0xFF800000 : f32
    %broadcast_in_dim3A_5 = vector.broadcast %broadcast_in_dim3A : f32 to vector<16xf32>
    %scan3A = arith.constant 0 : i32
    %scan3A_6 = arith.constant 625 : i32
    %scan3A_7 = arith.addi %scan3A, %scan3A_6 : i32
    %scan3A_8 = arith.constant 1 : i32
    %scan3A_9 = scf.for %scan3A_469 = %scan3A to %scan3A_7 step %scan3A_8 iter_args(%scan3A_470 = %broadcast_in_dim3A_5) -> (vector<16xf32>)  : i32 {
      %mul3A_471 = arith.constant 160 : i32
      %mul3A_472 = arith.muli %scan3A_469, %mul3A_471 : i32
      %add3A_473 = arith.constant 0 : i32
      %add3A_474 = arith.addi %mul3A_472, %add3A_473 : i32
      %get3A = arith.index_cast %add3A_474 : i32 to index
      %get3A_475 = tpu.vector_load %arg5[%get3A] {strides = array<i32>} : memref<100000xf32, #tpu.memory_space<vmem>>, vector<16xf32>,
      %max3A = arith.maximumf %scan3A_470, %get3A_475 : vector<16xf32>
      %add3A_476 = arith.constant 16 : i32
      %add3A_477 = arith.addi %mul3A_472, %add3A_476 : i32
      %get3A_478 = arith.index_cast %add3A_477 : i32 to index
      %get3A_479 = tpu.vector_load %arg5[%get3A_478] {strides = array<i32>} : memref<100000xf32, #tpu.memory_space<vmem>>, vector<16xf32>,
      %max3A_480 = arith.maximumf %max3A, %get3A_479 : vector<16xf32>
      %add3A_481 = arith.constant 32 : i32
      %add3A_482 = arith.addi %mul3A_472, %add3A_481 : i32
      %get3A_483 = arith.index_cast %add3A_482 : i32 to index
      %get3A_484 = tpu.vector_load %arg5[%get3A_483] {strides = array<i32>} : memref<100000xf32, #tpu.memory_space<vmem>>, vector<16xf32>,
      %max3A_485 = arith.maximumf %max3A_480, %get3A_484 : vector<16xf32>
      %add3A_486 = arith.constant 48 : i32
      %add3A_487 = arith.addi %mul3A_472, %add3A_486 : i32
      %get3A_488 = arith.index_cast %add3A_487 : i32 to index
      %get3A_489 = tpu.vector_load %arg5[%get3A_488] {strides = array<i32>} : memref<100000xf32, #tpu.memory_space<vmem>>, vector<16xf32>,
      %max3A_490 = arith.maximumf %max3A_485, %get3A_489 : vector<16xf32>
      %add3A_491 = arith.constant 64 : i32
      %add3A_492 = arith.addi %mul3A_472, %add3A_491 : i32
      %get3A_493 = arith.index_cast %add3A_492 : i32 to index
      %get3A_494 = tpu.vector_load %arg5[%get3A_493] {strides = array<i32>} : memref<100000xf32, #tpu.memory_space<vmem>>, vector<16xf32>,
      %max3A_495 = arith.maximumf %max3A_490, %get3A_494 : vector<16xf32>
      %add3A_496 = arith.constant 80 : i32
      %add3A_497 = arith.addi %mul3A_472, %add3A_496 : i32
      %get3A_498 = arith.index_cast %add3A_497 : i32 to index
      %get3A_499 = tpu.vector_load %arg5[%get3A_498] {strides = array<i32>} : memref<100000xf32, #tpu.memory_space<vmem>>, vector<16xf32>,
      %max3A_500 = arith.maximumf %max3A_495, %get3A_499 : vector<16xf32>
      %add3A_501 = arith.constant 96 : i32
      %add3A_502 = arith.addi %mul3A_472, %add3A_501 : i32
      %get3A_503 = arith.index_cast %add3A_502 : i32 to index
      %get3A_504 = tpu.vector_load %arg5[%get3A_503] {strides = array<i32>} : memref<100000xf32, #tpu.memory_space<vmem>>, vector<16xf32>,
      %max3A_505 = arith.maximumf %max3A_500, %get3A_504 : vector<16xf32>
      %add3A_506 = arith.constant 112 : i32
      %add3A_507 = arith.addi %mul3A_472, %add3A_506 : i32
      %get3A_508 = arith.index_cast %add3A_507 : i32 to index
      %get3A_509 = tpu.vector_load %arg5[%get3A_508] {strides = array<i32>} : memref<100000xf32, #tpu.memory_space<vmem>>, vector<16xf32>,
      %max3A_510 = arith.maximumf %max3A_505, %get3A_509 : vector<16xf32>
      %add3A_511 = arith.constant 128 : i32
      %add3A_512 = arith.addi %mul3A_472, %add3A_511 : i32
      %get3A_513 = arith.index_cast %add3A_512 : i32 to index
      %get3A_514 = tpu.vector_load %arg5[%get3A_513] {strides = array<i32>} : memref<100000xf32, #tpu.memory_space<vmem>>, vector<16xf32>,
      %max3A_515 = arith.maximumf %max3A_510, %get3A_514 : vector<16xf32>
      %add3A_516 = arith.constant 144 : i32
      %add3A_517 = arith.addi %mul3A_472, %add3A_516 : i32
      %get3A_518 = arith.index_cast %add3A_517 : i32 to index
      %get3A_519 = tpu.vector_load %arg5[%get3A_518] {strides = array<i32>} : memref<100000xf32, #tpu.memory_space<vmem>>, vector<16xf32>,
      %max3A_520 = arith.maximumf %max3A_515, %get3A_519 : vector<16xf32>
      scf.yield %max3A_520 : vector<16xf32>
    }
    %scan3A_10 = arith.constant 625 : i32
    %reduce_max3A = arith.constant true
    %reduce_max3A_11 = vector.broadcast %reduce_max3A : i1 to vector<16xi1>
    %reduce_max3A_12 = tpu.scan <max>, %scan3A_9 masked %reduce_max3A_11 : vector<16xf32>, vector<16xi1> -> vector<16xf32>
    %reduce_max3A_13 = vector.extract %reduce_max3A_12[15] : f32 from vector<16xf32>
    %broadcast_in_dim3A_14 = arith.constant 0.000000e+00 : f32
    %broadcast_in_dim3A_15 = vector.broadcast %broadcast_in_dim3A_14 : f32 to vector<16xf32>
    %scan3A_16 = arith.constant 0 : i32
    %scan3A_17 = arith.constant 625 : i32
    %scan3A_18 = arith.addi %scan3A_16, %scan3A_17 : i32
    %scan3A_19 = arith.constant 1 : i32
    %scan3A_20 = scf.for %scan3A_469 = %scan3A_16 to %scan3A_18 step %scan3A_19 iter_args(%scan3A_470 = %broadcast_in_dim3A_15) -> (vector<16xf32>)  : i32 {
      %mul3A_471 = arith.constant 160 : i32
      %mul3A_472 = arith.muli %scan3A_469, %mul3A_471 : i32
      %add3A_473 = arith.constant 0 : i32
      %add3A_474 = arith.addi %mul3A_472, %add3A_473 : i32
      %get3A = arith.index_cast %add3A_474 : i32 to index
      %get3A_475 = tpu.vector_load %arg5[%get3A] {strides = array<i32>} : memref<100000xf32, #tpu.memory_space<vmem>>, vector<16xf32>,
      %sub3A = vector.broadcast %reduce_max3A_13 : f32 to vector<16xf32>
      %sub3A_476 = arith.subf %get3A_475, %sub3A : vector<16xf32>
      %exp3A = math.exp %sub3A_476 : vector<16xf32>
      %add3A_477 = arith.constant 0 : i32
      %add3A_478 = arith.addi %mul3A_472, %add3A_477 : i32
      %swap3A_479 = arith.index_cast %add3A_478 : i32 to index
      %swap3A_480 = tpu.vector_load %arg5[%swap3A_479] {strides = array<i32>} : memref<100000xf32, #tpu.memory_space<vmem>>, vector<16xf32>,
      tpu.vector_store %arg5[%swap3A_479], %exp3A {strides = array<i32>} : memref<100000xf32, #tpu.memory_space<vmem>>, vector<16xf32>,
      %add3A_481 = arith.addf %scan3A_470, %exp3A : vector<16xf32>
      %add3A_482 = arith.constant 16 : i32
      %add3A_483 = arith.addi %mul3A_472, %add3A_482 : i32
      %get3A_484 = arith.index_cast %add3A_483 : i32 to index
      %get3A_485 = tpu.vector_load %arg5[%get3A_484] {strides = array<i32>} : memref<100000xf32, #tpu.memory_space<vmem>>, vector<16xf32>,
      %sub3A_486 = vector.broadcast %reduce_max3A_13 : f32 to vector<16xf32>
      %sub3A_487 = arith.subf %get3A_485, %sub3A_486 : vector<16xf32>
      %exp3A_488 = math.exp %sub3A_487 : vector<16xf32>
      %add3A_489 = arith.constant 16 : i32
      %add3A_490 = arith.addi %mul3A_472, %add3A_489 : i32
      %swap3A_491 = arith.index_cast %add3A_490 : i32 to index
      %swap3A_492 = tpu.vector_load %arg5[%swap3A_491] {strides = array<i32>} : memref<100000xf32, #tpu.memory_space<vmem>>, vector<16xf32>,
      tpu.vector_store %arg5[%swap3A_491], %exp3A_488 {strides = array<i32>} : memref<100000xf32, #tpu.memory_space<vmem>>, vector<16xf32>,
      %add3A_493 = arith.addf %add3A_481, %exp3A_488 : vector<16xf32>
      %add3A_494 = arith.constant 32 : i32
      %add3A_495 = arith.addi %mul3A_472, %add3A_494 : i32
      %get3A_496 = arith.index_cast %add3A_495 : i32 to index
      %get3A_497 = tpu.vector_load %arg5[%get3A_496] {strides = array<i32>} : memref<100000xf32, #tpu.memory_space<vmem>>, vector<16xf32>,
      %sub3A_498 = vector.broadcast %reduce_max3A_13 : f32 to vector<16xf32>
      %sub3A_499 = arith.subf %get3A_497, %sub3A_498 : vector<16xf32>
      %exp3A_500 = math.exp %sub3A_499 : vector<16xf32>
      %add3A_501 = arith.constant 32 : i32
      %add3A_502 = arith.addi %mul3A_472, %add3A_501 : i32
      %swap3A_503 = arith.index_cast %add3A_502 : i32 to index
      %swap3A_504 = tpu.vector_load %arg5[%swap3A_503] {strides = array<i32>} : memref<100000xf32, #tpu.memory_space<vmem>>, vector<16xf32>,
      tpu.vector_store %arg5[%swap3A_503], %exp3A_500 {strides = array<i32>} : memref<100000xf32, #tpu.memory_space<vmem>>, vector<16xf32>,
      %add3A_505 = arith.addf %add3A_493, %exp3A_500 : vector<16xf32>
      %add3A_506 = arith.constant 48 : i32
      %add3A_507 = arith.addi %mul3A_472, %add3A_506 : i32
      %get3A_508 = arith.index_cast %add3A_507 : i32 to index
      %get3A_509 = tpu.vector_load %arg5[%get3A_508] {strides = array<i32>} : memref<100000xf32, #tpu.memory_space<vmem>>, vector<16xf32>,
      %sub3A_510 = vector.broadcast %reduce_max3A_13 : f32 to vector<16xf32>
      %sub3A_511 = arith.subf %get3A_509, %sub3A_510 : vector<16xf32>
      %exp3A_512 = math.exp %sub3A_511 : vector<16xf32>
      %add3A_513 = arith.constant 48 : i32
      %add3A_514 = arith.addi %mul3A_472, %add3A_513 : i32
      %swap3A_515 = arith.index_cast %add3A_514 : i32 to index
      %swap3A_516 = tpu.vector_load %arg5[%swap3A_515] {strides = array<i32>} : memref<100000xf32, #tpu.memory_space<vmem>>, vector<16xf32>,
      tpu.vector_store %arg5[%swap3A_515], %exp3A_512 {strides = array<i32>} : memref<100000xf32, #tpu.memory_space<vmem>>, vector<16xf32>,
      %add3A_517 = arith.addf %add3A_505, %exp3A_512 : vector<16xf32>
      %add3A_518 = arith.constant 64 : i32
      %add3A_519 = arith.addi %mul3A_472, %add3A_518 : i32
      %get3A_520 = arith.index_cast %add3A_519 : i32 to index
      %get3A_521 = tpu.vector_load %arg5[%get3A_520] {strides = array<i32>} : memref<100000xf32, #tpu.memory_space<vmem>>, vector<16xf32>,
      %sub3A_522 = vector.broadcast %reduce_max3A_13 : f32 to vector<16xf32>
      %sub3A_523 = arith.subf %get3A_521, %sub3A_522 : vector<16xf32>
      %exp3A_524 = math.exp %sub3A_523 : vector<16xf32>
      %add3A_525 = arith.constant 64 : i32
      %add3A_526 = arith.addi %mul3A_472, %add3A_525 : i32
      %swap3A_527 = arith.index_cast %add3A_526 : i32 to index
      %swap3A_528 = tpu.vector_load %arg5[%swap3A_527] {strides = array<i32>} : memref<100000xf32, #tpu.memory_space<vmem>>, vector<16xf32>,
      tpu.vector_store %arg5[%swap3A_527], %exp3A_524 {strides = array<i32>} : memref<100000xf32, #tpu.memory_space<vmem>>, vector<16xf32>,
      %add3A_529 = arith.addf %add3A_517, %exp3A_524 : vector<16xf32>
      %add3A_530 = arith.constant 80 : i32
      %add3A_531 = arith.addi %mul3A_472, %add3A_530 : i32
      %get3A_532 = arith.index_cast %add3A_531 : i32 to index
      %get3A_533 = tpu.vector_load %arg5[%get3A_532] {strides = array<i32>} : memref<100000xf32, #tpu.memory_space<vmem>>, vector<16xf32>,
      %sub3A_534 = vector.broadcast %reduce_max3A_13 : f32 to vector<16xf32>
      %sub3A_535 = arith.subf %get3A_533, %sub3A_534 : vector<16xf32>
      %exp3A_536 = math.exp %sub3A_535 : vector<16xf32>
      %add3A_537 = arith.constant 80 : i32
      %add3A_538 = arith.addi %mul3A_472, %add3A_537 : i32
      %swap3A_539 = arith.index_cast %add3A_538 : i32 to index
      %swap3A_540 = tpu.vector_load %arg5[%swap3A_539] {strides = array<i32>} : memref<100000xf32, #tpu.memory_space<vmem>>, vector<16xf32>,
      tpu.vector_store %arg5[%swap3A_539], %exp3A_536 {strides = array<i32>} : memref<100000xf32, #tpu.memory_space<vmem>>, vector<16xf32>,
      %add3A_541 = arith.addf %add3A_529, %exp3A_536 : vector<16xf32>
      %add3A_542 = arith.constant 96 : i32
      %add3A_543 = arith.addi %mul3A_472, %add3A_542 : i32
      %get3A_544 = arith.index_cast %add3A_543 : i32 to index
      %get3A_545 = tpu.vector_load %arg5[%get3A_544] {strides = array<i32>} : memref<100000xf32, #tpu.memory_space<vmem>>, vector<16xf32>,
      %sub3A_546 = vector.broadcast %reduce_max3A_13 : f32 to vector<16xf32>
      %sub3A_547 = arith.subf %get3A_545, %sub3A_546 : vector<16xf32>
      %exp3A_548 = math.exp %sub3A_547 : vector<16xf32>
      %add3A_549 = arith.constant 96 : i32
      %add3A_550 = arith.addi %mul3A_472, %add3A_549 : i32
      %swap3A_551 = arith.index_cast %add3A_550 : i32 to index
      %swap3A_552 = tpu.vector_load %arg5[%swap3A_551] {strides = array<i32>} : memref<100000xf32, #tpu.memory_space<vmem>>, vector<16xf32>,
      tpu.vector_store %arg5[%swap3A_551], %exp3A_548 {strides = array<i32>} : memref<100000xf32, #tpu.memory_space<vmem>>, vector<16xf32>,
      %add3A_553 = arith.addf %add3A_541, %exp3A_548 : vector<16xf32>
      %add3A_554 = arith.constant 112 : i32
      %add3A_555 = arith.addi %mul3A_472, %add3A_554 : i32
      %get3A_556 = arith.index_cast %add3A_555 : i32 to index
      %get3A_557 = tpu.vector_load %arg5[%get3A_556] {strides = array<i32>} : memref<100000xf32, #tpu.memory_space<vmem>>, vector<16xf32>,
      %sub3A_558 = vector.broadcast %reduce_max3A_13 : f32 to vector<16xf32>
      %sub3A_559 = arith.subf %get3A_557, %sub3A_558 : vector<16xf32>
      %exp3A_560 = math.exp %sub3A_559 : vector<16xf32>
      %add3A_561 = arith.constant 112 : i32
      %add3A_562 = arith.addi %mul3A_472, %add3A_561 : i32
      %swap3A_563 = arith.index_cast %add3A_562 : i32 to index
      %swap3A_564 = tpu.vector_load %arg5[%swap3A_563] {strides = array<i32>} : memref<100000xf32, #tpu.memory_space<vmem>>, vector<16xf32>,
      tpu.vector_store %arg5[%swap3A_563], %exp3A_560 {strides = array<i32>} : memref<100000xf32, #tpu.memory_space<vmem>>, vector<16xf32>,
      %add3A_565 = arith.addf %add3A_553, %exp3A_560 : vector<16xf32>
      %add3A_566 = arith.constant 128 : i32
      %add3A_567 = arith.addi %mul3A_472, %add3A_566 : i32
      %get3A_568 = arith.index_cast %add3A_567 : i32 to index
      %get3A_569 = tpu.vector_load %arg5[%get3A_568] {strides = array<i32>} : memref<100000xf32, #tpu.memory_space<vmem>>, vector<16xf32>,
      %sub3A_570 = vector.broadcast %reduce_max3A_13 : f32 to vector<16xf32>
      %sub3A_571 = arith.subf %get3A_569, %sub3A_570 : vector<16xf32>
      %exp3A_572 = math.exp %sub3A_571 : vector<16xf32>
      %add3A_573 = arith.constant 128 : i32
      %add3A_574 = arith.addi %mul3A_472, %add3A_573 : i32
      %swap3A_575 = arith.index_cast %add3A_574 : i32 to index
      %swap3A_576 = tpu.vector_load %arg5[%swap3A_575] {strides = array<i32>} : memref<100000xf32, #tpu.memory_space<vmem>>, vector<16xf32>,
      tpu.vector_store %arg5[%swap3A_575], %exp3A_572 {strides = array<i32>} : memref<100000xf32, #tpu.memory_space<vmem>>, vector<16xf32>,
      %add3A_577 = arith.addf %add3A_565, %exp3A_572 : vector<16xf32>
      %add3A_578 = arith.constant 144 : i32
      %add3A_579 = arith.addi %mul3A_472, %add3A_578 : i32
      %get3A_580 = arith.index_cast %add3A_579 : i32 to index
      %get3A_581 = tpu.vector_load %arg5[%get3A_580] {strides = array<i32>} : memref<100000xf32, #tpu.memory_space<vmem>>, vector<16xf32>,
      %sub3A_582 = vector.broadcast %reduce_max3A_13 : f32 to vector<16xf32>
      %sub3A_583 = arith.subf %get3A_581, %sub3A_582 : vector<16xf32>
      %exp3A_584 = math.exp %sub3A_583 : vector<16xf32>
      %add3A_585 = arith.constant 144 : i32
      %add3A_586 = arith.addi %mul3A_472, %add3A_585 : i32
      %swap3A_587 = arith.index_cast %add3A_586 : i32 to index
      %swap3A_588 = tpu.vector_load %arg5[%swap3A_587] {strides = array<i32>} : memref<100000xf32, #tpu.memory_space<vmem>>, vector<16xf32>,
      tpu.vector_store %arg5[%swap3A_587], %exp3A_584 {strides = array<i32>} : memref<100000xf32, #tpu.memory_space<vmem>>, vector<16xf32>,
      %add3A_589 = arith.addf %add3A_577, %exp3A_584 : vector<16xf32>
      scf.yield %add3A_589 : vector<16xf32>
    }
    %scan3A_21 = arith.constant 625 : i32
    %broadcast_in_dim3A_22 = arith.constant 1.000000e+00 : f32
    %broadcast_in_dim3A_23 = vector.broadcast %broadcast_in_dim3A_22 : f32 to vector<16xf32>
    %reduce_sum3A = arith.constant true
    %reduce_sum3A_24 = vector.broadcast %reduce_sum3A : i1 to vector<16xi1>
    %reduce_sum3A_25 = tpu.scan <sum>, %scan3A_20 masked %reduce_sum3A_24 : vector<16xf32>, vector<16xi1> -> vector<16xf32>
    %reduce_sum3A_26 = vector.extract %reduce_sum3A_25[15] : f32 from vector<16xf32>
    %div3A = vector.broadcast %reduce_sum3A_26 : f32 to vector<16xf32>
    %div3A_27 = arith.divf %broadcast_in_dim3A_23, %div3A : vector<16xf32>
    %broadcast_in_dim3A_28 = arith.constant 0xFF800000 : f32
    %broadcast_in_dim3A_29 = vector.broadcast %broadcast_in_dim3A_28 : f32 to vector<16xf32>
    %broadcast_in_dim3A_30 = arith.constant 0 : i32
    %broadcast_in_dim3A_31 = vector.broadcast %broadcast_in_dim3A_30 : i32 to vector<16xi32>
    %dma_start3A = arith.constant 0 : i32
    %dma_start3A_32 = tpu.memref_slice %arg3[%add3A_4, %dma_start3A] : memref<64x100000xf32, #tpu.memory_space<hbm>> -> memref<1x10000xf32, #tpu.memory_space<hbm>>
    %dma_start3A_33 = tpu.memref_squeeze %dma_start3A_32 : memref<1x10000xf32, #tpu.memory_space<hbm>> -> memref<10000xf32, #tpu.memory_space<hbm>>
    %dma_start3A_34 = arith.constant 0 : i32
    %dma_start3A_35 = tpu.memref_slice %arg3[%add3A_4, %dma_start3A_34] : memref<64x100000xf32, #tpu.memory_space<hbm>> -> memref<1x10000xf32, #tpu.memory_space<hbm>>
    %dma_start3A_36 = tpu.memref_squeeze %dma_start3A_35 : memref<1x10000xf32, #tpu.memory_space<hbm>> -> memref<10000xf32, #tpu.memory_space<hbm>>
    tpu.enqueue_dma source(%dma_start3A_36 : memref<10000xf32, #tpu.memory_space<hbm>>) target(%arg6 : memref<10000xf32, #tpu.memory_space<vmem>>) target_semaphore(%arg9 : memref<!tpu.dma_semaphore, #tpu.memory_space<semaphore_mem>>)
    %dma_start3A_37 = arith.constant 10000 : i32
    %dma_start3A_38 = tpu.memref_slice %arg3[%add3A_4, %dma_start3A_37] : memref<64x100000xf32, #tpu.memory_space<hbm>> -> memref<1x10000xf32, #tpu.memory_space<hbm>>
    %dma_start3A_39 = tpu.memref_squeeze %dma_start3A_38 : memref<1x10000xf32, #tpu.memory_space<hbm>> -> memref<10000xf32, #tpu.memory_space<hbm>>
    %dma_start3A_40 = arith.constant 10000 : i32
    %dma_start3A_41 = tpu.memref_slice %arg3[%add3A_4, %dma_start3A_40] : memref<64x100000xf32, #tpu.memory_space<hbm>> -> memref<1x10000xf32, #tpu.memory_space<hbm>>
    %dma_start3A_42 = tpu.memref_squeeze %dma_start3A_41 : memref<1x10000xf32, #tpu.memory_space<hbm>> -> memref<10000xf32, #tpu.memory_space<hbm>>
    tpu.enqueue_dma source(%dma_start3A_42 : memref<10000xf32, #tpu.memory_space<hbm>>) target(%arg7 : memref<10000xf32, #tpu.memory_space<vmem>>) target_semaphore(%arg10 : memref<!tpu.dma_semaphore, #tpu.memory_space<semaphore_mem>>)
    %dma_wait3A = arith.constant 0 : i32
    %dma_wait3A_43 = tpu.memref_slice %arg3[%add3A_4, %dma_wait3A] : memref<64x100000xf32, #tpu.memory_space<hbm>> -> memref<1x10000xf32, #tpu.memory_space<hbm>>
    %dma_wait3A_44 = tpu.memref_squeeze %dma_wait3A_43 : memref<1x10000xf32, #tpu.memory_space<hbm>> -> memref<10000xf32, #tpu.memory_space<hbm>>
    %dma_wait3A_45 = arith.constant 0 : i32
    %dma_wait3A_46 = tpu.memref_slice %arg3[%add3A_4, %dma_wait3A_45] : memref<64x100000xf32, #tpu.memory_space<hbm>> -> memref<1x10000xf32, #tpu.memory_space<hbm>>
    %dma_wait3A_47 = tpu.memref_squeeze %dma_wait3A_46 : memref<1x10000xf32, #tpu.memory_space<hbm>> -> memref<10000xf32, #tpu.memory_space<hbm>>
    tpu.wait_dma2 semaphore(%arg9 : memref<!tpu.dma_semaphore, #tpu.memory_space<semaphore_mem>>) src(%dma_wait3A_47 : memref<10000xf32, #tpu.memory_space<hbm>>) dst(%arg6 : memref<10000xf32, #tpu.memory_space<vmem>>)
    %scan3A_48 = arith.constant 0 : i32
    %scan3A_49 = arith.constant 125 : i32
    %scan3A_50 = arith.addi %scan3A_48, %scan3A_49 : i32
    %scan3A_51 = arith.constant 1 : i32
    %scan3A_52:2 = scf.for %scan3A_469 = %scan3A_48 to %scan3A_50 step %scan3A_51 iter_args(%scan3A_470 = %broadcast_in_dim3A_29, %scan3A_471 = %broadcast_in_dim3A_31) -> (vector<16xf32>, vector<16xi32>)  : i32 {
      %mul3A_472 = arith.constant 80 : i32
      %mul3A_473 = arith.muli %scan3A_469, %mul3A_472 : i32
      %add3A_474 = arith.constant 0 : i32
      %add3A_475 = arith.addi %mul3A_473, %add3A_474 : i32
      %add3A_476 = arith.constant 0 : i32
      %add3A_477 = arith.addi %add3A_476, %add3A_475 : i32
      %get3A = arith.index_cast %add3A_477 : i32 to index
      %get3A_478 = tpu.vector_load %arg5[%get3A] {strides = array<i32>} : memref<100000xf32, #tpu.memory_space<vmem>>, vector<16xf32>,
      %get3A_479 = arith.index_cast %add3A_475 : i32 to index
      %get3A_480 = tpu.vector_load %arg6[%get3A_479] {strides = array<i32>} : memref<10000xf32, #tpu.memory_space<vmem>>, vector<16xf32>,
      %mul3A_481 = arith.mulf %get3A_478, %div3A_27 : vector<16xf32>
      %add3A_482 = arith.addf %mul3A_481, %get3A_480 : vector<16xf32>
      %add3A_483 = arith.constant 0 : i32
      %add3A_484 = arith.addi %add3A_483, %add3A_475 : i32
      %add3A_485 = vector.broadcast %add3A_484 : i32 to vector<16xi32>
      %add3A_486 = arith.addi %iota3A, %add3A_485 : vector<16xi32>
      %gt3A = arith.cmpf ogt, %add3A_482, %scan3A_470 : vector<16xf32>
      %select_n3A_487 = arith.select %gt3A, %add3A_482, %scan3A_470 : vector<16xi1>, vector<16xf32>
      %select_n3A_488 = arith.select %gt3A, %add3A_486, %scan3A_471 : vector<16xi1>, vector<16xi32>
      %add3A_489 = arith.constant 16 : i32
      %add3A_490 = arith.addi %mul3A_473, %add3A_489 : i32
      %add3A_491 = arith.constant 0 : i32
      %add3A_492 = arith.addi %add3A_491, %add3A_490 : i32
      %get3A_493 = arith.index_cast %add3A_492 : i32 to index
      %get3A_494 = tpu.vector_load %arg5[%get3A_493] {strides = array<i32>} : memref<100000xf32, #tpu.memory_space<vmem>>, vector<16xf32>,
      %get3A_495 = arith.index_cast %add3A_490 : i32 to index
      %get3A_496 = tpu.vector_load %arg6[%get3A_495] {strides = array<i32>} : memref<10000xf32, #tpu.memory_space<vmem>>, vector<16xf32>,
      %mul3A_497 = arith.mulf %get3A_494, %div3A_27 : vector<16xf32>
      %add3A_498 = arith.addf %mul3A_497, %get3A_496 : vector<16xf32>
      %add3A_499 = arith.constant 0 : i32
      %add3A_500 = arith.addi %add3A_499, %add3A_490 : i32
      %add3A_501 = vector.broadcast %add3A_500 : i32 to vector<16xi32>
      %add3A_502 = arith.addi %iota3A, %add3A_501 : vector<16xi32>
      %gt3A_503 = arith.cmpf ogt, %add3A_498, %select_n3A_487 : vector<16xf32>
      %select_n3A_504 = arith.select %gt3A_503, %add3A_498, %select_n3A_487 : vector<16xi1>, vector<16xf32>
      %select_n3A_505 = arith.select %gt3A_503, %add3A_502, %select_n3A_488 : vector<16xi1>, vector<16xi32>
      %add3A_506 = arith.constant 32 : i32
      %add3A_507 = arith.addi %mul3A_473, %add3A_506 : i32
      %add3A_508 = arith.constant 0 : i32
      %add3A_509 = arith.addi %add3A_508, %add3A_507 : i32
      %get3A_510 = arith.index_cast %add3A_509 : i32 to index
      %get3A_511 = tpu.vector_load %arg5[%get3A_510] {strides = array<i32>} : memref<100000xf32, #tpu.memory_space<vmem>>, vector<16xf32>,
      %get3A_512 = arith.index_cast %add3A_507 : i32 to index
      %get3A_513 = tpu.vector_load %arg6[%get3A_512] {strides = array<i32>} : memref<10000xf32, #tpu.memory_space<vmem>>, vector<16xf32>,
      %mul3A_514 = arith.mulf %get3A_511, %div3A_27 : vector<16xf32>
      %add3A_515 = arith.addf %mul3A_514, %get3A_513 : vector<16xf32>
      %add3A_516 = arith.constant 0 : i32
      %add3A_517 = arith.addi %add3A_516, %add3A_507 : i32
      %add3A_518 = vector.broadcast %add3A_517 : i32 to vector<16xi32>
      %add3A_519 = arith.addi %iota3A, %add3A_518 : vector<16xi32>
      %gt3A_520 = arith.cmpf ogt, %add3A_515, %select_n3A_504 : vector<16xf32>
      %select_n3A_521 = arith.select %gt3A_520, %add3A_515, %select_n3A_504 : vector<16xi1>, vector<16xf32>
      %select_n3A_522 = arith.select %gt3A_520, %add3A_519, %select_n3A_505 : vector<16xi1>, vector<16xi32>
      %add3A_523 = arith.constant 48 : i32
      %add3A_524 = arith.addi %mul3A_473, %add3A_523 : i32
      %add3A_525 = arith.constant 0 : i32
      %add3A_526 = arith.addi %add3A_525, %add3A_524 : i32
      %get3A_527 = arith.index_cast %add3A_526 : i32 to index
      %get3A_528 = tpu.vector_load %arg5[%get3A_527] {strides = array<i32>} : memref<100000xf32, #tpu.memory_space<vmem>>, vector<16xf32>,
      %get3A_529 = arith.index_cast %add3A_524 : i32 to index
      %get3A_530 = tpu.vector_load %arg6[%get3A_529] {strides = array<i32>} : memref<10000xf32, #tpu.memory_space<vmem>>, vector<16xf32>,
      %mul3A_531 = arith.mulf %get3A_528, %div3A_27 : vector<16xf32>
      %add3A_532 = arith.addf %mul3A_531, %get3A_530 : vector<16xf32>
      %add3A_533 = arith.constant 0 : i32
      %add3A_534 = arith.addi %add3A_533, %add3A_524 : i32
      %add3A_535 = vector.broadcast %add3A_534 : i32 to vector<16xi32>
      %add3A_536 = arith.addi %iota3A, %add3A_535 : vector<16xi32>
      %gt3A_537 = arith.cmpf ogt, %add3A_532, %select_n3A_521 : vector<16xf32>
      %select_n3A_538 = arith.select %gt3A_537, %add3A_532, %select_n3A_521 : vector<16xi1>, vector<16xf32>
      %select_n3A_539 = arith.select %gt3A_537, %add3A_536, %select_n3A_522 : vector<16xi1>, vector<16xi32>
      %add3A_540 = arith.constant 64 : i32
      %add3A_541 = arith.addi %mul3A_473, %add3A_540 : i32
      %add3A_542 = arith.constant 0 : i32
      %add3A_543 = arith.addi %add3A_542, %add3A_541 : i32
      %get3A_544 = arith.index_cast %add3A_543 : i32 to index
      %get3A_545 = tpu.vector_load %arg5[%get3A_544] {strides = array<i32>} : memref<100000xf32, #tpu.memory_space<vmem>>, vector<16xf32>,
      %get3A_546 = arith.index_cast %add3A_541 : i32 to index
      %get3A_547 = tpu.vector_load %arg6[%get3A_546] {strides = array<i32>} : memref<10000xf32, #tpu.memory_space<vmem>>, vector<16xf32>,
      %mul3A_548 = arith.mulf %get3A_545, %div3A_27 : vector<16xf32>
      %add3A_549 = arith.addf %mul3A_548, %get3A_547 : vector<16xf32>
      %add3A_550 = arith.constant 0 : i32
      %add3A_551 = arith.addi %add3A_550, %add3A_541 : i32
      %add3A_552 = vector.broadcast %add3A_551 : i32 to vector<16xi32>
      %add3A_553 = arith.addi %iota3A, %add3A_552 : vector<16xi32>
      %gt3A_554 = arith.cmpf ogt, %add3A_549, %select_n3A_538 : vector<16xf32>
      %select_n3A_555 = arith.select %gt3A_554, %add3A_549, %select_n3A_538 : vector<16xi1>, vector<16xf32>
      %select_n3A_556 = arith.select %gt3A_554, %add3A_553, %select_n3A_539 : vector<16xi1>, vector<16xi32>
      scf.yield %select_n3A_555, %select_n3A_556 : vector<16xf32>, vector<16xi32>
    }
    %scan3A_53 = arith.constant 125 : i32
    %dma_start3A_54 = arith.constant 20000 : i32
    %dma_start3A_55 = tpu.memref_slice %arg3[%add3A_4, %dma_start3A_54] : memref<64x100000xf32, #tpu.memory_space<hbm>> -> memref<1x10000xf32, #tpu.memory_space<hbm>>
    %dma_start3A_56 = tpu.memref_squeeze %dma_start3A_55 : memref<1x10000xf32, #tpu.memory_space<hbm>> -> memref<10000xf32, #tpu.memory_space<hbm>>
    %dma_start3A_57 = arith.constant 20000 : i32
    %dma_start3A_58 = tpu.memref_slice %arg3[%add3A_4, %dma_start3A_57] : memref<64x100000xf32, #tpu.memory_space<hbm>> -> memref<1x10000xf32, #tpu.memory_space<hbm>>
    %dma_start3A_59 = tpu.memref_squeeze %dma_start3A_58 : memref<1x10000xf32, #tpu.memory_space<hbm>> -> memref<10000xf32, #tpu.memory_space<hbm>>
    tpu.enqueue_dma source(%dma_start3A_59 : memref<10000xf32, #tpu.memory_space<hbm>>) target(%arg6 : memref<10000xf32, #tpu.memory_space<vmem>>) target_semaphore(%arg9 : memref<!tpu.dma_semaphore, #tpu.memory_space<semaphore_mem>>)
    %dma_wait3A_60 = arith.constant 10000 : i32
    %dma_wait3A_61 = tpu.memref_slice %arg3[%add3A_4, %dma_wait3A_60] : memref<64x100000xf32, #tpu.memory_space<hbm>> -> memref<1x10000xf32, #tpu.memory_space<hbm>>
    %dma_wait3A_62 = tpu.memref_squeeze %dma_wait3A_61 : memref<1x10000xf32, #tpu.memory_space<hbm>> -> memref<10000xf32, #tpu.memory_space<hbm>>
    %dma_wait3A_63 = arith.constant 10000 : i32
    %dma_wait3A_64 = tpu.memref_slice %arg3[%add3A_4, %dma_wait3A_63] : memref<64x100000xf32, #tpu.memory_space<hbm>> -> memref<1x10000xf32, #tpu.memory_space<hbm>>
    %dma_wait3A_65 = tpu.memref_squeeze %dma_wait3A_64 : memref<1x10000xf32, #tpu.memory_space<hbm>> -> memref<10000xf32, #tpu.memory_space<hbm>>
    tpu.wait_dma2 semaphore(%arg10 : memref<!tpu.dma_semaphore, #tpu.memory_space<semaphore_mem>>) src(%dma_wait3A_65 : memref<10000xf32, #tpu.memory_space<hbm>>) dst(%arg7 : memref<10000xf32, #tpu.memory_space<vmem>>)
    %scan3A_66 = arith.constant 0 : i32
    %scan3A_67 = arith.constant 125 : i32
    %scan3A_68 = arith.addi %scan3A_66, %scan3A_67 : i32
    %scan3A_69 = arith.constant 1 : i32
    %scan3A_70:2 = scf.for %scan3A_469 = %scan3A_66 to %scan3A_68 step %scan3A_69 iter_args(%scan3A_470 = %scan3A_52#0, %scan3A_471 = %scan3A_52#1) -> (vector<16xf32>, vector<16xi32>)  : i32 {
      %mul3A_472 = arith.constant 80 : i32
      %mul3A_473 = arith.muli %scan3A_469, %mul3A_472 : i32
      %add3A_474 = arith.constant 0 : i32
      %add3A_475 = arith.addi %mul3A_473, %add3A_474 : i32
      %add3A_476 = arith.constant 10000 : i32
      %add3A_477 = arith.addi %add3A_476, %add3A_475 : i32
      %get3A = arith.index_cast %add3A_477 : i32 to index
      %get3A_478 = tpu.vector_load %arg5[%get3A] {strides = array<i32>} : memref<100000xf32, #tpu.memory_space<vmem>>, vector<16xf32>,
      %get3A_479 = arith.index_cast %add3A_475 : i32 to index
      %get3A_480 = tpu.vector_load %arg7[%get3A_479] {strides = array<i32>} : memref<10000xf32, #tpu.memory_space<vmem>>, vector<16xf32>,
      %mul3A_481 = arith.mulf %get3A_478, %div3A_27 : vector<16xf32>
      %add3A_482 = arith.addf %mul3A_481, %get3A_480 : vector<16xf32>
      %add3A_483 = arith.constant 10000 : i32
      %add3A_484 = arith.addi %add3A_483, %add3A_475 : i32
      %add3A_485 = vector.broadcast %add3A_484 : i32 to vector<16xi32>
      %add3A_486 = arith.addi %iota3A, %add3A_485 : vector<16xi32>
      %gt3A = arith.cmpf ogt, %add3A_482, %scan3A_470 : vector<16xf32>
      %select_n3A_487 = arith.select %gt3A, %add3A_482, %scan3A_470 : vector<16xi1>, vector<16xf32>
      %select_n3A_488 = arith.select %gt3A, %add3A_486, %scan3A_471 : vector<16xi1>, vector<16xi32>
      %add3A_489 = arith.constant 16 : i32
      %add3A_490 = arith.addi %mul3A_473, %add3A_489 : i32
      %add3A_491 = arith.constant 10000 : i32
      %add3A_492 = arith.addi %add3A_491, %add3A_490 : i32
      %get3A_493 = arith.index_cast %add3A_492 : i32 to index
      %get3A_494 = tpu.vector_load %arg5[%get3A_493] {strides = array<i32>} : memref<100000xf32, #tpu.memory_space<vmem>>, vector<16xf32>,
      %get3A_495 = arith.index_cast %add3A_490 : i32 to index
      %get3A_496 = tpu.vector_load %arg7[%get3A_495] {strides = array<i32>} : memref<10000xf32, #tpu.memory_space<vmem>>, vector<16xf32>,
      %mul3A_497 = arith.mulf %get3A_494, %div3A_27 : vector<16xf32>
      %add3A_498 = arith.addf %mul3A_497, %get3A_496 : vector<16xf32>
      %add3A_499 = arith.constant 10000 : i32
      %add3A_500 = arith.addi %add3A_499, %add3A_490 : i32
      %add3A_501 = vector.broadcast %add3A_500 : i32 to vector<16xi32>
      %add3A_502 = arith.addi %iota3A, %add3A_501 : vector<16xi32>
      %gt3A_503 = arith.cmpf ogt, %add3A_498, %select_n3A_487 : vector<16xf32>
      %select_n3A_504 = arith.select %gt3A_503, %add3A_498, %select_n3A_487 : vector<16xi1>, vector<16xf32>
      %select_n3A_505 = arith.select %gt3A_503, %add3A_502, %select_n3A_488 : vector<16xi1>, vector<16xi32>
      %add3A_506 = arith.constant 32 : i32
      %add3A_507 = arith.addi %mul3A_473, %add3A_506 : i32
      %add3A_508 = arith.constant 10000 : i32
      %add3A_509 = arith.addi %add3A_508, %add3A_507 : i32
      %get3A_510 = arith.index_cast %add3A_509 : i32 to index
      %get3A_511 = tpu.vector_load %arg5[%get3A_510] {strides = array<i32>} : memref<100000xf32, #tpu.memory_space<vmem>>, vector<16xf32>,
      %get3A_512 = arith.index_cast %add3A_507 : i32 to index
      %get3A_513 = tpu.vector_load %arg7[%get3A_512] {strides = array<i32>} : memref<10000xf32, #tpu.memory_space<vmem>>, vector<16xf32>,
      %mul3A_514 = arith.mulf %get3A_511, %div3A_27 : vector<16xf32>
      %add3A_515 = arith.addf %mul3A_514, %get3A_513 : vector<16xf32>
      %add3A_516 = arith.constant 10000 : i32
      %add3A_517 = arith.addi %add3A_516, %add3A_507 : i32
      %add3A_518 = vector.broadcast %add3A_517 : i32 to vector<16xi32>
      %add3A_519 = arith.addi %iota3A, %add3A_518 : vector<16xi32>
      %gt3A_520 = arith.cmpf ogt, %add3A_515, %select_n3A_504 : vector<16xf32>
      %select_n3A_521 = arith.select %gt3A_520, %add3A_515, %select_n3A_504 : vector<16xi1>, vector<16xf32>
      %select_n3A_522 = arith.select %gt3A_520, %add3A_519, %select_n3A_505 : vector<16xi1>, vector<16xi32>
      %add3A_523 = arith.constant 48 : i32
      %add3A_524 = arith.addi %mul3A_473, %add3A_523 : i32
      %add3A_525 = arith.constant 10000 : i32
      %add3A_526 = arith.addi %add3A_525, %add3A_524 : i32
      %get3A_527 = arith.index_cast %add3A_526 : i32 to index
      %get3A_528 = tpu.vector_load %arg5[%get3A_527] {strides = array<i32>} : memref<100000xf32, #tpu.memory_space<vmem>>, vector<16xf32>,
      %get3A_529 = arith.index_cast %add3A_524 : i32 to index
      %get3A_530 = tpu.vector_load %arg7[%get3A_529] {strides = array<i32>} : memref<10000xf32, #tpu.memory_space<vmem>>, vector<16xf32>,
      %mul3A_531 = arith.mulf %get3A_528, %div3A_27 : vector<16xf32>
      %add3A_532 = arith.addf %mul3A_531, %get3A_530 : vector<16xf32>
      %add3A_533 = arith.constant 10000 : i32
      %add3A_534 = arith.addi %add3A_533, %add3A_524 : i32
      %add3A_535 = vector.broadcast %add3A_534 : i32 to vector<16xi32>
      %add3A_536 = arith.addi %iota3A, %add3A_535 : vector<16xi32>
      %gt3A_537 = arith.cmpf ogt, %add3A_532, %select_n3A_521 : vector<16xf32>
      %select_n3A_538 = arith.select %gt3A_537, %add3A_532, %select_n3A_521 : vector<16xi1>, vector<16xf32>
      %select_n3A_539 = arith.select %gt3A_537, %add3A_536, %select_n3A_522 : vector<16xi1>, vector<16xi32>
      %add3A_540 = arith.constant 64 : i32
      %add3A_541 = arith.addi %mul3A_473, %add3A_540 : i32
      %add3A_542 = arith.constant 10000 : i32
      %add3A_543 = arith.addi %add3A_542, %add3A_541 : i32
      %get3A_544 = arith.index_cast %add3A_543 : i32 to index
      %get3A_545 = tpu.vector_load %arg5[%get3A_544] {strides = array<i32>} : memref<100000xf32, #tpu.memory_space<vmem>>, vector<16xf32>,
      %get3A_546 = arith.index_cast %add3A_541 : i32 to index
      %get3A_547 = tpu.vector_load %arg7[%get3A_546] {strides = array<i32>} : memref<10000xf32, #tpu.memory_space<vmem>>, vector<16xf32>,
      %mul3A_548 = arith.mulf %get3A_545, %div3A_27 : vector<16xf32>
      %add3A_549 = arith.addf %mul3A_548, %get3A_547 : vector<16xf32>
      %add3A_550 = arith.constant 10000 : i32
      %add3A_551 = arith.addi %add3A_550, %add3A_541 : i32
      %add3A_552 = vector.broadcast %add3A_551 : i32 to vector<16xi32>
      %add3A_553 = arith.addi %iota3A, %add3A_552 : vector<16xi32>
      %gt3A_554 = arith.cmpf ogt, %add3A_549, %select_n3A_538 : vector<16xf32>
      %select_n3A_555 = arith.select %gt3A_554, %add3A_549, %select_n3A_538 : vector<16xi1>, vector<16xf32>
      %select_n3A_556 = arith.select %gt3A_554, %add3A_553, %select_n3A_539 : vector<16xi1>, vector<16xi32>
      scf.yield %select_n3A_555, %select_n3A_556 : vector<16xf32>, vector<16xi32>
    }
    %scan3A_71 = arith.constant 125 : i32
    %dma_start3A_72 = arith.constant 30000 : i32
    %dma_start3A_73 = tpu.memref_slice %arg3[%add3A_4, %dma_start3A_72] : memref<64x100000xf32, #tpu.memory_space<hbm>> -> memref<1x10000xf32, #tpu.memory_space<hbm>>
    %dma_start3A_74 = tpu.memref_squeeze %dma_start3A_73 : memref<1x10000xf32, #tpu.memory_space<hbm>> -> memref<10000xf32, #tpu.memory_space<hbm>>
    %dma_start3A_75 = arith.constant 30000 : i32
    %dma_start3A_76 = tpu.memref_slice %arg3[%add3A_4, %dma_start3A_75] : memref<64x100000xf32, #tpu.memory_space<hbm>> -> memref<1x10000xf32, #tpu.memory_space<hbm>>
    %dma_start3A_77 = tpu.memref_squeeze %dma_start3A_76 : memref<1x10000xf32, #tpu.memory_space<hbm>> -> memref<10000xf32, #tpu.memory_space<hbm>>
    tpu.enqueue_dma source(%dma_start3A_77 : memref<10000xf32, #tpu.memory_space<hbm>>) target(%arg7 : memref<10000xf32, #tpu.memory_space<vmem>>) target_semaphore(%arg10 : memref<!tpu.dma_semaphore, #tpu.memory_space<semaphore_mem>>)
    %dma_wait3A_78 = arith.constant 20000 : i32
    %dma_wait3A_79 = tpu.memref_slice %arg3[%add3A_4, %dma_wait3A_78] : memref<64x100000xf32, #tpu.memory_space<hbm>> -> memref<1x10000xf32, #tpu.memory_space<hbm>>
    %dma_wait3A_80 = tpu.memref_squeeze %dma_wait3A_79 : memref<1x10000xf32, #tpu.memory_space<hbm>> -> memref<10000xf32, #tpu.memory_space<hbm>>
    %dma_wait3A_81 = arith.constant 20000 : i32
    %dma_wait3A_82 = tpu.memref_slice %arg3[%add3A_4, %dma_wait3A_81] : memref<64x100000xf32, #tpu.memory_space<hbm>> -> memref<1x10000xf32, #tpu.memory_space<hbm>>
    %dma_wait3A_83 = tpu.memref_squeeze %dma_wait3A_82 : memref<1x10000xf32, #tpu.memory_space<hbm>> -> memref<10000xf32, #tpu.memory_space<hbm>>
    tpu.wait_dma2 semaphore(%arg9 : memref<!tpu.dma_semaphore, #tpu.memory_space<semaphore_mem>>) src(%dma_wait3A_83 : memref<10000xf32, #tpu.memory_space<hbm>>) dst(%arg6 : memref<10000xf32, #tpu.memory_space<vmem>>)
    %scan3A_84 = arith.constant 0 : i32
    %scan3A_85 = arith.constant 125 : i32
    %scan3A_86 = arith.addi %scan3A_84, %scan3A_85 : i32
    %scan3A_87 = arith.constant 1 : i32
    %scan3A_88:2 = scf.for %scan3A_469 = %scan3A_84 to %scan3A_86 step %scan3A_87 iter_args(%scan3A_470 = %scan3A_70#0, %scan3A_471 = %scan3A_70#1) -> (vector<16xf32>, vector<16xi32>)  : i32 {
      %mul3A_472 = arith.constant 80 : i32
      %mul3A_473 = arith.muli %scan3A_469, %mul3A_472 : i32
      %add3A_474 = arith.constant 0 : i32
      %add3A_475 = arith.addi %mul3A_473, %add3A_474 : i32
      %add3A_476 = arith.constant 20000 : i32
      %add3A_477 = arith.addi %add3A_476, %add3A_475 : i32
      %get3A = arith.index_cast %add3A_477 : i32 to index
      %get3A_478 = tpu.vector_load %arg5[%get3A] {strides = array<i32>} : memref<100000xf32, #tpu.memory_space<vmem>>, vector<16xf32>,
      %get3A_479 = arith.index_cast %add3A_475 : i32 to index
      %get3A_480 = tpu.vector_load %arg6[%get3A_479] {strides = array<i32>} : memref<10000xf32, #tpu.memory_space<vmem>>, vector<16xf32>,
      %mul3A_481 = arith.mulf %get3A_478, %div3A_27 : vector<16xf32>
      %add3A_482 = arith.addf %mul3A_481, %get3A_480 : vector<16xf32>
      %add3A_483 = arith.constant 20000 : i32
      %add3A_484 = arith.addi %add3A_483, %add3A_475 : i32
      %add3A_485 = vector.broadcast %add3A_484 : i32 to vector<16xi32>
      %add3A_486 = arith.addi %iota3A, %add3A_485 : vector<16xi32>
      %gt3A = arith.cmpf ogt, %add3A_482, %scan3A_470 : vector<16xf32>
      %select_n3A_487 = arith.select %gt3A, %add3A_482, %scan3A_470 : vector<16xi1>, vector<16xf32>
      %select_n3A_488 = arith.select %gt3A, %add3A_486, %scan3A_471 : vector<16xi1>, vector<16xi32>
      %add3A_489 = arith.constant 16 : i32
      %add3A_490 = arith.addi %mul3A_473, %add3A_489 : i32
      %add3A_491 = arith.constant 20000 : i32
      %add3A_492 = arith.addi %add3A_491, %add3A_490 : i32
      %get3A_493 = arith.index_cast %add3A_492 : i32 to index
      %get3A_494 = tpu.vector_load %arg5[%get3A_493] {strides = array<i32>} : memref<100000xf32, #tpu.memory_space<vmem>>, vector<16xf32>,
      %get3A_495 = arith.index_cast %add3A_490 : i32 to index
      %get3A_496 = tpu.vector_load %arg6[%get3A_495] {strides = array<i32>} : memref<10000xf32, #tpu.memory_space<vmem>>, vector<16xf32>,
      %mul3A_497 = arith.mulf %get3A_494, %div3A_27 : vector<16xf32>
      %add3A_498 = arith.addf %mul3A_497, %get3A_496 : vector<16xf32>
      %add3A_499 = arith.constant 20000 : i32
      %add3A_500 = arith.addi %add3A_499, %add3A_490 : i32
      %add3A_501 = vector.broadcast %add3A_500 : i32 to vector<16xi32>
      %add3A_502 = arith.addi %iota3A, %add3A_501 : vector<16xi32>
      %gt3A_503 = arith.cmpf ogt, %add3A_498, %select_n3A_487 : vector<16xf32>
      %select_n3A_504 = arith.select %gt3A_503, %add3A_498, %select_n3A_487 : vector<16xi1>, vector<16xf32>
      %select_n3A_505 = arith.select %gt3A_503, %add3A_502, %select_n3A_488 : vector<16xi1>, vector<16xi32>
      %add3A_506 = arith.constant 32 : i32
      %add3A_507 = arith.addi %mul3A_473, %add3A_506 : i32
      %add3A_508 = arith.constant 20000 : i32
      %add3A_509 = arith.addi %add3A_508, %add3A_507 : i32
      %get3A_510 = arith.index_cast %add3A_509 : i32 to index
      %get3A_511 = tpu.vector_load %arg5[%get3A_510] {strides = array<i32>} : memref<100000xf32, #tpu.memory_space<vmem>>, vector<16xf32>,
      %get3A_512 = arith.index_cast %add3A_507 : i32 to index
      %get3A_513 = tpu.vector_load %arg6[%get3A_512] {strides = array<i32>} : memref<10000xf32, #tpu.memory_space<vmem>>, vector<16xf32>,
      %mul3A_514 = arith.mulf %get3A_511, %div3A_27 : vector<16xf32>
      %add3A_515 = arith.addf %mul3A_514, %get3A_513 : vector<16xf32>
      %add3A_516 = arith.constant 20000 : i32
      %add3A_517 = arith.addi %add3A_516, %add3A_507 : i32
      %add3A_518 = vector.broadcast %add3A_517 : i32 to vector<16xi32>
      %add3A_519 = arith.addi %iota3A, %add3A_518 : vector<16xi32>
      %gt3A_520 = arith.cmpf ogt, %add3A_515, %select_n3A_504 : vector<16xf32>
      %select_n3A_521 = arith.select %gt3A_520, %add3A_515, %select_n3A_504 : vector<16xi1>, vector<16xf32>
      %select_n3A_522 = arith.select %gt3A_520, %add3A_519, %select_n3A_505 : vector<16xi1>, vector<16xi32>
      %add3A_523 = arith.constant 48 : i32
      %add3A_524 = arith.addi %mul3A_473, %add3A_523 : i32
      %add3A_525 = arith.constant 20000 : i32
      %add3A_526 = arith.addi %add3A_525, %add3A_524 : i32
      %get3A_527 = arith.index_cast %add3A_526 : i32 to index
      %get3A_528 = tpu.vector_load %arg5[%get3A_527] {strides = array<i32>} : memref<100000xf32, #tpu.memory_space<vmem>>, vector<16xf32>,
      %get3A_529 = arith.index_cast %add3A_524 : i32 to index
      %get3A_530 = tpu.vector_load %arg6[%get3A_529] {strides = array<i32>} : memref<10000xf32, #tpu.memory_space<vmem>>, vector<16xf32>,
      %mul3A_531 = arith.mulf %get3A_528, %div3A_27 : vector<16xf32>
      %add3A_532 = arith.addf %mul3A_531, %get3A_530 : vector<16xf32>
      %add3A_533 = arith.constant 20000 : i32
      %add3A_534 = arith.addi %add3A_533, %add3A_524 : i32
      %add3A_535 = vector.broadcast %add3A_534 : i32 to vector<16xi32>
      %add3A_536 = arith.addi %iota3A, %add3A_535 : vector<16xi32>
      %gt3A_537 = arith.cmpf ogt, %add3A_532, %select_n3A_521 : vector<16xf32>
      %select_n3A_538 = arith.select %gt3A_537, %add3A_532, %select_n3A_521 : vector<16xi1>, vector<16xf32>
      %select_n3A_539 = arith.select %gt3A_537, %add3A_536, %select_n3A_522 : vector<16xi1>, vector<16xi32>
      %add3A_540 = arith.constant 64 : i32
      %add3A_541 = arith.addi %mul3A_473, %add3A_540 : i32
      %add3A_542 = arith.constant 20000 : i32
      %add3A_543 = arith.addi %add3A_542, %add3A_541 : i32
      %get3A_544 = arith.index_cast %add3A_543 : i32 to index
      %get3A_545 = tpu.vector_load %arg5[%get3A_544] {strides = array<i32>} : memref<100000xf32, #tpu.memory_space<vmem>>, vector<16xf32>,
      %get3A_546 = arith.index_cast %add3A_541 : i32 to index
      %get3A_547 = tpu.vector_load %arg6[%get3A_546] {strides = array<i32>} : memref<10000xf32, #tpu.memory_space<vmem>>, vector<16xf32>,
      %mul3A_548 = arith.mulf %get3A_545, %div3A_27 : vector<16xf32>
      %add3A_549 = arith.addf %mul3A_548, %get3A_547 : vector<16xf32>
      %add3A_550 = arith.constant 20000 : i32
      %add3A_551 = arith.addi %add3A_550, %add3A_541 : i32
      %add3A_552 = vector.broadcast %add3A_551 : i32 to vector<16xi32>
      %add3A_553 = arith.addi %iota3A, %add3A_552 : vector<16xi32>
      %gt3A_554 = arith.cmpf ogt, %add3A_549, %select_n3A_538 : vector<16xf32>
      %select_n3A_555 = arith.select %gt3A_554, %add3A_549, %select_n3A_538 : vector<16xi1>, vector<16xf32>
      %select_n3A_556 = arith.select %gt3A_554, %add3A_553, %select_n3A_539 : vector<16xi1>, vector<16xi32>
      scf.yield %select_n3A_555, %select_n3A_556 : vector<16xf32>, vector<16xi32>
    }
    %scan3A_89 = arith.constant 125 : i32
    %dma_start3A_90 = arith.constant 40000 : i32
    %dma_start3A_91 = tpu.memref_slice %arg3[%add3A_4, %dma_start3A_90] : memref<64x100000xf32, #tpu.memory_space<hbm>> -> memref<1x10000xf32, #tpu.memory_space<hbm>>
    %dma_start3A_92 = tpu.memref_squeeze %dma_start3A_91 : memref<1x10000xf32, #tpu.memory_space<hbm>> -> memref<10000xf32, #tpu.memory_space<hbm>>
    %dma_start3A_93 = arith.constant 40000 : i32
    %dma_start3A_94 = tpu.memref_slice %arg3[%add3A_4, %dma_start3A_93] : memref<64x100000xf32, #tpu.memory_space<hbm>> -> memref<1x10000xf32, #tpu.memory_space<hbm>>
    %dma_start3A_95 = tpu.memref_squeeze %dma_start3A_94 : memref<1x10000xf32, #tpu.memory_space<hbm>> -> memref<10000xf32, #tpu.memory_space<hbm>>
    tpu.enqueue_dma source(%dma_start3A_95 : memref<10000xf32, #tpu.memory_space<hbm>>) target(%arg6 : memref<10000xf32, #tpu.memory_space<vmem>>) target_semaphore(%arg9 : memref<!tpu.dma_semaphore, #tpu.memory_space<semaphore_mem>>)
    %dma_wait3A_96 = arith.constant 30000 : i32
    %dma_wait3A_97 = tpu.memref_slice %arg3[%add3A_4, %dma_wait3A_96] : memref<64x100000xf32, #tpu.memory_space<hbm>> -> memref<1x10000xf32, #tpu.memory_space<hbm>>
    %dma_wait3A_98 = tpu.memref_squeeze %dma_wait3A_97 : memref<1x10000xf32, #tpu.memory_space<hbm>> -> memref<10000xf32, #tpu.memory_space<hbm>>
    %dma_wait3A_99 = arith.constant 30000 : i32
    %dma_wait3A_100 = tpu.memref_slice %arg3[%add3A_4, %dma_wait3A_99] : memref<64x100000xf32, #tpu.memory_space<hbm>> -> memref<1x10000xf32, #tpu.memory_space<hbm>>
    %dma_wait3A_101 = tpu.memref_squeeze %dma_wait3A_100 : memref<1x10000xf32, #tpu.memory_space<hbm>> -> memref<10000xf32, #tpu.memory_space<hbm>>
    tpu.wait_dma2 semaphore(%arg10 : memref<!tpu.dma_semaphore, #tpu.memory_space<semaphore_mem>>) src(%dma_wait3A_101 : memref<10000xf32, #tpu.memory_space<hbm>>) dst(%arg7 : memref<10000xf32, #tpu.memory_space<vmem>>)
    %scan3A_102 = arith.constant 0 : i32
    %scan3A_103 = arith.constant 125 : i32
    %scan3A_104 = arith.addi %scan3A_102, %scan3A_103 : i32
    %scan3A_105 = arith.constant 1 : i32
    %scan3A_106:2 = scf.for %scan3A_469 = %scan3A_102 to %scan3A_104 step %scan3A_105 iter_args(%scan3A_470 = %scan3A_88#0, %scan3A_471 = %scan3A_88#1) -> (vector<16xf32>, vector<16xi32>)  : i32 {
      %mul3A_472 = arith.constant 80 : i32
      %mul3A_473 = arith.muli %scan3A_469, %mul3A_472 : i32
      %add3A_474 = arith.constant 0 : i32
      %add3A_475 = arith.addi %mul3A_473, %add3A_474 : i32
      %add3A_476 = arith.constant 30000 : i32
      %add3A_477 = arith.addi %add3A_476, %add3A_475 : i32
      %get3A = arith.index_cast %add3A_477 : i32 to index
      %get3A_478 = tpu.vector_load %arg5[%get3A] {strides = array<i32>} : memref<100000xf32, #tpu.memory_space<vmem>>, vector<16xf32>,
      %get3A_479 = arith.index_cast %add3A_475 : i32 to index
      %get3A_480 = tpu.vector_load %arg7[%get3A_479] {strides = array<i32>} : memref<10000xf32, #tpu.memory_space<vmem>>, vector<16xf32>,
      %mul3A_481 = arith.mulf %get3A_478, %div3A_27 : vector<16xf32>
      %add3A_482 = arith.addf %mul3A_481, %get3A_480 : vector<16xf32>
      %add3A_483 = arith.constant 30000 : i32
      %add3A_484 = arith.addi %add3A_483, %add3A_475 : i32
      %add3A_485 = vector.broadcast %add3A_484 : i32 to vector<16xi32>
      %add3A_486 = arith.addi %iota3A, %add3A_485 : vector<16xi32>
      %gt3A = arith.cmpf ogt, %add3A_482, %scan3A_470 : vector<16xf32>
      %select_n3A_487 = arith.select %gt3A, %add3A_482, %scan3A_470 : vector<16xi1>, vector<16xf32>
      %select_n3A_488 = arith.select %gt3A, %add3A_486, %scan3A_471 : vector<16xi1>, vector<16xi32>
      %add3A_489 = arith.constant 16 : i32
      %add3A_490 = arith.addi %mul3A_473, %add3A_489 : i32
      %add3A_491 = arith.constant 30000 : i32
      %add3A_492 = arith.addi %add3A_491, %add3A_490 : i32
      %get3A_493 = arith.index_cast %add3A_492 : i32 to index
      %get3A_494 = tpu.vector_load %arg5[%get3A_493] {strides = array<i32>} : memref<100000xf32, #tpu.memory_space<vmem>>, vector<16xf32>,
      %get3A_495 = arith.index_cast %add3A_490 : i32 to index
      %get3A_496 = tpu.vector_load %arg7[%get3A_495] {strides = array<i32>} : memref<10000xf32, #tpu.memory_space<vmem>>, vector<16xf32>,
      %mul3A_497 = arith.mulf %get3A_494, %div3A_27 : vector<16xf32>
      %add3A_498 = arith.addf %mul3A_497, %get3A_496 : vector<16xf32>
      %add3A_499 = arith.constant 30000 : i32
      %add3A_500 = arith.addi %add3A_499, %add3A_490 : i32
      %add3A_501 = vector.broadcast %add3A_500 : i32 to vector<16xi32>
      %add3A_502 = arith.addi %iota3A, %add3A_501 : vector<16xi32>
      %gt3A_503 = arith.cmpf ogt, %add3A_498, %select_n3A_487 : vector<16xf32>
      %select_n3A_504 = arith.select %gt3A_503, %add3A_498, %select_n3A_487 : vector<16xi1>, vector<16xf32>
      %select_n3A_505 = arith.select %gt3A_503, %add3A_502, %select_n3A_488 : vector<16xi1>, vector<16xi32>
      %add3A_506 = arith.constant 32 : i32
      %add3A_507 = arith.addi %mul3A_473, %add3A_506 : i32
      %add3A_508 = arith.constant 30000 : i32
      %add3A_509 = arith.addi %add3A_508, %add3A_507 : i32
      %get3A_510 = arith.index_cast %add3A_509 : i32 to index
      %get3A_511 = tpu.vector_load %arg5[%get3A_510] {strides = array<i32>} : memref<100000xf32, #tpu.memory_space<vmem>>, vector<16xf32>,
      %get3A_512 = arith.index_cast %add3A_507 : i32 to index
      %get3A_513 = tpu.vector_load %arg7[%get3A_512] {strides = array<i32>} : memref<10000xf32, #tpu.memory_space<vmem>>, vector<16xf32>,
      %mul3A_514 = arith.mulf %get3A_511, %div3A_27 : vector<16xf32>
      %add3A_515 = arith.addf %mul3A_514, %get3A_513 : vector<16xf32>
      %add3A_516 = arith.constant 30000 : i32
      %add3A_517 = arith.addi %add3A_516, %add3A_507 : i32
      %add3A_518 = vector.broadcast %add3A_517 : i32 to vector<16xi32>
      %add3A_519 = arith.addi %iota3A, %add3A_518 : vector<16xi32>
      %gt3A_520 = arith.cmpf ogt, %add3A_515, %select_n3A_504 : vector<16xf32>
      %select_n3A_521 = arith.select %gt3A_520, %add3A_515, %select_n3A_504 : vector<16xi1>, vector<16xf32>
      %select_n3A_522 = arith.select %gt3A_520, %add3A_519, %select_n3A_505 : vector<16xi1>, vector<16xi32>
      %add3A_523 = arith.constant 48 : i32
      %add3A_524 = arith.addi %mul3A_473, %add3A_523 : i32
      %add3A_525 = arith.constant 30000 : i32
      %add3A_526 = arith.addi %add3A_525, %add3A_524 : i32
      %get3A_527 = arith.index_cast %add3A_526 : i32 to index
      %get3A_528 = tpu.vector_load %arg5[%get3A_527] {strides = array<i32>} : memref<100000xf32, #tpu.memory_space<vmem>>, vector<16xf32>,
      %get3A_529 = arith.index_cast %add3A_524 : i32 to index
      %get3A_530 = tpu.vector_load %arg7[%get3A_529] {strides = array<i32>} : memref<10000xf32, #tpu.memory_space<vmem>>, vector<16xf32>,
      %mul3A_531 = arith.mulf %get3A_528, %div3A_27 : vector<16xf32>
      %add3A_532 = arith.addf %mul3A_531, %get3A_530 : vector<16xf32>
      %add3A_533 = arith.constant 30000 : i32
      %add3A_534 = arith.addi %add3A_533, %add3A_524 : i32
      %add3A_535 = vector.broadcast %add3A_534 : i32 to vector<16xi32>
      %add3A_536 = arith.addi %iota3A, %add3A_535 : vector<16xi32>
      %gt3A_537 = arith.cmpf ogt, %add3A_532, %select_n3A_521 : vector<16xf32>
      %select_n3A_538 = arith.select %gt3A_537, %add3A_532, %select_n3A_521 : vector<16xi1>, vector<16xf32>
      %select_n3A_539 = arith.select %gt3A_537, %add3A_536, %select_n3A_522 : vector<16xi1>, vector<16xi32>
      %add3A_540 = arith.constant 64 : i32
      %add3A_541 = arith.addi %mul3A_473, %add3A_540 : i32
      %add3A_542 = arith.constant 30000 : i32
      %add3A_543 = arith.addi %add3A_542, %add3A_541 : i32
      %get3A_544 = arith.index_cast %add3A_543 : i32 to index
      %get3A_545 = tpu.vector_load %arg5[%get3A_544] {strides = array<i32>} : memref<100000xf32, #tpu.memory_space<vmem>>, vector<16xf32>,
      %get3A_546 = arith.index_cast %add3A_541 : i32 to index
      %get3A_547 = tpu.vector_load %arg7[%get3A_546] {strides = array<i32>} : memref<10000xf32, #tpu.memory_space<vmem>>, vector<16xf32>,
      %mul3A_548 = arith.mulf %get3A_545, %div3A_27 : vector<16xf32>
      %add3A_549 = arith.addf %mul3A_548, %get3A_547 : vector<16xf32>
      %add3A_550 = arith.constant 30000 : i32
      %add3A_551 = arith.addi %add3A_550, %add3A_541 : i32
      %add3A_552 = vector.broadcast %add3A_551 : i32 to vector<16xi32>
      %add3A_553 = arith.addi %iota3A, %add3A_552 : vector<16xi32>
      %gt3A_554 = arith.cmpf ogt, %add3A_549, %select_n3A_538 : vector<16xf32>
      %select_n3A_555 = arith.select %gt3A_554, %add3A_549, %select_n3A_538 : vector<16xi1>, vector<16xf32>
      %select_n3A_556 = arith.select %gt3A_554, %add3A_553, %select_n3A_539 : vector<16xi1>, vector<16xi32>
      scf.yield %select_n3A_555, %select_n3A_556 : vector<16xf32>, vector<16xi32>
    }
    %scan3A_107 = arith.constant 125 : i32
    %dma_start3A_108 = arith.constant 50000 : i32
    %dma_start3A_109 = tpu.memref_slice %arg3[%add3A_4, %dma_start3A_108] : memref<64x100000xf32, #tpu.memory_space<hbm>> -> memref<1x10000xf32, #tpu.memory_space<hbm>>
    %dma_start3A_110 = tpu.memref_squeeze %dma_start3A_109 : memref<1x10000xf32, #tpu.memory_space<hbm>> -> memref<10000xf32, #tpu.memory_space<hbm>>
    %dma_start3A_111 = arith.constant 50000 : i32
    %dma_start3A_112 = tpu.memref_slice %arg3[%add3A_4, %dma_start3A_111] : memref<64x100000xf32, #tpu.memory_space<hbm>> -> memref<1x10000xf32, #tpu.memory_space<hbm>>
    %dma_start3A_113 = tpu.memref_squeeze %dma_start3A_112 : memref<1x10000xf32, #tpu.memory_space<hbm>> -> memref<10000xf32, #tpu.memory_space<hbm>>
    tpu.enqueue_dma source(%dma_start3A_113 : memref<10000xf32, #tpu.memory_space<hbm>>) target(%arg7 : memref<10000xf32, #tpu.memory_space<vmem>>) target_semaphore(%arg10 : memref<!tpu.dma_semaphore, #tpu.memory_space<semaphore_mem>>)
    %dma_wait3A_114 = arith.constant 40000 : i32
    %dma_wait3A_115 = tpu.memref_slice %arg3[%add3A_4, %dma_wait3A_114] : memref<64x100000xf32, #tpu.memory_space<hbm>> -> memref<1x10000xf32, #tpu.memory_space<hbm>>
    %dma_wait3A_116 = tpu.memref_squeeze %dma_wait3A_115 : memref<1x10000xf32, #tpu.memory_space<hbm>> -> memref<10000xf32, #tpu.memory_space<hbm>>
    %dma_wait3A_117 = arith.constant 40000 : i32
    %dma_wait3A_118 = tpu.memref_slice %arg3[%add3A_4, %dma_wait3A_117] : memref<64x100000xf32, #tpu.memory_space<hbm>> -> memref<1x10000xf32, #tpu.memory_space<hbm>>
    %dma_wait3A_119 = tpu.memref_squeeze %dma_wait3A_118 : memref<1x10000xf32, #tpu.memory_space<hbm>> -> memref<10000xf32, #tpu.memory_space<hbm>>
    tpu.wait_dma2 semaphore(%arg9 : memref<!tpu.dma_semaphore, #tpu.memory_space<semaphore_mem>>) src(%dma_wait3A_119 : memref<10000xf32, #tpu.memory_space<hbm>>) dst(%arg6 : memref<10000xf32, #tpu.memory_space<vmem>>)
    %scan3A_120 = arith.constant 0 : i32
    %scan3A_121 = arith.constant 125 : i32
    %scan3A_122 = arith.addi %scan3A_120, %scan3A_121 : i32
    %scan3A_123 = arith.constant 1 : i32
    %scan3A_124:2 = scf.for %scan3A_469 = %scan3A_120 to %scan3A_122 step %scan3A_123 iter_args(%scan3A_470 = %scan3A_106#0, %scan3A_471 = %scan3A_106#1) -> (vector<16xf32>, vector<16xi32>)  : i32 {
      %mul3A_472 = arith.constant 80 : i32
      %mul3A_473 = arith.muli %scan3A_469, %mul3A_472 : i32
      %add3A_474 = arith.constant 0 : i32
      %add3A_475 = arith.addi %mul3A_473, %add3A_474 : i32
      %add3A_476 = arith.constant 40000 : i32
      %add3A_477 = arith.addi %add3A_476, %add3A_475 : i32
      %get3A = arith.index_cast %add3A_477 : i32 to index
      %get3A_478 = tpu.vector_load %arg5[%get3A] {strides = array<i32>} : memref<100000xf32, #tpu.memory_space<vmem>>, vector<16xf32>,
      %get3A_479 = arith.index_cast %add3A_475 : i32 to index
      %get3A_480 = tpu.vector_load %arg6[%get3A_479] {strides = array<i32>} : memref<10000xf32, #tpu.memory_space<vmem>>, vector<16xf32>,
      %mul3A_481 = arith.mulf %get3A_478, %div3A_27 : vector<16xf32>
      %add3A_482 = arith.addf %mul3A_481, %get3A_480 : vector<16xf32>
      %add3A_483 = arith.constant 40000 : i32
      %add3A_484 = arith.addi %add3A_483, %add3A_475 : i32
      %add3A_485 = vector.broadcast %add3A_484 : i32 to vector<16xi32>
      %add3A_486 = arith.addi %iota3A, %add3A_485 : vector<16xi32>
      %gt3A = arith.cmpf ogt, %add3A_482, %scan3A_470 : vector<16xf32>
      %select_n3A_487 = arith.select %gt3A, %add3A_482, %scan3A_470 : vector<16xi1>, vector<16xf32>
      %select_n3A_488 = arith.select %gt3A, %add3A_486, %scan3A_471 : vector<16xi1>, vector<16xi32>
      %add3A_489 = arith.constant 16 : i32
      %add3A_490 = arith.addi %mul3A_473, %add3A_489 : i32
      %add3A_491 = arith.constant 40000 : i32
      %add3A_492 = arith.addi %add3A_491, %add3A_490 : i32
      %get3A_493 = arith.index_cast %add3A_492 : i32 to index
      %get3A_494 = tpu.vector_load %arg5[%get3A_493] {strides = array<i32>} : memref<100000xf32, #tpu.memory_space<vmem>>, vector<16xf32>,
      %get3A_495 = arith.index_cast %add3A_490 : i32 to index
      %get3A_496 = tpu.vector_load %arg6[%get3A_495] {strides = array<i32>} : memref<10000xf32, #tpu.memory_space<vmem>>, vector<16xf32>,
      %mul3A_497 = arith.mulf %get3A_494, %div3A_27 : vector<16xf32>
      %add3A_498 = arith.addf %mul3A_497, %get3A_496 : vector<16xf32>
      %add3A_499 = arith.constant 40000 : i32
      %add3A_500 = arith.addi %add3A_499, %add3A_490 : i32
      %add3A_501 = vector.broadcast %add3A_500 : i32 to vector<16xi32>
      %add3A_502 = arith.addi %iota3A, %add3A_501 : vector<16xi32>
      %gt3A_503 = arith.cmpf ogt, %add3A_498, %select_n3A_487 : vector<16xf32>
      %select_n3A_504 = arith.select %gt3A_503, %add3A_498, %select_n3A_487 : vector<16xi1>, vector<16xf32>
      %select_n3A_505 = arith.select %gt3A_503, %add3A_502, %select_n3A_488 : vector<16xi1>, vector<16xi32>
      %add3A_506 = arith.constant 32 : i32
      %add3A_507 = arith.addi %mul3A_473, %add3A_506 : i32
      %add3A_508 = arith.constant 40000 : i32
      %add3A_509 = arith.addi %add3A_508, %add3A_507 : i32
      %get3A_510 = arith.index_cast %add3A_509 : i32 to index
      %get3A_511 = tpu.vector_load %arg5[%get3A_510] {strides = array<i32>} : memref<100000xf32, #tpu.memory_space<vmem>>, vector<16xf32>,
      %get3A_512 = arith.index_cast %add3A_507 : i32 to index
      %get3A_513 = tpu.vector_load %arg6[%get3A_512] {strides = array<i32>} : memref<10000xf32, #tpu.memory_space<vmem>>, vector<16xf32>,
      %mul3A_514 = arith.mulf %get3A_511, %div3A_27 : vector<16xf32>
      %add3A_515 = arith.addf %mul3A_514, %get3A_513 : vector<16xf32>
      %add3A_516 = arith.constant 40000 : i32
      %add3A_517 = arith.addi %add3A_516, %add3A_507 : i32
      %add3A_518 = vector.broadcast %add3A_517 : i32 to vector<16xi32>
      %add3A_519 = arith.addi %iota3A, %add3A_518 : vector<16xi32>
      %gt3A_520 = arith.cmpf ogt, %add3A_515, %select_n3A_504 : vector<16xf32>
      %select_n3A_521 = arith.select %gt3A_520, %add3A_515, %select_n3A_504 : vector<16xi1>, vector<16xf32>
      %select_n3A_522 = arith.select %gt3A_520, %add3A_519, %select_n3A_505 : vector<16xi1>, vector<16xi32>
      %add3A_523 = arith.constant 48 : i32
      %add3A_524 = arith.addi %mul3A_473, %add3A_523 : i32
      %add3A_525 = arith.constant 40000 : i32
      %add3A_526 = arith.addi %add3A_525, %add3A_524 : i32
      %get3A_527 = arith.index_cast %add3A_526 : i32 to index
      %get3A_528 = tpu.vector_load %arg5[%get3A_527] {strides = array<i32>} : memref<100000xf32, #tpu.memory_space<vmem>>, vector<16xf32>,
      %get3A_529 = arith.index_cast %add3A_524 : i32 to index
      %get3A_530 = tpu.vector_load %arg6[%get3A_529] {strides = array<i32>} : memref<10000xf32, #tpu.memory_space<vmem>>, vector<16xf32>,
      %mul3A_531 = arith.mulf %get3A_528, %div3A_27 : vector<16xf32>
      %add3A_532 = arith.addf %mul3A_531, %get3A_530 : vector<16xf32>
      %add3A_533 = arith.constant 40000 : i32
      %add3A_534 = arith.addi %add3A_533, %add3A_524 : i32
      %add3A_535 = vector.broadcast %add3A_534 : i32 to vector<16xi32>
      %add3A_536 = arith.addi %iota3A, %add3A_535 : vector<16xi32>
      %gt3A_537 = arith.cmpf ogt, %add3A_532, %select_n3A_521 : vector<16xf32>
      %select_n3A_538 = arith.select %gt3A_537, %add3A_532, %select_n3A_521 : vector<16xi1>, vector<16xf32>
      %select_n3A_539 = arith.select %gt3A_537, %add3A_536, %select_n3A_522 : vector<16xi1>, vector<16xi32>
      %add3A_540 = arith.constant 64 : i32
      %add3A_541 = arith.addi %mul3A_473, %add3A_540 : i32
      %add3A_542 = arith.constant 40000 : i32
      %add3A_543 = arith.addi %add3A_542, %add3A_541 : i32
      %get3A_544 = arith.index_cast %add3A_543 : i32 to index
      %get3A_545 = tpu.vector_load %arg5[%get3A_544] {strides = array<i32>} : memref<100000xf32, #tpu.memory_space<vmem>>, vector<16xf32>,
      %get3A_546 = arith.index_cast %add3A_541 : i32 to index
      %get3A_547 = tpu.vector_load %arg6[%get3A_546] {strides = array<i32>} : memref<10000xf32, #tpu.memory_space<vmem>>, vector<16xf32>,
      %mul3A_548 = arith.mulf %get3A_545, %div3A_27 : vector<16xf32>
      %add3A_549 = arith.addf %mul3A_548, %get3A_547 : vector<16xf32>
      %add3A_550 = arith.constant 40000 : i32
      %add3A_551 = arith.addi %add3A_550, %add3A_541 : i32
      %add3A_552 = vector.broadcast %add3A_551 : i32 to vector<16xi32>
      %add3A_553 = arith.addi %iota3A, %add3A_552 : vector<16xi32>
      %gt3A_554 = arith.cmpf ogt, %add3A_549, %select_n3A_538 : vector<16xf32>
      %select_n3A_555 = arith.select %gt3A_554, %add3A_549, %select_n3A_538 : vector<16xi1>, vector<16xf32>
      %select_n3A_556 = arith.select %gt3A_554, %add3A_553, %select_n3A_539 : vector<16xi1>, vector<16xi32>
      scf.yield %select_n3A_555, %select_n3A_556 : vector<16xf32>, vector<16xi32>
    }
    %scan3A_125 = arith.constant 125 : i32
    %dma_start3A_126 = arith.constant 60000 : i32
    %dma_start3A_127 = tpu.memref_slice %arg3[%add3A_4, %dma_start3A_126] : memref<64x100000xf32, #tpu.memory_space<hbm>> -> memref<1x10000xf32, #tpu.memory_space<hbm>>
    %dma_start3A_128 = tpu.memref_squeeze %dma_start3A_127 : memref<1x10000xf32, #tpu.memory_space<hbm>> -> memref<10000xf32, #tpu.memory_space<hbm>>
    %dma_start3A_129 = arith.constant 60000 : i32
    %dma_start3A_130 = tpu.memref_slice %arg3[%add3A_4, %dma_start3A_129] : memref<64x100000xf32, #tpu.memory_space<hbm>> -> memref<1x10000xf32, #tpu.memory_space<hbm>>
    %dma_start3A_131 = tpu.memref_squeeze %dma_start3A_130 : memref<1x10000xf32, #tpu.memory_space<hbm>> -> memref<10000xf32, #tpu.memory_space<hbm>>
    tpu.enqueue_dma source(%dma_start3A_131 : memref<10000xf32, #tpu.memory_space<hbm>>) target(%arg6 : memref<10000xf32, #tpu.memory_space<vmem>>) target_semaphore(%arg9 : memref<!tpu.dma_semaphore, #tpu.memory_space<semaphore_mem>>)
    %dma_wait3A_132 = arith.constant 50000 : i32
    %dma_wait3A_133 = tpu.memref_slice %arg3[%add3A_4, %dma_wait3A_132] : memref<64x100000xf32, #tpu.memory_space<hbm>> -> memref<1x10000xf32, #tpu.memory_space<hbm>>
    %dma_wait3A_134 = tpu.memref_squeeze %dma_wait3A_133 : memref<1x10000xf32, #tpu.memory_space<hbm>> -> memref<10000xf32, #tpu.memory_space<hbm>>
    %dma_wait3A_135 = arith.constant 50000 : i32
    %dma_wait3A_136 = tpu.memref_slice %arg3[%add3A_4, %dma_wait3A_135] : memref<64x100000xf32, #tpu.memory_space<hbm>> -> memref<1x10000xf32, #tpu.memory_space<hbm>>
    %dma_wait3A_137 = tpu.memref_squeeze %dma_wait3A_136 : memref<1x10000xf32, #tpu.memory_space<hbm>> -> memref<10000xf32, #tpu.memory_space<hbm>>
    tpu.wait_dma2 semaphore(%arg10 : memref<!tpu.dma_semaphore, #tpu.memory_space<semaphore_mem>>) src(%dma_wait3A_137 : memref<10000xf32, #tpu.memory_space<hbm>>) dst(%arg7 : memref<10000xf32, #tpu.memory_space<vmem>>)
    %scan3A_138 = arith.constant 0 : i32
    %scan3A_139 = arith.constant 125 : i32
    %scan3A_140 = arith.addi %scan3A_138, %scan3A_139 : i32
    %scan3A_141 = arith.constant 1 : i32
    %scan3A_142:2 = scf.for %scan3A_469 = %scan3A_138 to %scan3A_140 step %scan3A_141 iter_args(%scan3A_470 = %scan3A_124#0, %scan3A_471 = %scan3A_124#1) -> (vector<16xf32>, vector<16xi32>)  : i32 {
      %mul3A_472 = arith.constant 80 : i32
      %mul3A_473 = arith.muli %scan3A_469, %mul3A_472 : i32
      %add3A_474 = arith.constant 0 : i32
      %add3A_475 = arith.addi %mul3A_473, %add3A_474 : i32
      %add3A_476 = arith.constant 50000 : i32
      %add3A_477 = arith.addi %add3A_476, %add3A_475 : i32
      %get3A = arith.index_cast %add3A_477 : i32 to index
      %get3A_478 = tpu.vector_load %arg5[%get3A] {strides = array<i32>} : memref<100000xf32, #tpu.memory_space<vmem>>, vector<16xf32>,
      %get3A_479 = arith.index_cast %add3A_475 : i32 to index
      %get3A_480 = tpu.vector_load %arg7[%get3A_479] {strides = array<i32>} : memref<10000xf32, #tpu.memory_space<vmem>>, vector<16xf32>,
      %mul3A_481 = arith.mulf %get3A_478, %div3A_27 : vector<16xf32>
      %add3A_482 = arith.addf %mul3A_481, %get3A_480 : vector<16xf32>
      %add3A_483 = arith.constant 50000 : i32
      %add3A_484 = arith.addi %add3A_483, %add3A_475 : i32
      %add3A_485 = vector.broadcast %add3A_484 : i32 to vector<16xi32>
      %add3A_486 = arith.addi %iota3A, %add3A_485 : vector<16xi32>
      %gt3A = arith.cmpf ogt, %add3A_482, %scan3A_470 : vector<16xf32>
      %select_n3A_487 = arith.select %gt3A, %add3A_482, %scan3A_470 : vector<16xi1>, vector<16xf32>
      %select_n3A_488 = arith.select %gt3A, %add3A_486, %scan3A_471 : vector<16xi1>, vector<16xi32>
      %add3A_489 = arith.constant 16 : i32
      %add3A_490 = arith.addi %mul3A_473, %add3A_489 : i32
      %add3A_491 = arith.constant 50000 : i32
      %add3A_492 = arith.addi %add3A_491, %add3A_490 : i32
      %get3A_493 = arith.index_cast %add3A_492 : i32 to index
      %get3A_494 = tpu.vector_load %arg5[%get3A_493] {strides = array<i32>} : memref<100000xf32, #tpu.memory_space<vmem>>, vector<16xf32>,
      %get3A_495 = arith.index_cast %add3A_490 : i32 to index
      %get3A_496 = tpu.vector_load %arg7[%get3A_495] {strides = array<i32>} : memref<10000xf32, #tpu.memory_space<vmem>>, vector<16xf32>,
      %mul3A_497 = arith.mulf %get3A_494, %div3A_27 : vector<16xf32>
      %add3A_498 = arith.addf %mul3A_497, %get3A_496 : vector<16xf32>
      %add3A_499 = arith.constant 50000 : i32
      %add3A_500 = arith.addi %add3A_499, %add3A_490 : i32
      %add3A_501 = vector.broadcast %add3A_500 : i32 to vector<16xi32>
      %add3A_502 = arith.addi %iota3A, %add3A_501 : vector<16xi32>
      %gt3A_503 = arith.cmpf ogt, %add3A_498, %select_n3A_487 : vector<16xf32>
      %select_n3A_504 = arith.select %gt3A_503, %add3A_498, %select_n3A_487 : vector<16xi1>, vector<16xf32>
      %select_n3A_505 = arith.select %gt3A_503, %add3A_502, %select_n3A_488 : vector<16xi1>, vector<16xi32>
      %add3A_506 = arith.constant 32 : i32
      %add3A_507 = arith.addi %mul3A_473, %add3A_506 : i32
      %add3A_508 = arith.constant 50000 : i32
      %add3A_509 = arith.addi %add3A_508, %add3A_507 : i32
      %get3A_510 = arith.index_cast %add3A_509 : i32 to index
      %get3A_511 = tpu.vector_load %arg5[%get3A_510] {strides = array<i32>} : memref<100000xf32, #tpu.memory_space<vmem>>, vector<16xf32>,
      %get3A_512 = arith.index_cast %add3A_507 : i32 to index
      %get3A_513 = tpu.vector_load %arg7[%get3A_512] {strides = array<i32>} : memref<10000xf32, #tpu.memory_space<vmem>>, vector<16xf32>,
      %mul3A_514 = arith.mulf %get3A_511, %div3A_27 : vector<16xf32>
      %add3A_515 = arith.addf %mul3A_514, %get3A_513 : vector<16xf32>
      %add3A_516 = arith.constant 50000 : i32
      %add3A_517 = arith.addi %add3A_516, %add3A_507 : i32
      %add3A_518 = vector.broadcast %add3A_517 : i32 to vector<16xi32>
      %add3A_519 = arith.addi %iota3A, %add3A_518 : vector<16xi32>
      %gt3A_520 = arith.cmpf ogt, %add3A_515, %select_n3A_504 : vector<16xf32>
      %select_n3A_521 = arith.select %gt3A_520, %add3A_515, %select_n3A_504 : vector<16xi1>, vector<16xf32>
      %select_n3A_522 = arith.select %gt3A_520, %add3A_519, %select_n3A_505 : vector<16xi1>, vector<16xi32>
      %add3A_523 = arith.constant 48 : i32
      %add3A_524 = arith.addi %mul3A_473, %add3A_523 : i32
      %add3A_525 = arith.constant 50000 : i32
      %add3A_526 = arith.addi %add3A_525, %add3A_524 : i32
      %get3A_527 = arith.index_cast %add3A_526 : i32 to index
      %get3A_528 = tpu.vector_load %arg5[%get3A_527] {strides = array<i32>} : memref<100000xf32, #tpu.memory_space<vmem>>, vector<16xf32>,
      %get3A_529 = arith.index_cast %add3A_524 : i32 to index
      %get3A_530 = tpu.vector_load %arg7[%get3A_529] {strides = array<i32>} : memref<10000xf32, #tpu.memory_space<vmem>>, vector<16xf32>,
      %mul3A_531 = arith.mulf %get3A_528, %div3A_27 : vector<16xf32>
      %add3A_532 = arith.addf %mul3A_531, %get3A_530 : vector<16xf32>
      %add3A_533 = arith.constant 50000 : i32
      %add3A_534 = arith.addi %add3A_533, %add3A_524 : i32
      %add3A_535 = vector.broadcast %add3A_534 : i32 to vector<16xi32>
      %add3A_536 = arith.addi %iota3A, %add3A_535 : vector<16xi32>
      %gt3A_537 = arith.cmpf ogt, %add3A_532, %select_n3A_521 : vector<16xf32>
      %select_n3A_538 = arith.select %gt3A_537, %add3A_532, %select_n3A_521 : vector<16xi1>, vector<16xf32>
      %select_n3A_539 = arith.select %gt3A_537, %add3A_536, %select_n3A_522 : vector<16xi1>, vector<16xi32>
      %add3A_540 = arith.constant 64 : i32
      %add3A_541 = arith.addi %mul3A_473, %add3A_540 : i32
      %add3A_542 = arith.constant 50000 : i32
      %add3A_543 = arith.addi %add3A_542, %add3A_541 : i32
      %get3A_544 = arith.index_cast %add3A_543 : i32 to index
      %get3A_545 = tpu.vector_load %arg5[%get3A_544] {strides = array<i32>} : memref<100000xf32, #tpu.memory_space<vmem>>, vector<16xf32>,
      %get3A_546 = arith.index_cast %add3A_541 : i32 to index
      %get3A_547 = tpu.vector_load %arg7[%get3A_546] {strides = array<i32>} : memref<10000xf32, #tpu.memory_space<vmem>>, vector<16xf32>,
      %mul3A_548 = arith.mulf %get3A_545, %div3A_27 : vector<16xf32>
      %add3A_549 = arith.addf %mul3A_548, %get3A_547 : vector<16xf32>
      %add3A_550 = arith.constant 50000 : i32
      %add3A_551 = arith.addi %add3A_550, %add3A_541 : i32
      %add3A_552 = vector.broadcast %add3A_551 : i32 to vector<16xi32>
      %add3A_553 = arith.addi %iota3A, %add3A_552 : vector<16xi32>
      %gt3A_554 = arith.cmpf ogt, %add3A_549, %select_n3A_538 : vector<16xf32>
      %select_n3A_555 = arith.select %gt3A_554, %add3A_549, %select_n3A_538 : vector<16xi1>, vector<16xf32>
      %select_n3A_556 = arith.select %gt3A_554, %add3A_553, %select_n3A_539 : vector<16xi1>, vector<16xi32>
      scf.yield %select_n3A_555, %select_n3A_556 : vector<16xf32>, vector<16xi32>
    }
    %scan3A_143 = arith.constant 125 : i32
    %dma_start3A_144 = arith.constant 70000 : i32
    %dma_start3A_145 = tpu.memref_slice %arg3[%add3A_4, %dma_start3A_144] : memref<64x100000xf32, #tpu.memory_space<hbm>> -> memref<1x10000xf32, #tpu.memory_space<hbm>>
    %dma_start3A_146 = tpu.memref_squeeze %dma_start3A_145 : memref<1x10000xf32, #tpu.memory_space<hbm>> -> memref<10000xf32, #tpu.memory_space<hbm>>
    %dma_start3A_147 = arith.constant 70000 : i32
    %dma_start3A_148 = tpu.memref_slice %arg3[%add3A_4, %dma_start3A_147] : memref<64x100000xf32, #tpu.memory_space<hbm>> -> memref<1x10000xf32, #tpu.memory_space<hbm>>
    %dma_start3A_149 = tpu.memref_squeeze %dma_start3A_148 : memref<1x10000xf32, #tpu.memory_space<hbm>> -> memref<10000xf32, #tpu.memory_space<hbm>>
    tpu.enqueue_dma source(%dma_start3A_149 : memref<10000xf32, #tpu.memory_space<hbm>>) target(%arg7 : memref<10000xf32, #tpu.memory_space<vmem>>) target_semaphore(%arg10 : memref<!tpu.dma_semaphore, #tpu.memory_space<semaphore_mem>>)
    %dma_wait3A_150 = arith.constant 60000 : i32
    %dma_wait3A_151 = tpu.memref_slice %arg3[%add3A_4, %dma_wait3A_150] : memref<64x100000xf32, #tpu.memory_space<hbm>> -> memref<1x10000xf32, #tpu.memory_space<hbm>>
    %dma_wait3A_152 = tpu.memref_squeeze %dma_wait3A_151 : memref<1x10000xf32, #tpu.memory_space<hbm>> -> memref<10000xf32, #tpu.memory_space<hbm>>
    %dma_wait3A_153 = arith.constant 60000 : i32
    %dma_wait3A_154 = tpu.memref_slice %arg3[%add3A_4, %dma_wait3A_153] : memref<64x100000xf32, #tpu.memory_space<hbm>> -> memref<1x10000xf32, #tpu.memory_space<hbm>>
    %dma_wait3A_155 = tpu.memref_squeeze %dma_wait3A_154 : memref<1x10000xf32, #tpu.memory_space<hbm>> -> memref<10000xf32, #tpu.memory_space<hbm>>
    tpu.wait_dma2 semaphore(%arg9 : memref<!tpu.dma_semaphore, #tpu.memory_space<semaphore_mem>>) src(%dma_wait3A_155 : memref<10000xf32, #tpu.memory_space<hbm>>) dst(%arg6 : memref<10000xf32, #tpu.memory_space<vmem>>)
    %scan3A_156 = arith.constant 0 : i32
    %scan3A_157 = arith.constant 125 : i32
    %scan3A_158 = arith.addi %scan3A_156, %scan3A_157 : i32
    %scan3A_159 = arith.constant 1 : i32
    %scan3A_160:2 = scf.for %scan3A_469 = %scan3A_156 to %scan3A_158 step %scan3A_159 iter_args(%scan3A_470 = %scan3A_142#0, %scan3A_471 = %scan3A_142#1) -> (vector<16xf32>, vector<16xi32>)  : i32 {
      %mul3A_472 = arith.constant 80 : i32
      %mul3A_473 = arith.muli %scan3A_469, %mul3A_472 : i32
      %add3A_474 = arith.constant 0 : i32
      %add3A_475 = arith.addi %mul3A_473, %add3A_474 : i32
      %add3A_476 = arith.constant 60000 : i32
      %add3A_477 = arith.addi %add3A_476, %add3A_475 : i32
      %get3A = arith.index_cast %add3A_477 : i32 to index
      %get3A_478 = tpu.vector_load %arg5[%get3A] {strides = array<i32>} : memref<100000xf32, #tpu.memory_space<vmem>>, vector<16xf32>,
      %get3A_479 = arith.index_cast %add3A_475 : i32 to index
      %get3A_480 = tpu.vector_load %arg6[%get3A_479] {strides = array<i32>} : memref<10000xf32, #tpu.memory_space<vmem>>, vector<16xf32>,
      %mul3A_481 = arith.mulf %get3A_478, %div3A_27 : vector<16xf32>
      %add3A_482 = arith.addf %mul3A_481, %get3A_480 : vector<16xf32>
      %add3A_483 = arith.constant 60000 : i32
      %add3A_484 = arith.addi %add3A_483, %add3A_475 : i32
      %add3A_485 = vector.broadcast %add3A_484 : i32 to vector<16xi32>
      %add3A_486 = arith.addi %iota3A, %add3A_485 : vector<16xi32>
      %gt3A = arith.cmpf ogt, %add3A_482, %scan3A_470 : vector<16xf32>
      %select_n3A_487 = arith.select %gt3A, %add3A_482, %scan3A_470 : vector<16xi1>, vector<16xf32>
      %select_n3A_488 = arith.select %gt3A, %add3A_486, %scan3A_471 : vector<16xi1>, vector<16xi32>
      %add3A_489 = arith.constant 16 : i32
      %add3A_490 = arith.addi %mul3A_473, %add3A_489 : i32
      %add3A_491 = arith.constant 60000 : i32
      %add3A_492 = arith.addi %add3A_491, %add3A_490 : i32
      %get3A_493 = arith.index_cast %add3A_492 : i32 to index
      %get3A_494 = tpu.vector_load %arg5[%get3A_493] {strides = array<i32>} : memref<100000xf32, #tpu.memory_space<vmem>>, vector<16xf32>,
      %get3A_495 = arith.index_cast %add3A_490 : i32 to index
      %get3A_496 = tpu.vector_load %arg6[%get3A_495] {strides = array<i32>} : memref<10000xf32, #tpu.memory_space<vmem>>, vector<16xf32>,
      %mul3A_497 = arith.mulf %get3A_494, %div3A_27 : vector<16xf32>
      %add3A_498 = arith.addf %mul3A_497, %get3A_496 : vector<16xf32>
      %add3A_499 = arith.constant 60000 : i32
      %add3A_500 = arith.addi %add3A_499, %add3A_490 : i32
      %add3A_501 = vector.broadcast %add3A_500 : i32 to vector<16xi32>
      %add3A_502 = arith.addi %iota3A, %add3A_501 : vector<16xi32>
      %gt3A_503 = arith.cmpf ogt, %add3A_498, %select_n3A_487 : vector<16xf32>
      %select_n3A_504 = arith.select %gt3A_503, %add3A_498, %select_n3A_487 : vector<16xi1>, vector<16xf32>
      %select_n3A_505 = arith.select %gt3A_503, %add3A_502, %select_n3A_488 : vector<16xi1>, vector<16xi32>
      %add3A_506 = arith.constant 32 : i32
      %add3A_507 = arith.addi %mul3A_473, %add3A_506 : i32
      %add3A_508 = arith.constant 60000 : i32
      %add3A_509 = arith.addi %add3A_508, %add3A_507 : i32
      %get3A_510 = arith.index_cast %add3A_509 : i32 to index
      %get3A_511 = tpu.vector_load %arg5[%get3A_510] {strides = array<i32>} : memref<100000xf32, #tpu.memory_space<vmem>>, vector<16xf32>,
      %get3A_512 = arith.index_cast %add3A_507 : i32 to index
      %get3A_513 = tpu.vector_load %arg6[%get3A_512] {strides = array<i32>} : memref<10000xf32, #tpu.memory_space<vmem>>, vector<16xf32>,
      %mul3A_514 = arith.mulf %get3A_511, %div3A_27 : vector<16xf32>
      %add3A_515 = arith.addf %mul3A_514, %get3A_513 : vector<16xf32>
      %add3A_516 = arith.constant 60000 : i32
      %add3A_517 = arith.addi %add3A_516, %add3A_507 : i32
      %add3A_518 = vector.broadcast %add3A_517 : i32 to vector<16xi32>
      %add3A_519 = arith.addi %iota3A, %add3A_518 : vector<16xi32>
      %gt3A_520 = arith.cmpf ogt, %add3A_515, %select_n3A_504 : vector<16xf32>
      %select_n3A_521 = arith.select %gt3A_520, %add3A_515, %select_n3A_504 : vector<16xi1>, vector<16xf32>
      %select_n3A_522 = arith.select %gt3A_520, %add3A_519, %select_n3A_505 : vector<16xi1>, vector<16xi32>
      %add3A_523 = arith.constant 48 : i32
      %add3A_524 = arith.addi %mul3A_473, %add3A_523 : i32
      %add3A_525 = arith.constant 60000 : i32
      %add3A_526 = arith.addi %add3A_525, %add3A_524 : i32
      %get3A_527 = arith.index_cast %add3A_526 : i32 to index
      %get3A_528 = tpu.vector_load %arg5[%get3A_527] {strides = array<i32>} : memref<100000xf32, #tpu.memory_space<vmem>>, vector<16xf32>,
      %get3A_529 = arith.index_cast %add3A_524 : i32 to index
      %get3A_530 = tpu.vector_load %arg6[%get3A_529] {strides = array<i32>} : memref<10000xf32, #tpu.memory_space<vmem>>, vector<16xf32>,
      %mul3A_531 = arith.mulf %get3A_528, %div3A_27 : vector<16xf32>
      %add3A_532 = arith.addf %mul3A_531, %get3A_530 : vector<16xf32>
      %add3A_533 = arith.constant 60000 : i32
      %add3A_534 = arith.addi %add3A_533, %add3A_524 : i32
      %add3A_535 = vector.broadcast %add3A_534 : i32 to vector<16xi32>
      %add3A_536 = arith.addi %iota3A, %add3A_535 : vector<16xi32>
      %gt3A_537 = arith.cmpf ogt, %add3A_532, %select_n3A_521 : vector<16xf32>
      %select_n3A_538 = arith.select %gt3A_537, %add3A_532, %select_n3A_521 : vector<16xi1>, vector<16xf32>
      %select_n3A_539 = arith.select %gt3A_537, %add3A_536, %select_n3A_522 : vector<16xi1>, vector<16xi32>
      %add3A_540 = arith.constant 64 : i32
      %add3A_541 = arith.addi %mul3A_473, %add3A_540 : i32
      %add3A_542 = arith.constant 60000 : i32
      %add3A_543 = arith.addi %add3A_542, %add3A_541 : i32
      %get3A_544 = arith.index_cast %add3A_543 : i32 to index
      %get3A_545 = tpu.vector_load %arg5[%get3A_544] {strides = array<i32>} : memref<100000xf32, #tpu.memory_space<vmem>>, vector<16xf32>,
      %get3A_546 = arith.index_cast %add3A_541 : i32 to index
      %get3A_547 = tpu.vector_load %arg6[%get3A_546] {strides = array<i32>} : memref<10000xf32, #tpu.memory_space<vmem>>, vector<16xf32>,
      %mul3A_548 = arith.mulf %get3A_545, %div3A_27 : vector<16xf32>
      %add3A_549 = arith.addf %mul3A_548, %get3A_547 : vector<16xf32>
      %add3A_550 = arith.constant 60000 : i32
      %add3A_551 = arith.addi %add3A_550, %add3A_541 : i32
      %add3A_552 = vector.broadcast %add3A_551 : i32 to vector<16xi32>
      %add3A_553 = arith.addi %iota3A, %add3A_552 : vector<16xi32>
      %gt3A_554 = arith.cmpf ogt, %add3A_549, %select_n3A_538 : vector<16xf32>
      %select_n3A_555 = arith.select %gt3A_554, %add3A_549, %select_n3A_538 : vector<16xi1>, vector<16xf32>
      %select_n3A_556 = arith.select %gt3A_554, %add3A_553, %select_n3A_539 : vector<16xi1>, vector<16xi32>
      scf.yield %select_n3A_555, %select_n3A_556 : vector<16xf32>, vector<16xi32>
    }
    %scan3A_161 = arith.constant 125 : i32
    %dma_start3A_162 = arith.constant 80000 : i32
    %dma_start3A_163 = tpu.memref_slice %arg3[%add3A_4, %dma_start3A_162] : memref<64x100000xf32, #tpu.memory_space<hbm>> -> memref<1x10000xf32, #tpu.memory_space<hbm>>
    %dma_start3A_164 = tpu.memref_squeeze %dma_start3A_163 : memref<1x10000xf32, #tpu.memory_space<hbm>> -> memref<10000xf32, #tpu.memory_space<hbm>>
    %dma_start3A_165 = arith.constant 80000 : i32
    %dma_start3A_166 = tpu.memref_slice %arg3[%add3A_4, %dma_start3A_165] : memref<64x100000xf32, #tpu.memory_space<hbm>> -> memref<1x10000xf32, #tpu.memory_space<hbm>>
    %dma_start3A_167 = tpu.memref_squeeze %dma_start3A_166 : memref<1x10000xf32, #tpu.memory_space<hbm>> -> memref<10000xf32, #tpu.memory_space<hbm>>
    tpu.enqueue_dma source(%dma_start3A_167 : memref<10000xf32, #tpu.memory_space<hbm>>) target(%arg6 : memref<10000xf32, #tpu.memory_space<vmem>>) target_semaphore(%arg9 : memref<!tpu.dma_semaphore, #tpu.memory_space<semaphore_mem>>)
    %dma_wait3A_168 = arith.constant 70000 : i32
    %dma_wait3A_169 = tpu.memref_slice %arg3[%add3A_4, %dma_wait3A_168] : memref<64x100000xf32, #tpu.memory_space<hbm>> -> memref<1x10000xf32, #tpu.memory_space<hbm>>
    %dma_wait3A_170 = tpu.memref_squeeze %dma_wait3A_169 : memref<1x10000xf32, #tpu.memory_space<hbm>> -> memref<10000xf32, #tpu.memory_space<hbm>>
    %dma_wait3A_171 = arith.constant 70000 : i32
    %dma_wait3A_172 = tpu.memref_slice %arg3[%add3A_4, %dma_wait3A_171] : memref<64x100000xf32, #tpu.memory_space<hbm>> -> memref<1x10000xf32, #tpu.memory_space<hbm>>
    %dma_wait3A_173 = tpu.memref_squeeze %dma_wait3A_172 : memref<1x10000xf32, #tpu.memory_space<hbm>> -> memref<10000xf32, #tpu.memory_space<hbm>>
    tpu.wait_dma2 semaphore(%arg10 : memref<!tpu.dma_semaphore, #tpu.memory_space<semaphore_mem>>) src(%dma_wait3A_173 : memref<10000xf32, #tpu.memory_space<hbm>>) dst(%arg7 : memref<10000xf32, #tpu.memory_space<vmem>>)
    %scan3A_174 = arith.constant 0 : i32
    %scan3A_175 = arith.constant 125 : i32
    %scan3A_176 = arith.addi %scan3A_174, %scan3A_175 : i32
    %scan3A_177 = arith.constant 1 : i32
    %scan3A_178:2 = scf.for %scan3A_469 = %scan3A_174 to %scan3A_176 step %scan3A_177 iter_args(%scan3A_470 = %scan3A_160#0, %scan3A_471 = %scan3A_160#1) -> (vector<16xf32>, vector<16xi32>)  : i32 {
      %mul3A_472 = arith.constant 80 : i32
      %mul3A_473 = arith.muli %scan3A_469, %mul3A_472 : i32
      %add3A_474 = arith.constant 0 : i32
      %add3A_475 = arith.addi %mul3A_473, %add3A_474 : i32
      %add3A_476 = arith.constant 70000 : i32
      %add3A_477 = arith.addi %add3A_476, %add3A_475 : i32
      %get3A = arith.index_cast %add3A_477 : i32 to index
      %get3A_478 = tpu.vector_load %arg5[%get3A] {strides = array<i32>} : memref<100000xf32, #tpu.memory_space<vmem>>, vector<16xf32>,
      %get3A_479 = arith.index_cast %add3A_475 : i32 to index
      %get3A_480 = tpu.vector_load %arg7[%get3A_479] {strides = array<i32>} : memref<10000xf32, #tpu.memory_space<vmem>>, vector<16xf32>,
      %mul3A_481 = arith.mulf %get3A_478, %div3A_27 : vector<16xf32>
      %add3A_482 = arith.addf %mul3A_481, %get3A_480 : vector<16xf32>
      %add3A_483 = arith.constant 70000 : i32
      %add3A_484 = arith.addi %add3A_483, %add3A_475 : i32
      %add3A_485 = vector.broadcast %add3A_484 : i32 to vector<16xi32>
      %add3A_486 = arith.addi %iota3A, %add3A_485 : vector<16xi32>
      %gt3A = arith.cmpf ogt, %add3A_482, %scan3A_470 : vector<16xf32>
      %select_n3A_487 = arith.select %gt3A, %add3A_482, %scan3A_470 : vector<16xi1>, vector<16xf32>
      %select_n3A_488 = arith.select %gt3A, %add3A_486, %scan3A_471 : vector<16xi1>, vector<16xi32>
      %add3A_489 = arith.constant 16 : i32
      %add3A_490 = arith.addi %mul3A_473, %add3A_489 : i32
      %add3A_491 = arith.constant 70000 : i32
      %add3A_492 = arith.addi %add3A_491, %add3A_490 : i32
      %get3A_493 = arith.index_cast %add3A_492 : i32 to index
      %get3A_494 = tpu.vector_load %arg5[%get3A_493] {strides = array<i32>} : memref<100000xf32, #tpu.memory_space<vmem>>, vector<16xf32>,
      %get3A_495 = arith.index_cast %add3A_490 : i32 to index
      %get3A_496 = tpu.vector_load %arg7[%get3A_495] {strides = array<i32>} : memref<10000xf32, #tpu.memory_space<vmem>>, vector<16xf32>,
      %mul3A_497 = arith.mulf %get3A_494, %div3A_27 : vector<16xf32>
      %add3A_498 = arith.addf %mul3A_497, %get3A_496 : vector<16xf32>
      %add3A_499 = arith.constant 70000 : i32
      %add3A_500 = arith.addi %add3A_499, %add3A_490 : i32
      %add3A_501 = vector.broadcast %add3A_500 : i32 to vector<16xi32>
      %add3A_502 = arith.addi %iota3A, %add3A_501 : vector<16xi32>
      %gt3A_503 = arith.cmpf ogt, %add3A_498, %select_n3A_487 : vector<16xf32>
      %select_n3A_504 = arith.select %gt3A_503, %add3A_498, %select_n3A_487 : vector<16xi1>, vector<16xf32>
      %select_n3A_505 = arith.select %gt3A_503, %add3A_502, %select_n3A_488 : vector<16xi1>, vector<16xi32>
      %add3A_506 = arith.constant 32 : i32
      %add3A_507 = arith.addi %mul3A_473, %add3A_506 : i32
      %add3A_508 = arith.constant 70000 : i32
      %add3A_509 = arith.addi %add3A_508, %add3A_507 : i32
      %get3A_510 = arith.index_cast %add3A_509 : i32 to index
      %get3A_511 = tpu.vector_load %arg5[%get3A_510] {strides = array<i32>} : memref<100000xf32, #tpu.memory_space<vmem>>, vector<16xf32>,
      %get3A_512 = arith.index_cast %add3A_507 : i32 to index
      %get3A_513 = tpu.vector_load %arg7[%get3A_512] {strides = array<i32>} : memref<10000xf32, #tpu.memory_space<vmem>>, vector<16xf32>,
      %mul3A_514 = arith.mulf %get3A_511, %div3A_27 : vector<16xf32>
      %add3A_515 = arith.addf %mul3A_514, %get3A_513 : vector<16xf32>
      %add3A_516 = arith.constant 70000 : i32
      %add3A_517 = arith.addi %add3A_516, %add3A_507 : i32
      %add3A_518 = vector.broadcast %add3A_517 : i32 to vector<16xi32>
      %add3A_519 = arith.addi %iota3A, %add3A_518 : vector<16xi32>
      %gt3A_520 = arith.cmpf ogt, %add3A_515, %select_n3A_504 : vector<16xf32>
      %select_n3A_521 = arith.select %gt3A_520, %add3A_515, %select_n3A_504 : vector<16xi1>, vector<16xf32>
      %select_n3A_522 = arith.select %gt3A_520, %add3A_519, %select_n3A_505 : vector<16xi1>, vector<16xi32>
      %add3A_523 = arith.constant 48 : i32
      %add3A_524 = arith.addi %mul3A_473, %add3A_523 : i32
      %add3A_525 = arith.constant 70000 : i32
      %add3A_526 = arith.addi %add3A_525, %add3A_524 : i32
      %get3A_527 = arith.index_cast %add3A_526 : i32 to index
      %get3A_528 = tpu.vector_load %arg5[%get3A_527] {strides = array<i32>} : memref<100000xf32, #tpu.memory_space<vmem>>, vector<16xf32>,
      %get3A_529 = arith.index_cast %add3A_524 : i32 to index
      %get3A_530 = tpu.vector_load %arg7[%get3A_529] {strides = array<i32>} : memref<10000xf32, #tpu.memory_space<vmem>>, vector<16xf32>,
      %mul3A_531 = arith.mulf %get3A_528, %div3A_27 : vector<16xf32>
      %add3A_532 = arith.addf %mul3A_531, %get3A_530 : vector<16xf32>
      %add3A_533 = arith.constant 70000 : i32
      %add3A_534 = arith.addi %add3A_533, %add3A_524 : i32
      %add3A_535 = vector.broadcast %add3A_534 : i32 to vector<16xi32>
      %add3A_536 = arith.addi %iota3A, %add3A_535 : vector<16xi32>
      %gt3A_537 = arith.cmpf ogt, %add3A_532, %select_n3A_521 : vector<16xf32>
      %select_n3A_538 = arith.select %gt3A_537, %add3A_532, %select_n3A_521 : vector<16xi1>, vector<16xf32>
      %select_n3A_539 = arith.select %gt3A_537, %add3A_536, %select_n3A_522 : vector<16xi1>, vector<16xi32>
      %add3A_540 = arith.constant 64 : i32
      %add3A_541 = arith.addi %mul3A_473, %add3A_540 : i32
      %add3A_542 = arith.constant 70000 : i32
      %add3A_543 = arith.addi %add3A_542, %add3A_541 : i32
      %get3A_544 = arith.index_cast %add3A_543 : i32 to index
      %get3A_545 = tpu.vector_load %arg5[%get3A_544] {strides = array<i32>} : memref<100000xf32, #tpu.memory_space<vmem>>, vector<16xf32>,
      %get3A_546 = arith.index_cast %add3A_541 : i32 to index
      %get3A_547 = tpu.vector_load %arg7[%get3A_546] {strides = array<i32>} : memref<10000xf32, #tpu.memory_space<vmem>>, vector<16xf32>,
      %mul3A_548 = arith.mulf %get3A_545, %div3A_27 : vector<16xf32>
      %add3A_549 = arith.addf %mul3A_548, %get3A_547 : vector<16xf32>
      %add3A_550 = arith.constant 70000 : i32
      %add3A_551 = arith.addi %add3A_550, %add3A_541 : i32
      %add3A_552 = vector.broadcast %add3A_551 : i32 to vector<16xi32>
      %add3A_553 = arith.addi %iota3A, %add3A_552 : vector<16xi32>
      %gt3A_554 = arith.cmpf ogt, %add3A_549, %select_n3A_538 : vector<16xf32>
      %select_n3A_555 = arith.select %gt3A_554, %add3A_549, %select_n3A_538 : vector<16xi1>, vector<16xf32>
      %select_n3A_556 = arith.select %gt3A_554, %add3A_553, %select_n3A_539 : vector<16xi1>, vector<16xi32>
      scf.yield %select_n3A_555, %select_n3A_556 : vector<16xf32>, vector<16xi32>
    }
    %scan3A_179 = arith.constant 125 : i32
    %dma_start3A_180 = arith.constant 90000 : i32
    %dma_start3A_181 = tpu.memref_slice %arg3[%add3A_4, %dma_start3A_180] : memref<64x100000xf32, #tpu.memory_space<hbm>> -> memref<1x10000xf32, #tpu.memory_space<hbm>>
    %dma_start3A_182 = tpu.memref_squeeze %dma_start3A_181 : memref<1x10000xf32, #tpu.memory_space<hbm>> -> memref<10000xf32, #tpu.memory_space<hbm>>
    %dma_start3A_183 = arith.constant 90000 : i32
    %dma_start3A_184 = tpu.memref_slice %arg3[%add3A_4, %dma_start3A_183] : memref<64x100000xf32, #tpu.memory_space<hbm>> -> memref<1x10000xf32, #tpu.memory_space<hbm>>
    %dma_start3A_185 = tpu.memref_squeeze %dma_start3A_184 : memref<1x10000xf32, #tpu.memory_space<hbm>> -> memref<10000xf32, #tpu.memory_space<hbm>>
    tpu.enqueue_dma source(%dma_start3A_185 : memref<10000xf32, #tpu.memory_space<hbm>>) target(%arg7 : memref<10000xf32, #tpu.memory_space<vmem>>) target_semaphore(%arg10 : memref<!tpu.dma_semaphore, #tpu.memory_space<semaphore_mem>>)
    %dma_wait3A_186 = arith.constant 80000 : i32
    %dma_wait3A_187 = tpu.memref_slice %arg3[%add3A_4, %dma_wait3A_186] : memref<64x100000xf32, #tpu.memory_space<hbm>> -> memref<1x10000xf32, #tpu.memory_space<hbm>>
    %dma_wait3A_188 = tpu.memref_squeeze %dma_wait3A_187 : memref<1x10000xf32, #tpu.memory_space<hbm>> -> memref<10000xf32, #tpu.memory_space<hbm>>
    %dma_wait3A_189 = arith.constant 80000 : i32
    %dma_wait3A_190 = tpu.memref_slice %arg3[%add3A_4, %dma_wait3A_189] : memref<64x100000xf32, #tpu.memory_space<hbm>> -> memref<1x10000xf32, #tpu.memory_space<hbm>>
    %dma_wait3A_191 = tpu.memref_squeeze %dma_wait3A_190 : memref<1x10000xf32, #tpu.memory_space<hbm>> -> memref<10000xf32, #tpu.memory_space<hbm>>
    tpu.wait_dma2 semaphore(%arg9 : memref<!tpu.dma_semaphore, #tpu.memory_space<semaphore_mem>>) src(%dma_wait3A_191 : memref<10000xf32, #tpu.memory_space<hbm>>) dst(%arg6 : memref<10000xf32, #tpu.memory_space<vmem>>)
    %scan3A_192 = arith.constant 0 : i32
    %scan3A_193 = arith.constant 125 : i32
    %scan3A_194 = arith.addi %scan3A_192, %scan3A_193 : i32
    %scan3A_195 = arith.constant 1 : i32
    %scan3A_196:2 = scf.for %scan3A_469 = %scan3A_192 to %scan3A_194 step %scan3A_195 iter_args(%scan3A_470 = %scan3A_178#0, %scan3A_471 = %scan3A_178#1) -> (vector<16xf32>, vector<16xi32>)  : i32 {
      %mul3A_472 = arith.constant 80 : i32
      %mul3A_473 = arith.muli %scan3A_469, %mul3A_472 : i32
      %add3A_474 = arith.constant 0 : i32
      %add3A_475 = arith.addi %mul3A_473, %add3A_474 : i32
      %add3A_476 = arith.constant 80000 : i32
      %add3A_477 = arith.addi %add3A_476, %add3A_475 : i32
      %get3A = arith.index_cast %add3A_477 : i32 to index
      %get3A_478 = tpu.vector_load %arg5[%get3A] {strides = array<i32>} : memref<100000xf32, #tpu.memory_space<vmem>>, vector<16xf32>,
      %get3A_479 = arith.index_cast %add3A_475 : i32 to index
      %get3A_480 = tpu.vector_load %arg6[%get3A_479] {strides = array<i32>} : memref<10000xf32, #tpu.memory_space<vmem>>, vector<16xf32>,
      %mul3A_481 = arith.mulf %get3A_478, %div3A_27 : vector<16xf32>
      %add3A_482 = arith.addf %mul3A_481, %get3A_480 : vector<16xf32>
      %add3A_483 = arith.constant 80000 : i32
      %add3A_484 = arith.addi %add3A_483, %add3A_475 : i32
      %add3A_485 = vector.broadcast %add3A_484 : i32 to vector<16xi32>
      %add3A_486 = arith.addi %iota3A, %add3A_485 : vector<16xi32>
      %gt3A = arith.cmpf ogt, %add3A_482, %scan3A_470 : vector<16xf32>
      %select_n3A_487 = arith.select %gt3A, %add3A_482, %scan3A_470 : vector<16xi1>, vector<16xf32>
      %select_n3A_488 = arith.select %gt3A, %add3A_486, %scan3A_471 : vector<16xi1>, vector<16xi32>
      %add3A_489 = arith.constant 16 : i32
      %add3A_490 = arith.addi %mul3A_473, %add3A_489 : i32
      %add3A_491 = arith.constant 80000 : i32
      %add3A_492 = arith.addi %add3A_491, %add3A_490 : i32
      %get3A_493 = arith.index_cast %add3A_492 : i32 to index
      %get3A_494 = tpu.vector_load %arg5[%get3A_493] {strides = array<i32>} : memref<100000xf32, #tpu.memory_space<vmem>>, vector<16xf32>,
      %get3A_495 = arith.index_cast %add3A_490 : i32 to index
      %get3A_496 = tpu.vector_load %arg6[%get3A_495] {strides = array<i32>} : memref<10000xf32, #tpu.memory_space<vmem>>, vector<16xf32>,
      %mul3A_497 = arith.mulf %get3A_494, %div3A_27 : vector<16xf32>
      %add3A_498 = arith.addf %mul3A_497, %get3A_496 : vector<16xf32>
      %add3A_499 = arith.constant 80000 : i32
      %add3A_500 = arith.addi %add3A_499, %add3A_490 : i32
      %add3A_501 = vector.broadcast %add3A_500 : i32 to vector<16xi32>
      %add3A_502 = arith.addi %iota3A, %add3A_501 : vector<16xi32>
      %gt3A_503 = arith.cmpf ogt, %add3A_498, %select_n3A_487 : vector<16xf32>
      %select_n3A_504 = arith.select %gt3A_503, %add3A_498, %select_n3A_487 : vector<16xi1>, vector<16xf32>
      %select_n3A_505 = arith.select %gt3A_503, %add3A_502, %select_n3A_488 : vector<16xi1>, vector<16xi32>
      %add3A_506 = arith.constant 32 : i32
      %add3A_507 = arith.addi %mul3A_473, %add3A_506 : i32
      %add3A_508 = arith.constant 80000 : i32
      %add3A_509 = arith.addi %add3A_508, %add3A_507 : i32
      %get3A_510 = arith.index_cast %add3A_509 : i32 to index
      %get3A_511 = tpu.vector_load %arg5[%get3A_510] {strides = array<i32>} : memref<100000xf32, #tpu.memory_space<vmem>>, vector<16xf32>,
      %get3A_512 = arith.index_cast %add3A_507 : i32 to index
      %get3A_513 = tpu.vector_load %arg6[%get3A_512] {strides = array<i32>} : memref<10000xf32, #tpu.memory_space<vmem>>, vector<16xf32>,
      %mul3A_514 = arith.mulf %get3A_511, %div3A_27 : vector<16xf32>
      %add3A_515 = arith.addf %mul3A_514, %get3A_513 : vector<16xf32>
      %add3A_516 = arith.constant 80000 : i32
      %add3A_517 = arith.addi %add3A_516, %add3A_507 : i32
      %add3A_518 = vector.broadcast %add3A_517 : i32 to vector<16xi32>
      %add3A_519 = arith.addi %iota3A, %add3A_518 : vector<16xi32>
      %gt3A_520 = arith.cmpf ogt, %add3A_515, %select_n3A_504 : vector<16xf32>
      %select_n3A_521 = arith.select %gt3A_520, %add3A_515, %select_n3A_504 : vector<16xi1>, vector<16xf32>
      %select_n3A_522 = arith.select %gt3A_520, %add3A_519, %select_n3A_505 : vector<16xi1>, vector<16xi32>
      %add3A_523 = arith.constant 48 : i32
      %add3A_524 = arith.addi %mul3A_473, %add3A_523 : i32
      %add3A_525 = arith.constant 80000 : i32
      %add3A_526 = arith.addi %add3A_525, %add3A_524 : i32
      %get3A_527 = arith.index_cast %add3A_526 : i32 to index
      %get3A_528 = tpu.vector_load %arg5[%get3A_527] {strides = array<i32>} : memref<100000xf32, #tpu.memory_space<vmem>>, vector<16xf32>,
      %get3A_529 = arith.index_cast %add3A_524 : i32 to index
      %get3A_530 = tpu.vector_load %arg6[%get3A_529] {strides = array<i32>} : memref<10000xf32, #tpu.memory_space<vmem>>, vector<16xf32>,
      %mul3A_531 = arith.mulf %get3A_528, %div3A_27 : vector<16xf32>
      %add3A_532 = arith.addf %mul3A_531, %get3A_530 : vector<16xf32>
      %add3A_533 = arith.constant 80000 : i32
      %add3A_534 = arith.addi %add3A_533, %add3A_524 : i32
      %add3A_535 = vector.broadcast %add3A_534 : i32 to vector<16xi32>
      %add3A_536 = arith.addi %iota3A, %add3A_535 : vector<16xi32>
      %gt3A_537 = arith.cmpf ogt, %add3A_532, %select_n3A_521 : vector<16xf32>
      %select_n3A_538 = arith.select %gt3A_537, %add3A_532, %select_n3A_521 : vector<16xi1>, vector<16xf32>
      %select_n3A_539 = arith.select %gt3A_537, %add3A_536, %select_n3A_522 : vector<16xi1>, vector<16xi32>
      %add3A_540 = arith.constant 64 : i32
      %add3A_541 = arith.addi %mul3A_473, %add3A_540 : i32
      %add3A_542 = arith.constant 80000 : i32
      %add3A_543 = arith.addi %add3A_542, %add3A_541 : i32
      %get3A_544 = arith.index_cast %add3A_543 : i32 to index
      %get3A_545 = tpu.vector_load %arg5[%get3A_544] {strides = array<i32>} : memref<100000xf32, #tpu.memory_space<vmem>>, vector<16xf32>,
      %get3A_546 = arith.index_cast %add3A_541 : i32 to index
      %get3A_547 = tpu.vector_load %arg6[%get3A_546] {strides = array<i32>} : memref<10000xf32, #tpu.memory_space<vmem>>, vector<16xf32>,
      %mul3A_548 = arith.mulf %get3A_545, %div3A_27 : vector<16xf32>
      %add3A_549 = arith.addf %mul3A_548, %get3A_547 : vector<16xf32>
      %add3A_550 = arith.constant 80000 : i32
      %add3A_551 = arith.addi %add3A_550, %add3A_541 : i32
      %add3A_552 = vector.broadcast %add3A_551 : i32 to vector<16xi32>
      %add3A_553 = arith.addi %iota3A, %add3A_552 : vector<16xi32>
      %gt3A_554 = arith.cmpf ogt, %add3A_549, %select_n3A_538 : vector<16xf32>
      %select_n3A_555 = arith.select %gt3A_554, %add3A_549, %select_n3A_538 : vector<16xi1>, vector<16xf32>
      %select_n3A_556 = arith.select %gt3A_554, %add3A_553, %select_n3A_539 : vector<16xi1>, vector<16xi32>
      scf.yield %select_n3A_555, %select_n3A_556 : vector<16xf32>, vector<16xi32>
    }
    %scan3A_197 = arith.constant 125 : i32
    %dma_wait3A_198 = arith.constant 90000 : i32
    %dma_wait3A_199 = tpu.memref_slice %arg3[%add3A_4, %dma_wait3A_198] : memref<64x100000xf32, #tpu.memory_space<hbm>> -> memref<1x10000xf32, #tpu.memory_space<hbm>>
    %dma_wait3A_200 = tpu.memref_squeeze %dma_wait3A_199 : memref<1x10000xf32, #tpu.memory_space<hbm>> -> memref<10000xf32, #tpu.memory_space<hbm>>
    %dma_wait3A_201 = arith.constant 90000 : i32
    %dma_wait3A_202 = tpu.memref_slice %arg3[%add3A_4, %dma_wait3A_201] : memref<64x100000xf32, #tpu.memory_space<hbm>> -> memref<1x10000xf32, #tpu.memory_space<hbm>>
    %dma_wait3A_203 = tpu.memref_squeeze %dma_wait3A_202 : memref<1x10000xf32, #tpu.memory_space<hbm>> -> memref<10000xf32, #tpu.memory_space<hbm>>
    tpu.wait_dma2 semaphore(%arg10 : memref<!tpu.dma_semaphore, #tpu.memory_space<semaphore_mem>>) src(%dma_wait3A_203 : memref<10000xf32, #tpu.memory_space<hbm>>) dst(%arg7 : memref<10000xf32, #tpu.memory_space<vmem>>)
    %scan3A_204 = arith.constant 0 : i32
    %scan3A_205 = arith.constant 125 : i32
    %scan3A_206 = arith.addi %scan3A_204, %scan3A_205 : i32
    %scan3A_207 = arith.constant 1 : i32
    %scan3A_208:2 = scf.for %scan3A_469 = %scan3A_204 to %scan3A_206 step %scan3A_207 iter_args(%scan3A_470 = %scan3A_196#0, %scan3A_471 = %scan3A_196#1) -> (vector<16xf32>, vector<16xi32>)  : i32 {
      %mul3A_472 = arith.constant 80 : i32
      %mul3A_473 = arith.muli %scan3A_469, %mul3A_472 : i32
      %add3A_474 = arith.constant 0 : i32
      %add3A_475 = arith.addi %mul3A_473, %add3A_474 : i32
      %add3A_476 = arith.constant 90000 : i32
      %add3A_477 = arith.addi %add3A_476, %add3A_475 : i32
      %get3A = arith.index_cast %add3A_477 : i32 to index
      %get3A_478 = tpu.vector_load %arg5[%get3A] {strides = array<i32>} : memref<100000xf32, #tpu.memory_space<vmem>>, vector<16xf32>,
      %get3A_479 = arith.index_cast %add3A_475 : i32 to index
      %get3A_480 = tpu.vector_load %arg7[%get3A_479] {strides = array<i32>} : memref<10000xf32, #tpu.memory_space<vmem>>, vector<16xf32>,
      %mul3A_481 = arith.mulf %get3A_478, %div3A_27 : vector<16xf32>
      %add3A_482 = arith.addf %mul3A_481, %get3A_480 : vector<16xf32>
      %add3A_483 = arith.constant 90000 : i32
      %add3A_484 = arith.addi %add3A_483, %add3A_475 : i32
      %add3A_485 = vector.broadcast %add3A_484 : i32 to vector<16xi32>
      %add3A_486 = arith.addi %iota3A, %add3A_485 : vector<16xi32>
      %gt3A = arith.cmpf ogt, %add3A_482, %scan3A_470 : vector<16xf32>
      %select_n3A_487 = arith.select %gt3A, %add3A_482, %scan3A_470 : vector<16xi1>, vector<16xf32>
      %select_n3A_488 = arith.select %gt3A, %add3A_486, %scan3A_471 : vector<16xi1>, vector<16xi32>
      %add3A_489 = arith.constant 16 : i32
      %add3A_490 = arith.addi %mul3A_473, %add3A_489 : i32
      %add3A_491 = arith.constant 90000 : i32
      %add3A_492 = arith.addi %add3A_491, %add3A_490 : i32
      %get3A_493 = arith.index_cast %add3A_492 : i32 to index
      %get3A_494 = tpu.vector_load %arg5[%get3A_493] {strides = array<i32>} : memref<100000xf32, #tpu.memory_space<vmem>>, vector<16xf32>,
      %get3A_495 = arith.index_cast %add3A_490 : i32 to index
      %get3A_496 = tpu.vector_load %arg7[%get3A_495] {strides = array<i32>} : memref<10000xf32, #tpu.memory_space<vmem>>, vector<16xf32>,
      %mul3A_497 = arith.mulf %get3A_494, %div3A_27 : vector<16xf32>
      %add3A_498 = arith.addf %mul3A_497, %get3A_496 : vector<16xf32>
      %add3A_499 = arith.constant 90000 : i32
      %add3A_500 = arith.addi %add3A_499, %add3A_490 : i32
      %add3A_501 = vector.broadcast %add3A_500 : i32 to vector<16xi32>
      %add3A_502 = arith.addi %iota3A, %add3A_501 : vector<16xi32>
      %gt3A_503 = arith.cmpf ogt, %add3A_498, %select_n3A_487 : vector<16xf32>
      %select_n3A_504 = arith.select %gt3A_503, %add3A_498, %select_n3A_487 : vector<16xi1>, vector<16xf32>
      %select_n3A_505 = arith.select %gt3A_503, %add3A_502, %select_n3A_488 : vector<16xi1>, vector<16xi32>
      %add3A_506 = arith.constant 32 : i32
      %add3A_507 = arith.addi %mul3A_473, %add3A_506 : i32
      %add3A_508 = arith.constant 90000 : i32
      %add3A_509 = arith.addi %add3A_508, %add3A_507 : i32
      %get3A_510 = arith.index_cast %add3A_509 : i32 to index
      %get3A_511 = tpu.vector_load %arg5[%get3A_510] {strides = array<i32>} : memref<100000xf32, #tpu.memory_space<vmem>>, vector<16xf32>,
      %get3A_512 = arith.index_cast %add3A_507 : i32 to index
      %get3A_513 = tpu.vector_load %arg7[%get3A_512] {strides = array<i32>} : memref<10000xf32, #tpu.memory_space<vmem>>, vector<16xf32>,
      %mul3A_514 = arith.mulf %get3A_511, %div3A_27 : vector<16xf32>
      %add3A_515 = arith.addf %mul3A_514, %get3A_513 : vector<16xf32>
      %add3A_516 = arith.constant 90000 : i32
      %add3A_517 = arith.addi %add3A_516, %add3A_507 : i32
      %add3A_518 = vector.broadcast %add3A_517 : i32 to vector<16xi32>
      %add3A_519 = arith.addi %iota3A, %add3A_518 : vector<16xi32>
      %gt3A_520 = arith.cmpf ogt, %add3A_515, %select_n3A_504 : vector<16xf32>
      %select_n3A_521 = arith.select %gt3A_520, %add3A_515, %select_n3A_504 : vector<16xi1>, vector<16xf32>
      %select_n3A_522 = arith.select %gt3A_520, %add3A_519, %select_n3A_505 : vector<16xi1>, vector<16xi32>
      %add3A_523 = arith.constant 48 : i32
      %add3A_524 = arith.addi %mul3A_473, %add3A_523 : i32
      %add3A_525 = arith.constant 90000 : i32
      %add3A_526 = arith.addi %add3A_525, %add3A_524 : i32
      %get3A_527 = arith.index_cast %add3A_526 : i32 to index
      %get3A_528 = tpu.vector_load %arg5[%get3A_527] {strides = array<i32>} : memref<100000xf32, #tpu.memory_space<vmem>>, vector<16xf32>,
      %get3A_529 = arith.index_cast %add3A_524 : i32 to index
      %get3A_530 = tpu.vector_load %arg7[%get3A_529] {strides = array<i32>} : memref<10000xf32, #tpu.memory_space<vmem>>, vector<16xf32>,
      %mul3A_531 = arith.mulf %get3A_528, %div3A_27 : vector<16xf32>
      %add3A_532 = arith.addf %mul3A_531, %get3A_530 : vector<16xf32>
      %add3A_533 = arith.constant 90000 : i32
      %add3A_534 = arith.addi %add3A_533, %add3A_524 : i32
      %add3A_535 = vector.broadcast %add3A_534 : i32 to vector<16xi32>
      %add3A_536 = arith.addi %iota3A, %add3A_535 : vector<16xi32>
      %gt3A_537 = arith.cmpf ogt, %add3A_532, %select_n3A_521 : vector<16xf32>
      %select_n3A_538 = arith.select %gt3A_537, %add3A_532, %select_n3A_521 : vector<16xi1>, vector<16xf32>
      %select_n3A_539 = arith.select %gt3A_537, %add3A_536, %select_n3A_522 : vector<16xi1>, vector<16xi32>
      %add3A_540 = arith.constant 64 : i32
      %add3A_541 = arith.addi %mul3A_473, %add3A_540 : i32
      %add3A_542 = arith.constant 90000 : i32
      %add3A_543 = arith.addi %add3A_542, %add3A_541 : i32
      %get3A_544 = arith.index_cast %add3A_543 : i32 to index
      %get3A_545 = tpu.vector_load %arg5[%get3A_544] {strides = array<i32>} : memref<100000xf32, #tpu.memory_space<vmem>>, vector<16xf32>,
      %get3A_546 = arith.index_cast %add3A_541 : i32 to index
      %get3A_547 = tpu.vector_load %arg7[%get3A_546] {strides = array<i32>} : memref<10000xf32, #tpu.memory_space<vmem>>, vector<16xf32>,
      %mul3A_548 = arith.mulf %get3A_545, %div3A_27 : vector<16xf32>
      %add3A_549 = arith.addf %mul3A_548, %get3A_547 : vector<16xf32>
      %add3A_550 = arith.constant 90000 : i32
      %add3A_551 = arith.addi %add3A_550, %add3A_541 : i32
      %add3A_552 = vector.broadcast %add3A_551 : i32 to vector<16xi32>
      %add3A_553 = arith.addi %iota3A, %add3A_552 : vector<16xi32>
      %gt3A_554 = arith.cmpf ogt, %add3A_549, %select_n3A_538 : vector<16xf32>
      %select_n3A_555 = arith.select %gt3A_554, %add3A_549, %select_n3A_538 : vector<16xi1>, vector<16xf32>
      %select_n3A_556 = arith.select %gt3A_554, %add3A_553, %select_n3A_539 : vector<16xi1>, vector<16xi32>
      scf.yield %select_n3A_555, %select_n3A_556 : vector<16xf32>, vector<16xi32>
    }
    %scan3A_209 = arith.constant 125 : i32
    %reduce_max3A_210 = arith.constant true
    %reduce_max3A_211 = vector.broadcast %reduce_max3A_210 : i1 to vector<16xi1>
    %reduce_max3A_212 = tpu.scan <max>, %scan3A_208#0 masked %reduce_max3A_211 : vector<16xf32>, vector<16xi1> -> vector<16xf32>
    %reduce_max3A_213 = vector.extract %reduce_max3A_212[15] : f32 from vector<16xf32>
    %eq3A = vector.broadcast %reduce_max3A_213 : f32 to vector<16xf32>
    %eq3A_214 = arith.cmpf oeq, %scan3A_208#0, %eq3A : vector<16xf32>
    %jit3A = arith.constant 2147483647 : i32
    %broadcast_in_dim3A_215 = vector.broadcast %jit3A : i32 to vector<16xi32>
    %select_n3A = arith.select %eq3A_214, %scan3A_208#1, %broadcast_in_dim3A_215 : vector<16xi1>, vector<16xi32>
    %reduce_min3A = arith.constant true
    %reduce_min3A_216 = vector.broadcast %reduce_min3A : i1 to vector<16xi1>
    %reduce_min3A_217 = arith.constant -2147483648 : i32
    %reduce_min3A_218 = vector.broadcast %reduce_min3A_217 : i32 to vector<16xi32>
    %reduce_min3A_219 = arith.xori %select_n3A, %reduce_min3A_218 : vector<16xi32>
    %reduce_min3A_220 = tpu.scan <min>, %reduce_min3A_219 masked %reduce_min3A_216 : vector<16xi32>, vector<16xi1> -> vector<16xi32>
    %reduce_min3A_221 = arith.xori %reduce_min3A_220, %reduce_min3A_218 : vector<16xi32>
    %reduce_min3A_222 = vector.extract %reduce_min3A_221[15] : i32 from vector<16xi32>
    %mul3A_223 = arith.constant 2 : i32
    %mul3A_224 = arith.muli %add3A, %mul3A_223 : i32
    %add3A_225 = arith.constant 1 : i32
    %add3A_226 = arith.addi %mul3A_224, %add3A_225 : i32
    "tpu.region"() ({
      %run_scoped3A = tpu.sem_alloc : memref<!tpu.dma_semaphore, #tpu.memory_space<semaphore_mem>>
      %dma_start3A_469 = arith.constant 0 : i32
      %dma_start3A_470 = tpu.memref_slice %arg2[%add3A_226, %dma_start3A_469] : memref<64x100000xf32, #tpu.memory_space<hbm>> -> memref<1x100000xf32, #tpu.memory_space<hbm>>
      %dma_start3A_471 = tpu.memref_squeeze %dma_start3A_470 : memref<1x100000xf32, #tpu.memory_space<hbm>> -> memref<100000xf32, #tpu.memory_space<hbm>>
      %dma_start3A_472 = arith.constant 0 : i32
      %dma_start3A_473 = tpu.memref_slice %arg2[%add3A_226, %dma_start3A_472] : memref<64x100000xf32, #tpu.memory_space<hbm>> -> memref<1x100000xf32, #tpu.memory_space<hbm>>
      %dma_start3A_474 = tpu.memref_squeeze %dma_start3A_473 : memref<1x100000xf32, #tpu.memory_space<hbm>> -> memref<100000xf32, #tpu.memory_space<hbm>>
      tpu.enqueue_dma source(%dma_start3A_474 : memref<100000xf32, #tpu.memory_space<hbm>>) target(%arg5 : memref<100000xf32, #tpu.memory_space<vmem>>) target_semaphore(%run_scoped3A : memref<!tpu.dma_semaphore, #tpu.memory_space<semaphore_mem>>)
      %dma_wait3A_475 = arith.constant 0 : i32
      %dma_wait3A_476 = tpu.memref_slice %arg2[%add3A_226, %dma_wait3A_475] : memref<64x100000xf32, #tpu.memory_space<hbm>> -> memref<1x100000xf32, #tpu.memory_space<hbm>>
      %dma_wait3A_477 = tpu.memref_squeeze %dma_wait3A_476 : memref<1x100000xf32, #tpu.memory_space<hbm>> -> memref<100000xf32, #tpu.memory_space<hbm>>
      %dma_wait3A_478 = arith.constant 0 : i32
      %dma_wait3A_479 = tpu.memref_slice %arg2[%add3A_226, %dma_wait3A_478] : memref<64x100000xf32, #tpu.memory_space<hbm>> -> memref<1x100000xf32, #tpu.memory_space<hbm>>
      %dma_wait3A_480 = tpu.memref_squeeze %dma_wait3A_479 : memref<1x100000xf32, #tpu.memory_space<hbm>> -> memref<100000xf32, #tpu.memory_space<hbm>>
      tpu.wait_dma2 semaphore(%run_scoped3A : memref<!tpu.dma_semaphore, #tpu.memory_space<semaphore_mem>>) src(%dma_wait3A_480 : memref<100000xf32, #tpu.memory_space<hbm>>) dst(%arg5 : memref<100000xf32, #tpu.memory_space<vmem>>)
      tpu.yield
    }) : () -> ()
    %broadcast_in_dim3A_227 = arith.constant 0xFF800000 : f32
    %broadcast_in_dim3A_228 = vector.broadcast %broadcast_in_dim3A_227 : f32 to vector<16xf32>
    %scan3A_229 = arith.constant 0 : i32
    %scan3A_230 = arith.constant 625 : i32
    %scan3A_231 = arith.addi %scan3A_229, %scan3A_230 : i32
    %scan3A_232 = arith.constant 1 : i32
    %scan3A_233 = scf.for %scan3A_469 = %scan3A_229 to %scan3A_231 step %scan3A_232 iter_args(%scan3A_470 = %broadcast_in_dim3A_228) -> (vector<16xf32>)  : i32 {
      %mul3A_471 = arith.constant 160 : i32
      %mul3A_472 = arith.muli %scan3A_469, %mul3A_471 : i32
      %add3A_473 = arith.constant 0 : i32
      %add3A_474 = arith.addi %mul3A_472, %add3A_473 : i32
      %get3A = arith.index_cast %add3A_474 : i32 to index
      %get3A_475 = tpu.vector_load %arg5[%get3A] {strides = array<i32>} : memref<100000xf32, #tpu.memory_space<vmem>>, vector<16xf32>,
      %max3A = arith.maximumf %scan3A_470, %get3A_475 : vector<16xf32>
      %add3A_476 = arith.constant 16 : i32
      %add3A_477 = arith.addi %mul3A_472, %add3A_476 : i32
      %get3A_478 = arith.index_cast %add3A_477 : i32 to index
      %get3A_479 = tpu.vector_load %arg5[%get3A_478] {strides = array<i32>} : memref<100000xf32, #tpu.memory_space<vmem>>, vector<16xf32>,
      %max3A_480 = arith.maximumf %max3A, %get3A_479 : vector<16xf32>
      %add3A_481 = arith.constant 32 : i32
      %add3A_482 = arith.addi %mul3A_472, %add3A_481 : i32
      %get3A_483 = arith.index_cast %add3A_482 : i32 to index
      %get3A_484 = tpu.vector_load %arg5[%get3A_483] {strides = array<i32>} : memref<100000xf32, #tpu.memory_space<vmem>>, vector<16xf32>,
      %max3A_485 = arith.maximumf %max3A_480, %get3A_484 : vector<16xf32>
      %add3A_486 = arith.constant 48 : i32
      %add3A_487 = arith.addi %mul3A_472, %add3A_486 : i32
      %get3A_488 = arith.index_cast %add3A_487 : i32 to index
      %get3A_489 = tpu.vector_load %arg5[%get3A_488] {strides = array<i32>} : memref<100000xf32, #tpu.memory_space<vmem>>, vector<16xf32>,
      %max3A_490 = arith.maximumf %max3A_485, %get3A_489 : vector<16xf32>
      %add3A_491 = arith.constant 64 : i32
      %add3A_492 = arith.addi %mul3A_472, %add3A_491 : i32
      %get3A_493 = arith.index_cast %add3A_492 : i32 to index
      %get3A_494 = tpu.vector_load %arg5[%get3A_493] {strides = array<i32>} : memref<100000xf32, #tpu.memory_space<vmem>>, vector<16xf32>,
      %max3A_495 = arith.maximumf %max3A_490, %get3A_494 : vector<16xf32>
      %add3A_496 = arith.constant 80 : i32
      %add3A_497 = arith.addi %mul3A_472, %add3A_496 : i32
      %get3A_498 = arith.index_cast %add3A_497 : i32 to index
      %get3A_499 = tpu.vector_load %arg5[%get3A_498] {strides = array<i32>} : memref<100000xf32, #tpu.memory_space<vmem>>, vector<16xf32>,
      %max3A_500 = arith.maximumf %max3A_495, %get3A_499 : vector<16xf32>
      %add3A_501 = arith.constant 96 : i32
      %add3A_502 = arith.addi %mul3A_472, %add3A_501 : i32
      %get3A_503 = arith.index_cast %add3A_502 : i32 to index
      %get3A_504 = tpu.vector_load %arg5[%get3A_503] {strides = array<i32>} : memref<100000xf32, #tpu.memory_space<vmem>>, vector<16xf32>,
      %max3A_505 = arith.maximumf %max3A_500, %get3A_504 : vector<16xf32>
      %add3A_506 = arith.constant 112 : i32
      %add3A_507 = arith.addi %mul3A_472, %add3A_506 : i32
      %get3A_508 = arith.index_cast %add3A_507 : i32 to index
      %get3A_509 = tpu.vector_load %arg5[%get3A_508] {strides = array<i32>} : memref<100000xf32, #tpu.memory_space<vmem>>, vector<16xf32>,
      %max3A_510 = arith.maximumf %max3A_505, %get3A_509 : vector<16xf32>
      %add3A_511 = arith.constant 128 : i32
      %add3A_512 = arith.addi %mul3A_472, %add3A_511 : i32
      %get3A_513 = arith.index_cast %add3A_512 : i32 to index
      %get3A_514 = tpu.vector_load %arg5[%get3A_513] {strides = array<i32>} : memref<100000xf32, #tpu.memory_space<vmem>>, vector<16xf32>,
      %max3A_515 = arith.maximumf %max3A_510, %get3A_514 : vector<16xf32>
      %add3A_516 = arith.constant 144 : i32
      %add3A_517 = arith.addi %mul3A_472, %add3A_516 : i32
      %get3A_518 = arith.index_cast %add3A_517 : i32 to index
      %get3A_519 = tpu.vector_load %arg5[%get3A_518] {strides = array<i32>} : memref<100000xf32, #tpu.memory_space<vmem>>, vector<16xf32>,
      %max3A_520 = arith.maximumf %max3A_515, %get3A_519 : vector<16xf32>
      scf.yield %max3A_520 : vector<16xf32>
    }
    %scan3A_234 = arith.constant 625 : i32
    %reduce_max3A_235 = arith.constant true
    %reduce_max3A_236 = vector.broadcast %reduce_max3A_235 : i1 to vector<16xi1>
    %reduce_max3A_237 = tpu.scan <max>, %scan3A_233 masked %reduce_max3A_236 : vector<16xf32>, vector<16xi1> -> vector<16xf32>
    %reduce_max3A_238 = vector.extract %reduce_max3A_237[15] : f32 from vector<16xf32>
    %broadcast_in_dim3A_239 = arith.constant 0.000000e+00 : f32
    %broadcast_in_dim3A_240 = vector.broadcast %broadcast_in_dim3A_239 : f32 to vector<16xf32>
    %scan3A_241 = arith.constant 0 : i32
    %scan3A_242 = arith.constant 625 : i32
    %scan3A_243 = arith.addi %scan3A_241, %scan3A_242 : i32
    %scan3A_244 = arith.constant 1 : i32
    %scan3A_245 = scf.for %scan3A_469 = %scan3A_241 to %scan3A_243 step %scan3A_244 iter_args(%scan3A_470 = %broadcast_in_dim3A_240) -> (vector<16xf32>)  : i32 {
      %mul3A_471 = arith.constant 160 : i32
      %mul3A_472 = arith.muli %scan3A_469, %mul3A_471 : i32
      %add3A_473 = arith.constant 0 : i32
      %add3A_474 = arith.addi %mul3A_472, %add3A_473 : i32
      %get3A = arith.index_cast %add3A_474 : i32 to index
      %get3A_475 = tpu.vector_load %arg5[%get3A] {strides = array<i32>} : memref<100000xf32, #tpu.memory_space<vmem>>, vector<16xf32>,
      %sub3A = vector.broadcast %reduce_max3A_238 : f32 to vector<16xf32>
      %sub3A_476 = arith.subf %get3A_475, %sub3A : vector<16xf32>
      %exp3A = math.exp %sub3A_476 : vector<16xf32>
      %add3A_477 = arith.constant 0 : i32
      %add3A_478 = arith.addi %mul3A_472, %add3A_477 : i32
      %swap3A_479 = arith.index_cast %add3A_478 : i32 to index
      %swap3A_480 = tpu.vector_load %arg5[%swap3A_479] {strides = array<i32>} : memref<100000xf32, #tpu.memory_space<vmem>>, vector<16xf32>,
      tpu.vector_store %arg5[%swap3A_479], %exp3A {strides = array<i32>} : memref<100000xf32, #tpu.memory_space<vmem>>, vector<16xf32>,
      %add3A_481 = arith.addf %scan3A_470, %exp3A : vector<16xf32>
      %add3A_482 = arith.constant 16 : i32
      %add3A_483 = arith.addi %mul3A_472, %add3A_482 : i32
      %get3A_484 = arith.index_cast %add3A_483 : i32 to index
      %get3A_485 = tpu.vector_load %arg5[%get3A_484] {strides = array<i32>} : memref<100000xf32, #tpu.memory_space<vmem>>, vector<16xf32>,
      %sub3A_486 = vector.broadcast %reduce_max3A_238 : f32 to vector<16xf32>
      %sub3A_487 = arith.subf %get3A_485, %sub3A_486 : vector<16xf32>
      %exp3A_488 = math.exp %sub3A_487 : vector<16xf32>
      %add3A_489 = arith.constant 16 : i32
      %add3A_490 = arith.addi %mul3A_472, %add3A_489 : i32
      %swap3A_491 = arith.index_cast %add3A_490 : i32 to index
      %swap3A_492 = tpu.vector_load %arg5[%swap3A_491] {strides = array<i32>} : memref<100000xf32, #tpu.memory_space<vmem>>, vector<16xf32>,
      tpu.vector_store %arg5[%swap3A_491], %exp3A_488 {strides = array<i32>} : memref<100000xf32, #tpu.memory_space<vmem>>, vector<16xf32>,
      %add3A_493 = arith.addf %add3A_481, %exp3A_488 : vector<16xf32>
      %add3A_494 = arith.constant 32 : i32
      %add3A_495 = arith.addi %mul3A_472, %add3A_494 : i32
      %get3A_496 = arith.index_cast %add3A_495 : i32 to index
      %get3A_497 = tpu.vector_load %arg5[%get3A_496] {strides = array<i32>} : memref<100000xf32, #tpu.memory_space<vmem>>, vector<16xf32>,
      %sub3A_498 = vector.broadcast %reduce_max3A_238 : f32 to vector<16xf32>
      %sub3A_499 = arith.subf %get3A_497, %sub3A_498 : vector<16xf32>
      %exp3A_500 = math.exp %sub3A_499 : vector<16xf32>
      %add3A_501 = arith.constant 32 : i32
      %add3A_502 = arith.addi %mul3A_472, %add3A_501 : i32
      %swap3A_503 = arith.index_cast %add3A_502 : i32 to index
      %swap3A_504 = tpu.vector_load %arg5[%swap3A_503] {strides = array<i32>} : memref<100000xf32, #tpu.memory_space<vmem>>, vector<16xf32>,
      tpu.vector_store %arg5[%swap3A_503], %exp3A_500 {strides = array<i32>} : memref<100000xf32, #tpu.memory_space<vmem>>, vector<16xf32>,
      %add3A_505 = arith.addf %add3A_493, %exp3A_500 : vector<16xf32>
      %add3A_506 = arith.constant 48 : i32
      %add3A_507 = arith.addi %mul3A_472, %add3A_506 : i32
      %get3A_508 = arith.index_cast %add3A_507 : i32 to index
      %get3A_509 = tpu.vector_load %arg5[%get3A_508] {strides = array<i32>} : memref<100000xf32, #tpu.memory_space<vmem>>, vector<16xf32>,
      %sub3A_510 = vector.broadcast %reduce_max3A_238 : f32 to vector<16xf32>
      %sub3A_511 = arith.subf %get3A_509, %sub3A_510 : vector<16xf32>
      %exp3A_512 = math.exp %sub3A_511 : vector<16xf32>
      %add3A_513 = arith.constant 48 : i32
      %add3A_514 = arith.addi %mul3A_472, %add3A_513 : i32
      %swap3A_515 = arith.index_cast %add3A_514 : i32 to index
      %swap3A_516 = tpu.vector_load %arg5[%swap3A_515] {strides = array<i32>} : memref<100000xf32, #tpu.memory_space<vmem>>, vector<16xf32>,
      tpu.vector_store %arg5[%swap3A_515], %exp3A_512 {strides = array<i32>} : memref<100000xf32, #tpu.memory_space<vmem>>, vector<16xf32>,
      %add3A_517 = arith.addf %add3A_505, %exp3A_512 : vector<16xf32>
      %add3A_518 = arith.constant 64 : i32
      %add3A_519 = arith.addi %mul3A_472, %add3A_518 : i32
      %get3A_520 = arith.index_cast %add3A_519 : i32 to index
      %get3A_521 = tpu.vector_load %arg5[%get3A_520] {strides = array<i32>} : memref<100000xf32, #tpu.memory_space<vmem>>, vector<16xf32>,
      %sub3A_522 = vector.broadcast %reduce_max3A_238 : f32 to vector<16xf32>
      %sub3A_523 = arith.subf %get3A_521, %sub3A_522 : vector<16xf32>
      %exp3A_524 = math.exp %sub3A_523 : vector<16xf32>
      %add3A_525 = arith.constant 64 : i32
      %add3A_526 = arith.addi %mul3A_472, %add3A_525 : i32
      %swap3A_527 = arith.index_cast %add3A_526 : i32 to index
      %swap3A_528 = tpu.vector_load %arg5[%swap3A_527] {strides = array<i32>} : memref<100000xf32, #tpu.memory_space<vmem>>, vector<16xf32>,
      tpu.vector_store %arg5[%swap3A_527], %exp3A_524 {strides = array<i32>} : memref<100000xf32, #tpu.memory_space<vmem>>, vector<16xf32>,
      %add3A_529 = arith.addf %add3A_517, %exp3A_524 : vector<16xf32>
      %add3A_530 = arith.constant 80 : i32
      %add3A_531 = arith.addi %mul3A_472, %add3A_530 : i32
      %get3A_532 = arith.index_cast %add3A_531 : i32 to index
      %get3A_533 = tpu.vector_load %arg5[%get3A_532] {strides = array<i32>} : memref<100000xf32, #tpu.memory_space<vmem>>, vector<16xf32>,
      %sub3A_534 = vector.broadcast %reduce_max3A_238 : f32 to vector<16xf32>
      %sub3A_535 = arith.subf %get3A_533, %sub3A_534 : vector<16xf32>
      %exp3A_536 = math.exp %sub3A_535 : vector<16xf32>
      %add3A_537 = arith.constant 80 : i32
      %add3A_538 = arith.addi %mul3A_472, %add3A_537 : i32
      %swap3A_539 = arith.index_cast %add3A_538 : i32 to index
      %swap3A_540 = tpu.vector_load %arg5[%swap3A_539] {strides = array<i32>} : memref<100000xf32, #tpu.memory_space<vmem>>, vector<16xf32>,
      tpu.vector_store %arg5[%swap3A_539], %exp3A_536 {strides = array<i32>} : memref<100000xf32, #tpu.memory_space<vmem>>, vector<16xf32>,
      %add3A_541 = arith.addf %add3A_529, %exp3A_536 : vector<16xf32>
      %add3A_542 = arith.constant 96 : i32
      %add3A_543 = arith.addi %mul3A_472, %add3A_542 : i32
      %get3A_544 = arith.index_cast %add3A_543 : i32 to index
      %get3A_545 = tpu.vector_load %arg5[%get3A_544] {strides = array<i32>} : memref<100000xf32, #tpu.memory_space<vmem>>, vector<16xf32>,
      %sub3A_546 = vector.broadcast %reduce_max3A_238 : f32 to vector<16xf32>
      %sub3A_547 = arith.subf %get3A_545, %sub3A_546 : vector<16xf32>
      %exp3A_548 = math.exp %sub3A_547 : vector<16xf32>
      %add3A_549 = arith.constant 96 : i32
      %add3A_550 = arith.addi %mul3A_472, %add3A_549 : i32
      %swap3A_551 = arith.index_cast %add3A_550 : i32 to index
      %swap3A_552 = tpu.vector_load %arg5[%swap3A_551] {strides = array<i32>} : memref<100000xf32, #tpu.memory_space<vmem>>, vector<16xf32>,
      tpu.vector_store %arg5[%swap3A_551], %exp3A_548 {strides = array<i32>} : memref<100000xf32, #tpu.memory_space<vmem>>, vector<16xf32>,
      %add3A_553 = arith.addf %add3A_541, %exp3A_548 : vector<16xf32>
      %add3A_554 = arith.constant 112 : i32
      %add3A_555 = arith.addi %mul3A_472, %add3A_554 : i32
      %get3A_556 = arith.index_cast %add3A_555 : i32 to index
      %get3A_557 = tpu.vector_load %arg5[%get3A_556] {strides = array<i32>} : memref<100000xf32, #tpu.memory_space<vmem>>, vector<16xf32>,
      %sub3A_558 = vector.broadcast %reduce_max3A_238 : f32 to vector<16xf32>
      %sub3A_559 = arith.subf %get3A_557, %sub3A_558 : vector<16xf32>
      %exp3A_560 = math.exp %sub3A_559 : vector<16xf32>
      %add3A_561 = arith.constant 112 : i32
      %add3A_562 = arith.addi %mul3A_472, %add3A_561 : i32
      %swap3A_563 = arith.index_cast %add3A_562 : i32 to index
      %swap3A_564 = tpu.vector_load %arg5[%swap3A_563] {strides = array<i32>} : memref<100000xf32, #tpu.memory_space<vmem>>, vector<16xf32>,
      tpu.vector_store %arg5[%swap3A_563], %exp3A_560 {strides = array<i32>} : memref<100000xf32, #tpu.memory_space<vmem>>, vector<16xf32>,
      %add3A_565 = arith.addf %add3A_553, %exp3A_560 : vector<16xf32>
      %add3A_566 = arith.constant 128 : i32
      %add3A_567 = arith.addi %mul3A_472, %add3A_566 : i32
      %get3A_568 = arith.index_cast %add3A_567 : i32 to index
      %get3A_569 = tpu.vector_load %arg5[%get3A_568] {strides = array<i32>} : memref<100000xf32, #tpu.memory_space<vmem>>, vector<16xf32>,
      %sub3A_570 = vector.broadcast %reduce_max3A_238 : f32 to vector<16xf32>
      %sub3A_571 = arith.subf %get3A_569, %sub3A_570 : vector<16xf32>
      %exp3A_572 = math.exp %sub3A_571 : vector<16xf32>
      %add3A_573 = arith.constant 128 : i32
      %add3A_574 = arith.addi %mul3A_472, %add3A_573 : i32
      %swap3A_575 = arith.index_cast %add3A_574 : i32 to index
      %swap3A_576 = tpu.vector_load %arg5[%swap3A_575] {strides = array<i32>} : memref<100000xf32, #tpu.memory_space<vmem>>, vector<16xf32>,
      tpu.vector_store %arg5[%swap3A_575], %exp3A_572 {strides = array<i32>} : memref<100000xf32, #tpu.memory_space<vmem>>, vector<16xf32>,
      %add3A_577 = arith.addf %add3A_565, %exp3A_572 : vector<16xf32>
      %add3A_578 = arith.constant 144 : i32
      %add3A_579 = arith.addi %mul3A_472, %add3A_578 : i32
      %get3A_580 = arith.index_cast %add3A_579 : i32 to index
      %get3A_581 = tpu.vector_load %arg5[%get3A_580] {strides = array<i32>} : memref<100000xf32, #tpu.memory_space<vmem>>, vector<16xf32>,
      %sub3A_582 = vector.broadcast %reduce_max3A_238 : f32 to vector<16xf32>
      %sub3A_583 = arith.subf %get3A_581, %sub3A_582 : vector<16xf32>
      %exp3A_584 = math.exp %sub3A_583 : vector<16xf32>
      %add3A_585 = arith.constant 144 : i32
      %add3A_586 = arith.addi %mul3A_472, %add3A_585 : i32
      %swap3A_587 = arith.index_cast %add3A_586 : i32 to index
      %swap3A_588 = tpu.vector_load %arg5[%swap3A_587] {strides = array<i32>} : memref<100000xf32, #tpu.memory_space<vmem>>, vector<16xf32>,
      tpu.vector_store %arg5[%swap3A_587], %exp3A_584 {strides = array<i32>} : memref<100000xf32, #tpu.memory_space<vmem>>, vector<16xf32>,
      %add3A_589 = arith.addf %add3A_577, %exp3A_584 : vector<16xf32>
      scf.yield %add3A_589 : vector<16xf32>
    }
    %scan3A_246 = arith.constant 625 : i32
    %broadcast_in_dim3A_247 = arith.constant 1.000000e+00 : f32
    %broadcast_in_dim3A_248 = vector.broadcast %broadcast_in_dim3A_247 : f32 to vector<16xf32>
    %reduce_sum3A_249 = arith.constant true
    %reduce_sum3A_250 = vector.broadcast %reduce_sum3A_249 : i1 to vector<16xi1>
    %reduce_sum3A_251 = tpu.scan <sum>, %scan3A_245 masked %reduce_sum3A_250 : vector<16xf32>, vector<16xi1> -> vector<16xf32>
    %reduce_sum3A_252 = vector.extract %reduce_sum3A_251[15] : f32 from vector<16xf32>
    %div3A_253 = vector.broadcast %reduce_sum3A_252 : f32 to vector<16xf32>
    %div3A_254 = arith.divf %broadcast_in_dim3A_248, %div3A_253 : vector<16xf32>
    %broadcast_in_dim3A_255 = arith.constant 0xFF800000 : f32
    %broadcast_in_dim3A_256 = vector.broadcast %broadcast_in_dim3A_255 : f32 to vector<16xf32>
    %broadcast_in_dim3A_257 = arith.constant 0 : i32
    %broadcast_in_dim3A_258 = vector.broadcast %broadcast_in_dim3A_257 : i32 to vector<16xi32>
    %dma_start3A_259 = arith.constant 0 : i32
    %dma_start3A_260 = tpu.memref_slice %arg3[%add3A_226, %dma_start3A_259] : memref<64x100000xf32, #tpu.memory_space<hbm>> -> memref<1x10000xf32, #tpu.memory_space<hbm>>
    %dma_start3A_261 = tpu.memref_squeeze %dma_start3A_260 : memref<1x10000xf32, #tpu.memory_space<hbm>> -> memref<10000xf32, #tpu.memory_space<hbm>>
    %dma_start3A_262 = arith.constant 0 : i32
    %dma_start3A_263 = tpu.memref_slice %arg3[%add3A_226, %dma_start3A_262] : memref<64x100000xf32, #tpu.memory_space<hbm>> -> memref<1x10000xf32, #tpu.memory_space<hbm>>
    %dma_start3A_264 = tpu.memref_squeeze %dma_start3A_263 : memref<1x10000xf32, #tpu.memory_space<hbm>> -> memref<10000xf32, #tpu.memory_space<hbm>>
    tpu.enqueue_dma source(%dma_start3A_264 : memref<10000xf32, #tpu.memory_space<hbm>>) target(%arg6 : memref<10000xf32, #tpu.memory_space<vmem>>) target_semaphore(%arg9 : memref<!tpu.dma_semaphore, #tpu.memory_space<semaphore_mem>>)
    %dma_start3A_265 = arith.constant 10000 : i32
    %dma_start3A_266 = tpu.memref_slice %arg3[%add3A_226, %dma_start3A_265] : memref<64x100000xf32, #tpu.memory_space<hbm>> -> memref<1x10000xf32, #tpu.memory_space<hbm>>
    %dma_start3A_267 = tpu.memref_squeeze %dma_start3A_266 : memref<1x10000xf32, #tpu.memory_space<hbm>> -> memref<10000xf32, #tpu.memory_space<hbm>>
    %dma_start3A_268 = arith.constant 10000 : i32
    %dma_start3A_269 = tpu.memref_slice %arg3[%add3A_226, %dma_start3A_268] : memref<64x100000xf32, #tpu.memory_space<hbm>> -> memref<1x10000xf32, #tpu.memory_space<hbm>>
    %dma_start3A_270 = tpu.memref_squeeze %dma_start3A_269 : memref<1x10000xf32, #tpu.memory_space<hbm>> -> memref<10000xf32, #tpu.memory_space<hbm>>
    tpu.enqueue_dma source(%dma_start3A_270 : memref<10000xf32, #tpu.memory_space<hbm>>) target(%arg7 : memref<10000xf32, #tpu.memory_space<vmem>>) target_semaphore(%arg10 : memref<!tpu.dma_semaphore, #tpu.memory_space<semaphore_mem>>)
    %dma_wait3A_271 = arith.constant 0 : i32
    %dma_wait3A_272 = tpu.memref_slice %arg3[%add3A_226, %dma_wait3A_271] : memref<64x100000xf32, #tpu.memory_space<hbm>> -> memref<1x10000xf32, #tpu.memory_space<hbm>>
    %dma_wait3A_273 = tpu.memref_squeeze %dma_wait3A_272 : memref<1x10000xf32, #tpu.memory_space<hbm>> -> memref<10000xf32, #tpu.memory_space<hbm>>
    %dma_wait3A_274 = arith.constant 0 : i32
    %dma_wait3A_275 = tpu.memref_slice %arg3[%add3A_226, %dma_wait3A_274] : memref<64x100000xf32, #tpu.memory_space<hbm>> -> memref<1x10000xf32, #tpu.memory_space<hbm>>
    %dma_wait3A_276 = tpu.memref_squeeze %dma_wait3A_275 : memref<1x10000xf32, #tpu.memory_space<hbm>> -> memref<10000xf32, #tpu.memory_space<hbm>>
    tpu.wait_dma2 semaphore(%arg9 : memref<!tpu.dma_semaphore, #tpu.memory_space<semaphore_mem>>) src(%dma_wait3A_276 : memref<10000xf32, #tpu.memory_space<hbm>>) dst(%arg6 : memref<10000xf32, #tpu.memory_space<vmem>>)
    %scan3A_277 = arith.constant 0 : i32
    %scan3A_278 = arith.constant 125 : i32
    %scan3A_279 = arith.addi %scan3A_277, %scan3A_278 : i32
    %scan3A_280 = arith.constant 1 : i32
    %scan3A_281:2 = scf.for %scan3A_469 = %scan3A_277 to %scan3A_279 step %scan3A_280 iter_args(%scan3A_470 = %broadcast_in_dim3A_256, %scan3A_471 = %broadcast_in_dim3A_258) -> (vector<16xf32>, vector<16xi32>)  : i32 {
      %mul3A_472 = arith.constant 80 : i32
      %mul3A_473 = arith.muli %scan3A_469, %mul3A_472 : i32
      %add3A_474 = arith.constant 0 : i32
      %add3A_475 = arith.addi %mul3A_473, %add3A_474 : i32
      %add3A_476 = arith.constant 0 : i32
      %add3A_477 = arith.addi %add3A_476, %add3A_475 : i32
      %get3A = arith.index_cast %add3A_477 : i32 to index
      %get3A_478 = tpu.vector_load %arg5[%get3A] {strides = array<i32>} : memref<100000xf32, #tpu.memory_space<vmem>>, vector<16xf32>,
      %get3A_479 = arith.index_cast %add3A_475 : i32 to index
      %get3A_480 = tpu.vector_load %arg6[%get3A_479] {strides = array<i32>} : memref<10000xf32, #tpu.memory_space<vmem>>, vector<16xf32>,
      %mul3A_481 = arith.mulf %get3A_478, %div3A_254 : vector<16xf32>
      %add3A_482 = arith.addf %mul3A_481, %get3A_480 : vector<16xf32>
      %add3A_483 = arith.constant 0 : i32
      %add3A_484 = arith.addi %add3A_483, %add3A_475 : i32
      %add3A_485 = vector.broadcast %add3A_484 : i32 to vector<16xi32>
      %add3A_486 = arith.addi %iota3A, %add3A_485 : vector<16xi32>
      %gt3A = arith.cmpf ogt, %add3A_482, %scan3A_470 : vector<16xf32>
      %select_n3A_487 = arith.select %gt3A, %add3A_482, %scan3A_470 : vector<16xi1>, vector<16xf32>
      %select_n3A_488 = arith.select %gt3A, %add3A_486, %scan3A_471 : vector<16xi1>, vector<16xi32>
      %add3A_489 = arith.constant 16 : i32
      %add3A_490 = arith.addi %mul3A_473, %add3A_489 : i32
      %add3A_491 = arith.constant 0 : i32
      %add3A_492 = arith.addi %add3A_491, %add3A_490 : i32
      %get3A_493 = arith.index_cast %add3A_492 : i32 to index
      %get3A_494 = tpu.vector_load %arg5[%get3A_493] {strides = array<i32>} : memref<100000xf32, #tpu.memory_space<vmem>>, vector<16xf32>,
      %get3A_495 = arith.index_cast %add3A_490 : i32 to index
      %get3A_496 = tpu.vector_load %arg6[%get3A_495] {strides = array<i32>} : memref<10000xf32, #tpu.memory_space<vmem>>, vector<16xf32>,
      %mul3A_497 = arith.mulf %get3A_494, %div3A_254 : vector<16xf32>
      %add3A_498 = arith.addf %mul3A_497, %get3A_496 : vector<16xf32>
      %add3A_499 = arith.constant 0 : i32
      %add3A_500 = arith.addi %add3A_499, %add3A_490 : i32
      %add3A_501 = vector.broadcast %add3A_500 : i32 to vector<16xi32>
      %add3A_502 = arith.addi %iota3A, %add3A_501 : vector<16xi32>
      %gt3A_503 = arith.cmpf ogt, %add3A_498, %select_n3A_487 : vector<16xf32>
      %select_n3A_504 = arith.select %gt3A_503, %add3A_498, %select_n3A_487 : vector<16xi1>, vector<16xf32>
      %select_n3A_505 = arith.select %gt3A_503, %add3A_502, %select_n3A_488 : vector<16xi1>, vector<16xi32>
      %add3A_506 = arith.constant 32 : i32
      %add3A_507 = arith.addi %mul3A_473, %add3A_506 : i32
      %add3A_508 = arith.constant 0 : i32
      %add3A_509 = arith.addi %add3A_508, %add3A_507 : i32
      %get3A_510 = arith.index_cast %add3A_509 : i32 to index
      %get3A_511 = tpu.vector_load %arg5[%get3A_510] {strides = array<i32>} : memref<100000xf32, #tpu.memory_space<vmem>>, vector<16xf32>,
      %get3A_512 = arith.index_cast %add3A_507 : i32 to index
      %get3A_513 = tpu.vector_load %arg6[%get3A_512] {strides = array<i32>} : memref<10000xf32, #tpu.memory_space<vmem>>, vector<16xf32>,
      %mul3A_514 = arith.mulf %get3A_511, %div3A_254 : vector<16xf32>
      %add3A_515 = arith.addf %mul3A_514, %get3A_513 : vector<16xf32>
      %add3A_516 = arith.constant 0 : i32
      %add3A_517 = arith.addi %add3A_516, %add3A_507 : i32
      %add3A_518 = vector.broadcast %add3A_517 : i32 to vector<16xi32>
      %add3A_519 = arith.addi %iota3A, %add3A_518 : vector<16xi32>
      %gt3A_520 = arith.cmpf ogt, %add3A_515, %select_n3A_504 : vector<16xf32>
      %select_n3A_521 = arith.select %gt3A_520, %add3A_515, %select_n3A_504 : vector<16xi1>, vector<16xf32>
      %select_n3A_522 = arith.select %gt3A_520, %add3A_519, %select_n3A_505 : vector<16xi1>, vector<16xi32>
      %add3A_523 = arith.constant 48 : i32
      %add3A_524 = arith.addi %mul3A_473, %add3A_523 : i32
      %add3A_525 = arith.constant 0 : i32
      %add3A_526 = arith.addi %add3A_525, %add3A_524 : i32
      %get3A_527 = arith.index_cast %add3A_526 : i32 to index
      %get3A_528 = tpu.vector_load %arg5[%get3A_527] {strides = array<i32>} : memref<100000xf32, #tpu.memory_space<vmem>>, vector<16xf32>,
      %get3A_529 = arith.index_cast %add3A_524 : i32 to index
      %get3A_530 = tpu.vector_load %arg6[%get3A_529] {strides = array<i32>} : memref<10000xf32, #tpu.memory_space<vmem>>, vector<16xf32>,
      %mul3A_531 = arith.mulf %get3A_528, %div3A_254 : vector<16xf32>
      %add3A_532 = arith.addf %mul3A_531, %get3A_530 : vector<16xf32>
      %add3A_533 = arith.constant 0 : i32
      %add3A_534 = arith.addi %add3A_533, %add3A_524 : i32
      %add3A_535 = vector.broadcast %add3A_534 : i32 to vector<16xi32>
      %add3A_536 = arith.addi %iota3A, %add3A_535 : vector<16xi32>
      %gt3A_537 = arith.cmpf ogt, %add3A_532, %select_n3A_521 : vector<16xf32>
      %select_n3A_538 = arith.select %gt3A_537, %add3A_532, %select_n3A_521 : vector<16xi1>, vector<16xf32>
      %select_n3A_539 = arith.select %gt3A_537, %add3A_536, %select_n3A_522 : vector<16xi1>, vector<16xi32>
      %add3A_540 = arith.constant 64 : i32
      %add3A_541 = arith.addi %mul3A_473, %add3A_540 : i32
      %add3A_542 = arith.constant 0 : i32
      %add3A_543 = arith.addi %add3A_542, %add3A_541 : i32
      %get3A_544 = arith.index_cast %add3A_543 : i32 to index
      %get3A_545 = tpu.vector_load %arg5[%get3A_544] {strides = array<i32>} : memref<100000xf32, #tpu.memory_space<vmem>>, vector<16xf32>,
      %get3A_546 = arith.index_cast %add3A_541 : i32 to index
      %get3A_547 = tpu.vector_load %arg6[%get3A_546] {strides = array<i32>} : memref<10000xf32, #tpu.memory_space<vmem>>, vector<16xf32>,
      %mul3A_548 = arith.mulf %get3A_545, %div3A_254 : vector<16xf32>
      %add3A_549 = arith.addf %mul3A_548, %get3A_547 : vector<16xf32>
      %add3A_550 = arith.constant 0 : i32
      %add3A_551 = arith.addi %add3A_550, %add3A_541 : i32
      %add3A_552 = vector.broadcast %add3A_551 : i32 to vector<16xi32>
      %add3A_553 = arith.addi %iota3A, %add3A_552 : vector<16xi32>
      %gt3A_554 = arith.cmpf ogt, %add3A_549, %select_n3A_538 : vector<16xf32>
      %select_n3A_555 = arith.select %gt3A_554, %add3A_549, %select_n3A_538 : vector<16xi1>, vector<16xf32>
      %select_n3A_556 = arith.select %gt3A_554, %add3A_553, %select_n3A_539 : vector<16xi1>, vector<16xi32>
      scf.yield %select_n3A_555, %select_n3A_556 : vector<16xf32>, vector<16xi32>
    }
    %scan3A_282 = arith.constant 125 : i32
    %dma_start3A_283 = arith.constant 20000 : i32
    %dma_start3A_284 = tpu.memref_slice %arg3[%add3A_226, %dma_start3A_283] : memref<64x100000xf32, #tpu.memory_space<hbm>> -> memref<1x10000xf32, #tpu.memory_space<hbm>>
    %dma_start3A_285 = tpu.memref_squeeze %dma_start3A_284 : memref<1x10000xf32, #tpu.memory_space<hbm>> -> memref<10000xf32, #tpu.memory_space<hbm>>
    %dma_start3A_286 = arith.constant 20000 : i32
    %dma_start3A_287 = tpu.memref_slice %arg3[%add3A_226, %dma_start3A_286] : memref<64x100000xf32, #tpu.memory_space<hbm>> -> memref<1x10000xf32, #tpu.memory_space<hbm>>
    %dma_start3A_288 = tpu.memref_squeeze %dma_start3A_287 : memref<1x10000xf32, #tpu.memory_space<hbm>> -> memref<10000xf32, #tpu.memory_space<hbm>>
    tpu.enqueue_dma source(%dma_start3A_288 : memref<10000xf32, #tpu.memory_space<hbm>>) target(%arg6 : memref<10000xf32, #tpu.memory_space<vmem>>) target_semaphore(%arg9 : memref<!tpu.dma_semaphore, #tpu.memory_space<semaphore_mem>>)
    %dma_wait3A_289 = arith.constant 10000 : i32
    %dma_wait3A_290 = tpu.memref_slice %arg3[%add3A_226, %dma_wait3A_289] : memref<64x100000xf32, #tpu.memory_space<hbm>> -> memref<1x10000xf32, #tpu.memory_space<hbm>>
    %dma_wait3A_291 = tpu.memref_squeeze %dma_wait3A_290 : memref<1x10000xf32, #tpu.memory_space<hbm>> -> memref<10000xf32, #tpu.memory_space<hbm>>
    %dma_wait3A_292 = arith.constant 10000 : i32
    %dma_wait3A_293 = tpu.memref_slice %arg3[%add3A_226, %dma_wait3A_292] : memref<64x100000xf32, #tpu.memory_space<hbm>> -> memref<1x10000xf32, #tpu.memory_space<hbm>>
    %dma_wait3A_294 = tpu.memref_squeeze %dma_wait3A_293 : memref<1x10000xf32, #tpu.memory_space<hbm>> -> memref<10000xf32, #tpu.memory_space<hbm>>
    tpu.wait_dma2 semaphore(%arg10 : memref<!tpu.dma_semaphore, #tpu.memory_space<semaphore_mem>>) src(%dma_wait3A_294 : memref<10000xf32, #tpu.memory_space<hbm>>) dst(%arg7 : memref<10000xf32, #tpu.memory_space<vmem>>)
    %scan3A_295 = arith.constant 0 : i32
    %scan3A_296 = arith.constant 125 : i32
    %scan3A_297 = arith.addi %scan3A_295, %scan3A_296 : i32
    %scan3A_298 = arith.constant 1 : i32
    %scan3A_299:2 = scf.for %scan3A_469 = %scan3A_295 to %scan3A_297 step %scan3A_298 iter_args(%scan3A_470 = %scan3A_281#0, %scan3A_471 = %scan3A_281#1) -> (vector<16xf32>, vector<16xi32>)  : i32 {
      %mul3A_472 = arith.constant 80 : i32
      %mul3A_473 = arith.muli %scan3A_469, %mul3A_472 : i32
      %add3A_474 = arith.constant 0 : i32
      %add3A_475 = arith.addi %mul3A_473, %add3A_474 : i32
      %add3A_476 = arith.constant 10000 : i32
      %add3A_477 = arith.addi %add3A_476, %add3A_475 : i32
      %get3A = arith.index_cast %add3A_477 : i32 to index
      %get3A_478 = tpu.vector_load %arg5[%get3A] {strides = array<i32>} : memref<100000xf32, #tpu.memory_space<vmem>>, vector<16xf32>,
      %get3A_479 = arith.index_cast %add3A_475 : i32 to index
      %get3A_480 = tpu.vector_load %arg7[%get3A_479] {strides = array<i32>} : memref<10000xf32, #tpu.memory_space<vmem>>, vector<16xf32>,
      %mul3A_481 = arith.mulf %get3A_478, %div3A_254 : vector<16xf32>
      %add3A_482 = arith.addf %mul3A_481, %get3A_480 : vector<16xf32>
      %add3A_483 = arith.constant 10000 : i32
      %add3A_484 = arith.addi %add3A_483, %add3A_475 : i32
      %add3A_485 = vector.broadcast %add3A_484 : i32 to vector<16xi32>
      %add3A_486 = arith.addi %iota3A, %add3A_485 : vector<16xi32>
      %gt3A = arith.cmpf ogt, %add3A_482, %scan3A_470 : vector<16xf32>
      %select_n3A_487 = arith.select %gt3A, %add3A_482, %scan3A_470 : vector<16xi1>, vector<16xf32>
      %select_n3A_488 = arith.select %gt3A, %add3A_486, %scan3A_471 : vector<16xi1>, vector<16xi32>
      %add3A_489 = arith.constant 16 : i32
      %add3A_490 = arith.addi %mul3A_473, %add3A_489 : i32
      %add3A_491 = arith.constant 10000 : i32
      %add3A_492 = arith.addi %add3A_491, %add3A_490 : i32
      %get3A_493 = arith.index_cast %add3A_492 : i32 to index
      %get3A_494 = tpu.vector_load %arg5[%get3A_493] {strides = array<i32>} : memref<100000xf32, #tpu.memory_space<vmem>>, vector<16xf32>,
      %get3A_495 = arith.index_cast %add3A_490 : i32 to index
      %get3A_496 = tpu.vector_load %arg7[%get3A_495] {strides = array<i32>} : memref<10000xf32, #tpu.memory_space<vmem>>, vector<16xf32>,
      %mul3A_497 = arith.mulf %get3A_494, %div3A_254 : vector<16xf32>
      %add3A_498 = arith.addf %mul3A_497, %get3A_496 : vector<16xf32>
      %add3A_499 = arith.constant 10000 : i32
      %add3A_500 = arith.addi %add3A_499, %add3A_490 : i32
      %add3A_501 = vector.broadcast %add3A_500 : i32 to vector<16xi32>
      %add3A_502 = arith.addi %iota3A, %add3A_501 : vector<16xi32>
      %gt3A_503 = arith.cmpf ogt, %add3A_498, %select_n3A_487 : vector<16xf32>
      %select_n3A_504 = arith.select %gt3A_503, %add3A_498, %select_n3A_487 : vector<16xi1>, vector<16xf32>
      %select_n3A_505 = arith.select %gt3A_503, %add3A_502, %select_n3A_488 : vector<16xi1>, vector<16xi32>
      %add3A_506 = arith.constant 32 : i32
      %add3A_507 = arith.addi %mul3A_473, %add3A_506 : i32
      %add3A_508 = arith.constant 10000 : i32
      %add3A_509 = arith.addi %add3A_508, %add3A_507 : i32
      %get3A_510 = arith.index_cast %add3A_509 : i32 to index
      %get3A_511 = tpu.vector_load %arg5[%get3A_510] {strides = array<i32>} : memref<100000xf32, #tpu.memory_space<vmem>>, vector<16xf32>,
      %get3A_512 = arith.index_cast %add3A_507 : i32 to index
      %get3A_513 = tpu.vector_load %arg7[%get3A_512] {strides = array<i32>} : memref<10000xf32, #tpu.memory_space<vmem>>, vector<16xf32>,
      %mul3A_514 = arith.mulf %get3A_511, %div3A_254 : vector<16xf32>
      %add3A_515 = arith.addf %mul3A_514, %get3A_513 : vector<16xf32>
      %add3A_516 = arith.constant 10000 : i32
      %add3A_517 = arith.addi %add3A_516, %add3A_507 : i32
      %add3A_518 = vector.broadcast %add3A_517 : i32 to vector<16xi32>
      %add3A_519 = arith.addi %iota3A, %add3A_518 : vector<16xi32>
      %gt3A_520 = arith.cmpf ogt, %add3A_515, %select_n3A_504 : vector<16xf32>
      %select_n3A_521 = arith.select %gt3A_520, %add3A_515, %select_n3A_504 : vector<16xi1>, vector<16xf32>
      %select_n3A_522 = arith.select %gt3A_520, %add3A_519, %select_n3A_505 : vector<16xi1>, vector<16xi32>
      %add3A_523 = arith.constant 48 : i32
      %add3A_524 = arith.addi %mul3A_473, %add3A_523 : i32
      %add3A_525 = arith.constant 10000 : i32
      %add3A_526 = arith.addi %add3A_525, %add3A_524 : i32
      %get3A_527 = arith.index_cast %add3A_526 : i32 to index
      %get3A_528 = tpu.vector_load %arg5[%get3A_527] {strides = array<i32>} : memref<100000xf32, #tpu.memory_space<vmem>>, vector<16xf32>,
      %get3A_529 = arith.index_cast %add3A_524 : i32 to index
      %get3A_530 = tpu.vector_load %arg7[%get3A_529] {strides = array<i32>} : memref<10000xf32, #tpu.memory_space<vmem>>, vector<16xf32>,
      %mul3A_531 = arith.mulf %get3A_528, %div3A_254 : vector<16xf32>
      %add3A_532 = arith.addf %mul3A_531, %get3A_530 : vector<16xf32>
      %add3A_533 = arith.constant 10000 : i32
      %add3A_534 = arith.addi %add3A_533, %add3A_524 : i32
      %add3A_535 = vector.broadcast %add3A_534 : i32 to vector<16xi32>
      %add3A_536 = arith.addi %iota3A, %add3A_535 : vector<16xi32>
      %gt3A_537 = arith.cmpf ogt, %add3A_532, %select_n3A_521 : vector<16xf32>
      %select_n3A_538 = arith.select %gt3A_537, %add3A_532, %select_n3A_521 : vector<16xi1>, vector<16xf32>
      %select_n3A_539 = arith.select %gt3A_537, %add3A_536, %select_n3A_522 : vector<16xi1>, vector<16xi32>
      %add3A_540 = arith.constant 64 : i32
      %add3A_541 = arith.addi %mul3A_473, %add3A_540 : i32
      %add3A_542 = arith.constant 10000 : i32
      %add3A_543 = arith.addi %add3A_542, %add3A_541 : i32
      %get3A_544 = arith.index_cast %add3A_543 : i32 to index
      %get3A_545 = tpu.vector_load %arg5[%get3A_544] {strides = array<i32>} : memref<100000xf32, #tpu.memory_space<vmem>>, vector<16xf32>,
      %get3A_546 = arith.index_cast %add3A_541 : i32 to index
      %get3A_547 = tpu.vector_load %arg7[%get3A_546] {strides = array<i32>} : memref<10000xf32, #tpu.memory_space<vmem>>, vector<16xf32>,
      %mul3A_548 = arith.mulf %get3A_545, %div3A_254 : vector<16xf32>
      %add3A_549 = arith.addf %mul3A_548, %get3A_547 : vector<16xf32>
      %add3A_550 = arith.constant 10000 : i32
      %add3A_551 = arith.addi %add3A_550, %add3A_541 : i32
      %add3A_552 = vector.broadcast %add3A_551 : i32 to vector<16xi32>
      %add3A_553 = arith.addi %iota3A, %add3A_552 : vector<16xi32>
      %gt3A_554 = arith.cmpf ogt, %add3A_549, %select_n3A_538 : vector<16xf32>
      %select_n3A_555 = arith.select %gt3A_554, %add3A_549, %select_n3A_538 : vector<16xi1>, vector<16xf32>
      %select_n3A_556 = arith.select %gt3A_554, %add3A_553, %select_n3A_539 : vector<16xi1>, vector<16xi32>
      scf.yield %select_n3A_555, %select_n3A_556 : vector<16xf32>, vector<16xi32>
    }
    %scan3A_300 = arith.constant 125 : i32
    %dma_start3A_301 = arith.constant 30000 : i32
    %dma_start3A_302 = tpu.memref_slice %arg3[%add3A_226, %dma_start3A_301] : memref<64x100000xf32, #tpu.memory_space<hbm>> -> memref<1x10000xf32, #tpu.memory_space<hbm>>
    %dma_start3A_303 = tpu.memref_squeeze %dma_start3A_302 : memref<1x10000xf32, #tpu.memory_space<hbm>> -> memref<10000xf32, #tpu.memory_space<hbm>>
    %dma_start3A_304 = arith.constant 30000 : i32
    %dma_start3A_305 = tpu.memref_slice %arg3[%add3A_226, %dma_start3A_304] : memref<64x100000xf32, #tpu.memory_space<hbm>> -> memref<1x10000xf32, #tpu.memory_space<hbm>>
    %dma_start3A_306 = tpu.memref_squeeze %dma_start3A_305 : memref<1x10000xf32, #tpu.memory_space<hbm>> -> memref<10000xf32, #tpu.memory_space<hbm>>
    tpu.enqueue_dma source(%dma_start3A_306 : memref<10000xf32, #tpu.memory_space<hbm>>) target(%arg7 : memref<10000xf32, #tpu.memory_space<vmem>>) target_semaphore(%arg10 : memref<!tpu.dma_semaphore, #tpu.memory_space<semaphore_mem>>)
    %dma_wait3A_307 = arith.constant 20000 : i32
    %dma_wait3A_308 = tpu.memref_slice %arg3[%add3A_226, %dma_wait3A_307] : memref<64x100000xf32, #tpu.memory_space<hbm>> -> memref<1x10000xf32, #tpu.memory_space<hbm>>
    %dma_wait3A_309 = tpu.memref_squeeze %dma_wait3A_308 : memref<1x10000xf32, #tpu.memory_space<hbm>> -> memref<10000xf32, #tpu.memory_space<hbm>>
    %dma_wait3A_310 = arith.constant 20000 : i32
    %dma_wait3A_311 = tpu.memref_slice %arg3[%add3A_226, %dma_wait3A_310] : memref<64x100000xf32, #tpu.memory_space<hbm>> -> memref<1x10000xf32, #tpu.memory_space<hbm>>
    %dma_wait3A_312 = tpu.memref_squeeze %dma_wait3A_311 : memref<1x10000xf32, #tpu.memory_space<hbm>> -> memref<10000xf32, #tpu.memory_space<hbm>>
    tpu.wait_dma2 semaphore(%arg9 : memref<!tpu.dma_semaphore, #tpu.memory_space<semaphore_mem>>) src(%dma_wait3A_312 : memref<10000xf32, #tpu.memory_space<hbm>>) dst(%arg6 : memref<10000xf32, #tpu.memory_space<vmem>>)
    %scan3A_313 = arith.constant 0 : i32
    %scan3A_314 = arith.constant 125 : i32
    %scan3A_315 = arith.addi %scan3A_313, %scan3A_314 : i32
    %scan3A_316 = arith.constant 1 : i32
    %scan3A_317:2 = scf.for %scan3A_469 = %scan3A_313 to %scan3A_315 step %scan3A_316 iter_args(%scan3A_470 = %scan3A_299#0, %scan3A_471 = %scan3A_299#1) -> (vector<16xf32>, vector<16xi32>)  : i32 {
      %mul3A_472 = arith.constant 80 : i32
      %mul3A_473 = arith.muli %scan3A_469, %mul3A_472 : i32
      %add3A_474 = arith.constant 0 : i32
      %add3A_475 = arith.addi %mul3A_473, %add3A_474 : i32
      %add3A_476 = arith.constant 20000 : i32
      %add3A_477 = arith.addi %add3A_476, %add3A_475 : i32
      %get3A = arith.index_cast %add3A_477 : i32 to index
      %get3A_478 = tpu.vector_load %arg5[%get3A] {strides = array<i32>} : memref<100000xf32, #tpu.memory_space<vmem>>, vector<16xf32>,
      %get3A_479 = arith.index_cast %add3A_475 : i32 to index
      %get3A_480 = tpu.vector_load %arg6[%get3A_479] {strides = array<i32>} : memref<10000xf32, #tpu.memory_space<vmem>>, vector<16xf32>,
      %mul3A_481 = arith.mulf %get3A_478, %div3A_254 : vector<16xf32>
      %add3A_482 = arith.addf %mul3A_481, %get3A_480 : vector<16xf32>
      %add3A_483 = arith.constant 20000 : i32
      %add3A_484 = arith.addi %add3A_483, %add3A_475 : i32
      %add3A_485 = vector.broadcast %add3A_484 : i32 to vector<16xi32>
      %add3A_486 = arith.addi %iota3A, %add3A_485 : vector<16xi32>
      %gt3A = arith.cmpf ogt, %add3A_482, %scan3A_470 : vector<16xf32>
      %select_n3A_487 = arith.select %gt3A, %add3A_482, %scan3A_470 : vector<16xi1>, vector<16xf32>
      %select_n3A_488 = arith.select %gt3A, %add3A_486, %scan3A_471 : vector<16xi1>, vector<16xi32>
      %add3A_489 = arith.constant 16 : i32
      %add3A_490 = arith.addi %mul3A_473, %add3A_489 : i32
      %add3A_491 = arith.constant 20000 : i32
      %add3A_492 = arith.addi %add3A_491, %add3A_490 : i32
      %get3A_493 = arith.index_cast %add3A_492 : i32 to index
      %get3A_494 = tpu.vector_load %arg5[%get3A_493] {strides = array<i32>} : memref<100000xf32, #tpu.memory_space<vmem>>, vector<16xf32>,
      %get3A_495 = arith.index_cast %add3A_490 : i32 to index
      %get3A_496 = tpu.vector_load %arg6[%get3A_495] {strides = array<i32>} : memref<10000xf32, #tpu.memory_space<vmem>>, vector<16xf32>,
      %mul3A_497 = arith.mulf %get3A_494, %div3A_254 : vector<16xf32>
      %add3A_498 = arith.addf %mul3A_497, %get3A_496 : vector<16xf32>
      %add3A_499 = arith.constant 20000 : i32
      %add3A_500 = arith.addi %add3A_499, %add3A_490 : i32
      %add3A_501 = vector.broadcast %add3A_500 : i32 to vector<16xi32>
      %add3A_502 = arith.addi %iota3A, %add3A_501 : vector<16xi32>
      %gt3A_503 = arith.cmpf ogt, %add3A_498, %select_n3A_487 : vector<16xf32>
      %select_n3A_504 = arith.select %gt3A_503, %add3A_498, %select_n3A_487 : vector<16xi1>, vector<16xf32>
      %select_n3A_505 = arith.select %gt3A_503, %add3A_502, %select_n3A_488 : vector<16xi1>, vector<16xi32>
      %add3A_506 = arith.constant 32 : i32
      %add3A_507 = arith.addi %mul3A_473, %add3A_506 : i32
      %add3A_508 = arith.constant 20000 : i32
      %add3A_509 = arith.addi %add3A_508, %add3A_507 : i32
      %get3A_510 = arith.index_cast %add3A_509 : i32 to index
      %get3A_511 = tpu.vector_load %arg5[%get3A_510] {strides = array<i32>} : memref<100000xf32, #tpu.memory_space<vmem>>, vector<16xf32>,
      %get3A_512 = arith.index_cast %add3A_507 : i32 to index
      %get3A_513 = tpu.vector_load %arg6[%get3A_512] {strides = array<i32>} : memref<10000xf32, #tpu.memory_space<vmem>>, vector<16xf32>,
      %mul3A_514 = arith.mulf %get3A_511, %div3A_254 : vector<16xf32>
      %add3A_515 = arith.addf %mul3A_514, %get3A_513 : vector<16xf32>
      %add3A_516 = arith.constant 20000 : i32
      %add3A_517 = arith.addi %add3A_516, %add3A_507 : i32
      %add3A_518 = vector.broadcast %add3A_517 : i32 to vector<16xi32>
      %add3A_519 = arith.addi %iota3A, %add3A_518 : vector<16xi32>
      %gt3A_520 = arith.cmpf ogt, %add3A_515, %select_n3A_504 : vector<16xf32>
      %select_n3A_521 = arith.select %gt3A_520, %add3A_515, %select_n3A_504 : vector<16xi1>, vector<16xf32>
      %select_n3A_522 = arith.select %gt3A_520, %add3A_519, %select_n3A_505 : vector<16xi1>, vector<16xi32>
      %add3A_523 = arith.constant 48 : i32
      %add3A_524 = arith.addi %mul3A_473, %add3A_523 : i32
      %add3A_525 = arith.constant 20000 : i32
      %add3A_526 = arith.addi %add3A_525, %add3A_524 : i32
      %get3A_527 = arith.index_cast %add3A_526 : i32 to index
      %get3A_528 = tpu.vector_load %arg5[%get3A_527] {strides = array<i32>} : memref<100000xf32, #tpu.memory_space<vmem>>, vector<16xf32>,
      %get3A_529 = arith.index_cast %add3A_524 : i32 to index
      %get3A_530 = tpu.vector_load %arg6[%get3A_529] {strides = array<i32>} : memref<10000xf32, #tpu.memory_space<vmem>>, vector<16xf32>,
      %mul3A_531 = arith.mulf %get3A_528, %div3A_254 : vector<16xf32>
      %add3A_532 = arith.addf %mul3A_531, %get3A_530 : vector<16xf32>
      %add3A_533 = arith.constant 20000 : i32
      %add3A_534 = arith.addi %add3A_533, %add3A_524 : i32
      %add3A_535 = vector.broadcast %add3A_534 : i32 to vector<16xi32>
      %add3A_536 = arith.addi %iota3A, %add3A_535 : vector<16xi32>
      %gt3A_537 = arith.cmpf ogt, %add3A_532, %select_n3A_521 : vector<16xf32>
      %select_n3A_538 = arith.select %gt3A_537, %add3A_532, %select_n3A_521 : vector<16xi1>, vector<16xf32>
      %select_n3A_539 = arith.select %gt3A_537, %add3A_536, %select_n3A_522 : vector<16xi1>, vector<16xi32>
      %add3A_540 = arith.constant 64 : i32
      %add3A_541 = arith.addi %mul3A_473, %add3A_540 : i32
      %add3A_542 = arith.constant 20000 : i32
      %add3A_543 = arith.addi %add3A_542, %add3A_541 : i32
      %get3A_544 = arith.index_cast %add3A_543 : i32 to index
      %get3A_545 = tpu.vector_load %arg5[%get3A_544] {strides = array<i32>} : memref<100000xf32, #tpu.memory_space<vmem>>, vector<16xf32>,
      %get3A_546 = arith.index_cast %add3A_541 : i32 to index
      %get3A_547 = tpu.vector_load %arg6[%get3A_546] {strides = array<i32>} : memref<10000xf32, #tpu.memory_space<vmem>>, vector<16xf32>,
      %mul3A_548 = arith.mulf %get3A_545, %div3A_254 : vector<16xf32>
      %add3A_549 = arith.addf %mul3A_548, %get3A_547 : vector<16xf32>
      %add3A_550 = arith.constant 20000 : i32
      %add3A_551 = arith.addi %add3A_550, %add3A_541 : i32
      %add3A_552 = vector.broadcast %add3A_551 : i32 to vector<16xi32>
      %add3A_553 = arith.addi %iota3A, %add3A_552 : vector<16xi32>
      %gt3A_554 = arith.cmpf ogt, %add3A_549, %select_n3A_538 : vector<16xf32>
      %select_n3A_555 = arith.select %gt3A_554, %add3A_549, %select_n3A_538 : vector<16xi1>, vector<16xf32>
      %select_n3A_556 = arith.select %gt3A_554, %add3A_553, %select_n3A_539 : vector<16xi1>, vector<16xi32>
      scf.yield %select_n3A_555, %select_n3A_556 : vector<16xf32>, vector<16xi32>
    }
    %scan3A_318 = arith.constant 125 : i32
    %dma_start3A_319 = arith.constant 40000 : i32
    %dma_start3A_320 = tpu.memref_slice %arg3[%add3A_226, %dma_start3A_319] : memref<64x100000xf32, #tpu.memory_space<hbm>> -> memref<1x10000xf32, #tpu.memory_space<hbm>>
    %dma_start3A_321 = tpu.memref_squeeze %dma_start3A_320 : memref<1x10000xf32, #tpu.memory_space<hbm>> -> memref<10000xf32, #tpu.memory_space<hbm>>
    %dma_start3A_322 = arith.constant 40000 : i32
    %dma_start3A_323 = tpu.memref_slice %arg3[%add3A_226, %dma_start3A_322] : memref<64x100000xf32, #tpu.memory_space<hbm>> -> memref<1x10000xf32, #tpu.memory_space<hbm>>
    %dma_start3A_324 = tpu.memref_squeeze %dma_start3A_323 : memref<1x10000xf32, #tpu.memory_space<hbm>> -> memref<10000xf32, #tpu.memory_space<hbm>>
    tpu.enqueue_dma source(%dma_start3A_324 : memref<10000xf32, #tpu.memory_space<hbm>>) target(%arg6 : memref<10000xf32, #tpu.memory_space<vmem>>) target_semaphore(%arg9 : memref<!tpu.dma_semaphore, #tpu.memory_space<semaphore_mem>>)
    %dma_wait3A_325 = arith.constant 30000 : i32
    %dma_wait3A_326 = tpu.memref_slice %arg3[%add3A_226, %dma_wait3A_325] : memref<64x100000xf32, #tpu.memory_space<hbm>> -> memref<1x10000xf32, #tpu.memory_space<hbm>>
    %dma_wait3A_327 = tpu.memref_squeeze %dma_wait3A_326 : memref<1x10000xf32, #tpu.memory_space<hbm>> -> memref<10000xf32, #tpu.memory_space<hbm>>
    %dma_wait3A_328 = arith.constant 30000 : i32
    %dma_wait3A_329 = tpu.memref_slice %arg3[%add3A_226, %dma_wait3A_328] : memref<64x100000xf32, #tpu.memory_space<hbm>> -> memref<1x10000xf32, #tpu.memory_space<hbm>>
    %dma_wait3A_330 = tpu.memref_squeeze %dma_wait3A_329 : memref<1x10000xf32, #tpu.memory_space<hbm>> -> memref<10000xf32, #tpu.memory_space<hbm>>
    tpu.wait_dma2 semaphore(%arg10 : memref<!tpu.dma_semaphore, #tpu.memory_space<semaphore_mem>>) src(%dma_wait3A_330 : memref<10000xf32, #tpu.memory_space<hbm>>) dst(%arg7 : memref<10000xf32, #tpu.memory_space<vmem>>)
    %scan3A_331 = arith.constant 0 : i32
    %scan3A_332 = arith.constant 125 : i32
    %scan3A_333 = arith.addi %scan3A_331, %scan3A_332 : i32
    %scan3A_334 = arith.constant 1 : i32
    %scan3A_335:2 = scf.for %scan3A_469 = %scan3A_331 to %scan3A_333 step %scan3A_334 iter_args(%scan3A_470 = %scan3A_317#0, %scan3A_471 = %scan3A_317#1) -> (vector<16xf32>, vector<16xi32>)  : i32 {
      %mul3A_472 = arith.constant 80 : i32
      %mul3A_473 = arith.muli %scan3A_469, %mul3A_472 : i32
      %add3A_474 = arith.constant 0 : i32
      %add3A_475 = arith.addi %mul3A_473, %add3A_474 : i32
      %add3A_476 = arith.constant 30000 : i32
      %add3A_477 = arith.addi %add3A_476, %add3A_475 : i32
      %get3A = arith.index_cast %add3A_477 : i32 to index
      %get3A_478 = tpu.vector_load %arg5[%get3A] {strides = array<i32>} : memref<100000xf32, #tpu.memory_space<vmem>>, vector<16xf32>,
      %get3A_479 = arith.index_cast %add3A_475 : i32 to index
      %get3A_480 = tpu.vector_load %arg7[%get3A_479] {strides = array<i32>} : memref<10000xf32, #tpu.memory_space<vmem>>, vector<16xf32>,
      %mul3A_481 = arith.mulf %get3A_478, %div3A_254 : vector<16xf32>
      %add3A_482 = arith.addf %mul3A_481, %get3A_480 : vector<16xf32>
      %add3A_483 = arith.constant 30000 : i32
      %add3A_484 = arith.addi %add3A_483, %add3A_475 : i32
      %add3A_485 = vector.broadcast %add3A_484 : i32 to vector<16xi32>
      %add3A_486 = arith.addi %iota3A, %add3A_485 : vector<16xi32>
      %gt3A = arith.cmpf ogt, %add3A_482, %scan3A_470 : vector<16xf32>
      %select_n3A_487 = arith.select %gt3A, %add3A_482, %scan3A_470 : vector<16xi1>, vector<16xf32>
      %select_n3A_488 = arith.select %gt3A, %add3A_486, %scan3A_471 : vector<16xi1>, vector<16xi32>
      %add3A_489 = arith.constant 16 : i32
      %add3A_490 = arith.addi %mul3A_473, %add3A_489 : i32
      %add3A_491 = arith.constant 30000 : i32
      %add3A_492 = arith.addi %add3A_491, %add3A_490 : i32
      %get3A_493 = arith.index_cast %add3A_492 : i32 to index
      %get3A_494 = tpu.vector_load %arg5[%get3A_493] {strides = array<i32>} : memref<100000xf32, #tpu.memory_space<vmem>>, vector<16xf32>,
      %get3A_495 = arith.index_cast %add3A_490 : i32 to index
      %get3A_496 = tpu.vector_load %arg7[%get3A_495] {strides = array<i32>} : memref<10000xf32, #tpu.memory_space<vmem>>, vector<16xf32>,
      %mul3A_497 = arith.mulf %get3A_494, %div3A_254 : vector<16xf32>
      %add3A_498 = arith.addf %mul3A_497, %get3A_496 : vector<16xf32>
      %add3A_499 = arith.constant 30000 : i32
      %add3A_500 = arith.addi %add3A_499, %add3A_490 : i32
      %add3A_501 = vector.broadcast %add3A_500 : i32 to vector<16xi32>
      %add3A_502 = arith.addi %iota3A, %add3A_501 : vector<16xi32>
      %gt3A_503 = arith.cmpf ogt, %add3A_498, %select_n3A_487 : vector<16xf32>
      %select_n3A_504 = arith.select %gt3A_503, %add3A_498, %select_n3A_487 : vector<16xi1>, vector<16xf32>
      %select_n3A_505 = arith.select %gt3A_503, %add3A_502, %select_n3A_488 : vector<16xi1>, vector<16xi32>
      %add3A_506 = arith.constant 32 : i32
      %add3A_507 = arith.addi %mul3A_473, %add3A_506 : i32
      %add3A_508 = arith.constant 30000 : i32
      %add3A_509 = arith.addi %add3A_508, %add3A_507 : i32
      %get3A_510 = arith.index_cast %add3A_509 : i32 to index
      %get3A_511 = tpu.vector_load %arg5[%get3A_510] {strides = array<i32>} : memref<100000xf32, #tpu.memory_space<vmem>>, vector<16xf32>,
      %get3A_512 = arith.index_cast %add3A_507 : i32 to index
      %get3A_513 = tpu.vector_load %arg7[%get3A_512] {strides = array<i32>} : memref<10000xf32, #tpu.memory_space<vmem>>, vector<16xf32>,
      %mul3A_514 = arith.mulf %get3A_511, %div3A_254 : vector<16xf32>
      %add3A_515 = arith.addf %mul3A_514, %get3A_513 : vector<16xf32>
      %add3A_516 = arith.constant 30000 : i32
      %add3A_517 = arith.addi %add3A_516, %add3A_507 : i32
      %add3A_518 = vector.broadcast %add3A_517 : i32 to vector<16xi32>
      %add3A_519 = arith.addi %iota3A, %add3A_518 : vector<16xi32>
      %gt3A_520 = arith.cmpf ogt, %add3A_515, %select_n3A_504 : vector<16xf32>
      %select_n3A_521 = arith.select %gt3A_520, %add3A_515, %select_n3A_504 : vector<16xi1>, vector<16xf32>
      %select_n3A_522 = arith.select %gt3A_520, %add3A_519, %select_n3A_505 : vector<16xi1>, vector<16xi32>
      %add3A_523 = arith.constant 48 : i32
      %add3A_524 = arith.addi %mul3A_473, %add3A_523 : i32
      %add3A_525 = arith.constant 30000 : i32
      %add3A_526 = arith.addi %add3A_525, %add3A_524 : i32
      %get3A_527 = arith.index_cast %add3A_526 : i32 to index
      %get3A_528 = tpu.vector_load %arg5[%get3A_527] {strides = array<i32>} : memref<100000xf32, #tpu.memory_space<vmem>>, vector<16xf32>,
      %get3A_529 = arith.index_cast %add3A_524 : i32 to index
      %get3A_530 = tpu.vector_load %arg7[%get3A_529] {strides = array<i32>} : memref<10000xf32, #tpu.memory_space<vmem>>, vector<16xf32>,
      %mul3A_531 = arith.mulf %get3A_528, %div3A_254 : vector<16xf32>
      %add3A_532 = arith.addf %mul3A_531, %get3A_530 : vector<16xf32>
      %add3A_533 = arith.constant 30000 : i32
      %add3A_534 = arith.addi %add3A_533, %add3A_524 : i32
      %add3A_535 = vector.broadcast %add3A_534 : i32 to vector<16xi32>
      %add3A_536 = arith.addi %iota3A, %add3A_535 : vector<16xi32>
      %gt3A_537 = arith.cmpf ogt, %add3A_532, %select_n3A_521 : vector<16xf32>
      %select_n3A_538 = arith.select %gt3A_537, %add3A_532, %select_n3A_521 : vector<16xi1>, vector<16xf32>
      %select_n3A_539 = arith.select %gt3A_537, %add3A_536, %select_n3A_522 : vector<16xi1>, vector<16xi32>
      %add3A_540 = arith.constant 64 : i32
      %add3A_541 = arith.addi %mul3A_473, %add3A_540 : i32
      %add3A_542 = arith.constant 30000 : i32
      %add3A_543 = arith.addi %add3A_542, %add3A_541 : i32
      %get3A_544 = arith.index_cast %add3A_543 : i32 to index
      %get3A_545 = tpu.vector_load %arg5[%get3A_544] {strides = array<i32>} : memref<100000xf32, #tpu.memory_space<vmem>>, vector<16xf32>,
      %get3A_546 = arith.index_cast %add3A_541 : i32 to index
      %get3A_547 = tpu.vector_load %arg7[%get3A_546] {strides = array<i32>} : memref<10000xf32, #tpu.memory_space<vmem>>, vector<16xf32>,
      %mul3A_548 = arith.mulf %get3A_545, %div3A_254 : vector<16xf32>
      %add3A_549 = arith.addf %mul3A_548, %get3A_547 : vector<16xf32>
      %add3A_550 = arith.constant 30000 : i32
      %add3A_551 = arith.addi %add3A_550, %add3A_541 : i32
      %add3A_552 = vector.broadcast %add3A_551 : i32 to vector<16xi32>
      %add3A_553 = arith.addi %iota3A, %add3A_552 : vector<16xi32>
      %gt3A_554 = arith.cmpf ogt, %add3A_549, %select_n3A_538 : vector<16xf32>
      %select_n3A_555 = arith.select %gt3A_554, %add3A_549, %select_n3A_538 : vector<16xi1>, vector<16xf32>
      %select_n3A_556 = arith.select %gt3A_554, %add3A_553, %select_n3A_539 : vector<16xi1>, vector<16xi32>
      scf.yield %select_n3A_555, %select_n3A_556 : vector<16xf32>, vector<16xi32>
    }
    %scan3A_336 = arith.constant 125 : i32
    %dma_start3A_337 = arith.constant 50000 : i32
    %dma_start3A_338 = tpu.memref_slice %arg3[%add3A_226, %dma_start3A_337] : memref<64x100000xf32, #tpu.memory_space<hbm>> -> memref<1x10000xf32, #tpu.memory_space<hbm>>
    %dma_start3A_339 = tpu.memref_squeeze %dma_start3A_338 : memref<1x10000xf32, #tpu.memory_space<hbm>> -> memref<10000xf32, #tpu.memory_space<hbm>>
    %dma_start3A_340 = arith.constant 50000 : i32
    %dma_start3A_341 = tpu.memref_slice %arg3[%add3A_226, %dma_start3A_340] : memref<64x100000xf32, #tpu.memory_space<hbm>> -> memref<1x10000xf32, #tpu.memory_space<hbm>>
    %dma_start3A_342 = tpu.memref_squeeze %dma_start3A_341 : memref<1x10000xf32, #tpu.memory_space<hbm>> -> memref<10000xf32, #tpu.memory_space<hbm>>
    tpu.enqueue_dma source(%dma_start3A_342 : memref<10000xf32, #tpu.memory_space<hbm>>) target(%arg7 : memref<10000xf32, #tpu.memory_space<vmem>>) target_semaphore(%arg10 : memref<!tpu.dma_semaphore, #tpu.memory_space<semaphore_mem>>)
    %dma_wait3A_343 = arith.constant 40000 : i32
    %dma_wait3A_344 = tpu.memref_slice %arg3[%add3A_226, %dma_wait3A_343] : memref<64x100000xf32, #tpu.memory_space<hbm>> -> memref<1x10000xf32, #tpu.memory_space<hbm>>
    %dma_wait3A_345 = tpu.memref_squeeze %dma_wait3A_344 : memref<1x10000xf32, #tpu.memory_space<hbm>> -> memref<10000xf32, #tpu.memory_space<hbm>>
    %dma_wait3A_346 = arith.constant 40000 : i32
    %dma_wait3A_347 = tpu.memref_slice %arg3[%add3A_226, %dma_wait3A_346] : memref<64x100000xf32, #tpu.memory_space<hbm>> -> memref<1x10000xf32, #tpu.memory_space<hbm>>
    %dma_wait3A_348 = tpu.memref_squeeze %dma_wait3A_347 : memref<1x10000xf32, #tpu.memory_space<hbm>> -> memref<10000xf32, #tpu.memory_space<hbm>>
    tpu.wait_dma2 semaphore(%arg9 : memref<!tpu.dma_semaphore, #tpu.memory_space<semaphore_mem>>) src(%dma_wait3A_348 : memref<10000xf32, #tpu.memory_space<hbm>>) dst(%arg6 : memref<10000xf32, #tpu.memory_space<vmem>>)
    %scan3A_349 = arith.constant 0 : i32
    %scan3A_350 = arith.constant 125 : i32
    %scan3A_351 = arith.addi %scan3A_349, %scan3A_350 : i32
    %scan3A_352 = arith.constant 1 : i32
    %scan3A_353:2 = scf.for %scan3A_469 = %scan3A_349 to %scan3A_351 step %scan3A_352 iter_args(%scan3A_470 = %scan3A_335#0, %scan3A_471 = %scan3A_335#1) -> (vector<16xf32>, vector<16xi32>)  : i32 {
      %mul3A_472 = arith.constant 80 : i32
      %mul3A_473 = arith.muli %scan3A_469, %mul3A_472 : i32
      %add3A_474 = arith.constant 0 : i32
      %add3A_475 = arith.addi %mul3A_473, %add3A_474 : i32
      %add3A_476 = arith.constant 40000 : i32
      %add3A_477 = arith.addi %add3A_476, %add3A_475 : i32
      %get3A = arith.index_cast %add3A_477 : i32 to index
      %get3A_478 = tpu.vector_load %arg5[%get3A] {strides = array<i32>} : memref<100000xf32, #tpu.memory_space<vmem>>, vector<16xf32>,
      %get3A_479 = arith.index_cast %add3A_475 : i32 to index
      %get3A_480 = tpu.vector_load %arg6[%get3A_479] {strides = array<i32>} : memref<10000xf32, #tpu.memory_space<vmem>>, vector<16xf32>,
      %mul3A_481 = arith.mulf %get3A_478, %div3A_254 : vector<16xf32>
      %add3A_482 = arith.addf %mul3A_481, %get3A_480 : vector<16xf32>
      %add3A_483 = arith.constant 40000 : i32
      %add3A_484 = arith.addi %add3A_483, %add3A_475 : i32
      %add3A_485 = vector.broadcast %add3A_484 : i32 to vector<16xi32>
      %add3A_486 = arith.addi %iota3A, %add3A_485 : vector<16xi32>
      %gt3A = arith.cmpf ogt, %add3A_482, %scan3A_470 : vector<16xf32>
      %select_n3A_487 = arith.select %gt3A, %add3A_482, %scan3A_470 : vector<16xi1>, vector<16xf32>
      %select_n3A_488 = arith.select %gt3A, %add3A_486, %scan3A_471 : vector<16xi1>, vector<16xi32>
      %add3A_489 = arith.constant 16 : i32
      %add3A_490 = arith.addi %mul3A_473, %add3A_489 : i32
      %add3A_491 = arith.constant 40000 : i32
      %add3A_492 = arith.addi %add3A_491, %add3A_490 : i32
      %get3A_493 = arith.index_cast %add3A_492 : i32 to index
      %get3A_494 = tpu.vector_load %arg5[%get3A_493] {strides = array<i32>} : memref<100000xf32, #tpu.memory_space<vmem>>, vector<16xf32>,
      %get3A_495 = arith.index_cast %add3A_490 : i32 to index
      %get3A_496 = tpu.vector_load %arg6[%get3A_495] {strides = array<i32>} : memref<10000xf32, #tpu.memory_space<vmem>>, vector<16xf32>,
      %mul3A_497 = arith.mulf %get3A_494, %div3A_254 : vector<16xf32>
      %add3A_498 = arith.addf %mul3A_497, %get3A_496 : vector<16xf32>
      %add3A_499 = arith.constant 40000 : i32
      %add3A_500 = arith.addi %add3A_499, %add3A_490 : i32
      %add3A_501 = vector.broadcast %add3A_500 : i32 to vector<16xi32>
      %add3A_502 = arith.addi %iota3A, %add3A_501 : vector<16xi32>
      %gt3A_503 = arith.cmpf ogt, %add3A_498, %select_n3A_487 : vector<16xf32>
      %select_n3A_504 = arith.select %gt3A_503, %add3A_498, %select_n3A_487 : vector<16xi1>, vector<16xf32>
      %select_n3A_505 = arith.select %gt3A_503, %add3A_502, %select_n3A_488 : vector<16xi1>, vector<16xi32>
      %add3A_506 = arith.constant 32 : i32
      %add3A_507 = arith.addi %mul3A_473, %add3A_506 : i32
      %add3A_508 = arith.constant 40000 : i32
      %add3A_509 = arith.addi %add3A_508, %add3A_507 : i32
      %get3A_510 = arith.index_cast %add3A_509 : i32 to index
      %get3A_511 = tpu.vector_load %arg5[%get3A_510] {strides = array<i32>} : memref<100000xf32, #tpu.memory_space<vmem>>, vector<16xf32>,
      %get3A_512 = arith.index_cast %add3A_507 : i32 to index
      %get3A_513 = tpu.vector_load %arg6[%get3A_512] {strides = array<i32>} : memref<10000xf32, #tpu.memory_space<vmem>>, vector<16xf32>,
      %mul3A_514 = arith.mulf %get3A_511, %div3A_254 : vector<16xf32>
      %add3A_515 = arith.addf %mul3A_514, %get3A_513 : vector<16xf32>
      %add3A_516 = arith.constant 40000 : i32
      %add3A_517 = arith.addi %add3A_516, %add3A_507 : i32
      %add3A_518 = vector.broadcast %add3A_517 : i32 to vector<16xi32>
      %add3A_519 = arith.addi %iota3A, %add3A_518 : vector<16xi32>
      %gt3A_520 = arith.cmpf ogt, %add3A_515, %select_n3A_504 : vector<16xf32>
      %select_n3A_521 = arith.select %gt3A_520, %add3A_515, %select_n3A_504 : vector<16xi1>, vector<16xf32>
      %select_n3A_522 = arith.select %gt3A_520, %add3A_519, %select_n3A_505 : vector<16xi1>, vector<16xi32>
      %add3A_523 = arith.constant 48 : i32
      %add3A_524 = arith.addi %mul3A_473, %add3A_523 : i32
      %add3A_525 = arith.constant 40000 : i32
      %add3A_526 = arith.addi %add3A_525, %add3A_524 : i32
      %get3A_527 = arith.index_cast %add3A_526 : i32 to index
      %get3A_528 = tpu.vector_load %arg5[%get3A_527] {strides = array<i32>} : memref<100000xf32, #tpu.memory_space<vmem>>, vector<16xf32>,
      %get3A_529 = arith.index_cast %add3A_524 : i32 to index
      %get3A_530 = tpu.vector_load %arg6[%get3A_529] {strides = array<i32>} : memref<10000xf32, #tpu.memory_space<vmem>>, vector<16xf32>,
      %mul3A_531 = arith.mulf %get3A_528, %div3A_254 : vector<16xf32>
      %add3A_532 = arith.addf %mul3A_531, %get3A_530 : vector<16xf32>
      %add3A_533 = arith.constant 40000 : i32
      %add3A_534 = arith.addi %add3A_533, %add3A_524 : i32
      %add3A_535 = vector.broadcast %add3A_534 : i32 to vector<16xi32>
      %add3A_536 = arith.addi %iota3A, %add3A_535 : vector<16xi32>
      %gt3A_537 = arith.cmpf ogt, %add3A_532, %select_n3A_521 : vector<16xf32>
      %select_n3A_538 = arith.select %gt3A_537, %add3A_532, %select_n3A_521 : vector<16xi1>, vector<16xf32>
      %select_n3A_539 = arith.select %gt3A_537, %add3A_536, %select_n3A_522 : vector<16xi1>, vector<16xi32>
      %add3A_540 = arith.constant 64 : i32
      %add3A_541 = arith.addi %mul3A_473, %add3A_540 : i32
      %add3A_542 = arith.constant 40000 : i32
      %add3A_543 = arith.addi %add3A_542, %add3A_541 : i32
      %get3A_544 = arith.index_cast %add3A_543 : i32 to index
      %get3A_545 = tpu.vector_load %arg5[%get3A_544] {strides = array<i32>} : memref<100000xf32, #tpu.memory_space<vmem>>, vector<16xf32>,
      %get3A_546 = arith.index_cast %add3A_541 : i32 to index
      %get3A_547 = tpu.vector_load %arg6[%get3A_546] {strides = array<i32>} : memref<10000xf32, #tpu.memory_space<vmem>>, vector<16xf32>,
      %mul3A_548 = arith.mulf %get3A_545, %div3A_254 : vector<16xf32>
      %add3A_549 = arith.addf %mul3A_548, %get3A_547 : vector<16xf32>
      %add3A_550 = arith.constant 40000 : i32
      %add3A_551 = arith.addi %add3A_550, %add3A_541 : i32
      %add3A_552 = vector.broadcast %add3A_551 : i32 to vector<16xi32>
      %add3A_553 = arith.addi %iota3A, %add3A_552 : vector<16xi32>
      %gt3A_554 = arith.cmpf ogt, %add3A_549, %select_n3A_538 : vector<16xf32>
      %select_n3A_555 = arith.select %gt3A_554, %add3A_549, %select_n3A_538 : vector<16xi1>, vector<16xf32>
      %select_n3A_556 = arith.select %gt3A_554, %add3A_553, %select_n3A_539 : vector<16xi1>, vector<16xi32>
      scf.yield %select_n3A_555, %select_n3A_556 : vector<16xf32>, vector<16xi32>
    }
    %scan3A_354 = arith.constant 125 : i32
    %dma_start3A_355 = arith.constant 60000 : i32
    %dma_start3A_356 = tpu.memref_slice %arg3[%add3A_226, %dma_start3A_355] : memref<64x100000xf32, #tpu.memory_space<hbm>> -> memref<1x10000xf32, #tpu.memory_space<hbm>>
    %dma_start3A_357 = tpu.memref_squeeze %dma_start3A_356 : memref<1x10000xf32, #tpu.memory_space<hbm>> -> memref<10000xf32, #tpu.memory_space<hbm>>
    %dma_start3A_358 = arith.constant 60000 : i32
    %dma_start3A_359 = tpu.memref_slice %arg3[%add3A_226, %dma_start3A_358] : memref<64x100000xf32, #tpu.memory_space<hbm>> -> memref<1x10000xf32, #tpu.memory_space<hbm>>
    %dma_start3A_360 = tpu.memref_squeeze %dma_start3A_359 : memref<1x10000xf32, #tpu.memory_space<hbm>> -> memref<10000xf32, #tpu.memory_space<hbm>>
    tpu.enqueue_dma source(%dma_start3A_360 : memref<10000xf32, #tpu.memory_space<hbm>>) target(%arg6 : memref<10000xf32, #tpu.memory_space<vmem>>) target_semaphore(%arg9 : memref<!tpu.dma_semaphore, #tpu.memory_space<semaphore_mem>>)
    %dma_wait3A_361 = arith.constant 50000 : i32
    %dma_wait3A_362 = tpu.memref_slice %arg3[%add3A_226, %dma_wait3A_361] : memref<64x100000xf32, #tpu.memory_space<hbm>> -> memref<1x10000xf32, #tpu.memory_space<hbm>>
    %dma_wait3A_363 = tpu.memref_squeeze %dma_wait3A_362 : memref<1x10000xf32, #tpu.memory_space<hbm>> -> memref<10000xf32, #tpu.memory_space<hbm>>
    %dma_wait3A_364 = arith.constant 50000 : i32
    %dma_wait3A_365 = tpu.memref_slice %arg3[%add3A_226, %dma_wait3A_364] : memref<64x100000xf32, #tpu.memory_space<hbm>> -> memref<1x10000xf32, #tpu.memory_space<hbm>>
    %dma_wait3A_366 = tpu.memref_squeeze %dma_wait3A_365 : memref<1x10000xf32, #tpu.memory_space<hbm>> -> memref<10000xf32, #tpu.memory_space<hbm>>
    tpu.wait_dma2 semaphore(%arg10 : memref<!tpu.dma_semaphore, #tpu.memory_space<semaphore_mem>>) src(%dma_wait3A_366 : memref<10000xf32, #tpu.memory_space<hbm>>) dst(%arg7 : memref<10000xf32, #tpu.memory_space<vmem>>)
    %scan3A_367 = arith.constant 0 : i32
    %scan3A_368 = arith.constant 125 : i32
    %scan3A_369 = arith.addi %scan3A_367, %scan3A_368 : i32
    %scan3A_370 = arith.constant 1 : i32
    %scan3A_371:2 = scf.for %scan3A_469 = %scan3A_367 to %scan3A_369 step %scan3A_370 iter_args(%scan3A_470 = %scan3A_353#0, %scan3A_471 = %scan3A_353#1) -> (vector<16xf32>, vector<16xi32>)  : i32 {
      %mul3A_472 = arith.constant 80 : i32
      %mul3A_473 = arith.muli %scan3A_469, %mul3A_472 : i32
      %add3A_474 = arith.constant 0 : i32
      %add3A_475 = arith.addi %mul3A_473, %add3A_474 : i32
      %add3A_476 = arith.constant 50000 : i32
      %add3A_477 = arith.addi %add3A_476, %add3A_475 : i32
      %get3A = arith.index_cast %add3A_477 : i32 to index
      %get3A_478 = tpu.vector_load %arg5[%get3A] {strides = array<i32>} : memref<100000xf32, #tpu.memory_space<vmem>>, vector<16xf32>,
      %get3A_479 = arith.index_cast %add3A_475 : i32 to index
      %get3A_480 = tpu.vector_load %arg7[%get3A_479] {strides = array<i32>} : memref<10000xf32, #tpu.memory_space<vmem>>, vector<16xf32>,
      %mul3A_481 = arith.mulf %get3A_478, %div3A_254 : vector<16xf32>
      %add3A_482 = arith.addf %mul3A_481, %get3A_480 : vector<16xf32>
      %add3A_483 = arith.constant 50000 : i32
      %add3A_484 = arith.addi %add3A_483, %add3A_475 : i32
      %add3A_485 = vector.broadcast %add3A_484 : i32 to vector<16xi32>
      %add3A_486 = arith.addi %iota3A, %add3A_485 : vector<16xi32>
      %gt3A = arith.cmpf ogt, %add3A_482, %scan3A_470 : vector<16xf32>
      %select_n3A_487 = arith.select %gt3A, %add3A_482, %scan3A_470 : vector<16xi1>, vector<16xf32>
      %select_n3A_488 = arith.select %gt3A, %add3A_486, %scan3A_471 : vector<16xi1>, vector<16xi32>
      %add3A_489 = arith.constant 16 : i32
      %add3A_490 = arith.addi %mul3A_473, %add3A_489 : i32
      %add3A_491 = arith.constant 50000 : i32
      %add3A_492 = arith.addi %add3A_491, %add3A_490 : i32
      %get3A_493 = arith.index_cast %add3A_492 : i32 to index
      %get3A_494 = tpu.vector_load %arg5[%get3A_493] {strides = array<i32>} : memref<100000xf32, #tpu.memory_space<vmem>>, vector<16xf32>,
      %get3A_495 = arith.index_cast %add3A_490 : i32 to index
      %get3A_496 = tpu.vector_load %arg7[%get3A_495] {strides = array<i32>} : memref<10000xf32, #tpu.memory_space<vmem>>, vector<16xf32>,
      %mul3A_497 = arith.mulf %get3A_494, %div3A_254 : vector<16xf32>
      %add3A_498 = arith.addf %mul3A_497, %get3A_496 : vector<16xf32>
      %add3A_499 = arith.constant 50000 : i32
      %add3A_500 = arith.addi %add3A_499, %add3A_490 : i32
      %add3A_501 = vector.broadcast %add3A_500 : i32 to vector<16xi32>
      %add3A_502 = arith.addi %iota3A, %add3A_501 : vector<16xi32>
      %gt3A_503 = arith.cmpf ogt, %add3A_498, %select_n3A_487 : vector<16xf32>
      %select_n3A_504 = arith.select %gt3A_503, %add3A_498, %select_n3A_487 : vector<16xi1>, vector<16xf32>
      %select_n3A_505 = arith.select %gt3A_503, %add3A_502, %select_n3A_488 : vector<16xi1>, vector<16xi32>
      %add3A_506 = arith.constant 32 : i32
      %add3A_507 = arith.addi %mul3A_473, %add3A_506 : i32
      %add3A_508 = arith.constant 50000 : i32
      %add3A_509 = arith.addi %add3A_508, %add3A_507 : i32
      %get3A_510 = arith.index_cast %add3A_509 : i32 to index
      %get3A_511 = tpu.vector_load %arg5[%get3A_510] {strides = array<i32>} : memref<100000xf32, #tpu.memory_space<vmem>>, vector<16xf32>,
      %get3A_512 = arith.index_cast %add3A_507 : i32 to index
      %get3A_513 = tpu.vector_load %arg7[%get3A_512] {strides = array<i32>} : memref<10000xf32, #tpu.memory_space<vmem>>, vector<16xf32>,
      %mul3A_514 = arith.mulf %get3A_511, %div3A_254 : vector<16xf32>
      %add3A_515 = arith.addf %mul3A_514, %get3A_513 : vector<16xf32>
      %add3A_516 = arith.constant 50000 : i32
      %add3A_517 = arith.addi %add3A_516, %add3A_507 : i32
      %add3A_518 = vector.broadcast %add3A_517 : i32 to vector<16xi32>
      %add3A_519 = arith.addi %iota3A, %add3A_518 : vector<16xi32>
      %gt3A_520 = arith.cmpf ogt, %add3A_515, %select_n3A_504 : vector<16xf32>
      %select_n3A_521 = arith.select %gt3A_520, %add3A_515, %select_n3A_504 : vector<16xi1>, vector<16xf32>
      %select_n3A_522 = arith.select %gt3A_520, %add3A_519, %select_n3A_505 : vector<16xi1>, vector<16xi32>
      %add3A_523 = arith.constant 48 : i32
      %add3A_524 = arith.addi %mul3A_473, %add3A_523 : i32
      %add3A_525 = arith.constant 50000 : i32
      %add3A_526 = arith.addi %add3A_525, %add3A_524 : i32
      %get3A_527 = arith.index_cast %add3A_526 : i32 to index
      %get3A_528 = tpu.vector_load %arg5[%get3A_527] {strides = array<i32>} : memref<100000xf32, #tpu.memory_space<vmem>>, vector<16xf32>,
      %get3A_529 = arith.index_cast %add3A_524 : i32 to index
      %get3A_530 = tpu.vector_load %arg7[%get3A_529] {strides = array<i32>} : memref<10000xf32, #tpu.memory_space<vmem>>, vector<16xf32>,
      %mul3A_531 = arith.mulf %get3A_528, %div3A_254 : vector<16xf32>
      %add3A_532 = arith.addf %mul3A_531, %get3A_530 : vector<16xf32>
      %add3A_533 = arith.constant 50000 : i32
      %add3A_534 = arith.addi %add3A_533, %add3A_524 : i32
      %add3A_535 = vector.broadcast %add3A_534 : i32 to vector<16xi32>
      %add3A_536 = arith.addi %iota3A, %add3A_535 : vector<16xi32>
      %gt3A_537 = arith.cmpf ogt, %add3A_532, %select_n3A_521 : vector<16xf32>
      %select_n3A_538 = arith.select %gt3A_537, %add3A_532, %select_n3A_521 : vector<16xi1>, vector<16xf32>
      %select_n3A_539 = arith.select %gt3A_537, %add3A_536, %select_n3A_522 : vector<16xi1>, vector<16xi32>
      %add3A_540 = arith.constant 64 : i32
      %add3A_541 = arith.addi %mul3A_473, %add3A_540 : i32
      %add3A_542 = arith.constant 50000 : i32
      %add3A_543 = arith.addi %add3A_542, %add3A_541 : i32
      %get3A_544 = arith.index_cast %add3A_543 : i32 to index
      %get3A_545 = tpu.vector_load %arg5[%get3A_544] {strides = array<i32>} : memref<100000xf32, #tpu.memory_space<vmem>>, vector<16xf32>,
      %get3A_546 = arith.index_cast %add3A_541 : i32 to index
      %get3A_547 = tpu.vector_load %arg7[%get3A_546] {strides = array<i32>} : memref<10000xf32, #tpu.memory_space<vmem>>, vector<16xf32>,
      %mul3A_548 = arith.mulf %get3A_545, %div3A_254 : vector<16xf32>
      %add3A_549 = arith.addf %mul3A_548, %get3A_547 : vector<16xf32>
      %add3A_550 = arith.constant 50000 : i32
      %add3A_551 = arith.addi %add3A_550, %add3A_541 : i32
      %add3A_552 = vector.broadcast %add3A_551 : i32 to vector<16xi32>
      %add3A_553 = arith.addi %iota3A, %add3A_552 : vector<16xi32>
      %gt3A_554 = arith.cmpf ogt, %add3A_549, %select_n3A_538 : vector<16xf32>
      %select_n3A_555 = arith.select %gt3A_554, %add3A_549, %select_n3A_538 : vector<16xi1>, vector<16xf32>
      %select_n3A_556 = arith.select %gt3A_554, %add3A_553, %select_n3A_539 : vector<16xi1>, vector<16xi32>
      scf.yield %select_n3A_555, %select_n3A_556 : vector<16xf32>, vector<16xi32>
    }
    %scan3A_372 = arith.constant 125 : i32
    %dma_start3A_373 = arith.constant 70000 : i32
    %dma_start3A_374 = tpu.memref_slice %arg3[%add3A_226, %dma_start3A_373] : memref<64x100000xf32, #tpu.memory_space<hbm>> -> memref<1x10000xf32, #tpu.memory_space<hbm>>
    %dma_start3A_375 = tpu.memref_squeeze %dma_start3A_374 : memref<1x10000xf32, #tpu.memory_space<hbm>> -> memref<10000xf32, #tpu.memory_space<hbm>>
    %dma_start3A_376 = arith.constant 70000 : i32
    %dma_start3A_377 = tpu.memref_slice %arg3[%add3A_226, %dma_start3A_376] : memref<64x100000xf32, #tpu.memory_space<hbm>> -> memref<1x10000xf32, #tpu.memory_space<hbm>>
    %dma_start3A_378 = tpu.memref_squeeze %dma_start3A_377 : memref<1x10000xf32, #tpu.memory_space<hbm>> -> memref<10000xf32, #tpu.memory_space<hbm>>
    tpu.enqueue_dma source(%dma_start3A_378 : memref<10000xf32, #tpu.memory_space<hbm>>) target(%arg7 : memref<10000xf32, #tpu.memory_space<vmem>>) target_semaphore(%arg10 : memref<!tpu.dma_semaphore, #tpu.memory_space<semaphore_mem>>)
    %dma_wait3A_379 = arith.constant 60000 : i32
    %dma_wait3A_380 = tpu.memref_slice %arg3[%add3A_226, %dma_wait3A_379] : memref<64x100000xf32, #tpu.memory_space<hbm>> -> memref<1x10000xf32, #tpu.memory_space<hbm>>
    %dma_wait3A_381 = tpu.memref_squeeze %dma_wait3A_380 : memref<1x10000xf32, #tpu.memory_space<hbm>> -> memref<10000xf32, #tpu.memory_space<hbm>>
    %dma_wait3A_382 = arith.constant 60000 : i32
    %dma_wait3A_383 = tpu.memref_slice %arg3[%add3A_226, %dma_wait3A_382] : memref<64x100000xf32, #tpu.memory_space<hbm>> -> memref<1x10000xf32, #tpu.memory_space<hbm>>
    %dma_wait3A_384 = tpu.memref_squeeze %dma_wait3A_383 : memref<1x10000xf32, #tpu.memory_space<hbm>> -> memref<10000xf32, #tpu.memory_space<hbm>>
    tpu.wait_dma2 semaphore(%arg9 : memref<!tpu.dma_semaphore, #tpu.memory_space<semaphore_mem>>) src(%dma_wait3A_384 : memref<10000xf32, #tpu.memory_space<hbm>>) dst(%arg6 : memref<10000xf32, #tpu.memory_space<vmem>>)
    %scan3A_385 = arith.constant 0 : i32
    %scan3A_386 = arith.constant 125 : i32
    %scan3A_387 = arith.addi %scan3A_385, %scan3A_386 : i32
    %scan3A_388 = arith.constant 1 : i32
    %scan3A_389:2 = scf.for %scan3A_469 = %scan3A_385 to %scan3A_387 step %scan3A_388 iter_args(%scan3A_470 = %scan3A_371#0, %scan3A_471 = %scan3A_371#1) -> (vector<16xf32>, vector<16xi32>)  : i32 {
      %mul3A_472 = arith.constant 80 : i32
      %mul3A_473 = arith.muli %scan3A_469, %mul3A_472 : i32
      %add3A_474 = arith.constant 0 : i32
      %add3A_475 = arith.addi %mul3A_473, %add3A_474 : i32
      %add3A_476 = arith.constant 60000 : i32
      %add3A_477 = arith.addi %add3A_476, %add3A_475 : i32
      %get3A = arith.index_cast %add3A_477 : i32 to index
      %get3A_478 = tpu.vector_load %arg5[%get3A] {strides = array<i32>} : memref<100000xf32, #tpu.memory_space<vmem>>, vector<16xf32>,
      %get3A_479 = arith.index_cast %add3A_475 : i32 to index
      %get3A_480 = tpu.vector_load %arg6[%get3A_479] {strides = array<i32>} : memref<10000xf32, #tpu.memory_space<vmem>>, vector<16xf32>,
      %mul3A_481 = arith.mulf %get3A_478, %div3A_254 : vector<16xf32>
      %add3A_482 = arith.addf %mul3A_481, %get3A_480 : vector<16xf32>
      %add3A_483 = arith.constant 60000 : i32
      %add3A_484 = arith.addi %add3A_483, %add3A_475 : i32
      %add3A_485 = vector.broadcast %add3A_484 : i32 to vector<16xi32>
      %add3A_486 = arith.addi %iota3A, %add3A_485 : vector<16xi32>
      %gt3A = arith.cmpf ogt, %add3A_482, %scan3A_470 : vector<16xf32>
      %select_n3A_487 = arith.select %gt3A, %add3A_482, %scan3A_470 : vector<16xi1>, vector<16xf32>
      %select_n3A_488 = arith.select %gt3A, %add3A_486, %scan3A_471 : vector<16xi1>, vector<16xi32>
      %add3A_489 = arith.constant 16 : i32
      %add3A_490 = arith.addi %mul3A_473, %add3A_489 : i32
      %add3A_491 = arith.constant 60000 : i32
      %add3A_492 = arith.addi %add3A_491, %add3A_490 : i32
      %get3A_493 = arith.index_cast %add3A_492 : i32 to index
      %get3A_494 = tpu.vector_load %arg5[%get3A_493] {strides = array<i32>} : memref<100000xf32, #tpu.memory_space<vmem>>, vector<16xf32>,
      %get3A_495 = arith.index_cast %add3A_490 : i32 to index
      %get3A_496 = tpu.vector_load %arg6[%get3A_495] {strides = array<i32>} : memref<10000xf32, #tpu.memory_space<vmem>>, vector<16xf32>,
      %mul3A_497 = arith.mulf %get3A_494, %div3A_254 : vector<16xf32>
      %add3A_498 = arith.addf %mul3A_497, %get3A_496 : vector<16xf32>
      %add3A_499 = arith.constant 60000 : i32
      %add3A_500 = arith.addi %add3A_499, %add3A_490 : i32
      %add3A_501 = vector.broadcast %add3A_500 : i32 to vector<16xi32>
      %add3A_502 = arith.addi %iota3A, %add3A_501 : vector<16xi32>
      %gt3A_503 = arith.cmpf ogt, %add3A_498, %select_n3A_487 : vector<16xf32>
      %select_n3A_504 = arith.select %gt3A_503, %add3A_498, %select_n3A_487 : vector<16xi1>, vector<16xf32>
      %select_n3A_505 = arith.select %gt3A_503, %add3A_502, %select_n3A_488 : vector<16xi1>, vector<16xi32>
      %add3A_506 = arith.constant 32 : i32
      %add3A_507 = arith.addi %mul3A_473, %add3A_506 : i32
      %add3A_508 = arith.constant 60000 : i32
      %add3A_509 = arith.addi %add3A_508, %add3A_507 : i32
      %get3A_510 = arith.index_cast %add3A_509 : i32 to index
      %get3A_511 = tpu.vector_load %arg5[%get3A_510] {strides = array<i32>} : memref<100000xf32, #tpu.memory_space<vmem>>, vector<16xf32>,
      %get3A_512 = arith.index_cast %add3A_507 : i32 to index
      %get3A_513 = tpu.vector_load %arg6[%get3A_512] {strides = array<i32>} : memref<10000xf32, #tpu.memory_space<vmem>>, vector<16xf32>,
      %mul3A_514 = arith.mulf %get3A_511, %div3A_254 : vector<16xf32>
      %add3A_515 = arith.addf %mul3A_514, %get3A_513 : vector<16xf32>
      %add3A_516 = arith.constant 60000 : i32
      %add3A_517 = arith.addi %add3A_516, %add3A_507 : i32
      %add3A_518 = vector.broadcast %add3A_517 : i32 to vector<16xi32>
      %add3A_519 = arith.addi %iota3A, %add3A_518 : vector<16xi32>
      %gt3A_520 = arith.cmpf ogt, %add3A_515, %select_n3A_504 : vector<16xf32>
      %select_n3A_521 = arith.select %gt3A_520, %add3A_515, %select_n3A_504 : vector<16xi1>, vector<16xf32>
      %select_n3A_522 = arith.select %gt3A_520, %add3A_519, %select_n3A_505 : vector<16xi1>, vector<16xi32>
      %add3A_523 = arith.constant 48 : i32
      %add3A_524 = arith.addi %mul3A_473, %add3A_523 : i32
      %add3A_525 = arith.constant 60000 : i32
      %add3A_526 = arith.addi %add3A_525, %add3A_524 : i32
      %get3A_527 = arith.index_cast %add3A_526 : i32 to index
      %get3A_528 = tpu.vector_load %arg5[%get3A_527] {strides = array<i32>} : memref<100000xf32, #tpu.memory_space<vmem>>, vector<16xf32>,
      %get3A_529 = arith.index_cast %add3A_524 : i32 to index
      %get3A_530 = tpu.vector_load %arg6[%get3A_529] {strides = array<i32>} : memref<10000xf32, #tpu.memory_space<vmem>>, vector<16xf32>,
      %mul3A_531 = arith.mulf %get3A_528, %div3A_254 : vector<16xf32>
      %add3A_532 = arith.addf %mul3A_531, %get3A_530 : vector<16xf32>
      %add3A_533 = arith.constant 60000 : i32
      %add3A_534 = arith.addi %add3A_533, %add3A_524 : i32
      %add3A_535 = vector.broadcast %add3A_534 : i32 to vector<16xi32>
      %add3A_536 = arith.addi %iota3A, %add3A_535 : vector<16xi32>
      %gt3A_537 = arith.cmpf ogt, %add3A_532, %select_n3A_521 : vector<16xf32>
      %select_n3A_538 = arith.select %gt3A_537, %add3A_532, %select_n3A_521 : vector<16xi1>, vector<16xf32>
      %select_n3A_539 = arith.select %gt3A_537, %add3A_536, %select_n3A_522 : vector<16xi1>, vector<16xi32>
      %add3A_540 = arith.constant 64 : i32
      %add3A_541 = arith.addi %mul3A_473, %add3A_540 : i32
      %add3A_542 = arith.constant 60000 : i32
      %add3A_543 = arith.addi %add3A_542, %add3A_541 : i32
      %get3A_544 = arith.index_cast %add3A_543 : i32 to index
      %get3A_545 = tpu.vector_load %arg5[%get3A_544] {strides = array<i32>} : memref<100000xf32, #tpu.memory_space<vmem>>, vector<16xf32>,
      %get3A_546 = arith.index_cast %add3A_541 : i32 to index
      %get3A_547 = tpu.vector_load %arg6[%get3A_546] {strides = array<i32>} : memref<10000xf32, #tpu.memory_space<vmem>>, vector<16xf32>,
      %mul3A_548 = arith.mulf %get3A_545, %div3A_254 : vector<16xf32>
      %add3A_549 = arith.addf %mul3A_548, %get3A_547 : vector<16xf32>
      %add3A_550 = arith.constant 60000 : i32
      %add3A_551 = arith.addi %add3A_550, %add3A_541 : i32
      %add3A_552 = vector.broadcast %add3A_551 : i32 to vector<16xi32>
      %add3A_553 = arith.addi %iota3A, %add3A_552 : vector<16xi32>
      %gt3A_554 = arith.cmpf ogt, %add3A_549, %select_n3A_538 : vector<16xf32>
      %select_n3A_555 = arith.select %gt3A_554, %add3A_549, %select_n3A_538 : vector<16xi1>, vector<16xf32>
      %select_n3A_556 = arith.select %gt3A_554, %add3A_553, %select_n3A_539 : vector<16xi1>, vector<16xi32>
      scf.yield %select_n3A_555, %select_n3A_556 : vector<16xf32>, vector<16xi32>
    }
    %scan3A_390 = arith.constant 125 : i32
    %dma_start3A_391 = arith.constant 80000 : i32
    %dma_start3A_392 = tpu.memref_slice %arg3[%add3A_226, %dma_start3A_391] : memref<64x100000xf32, #tpu.memory_space<hbm>> -> memref<1x10000xf32, #tpu.memory_space<hbm>>
    %dma_start3A_393 = tpu.memref_squeeze %dma_start3A_392 : memref<1x10000xf32, #tpu.memory_space<hbm>> -> memref<10000xf32, #tpu.memory_space<hbm>>
    %dma_start3A_394 = arith.constant 80000 : i32
    %dma_start3A_395 = tpu.memref_slice %arg3[%add3A_226, %dma_start3A_394] : memref<64x100000xf32, #tpu.memory_space<hbm>> -> memref<1x10000xf32, #tpu.memory_space<hbm>>
    %dma_start3A_396 = tpu.memref_squeeze %dma_start3A_395 : memref<1x10000xf32, #tpu.memory_space<hbm>> -> memref<10000xf32, #tpu.memory_space<hbm>>
    tpu.enqueue_dma source(%dma_start3A_396 : memref<10000xf32, #tpu.memory_space<hbm>>) target(%arg6 : memref<10000xf32, #tpu.memory_space<vmem>>) target_semaphore(%arg9 : memref<!tpu.dma_semaphore, #tpu.memory_space<semaphore_mem>>)
    %dma_wait3A_397 = arith.constant 70000 : i32
    %dma_wait3A_398 = tpu.memref_slice %arg3[%add3A_226, %dma_wait3A_397] : memref<64x100000xf32, #tpu.memory_space<hbm>> -> memref<1x10000xf32, #tpu.memory_space<hbm>>
    %dma_wait3A_399 = tpu.memref_squeeze %dma_wait3A_398 : memref<1x10000xf32, #tpu.memory_space<hbm>> -> memref<10000xf32, #tpu.memory_space<hbm>>
    %dma_wait3A_400 = arith.constant 70000 : i32
    %dma_wait3A_401 = tpu.memref_slice %arg3[%add3A_226, %dma_wait3A_400] : memref<64x100000xf32, #tpu.memory_space<hbm>> -> memref<1x10000xf32, #tpu.memory_space<hbm>>
    %dma_wait3A_402 = tpu.memref_squeeze %dma_wait3A_401 : memref<1x10000xf32, #tpu.memory_space<hbm>> -> memref<10000xf32, #tpu.memory_space<hbm>>
    tpu.wait_dma2 semaphore(%arg10 : memref<!tpu.dma_semaphore, #tpu.memory_space<semaphore_mem>>) src(%dma_wait3A_402 : memref<10000xf32, #tpu.memory_space<hbm>>) dst(%arg7 : memref<10000xf32, #tpu.memory_space<vmem>>)
    %scan3A_403 = arith.constant 0 : i32
    %scan3A_404 = arith.constant 125 : i32
    %scan3A_405 = arith.addi %scan3A_403, %scan3A_404 : i32
    %scan3A_406 = arith.constant 1 : i32
    %scan3A_407:2 = scf.for %scan3A_469 = %scan3A_403 to %scan3A_405 step %scan3A_406 iter_args(%scan3A_470 = %scan3A_389#0, %scan3A_471 = %scan3A_389#1) -> (vector<16xf32>, vector<16xi32>)  : i32 {
      %mul3A_472 = arith.constant 80 : i32
      %mul3A_473 = arith.muli %scan3A_469, %mul3A_472 : i32
      %add3A_474 = arith.constant 0 : i32
      %add3A_475 = arith.addi %mul3A_473, %add3A_474 : i32
      %add3A_476 = arith.constant 70000 : i32
      %add3A_477 = arith.addi %add3A_476, %add3A_475 : i32
      %get3A = arith.index_cast %add3A_477 : i32 to index
      %get3A_478 = tpu.vector_load %arg5[%get3A] {strides = array<i32>} : memref<100000xf32, #tpu.memory_space<vmem>>, vector<16xf32>,
      %get3A_479 = arith.index_cast %add3A_475 : i32 to index
      %get3A_480 = tpu.vector_load %arg7[%get3A_479] {strides = array<i32>} : memref<10000xf32, #tpu.memory_space<vmem>>, vector<16xf32>,
      %mul3A_481 = arith.mulf %get3A_478, %div3A_254 : vector<16xf32>
      %add3A_482 = arith.addf %mul3A_481, %get3A_480 : vector<16xf32>
      %add3A_483 = arith.constant 70000 : i32
      %add3A_484 = arith.addi %add3A_483, %add3A_475 : i32
      %add3A_485 = vector.broadcast %add3A_484 : i32 to vector<16xi32>
      %add3A_486 = arith.addi %iota3A, %add3A_485 : vector<16xi32>
      %gt3A = arith.cmpf ogt, %add3A_482, %scan3A_470 : vector<16xf32>
      %select_n3A_487 = arith.select %gt3A, %add3A_482, %scan3A_470 : vector<16xi1>, vector<16xf32>
      %select_n3A_488 = arith.select %gt3A, %add3A_486, %scan3A_471 : vector<16xi1>, vector<16xi32>
      %add3A_489 = arith.constant 16 : i32
      %add3A_490 = arith.addi %mul3A_473, %add3A_489 : i32
      %add3A_491 = arith.constant 70000 : i32
      %add3A_492 = arith.addi %add3A_491, %add3A_490 : i32
      %get3A_493 = arith.index_cast %add3A_492 : i32 to index
      %get3A_494 = tpu.vector_load %arg5[%get3A_493] {strides = array<i32>} : memref<100000xf32, #tpu.memory_space<vmem>>, vector<16xf32>,
      %get3A_495 = arith.index_cast %add3A_490 : i32 to index
      %get3A_496 = tpu.vector_load %arg7[%get3A_495] {strides = array<i32>} : memref<10000xf32, #tpu.memory_space<vmem>>, vector<16xf32>,
      %mul3A_497 = arith.mulf %get3A_494, %div3A_254 : vector<16xf32>
      %add3A_498 = arith.addf %mul3A_497, %get3A_496 : vector<16xf32>
      %add3A_499 = arith.constant 70000 : i32
      %add3A_500 = arith.addi %add3A_499, %add3A_490 : i32
      %add3A_501 = vector.broadcast %add3A_500 : i32 to vector<16xi32>
      %add3A_502 = arith.addi %iota3A, %add3A_501 : vector<16xi32>
      %gt3A_503 = arith.cmpf ogt, %add3A_498, %select_n3A_487 : vector<16xf32>
      %select_n3A_504 = arith.select %gt3A_503, %add3A_498, %select_n3A_487 : vector<16xi1>, vector<16xf32>
      %select_n3A_505 = arith.select %gt3A_503, %add3A_502, %select_n3A_488 : vector<16xi1>, vector<16xi32>
      %add3A_506 = arith.constant 32 : i32
      %add3A_507 = arith.addi %mul3A_473, %add3A_506 : i32
      %add3A_508 = arith.constant 70000 : i32
      %add3A_509 = arith.addi %add3A_508, %add3A_507 : i32
      %get3A_510 = arith.index_cast %add3A_509 : i32 to index
      %get3A_511 = tpu.vector_load %arg5[%get3A_510] {strides = array<i32>} : memref<100000xf32, #tpu.memory_space<vmem>>, vector<16xf32>,
      %get3A_512 = arith.index_cast %add3A_507 : i32 to index
      %get3A_513 = tpu.vector_load %arg7[%get3A_512] {strides = array<i32>} : memref<10000xf32, #tpu.memory_space<vmem>>, vector<16xf32>,
      %mul3A_514 = arith.mulf %get3A_511, %div3A_254 : vector<16xf32>
      %add3A_515 = arith.addf %mul3A_514, %get3A_513 : vector<16xf32>
      %add3A_516 = arith.constant 70000 : i32
      %add3A_517 = arith.addi %add3A_516, %add3A_507 : i32
      %add3A_518 = vector.broadcast %add3A_517 : i32 to vector<16xi32>
      %add3A_519 = arith.addi %iota3A, %add3A_518 : vector<16xi32>
      %gt3A_520 = arith.cmpf ogt, %add3A_515, %select_n3A_504 : vector<16xf32>
      %select_n3A_521 = arith.select %gt3A_520, %add3A_515, %select_n3A_504 : vector<16xi1>, vector<16xf32>
      %select_n3A_522 = arith.select %gt3A_520, %add3A_519, %select_n3A_505 : vector<16xi1>, vector<16xi32>
      %add3A_523 = arith.constant 48 : i32
      %add3A_524 = arith.addi %mul3A_473, %add3A_523 : i32
      %add3A_525 = arith.constant 70000 : i32
      %add3A_526 = arith.addi %add3A_525, %add3A_524 : i32
      %get3A_527 = arith.index_cast %add3A_526 : i32 to index
      %get3A_528 = tpu.vector_load %arg5[%get3A_527] {strides = array<i32>} : memref<100000xf32, #tpu.memory_space<vmem>>, vector<16xf32>,
      %get3A_529 = arith.index_cast %add3A_524 : i32 to index
      %get3A_530 = tpu.vector_load %arg7[%get3A_529] {strides = array<i32>} : memref<10000xf32, #tpu.memory_space<vmem>>, vector<16xf32>,
      %mul3A_531 = arith.mulf %get3A_528, %div3A_254 : vector<16xf32>
      %add3A_532 = arith.addf %mul3A_531, %get3A_530 : vector<16xf32>
      %add3A_533 = arith.constant 70000 : i32
      %add3A_534 = arith.addi %add3A_533, %add3A_524 : i32
      %add3A_535 = vector.broadcast %add3A_534 : i32 to vector<16xi32>
      %add3A_536 = arith.addi %iota3A, %add3A_535 : vector<16xi32>
      %gt3A_537 = arith.cmpf ogt, %add3A_532, %select_n3A_521 : vector<16xf32>
      %select_n3A_538 = arith.select %gt3A_537, %add3A_532, %select_n3A_521 : vector<16xi1>, vector<16xf32>
      %select_n3A_539 = arith.select %gt3A_537, %add3A_536, %select_n3A_522 : vector<16xi1>, vector<16xi32>
      %add3A_540 = arith.constant 64 : i32
      %add3A_541 = arith.addi %mul3A_473, %add3A_540 : i32
      %add3A_542 = arith.constant 70000 : i32
      %add3A_543 = arith.addi %add3A_542, %add3A_541 : i32
      %get3A_544 = arith.index_cast %add3A_543 : i32 to index
      %get3A_545 = tpu.vector_load %arg5[%get3A_544] {strides = array<i32>} : memref<100000xf32, #tpu.memory_space<vmem>>, vector<16xf32>,
      %get3A_546 = arith.index_cast %add3A_541 : i32 to index
      %get3A_547 = tpu.vector_load %arg7[%get3A_546] {strides = array<i32>} : memref<10000xf32, #tpu.memory_space<vmem>>, vector<16xf32>,
      %mul3A_548 = arith.mulf %get3A_545, %div3A_254 : vector<16xf32>
      %add3A_549 = arith.addf %mul3A_548, %get3A_547 : vector<16xf32>
      %add3A_550 = arith.constant 70000 : i32
      %add3A_551 = arith.addi %add3A_550, %add3A_541 : i32
      %add3A_552 = vector.broadcast %add3A_551 : i32 to vector<16xi32>
      %add3A_553 = arith.addi %iota3A, %add3A_552 : vector<16xi32>
      %gt3A_554 = arith.cmpf ogt, %add3A_549, %select_n3A_538 : vector<16xf32>
      %select_n3A_555 = arith.select %gt3A_554, %add3A_549, %select_n3A_538 : vector<16xi1>, vector<16xf32>
      %select_n3A_556 = arith.select %gt3A_554, %add3A_553, %select_n3A_539 : vector<16xi1>, vector<16xi32>
      scf.yield %select_n3A_555, %select_n3A_556 : vector<16xf32>, vector<16xi32>
    }
    %scan3A_408 = arith.constant 125 : i32
    %dma_start3A_409 = arith.constant 90000 : i32
    %dma_start3A_410 = tpu.memref_slice %arg3[%add3A_226, %dma_start3A_409] : memref<64x100000xf32, #tpu.memory_space<hbm>> -> memref<1x10000xf32, #tpu.memory_space<hbm>>
    %dma_start3A_411 = tpu.memref_squeeze %dma_start3A_410 : memref<1x10000xf32, #tpu.memory_space<hbm>> -> memref<10000xf32, #tpu.memory_space<hbm>>
    %dma_start3A_412 = arith.constant 90000 : i32
    %dma_start3A_413 = tpu.memref_slice %arg3[%add3A_226, %dma_start3A_412] : memref<64x100000xf32, #tpu.memory_space<hbm>> -> memref<1x10000xf32, #tpu.memory_space<hbm>>
    %dma_start3A_414 = tpu.memref_squeeze %dma_start3A_413 : memref<1x10000xf32, #tpu.memory_space<hbm>> -> memref<10000xf32, #tpu.memory_space<hbm>>
    tpu.enqueue_dma source(%dma_start3A_414 : memref<10000xf32, #tpu.memory_space<hbm>>) target(%arg7 : memref<10000xf32, #tpu.memory_space<vmem>>) target_semaphore(%arg10 : memref<!tpu.dma_semaphore, #tpu.memory_space<semaphore_mem>>)
    %dma_wait3A_415 = arith.constant 80000 : i32
    %dma_wait3A_416 = tpu.memref_slice %arg3[%add3A_226, %dma_wait3A_415] : memref<64x100000xf32, #tpu.memory_space<hbm>> -> memref<1x10000xf32, #tpu.memory_space<hbm>>
    %dma_wait3A_417 = tpu.memref_squeeze %dma_wait3A_416 : memref<1x10000xf32, #tpu.memory_space<hbm>> -> memref<10000xf32, #tpu.memory_space<hbm>>
    %dma_wait3A_418 = arith.constant 80000 : i32
    %dma_wait3A_419 = tpu.memref_slice %arg3[%add3A_226, %dma_wait3A_418] : memref<64x100000xf32, #tpu.memory_space<hbm>> -> memref<1x10000xf32, #tpu.memory_space<hbm>>
    %dma_wait3A_420 = tpu.memref_squeeze %dma_wait3A_419 : memref<1x10000xf32, #tpu.memory_space<hbm>> -> memref<10000xf32, #tpu.memory_space<hbm>>
    tpu.wait_dma2 semaphore(%arg9 : memref<!tpu.dma_semaphore, #tpu.memory_space<semaphore_mem>>) src(%dma_wait3A_420 : memref<10000xf32, #tpu.memory_space<hbm>>) dst(%arg6 : memref<10000xf32, #tpu.memory_space<vmem>>)
    %scan3A_421 = arith.constant 0 : i32
    %scan3A_422 = arith.constant 125 : i32
    %scan3A_423 = arith.addi %scan3A_421, %scan3A_422 : i32
    %scan3A_424 = arith.constant 1 : i32
    %scan3A_425:2 = scf.for %scan3A_469 = %scan3A_421 to %scan3A_423 step %scan3A_424 iter_args(%scan3A_470 = %scan3A_407#0, %scan3A_471 = %scan3A_407#1) -> (vector<16xf32>, vector<16xi32>)  : i32 {
      %mul3A_472 = arith.constant 80 : i32
      %mul3A_473 = arith.muli %scan3A_469, %mul3A_472 : i32
      %add3A_474 = arith.constant 0 : i32
      %add3A_475 = arith.addi %mul3A_473, %add3A_474 : i32
      %add3A_476 = arith.constant 80000 : i32
      %add3A_477 = arith.addi %add3A_476, %add3A_475 : i32
      %get3A = arith.index_cast %add3A_477 : i32 to index
      %get3A_478 = tpu.vector_load %arg5[%get3A] {strides = array<i32>} : memref<100000xf32, #tpu.memory_space<vmem>>, vector<16xf32>,
      %get3A_479 = arith.index_cast %add3A_475 : i32 to index
      %get3A_480 = tpu.vector_load %arg6[%get3A_479] {strides = array<i32>} : memref<10000xf32, #tpu.memory_space<vmem>>, vector<16xf32>,
      %mul3A_481 = arith.mulf %get3A_478, %div3A_254 : vector<16xf32>
      %add3A_482 = arith.addf %mul3A_481, %get3A_480 : vector<16xf32>
      %add3A_483 = arith.constant 80000 : i32
      %add3A_484 = arith.addi %add3A_483, %add3A_475 : i32
      %add3A_485 = vector.broadcast %add3A_484 : i32 to vector<16xi32>
      %add3A_486 = arith.addi %iota3A, %add3A_485 : vector<16xi32>
      %gt3A = arith.cmpf ogt, %add3A_482, %scan3A_470 : vector<16xf32>
      %select_n3A_487 = arith.select %gt3A, %add3A_482, %scan3A_470 : vector<16xi1>, vector<16xf32>
      %select_n3A_488 = arith.select %gt3A, %add3A_486, %scan3A_471 : vector<16xi1>, vector<16xi32>
      %add3A_489 = arith.constant 16 : i32
      %add3A_490 = arith.addi %mul3A_473, %add3A_489 : i32
      %add3A_491 = arith.constant 80000 : i32
      %add3A_492 = arith.addi %add3A_491, %add3A_490 : i32
      %get3A_493 = arith.index_cast %add3A_492 : i32 to index
      %get3A_494 = tpu.vector_load %arg5[%get3A_493] {strides = array<i32>} : memref<100000xf32, #tpu.memory_space<vmem>>, vector<16xf32>,
      %get3A_495 = arith.index_cast %add3A_490 : i32 to index
      %get3A_496 = tpu.vector_load %arg6[%get3A_495] {strides = array<i32>} : memref<10000xf32, #tpu.memory_space<vmem>>, vector<16xf32>,
      %mul3A_497 = arith.mulf %get3A_494, %div3A_254 : vector<16xf32>
      %add3A_498 = arith.addf %mul3A_497, %get3A_496 : vector<16xf32>
      %add3A_499 = arith.constant 80000 : i32
      %add3A_500 = arith.addi %add3A_499, %add3A_490 : i32
      %add3A_501 = vector.broadcast %add3A_500 : i32 to vector<16xi32>
      %add3A_502 = arith.addi %iota3A, %add3A_501 : vector<16xi32>
      %gt3A_503 = arith.cmpf ogt, %add3A_498, %select_n3A_487 : vector<16xf32>
      %select_n3A_504 = arith.select %gt3A_503, %add3A_498, %select_n3A_487 : vector<16xi1>, vector<16xf32>
      %select_n3A_505 = arith.select %gt3A_503, %add3A_502, %select_n3A_488 : vector<16xi1>, vector<16xi32>
      %add3A_506 = arith.constant 32 : i32
      %add3A_507 = arith.addi %mul3A_473, %add3A_506 : i32
      %add3A_508 = arith.constant 80000 : i32
      %add3A_509 = arith.addi %add3A_508, %add3A_507 : i32
      %get3A_510 = arith.index_cast %add3A_509 : i32 to index
      %get3A_511 = tpu.vector_load %arg5[%get3A_510] {strides = array<i32>} : memref<100000xf32, #tpu.memory_space<vmem>>, vector<16xf32>,
      %get3A_512 = arith.index_cast %add3A_507 : i32 to index
      %get3A_513 = tpu.vector_load %arg6[%get3A_512] {strides = array<i32>} : memref<10000xf32, #tpu.memory_space<vmem>>, vector<16xf32>,
      %mul3A_514 = arith.mulf %get3A_511, %div3A_254 : vector<16xf32>
      %add3A_515 = arith.addf %mul3A_514, %get3A_513 : vector<16xf32>
      %add3A_516 = arith.constant 80000 : i32
      %add3A_517 = arith.addi %add3A_516, %add3A_507 : i32
      %add3A_518 = vector.broadcast %add3A_517 : i32 to vector<16xi32>
      %add3A_519 = arith.addi %iota3A, %add3A_518 : vector<16xi32>
      %gt3A_520 = arith.cmpf ogt, %add3A_515, %select_n3A_504 : vector<16xf32>
      %select_n3A_521 = arith.select %gt3A_520, %add3A_515, %select_n3A_504 : vector<16xi1>, vector<16xf32>
      %select_n3A_522 = arith.select %gt3A_520, %add3A_519, %select_n3A_505 : vector<16xi1>, vector<16xi32>
      %add3A_523 = arith.constant 48 : i32
      %add3A_524 = arith.addi %mul3A_473, %add3A_523 : i32
      %add3A_525 = arith.constant 80000 : i32
      %add3A_526 = arith.addi %add3A_525, %add3A_524 : i32
      %get3A_527 = arith.index_cast %add3A_526 : i32 to index
      %get3A_528 = tpu.vector_load %arg5[%get3A_527] {strides = array<i32>} : memref<100000xf32, #tpu.memory_space<vmem>>, vector<16xf32>,
      %get3A_529 = arith.index_cast %add3A_524 : i32 to index
      %get3A_530 = tpu.vector_load %arg6[%get3A_529] {strides = array<i32>} : memref<10000xf32, #tpu.memory_space<vmem>>, vector<16xf32>,
      %mul3A_531 = arith.mulf %get3A_528, %div3A_254 : vector<16xf32>
      %add3A_532 = arith.addf %mul3A_531, %get3A_530 : vector<16xf32>
      %add3A_533 = arith.constant 80000 : i32
      %add3A_534 = arith.addi %add3A_533, %add3A_524 : i32
      %add3A_535 = vector.broadcast %add3A_534 : i32 to vector<16xi32>
      %add3A_536 = arith.addi %iota3A, %add3A_535 : vector<16xi32>
      %gt3A_537 = arith.cmpf ogt, %add3A_532, %select_n3A_521 : vector<16xf32>
      %select_n3A_538 = arith.select %gt3A_537, %add3A_532, %select_n3A_521 : vector<16xi1>, vector<16xf32>
      %select_n3A_539 = arith.select %gt3A_537, %add3A_536, %select_n3A_522 : vector<16xi1>, vector<16xi32>
      %add3A_540 = arith.constant 64 : i32
      %add3A_541 = arith.addi %mul3A_473, %add3A_540 : i32
      %add3A_542 = arith.constant 80000 : i32
      %add3A_543 = arith.addi %add3A_542, %add3A_541 : i32
      %get3A_544 = arith.index_cast %add3A_543 : i32 to index
      %get3A_545 = tpu.vector_load %arg5[%get3A_544] {strides = array<i32>} : memref<100000xf32, #tpu.memory_space<vmem>>, vector<16xf32>,
      %get3A_546 = arith.index_cast %add3A_541 : i32 to index
      %get3A_547 = tpu.vector_load %arg6[%get3A_546] {strides = array<i32>} : memref<10000xf32, #tpu.memory_space<vmem>>, vector<16xf32>,
      %mul3A_548 = arith.mulf %get3A_545, %div3A_254 : vector<16xf32>
      %add3A_549 = arith.addf %mul3A_548, %get3A_547 : vector<16xf32>
      %add3A_550 = arith.constant 80000 : i32
      %add3A_551 = arith.addi %add3A_550, %add3A_541 : i32
      %add3A_552 = vector.broadcast %add3A_551 : i32 to vector<16xi32>
      %add3A_553 = arith.addi %iota3A, %add3A_552 : vector<16xi32>
      %gt3A_554 = arith.cmpf ogt, %add3A_549, %select_n3A_538 : vector<16xf32>
      %select_n3A_555 = arith.select %gt3A_554, %add3A_549, %select_n3A_538 : vector<16xi1>, vector<16xf32>
      %select_n3A_556 = arith.select %gt3A_554, %add3A_553, %select_n3A_539 : vector<16xi1>, vector<16xi32>
      scf.yield %select_n3A_555, %select_n3A_556 : vector<16xf32>, vector<16xi32>
    }
    %scan3A_426 = arith.constant 125 : i32
    %dma_wait3A_427 = arith.constant 90000 : i32
    %dma_wait3A_428 = tpu.memref_slice %arg3[%add3A_226, %dma_wait3A_427] : memref<64x100000xf32, #tpu.memory_space<hbm>> -> memref<1x10000xf32, #tpu.memory_space<hbm>>
    %dma_wait3A_429 = tpu.memref_squeeze %dma_wait3A_428 : memref<1x10000xf32, #tpu.memory_space<hbm>> -> memref<10000xf32, #tpu.memory_space<hbm>>
    %dma_wait3A_430 = arith.constant 90000 : i32
    %dma_wait3A_431 = tpu.memref_slice %arg3[%add3A_226, %dma_wait3A_430] : memref<64x100000xf32, #tpu.memory_space<hbm>> -> memref<1x10000xf32, #tpu.memory_space<hbm>>
    %dma_wait3A_432 = tpu.memref_squeeze %dma_wait3A_431 : memref<1x10000xf32, #tpu.memory_space<hbm>> -> memref<10000xf32, #tpu.memory_space<hbm>>
    tpu.wait_dma2 semaphore(%arg10 : memref<!tpu.dma_semaphore, #tpu.memory_space<semaphore_mem>>) src(%dma_wait3A_432 : memref<10000xf32, #tpu.memory_space<hbm>>) dst(%arg7 : memref<10000xf32, #tpu.memory_space<vmem>>)
    %scan3A_433 = arith.constant 0 : i32
    %scan3A_434 = arith.constant 125 : i32
    %scan3A_435 = arith.addi %scan3A_433, %scan3A_434 : i32
    %scan3A_436 = arith.constant 1 : i32
    %scan3A_437:2 = scf.for %scan3A_469 = %scan3A_433 to %scan3A_435 step %scan3A_436 iter_args(%scan3A_470 = %scan3A_425#0, %scan3A_471 = %scan3A_425#1) -> (vector<16xf32>, vector<16xi32>)  : i32 {
      %mul3A_472 = arith.constant 80 : i32
      %mul3A_473 = arith.muli %scan3A_469, %mul3A_472 : i32
      %add3A_474 = arith.constant 0 : i32
      %add3A_475 = arith.addi %mul3A_473, %add3A_474 : i32
      %add3A_476 = arith.constant 90000 : i32
      %add3A_477 = arith.addi %add3A_476, %add3A_475 : i32
      %get3A = arith.index_cast %add3A_477 : i32 to index
      %get3A_478 = tpu.vector_load %arg5[%get3A] {strides = array<i32>} : memref<100000xf32, #tpu.memory_space<vmem>>, vector<16xf32>,
      %get3A_479 = arith.index_cast %add3A_475 : i32 to index
      %get3A_480 = tpu.vector_load %arg7[%get3A_479] {strides = array<i32>} : memref<10000xf32, #tpu.memory_space<vmem>>, vector<16xf32>,
      %mul3A_481 = arith.mulf %get3A_478, %div3A_254 : vector<16xf32>
      %add3A_482 = arith.addf %mul3A_481, %get3A_480 : vector<16xf32>
      %add3A_483 = arith.constant 90000 : i32
      %add3A_484 = arith.addi %add3A_483, %add3A_475 : i32
      %add3A_485 = vector.broadcast %add3A_484 : i32 to vector<16xi32>
      %add3A_486 = arith.addi %iota3A, %add3A_485 : vector<16xi32>
      %gt3A = arith.cmpf ogt, %add3A_482, %scan3A_470 : vector<16xf32>
      %select_n3A_487 = arith.select %gt3A, %add3A_482, %scan3A_470 : vector<16xi1>, vector<16xf32>
      %select_n3A_488 = arith.select %gt3A, %add3A_486, %scan3A_471 : vector<16xi1>, vector<16xi32>
      %add3A_489 = arith.constant 16 : i32
      %add3A_490 = arith.addi %mul3A_473, %add3A_489 : i32
      %add3A_491 = arith.constant 90000 : i32
      %add3A_492 = arith.addi %add3A_491, %add3A_490 : i32
      %get3A_493 = arith.index_cast %add3A_492 : i32 to index
      %get3A_494 = tpu.vector_load %arg5[%get3A_493] {strides = array<i32>} : memref<100000xf32, #tpu.memory_space<vmem>>, vector<16xf32>,
      %get3A_495 = arith.index_cast %add3A_490 : i32 to index
      %get3A_496 = tpu.vector_load %arg7[%get3A_495] {strides = array<i32>} : memref<10000xf32, #tpu.memory_space<vmem>>, vector<16xf32>,
      %mul3A_497 = arith.mulf %get3A_494, %div3A_254 : vector<16xf32>
      %add3A_498 = arith.addf %mul3A_497, %get3A_496 : vector<16xf32>
      %add3A_499 = arith.constant 90000 : i32
      %add3A_500 = arith.addi %add3A_499, %add3A_490 : i32
      %add3A_501 = vector.broadcast %add3A_500 : i32 to vector<16xi32>
      %add3A_502 = arith.addi %iota3A, %add3A_501 : vector<16xi32>
      %gt3A_503 = arith.cmpf ogt, %add3A_498, %select_n3A_487 : vector<16xf32>
      %select_n3A_504 = arith.select %gt3A_503, %add3A_498, %select_n3A_487 : vector<16xi1>, vector<16xf32>
      %select_n3A_505 = arith.select %gt3A_503, %add3A_502, %select_n3A_488 : vector<16xi1>, vector<16xi32>
      %add3A_506 = arith.constant 32 : i32
      %add3A_507 = arith.addi %mul3A_473, %add3A_506 : i32
      %add3A_508 = arith.constant 90000 : i32
      %add3A_509 = arith.addi %add3A_508, %add3A_507 : i32
      %get3A_510 = arith.index_cast %add3A_509 : i32 to index
      %get3A_511 = tpu.vector_load %arg5[%get3A_510] {strides = array<i32>} : memref<100000xf32, #tpu.memory_space<vmem>>, vector<16xf32>,
      %get3A_512 = arith.index_cast %add3A_507 : i32 to index
      %get3A_513 = tpu.vector_load %arg7[%get3A_512] {strides = array<i32>} : memref<10000xf32, #tpu.memory_space<vmem>>, vector<16xf32>,
      %mul3A_514 = arith.mulf %get3A_511, %div3A_254 : vector<16xf32>
      %add3A_515 = arith.addf %mul3A_514, %get3A_513 : vector<16xf32>
      %add3A_516 = arith.constant 90000 : i32
      %add3A_517 = arith.addi %add3A_516, %add3A_507 : i32
      %add3A_518 = vector.broadcast %add3A_517 : i32 to vector<16xi32>
      %add3A_519 = arith.addi %iota3A, %add3A_518 : vector<16xi32>
      %gt3A_520 = arith.cmpf ogt, %add3A_515, %select_n3A_504 : vector<16xf32>
      %select_n3A_521 = arith.select %gt3A_520, %add3A_515, %select_n3A_504 : vector<16xi1>, vector<16xf32>
      %select_n3A_522 = arith.select %gt3A_520, %add3A_519, %select_n3A_505 : vector<16xi1>, vector<16xi32>
      %add3A_523 = arith.constant 48 : i32
      %add3A_524 = arith.addi %mul3A_473, %add3A_523 : i32
      %add3A_525 = arith.constant 90000 : i32
      %add3A_526 = arith.addi %add3A_525, %add3A_524 : i32
      %get3A_527 = arith.index_cast %add3A_526 : i32 to index
      %get3A_528 = tpu.vector_load %arg5[%get3A_527] {strides = array<i32>} : memref<100000xf32, #tpu.memory_space<vmem>>, vector<16xf32>,
      %get3A_529 = arith.index_cast %add3A_524 : i32 to index
      %get3A_530 = tpu.vector_load %arg7[%get3A_529] {strides = array<i32>} : memref<10000xf32, #tpu.memory_space<vmem>>, vector<16xf32>,
      %mul3A_531 = arith.mulf %get3A_528, %div3A_254 : vector<16xf32>
      %add3A_532 = arith.addf %mul3A_531, %get3A_530 : vector<16xf32>
      %add3A_533 = arith.constant 90000 : i32
      %add3A_534 = arith.addi %add3A_533, %add3A_524 : i32
      %add3A_535 = vector.broadcast %add3A_534 : i32 to vector<16xi32>
      %add3A_536 = arith.addi %iota3A, %add3A_535 : vector<16xi32>
      %gt3A_537 = arith.cmpf ogt, %add3A_532, %select_n3A_521 : vector<16xf32>
      %select_n3A_538 = arith.select %gt3A_537, %add3A_532, %select_n3A_521 : vector<16xi1>, vector<16xf32>
      %select_n3A_539 = arith.select %gt3A_537, %add3A_536, %select_n3A_522 : vector<16xi1>, vector<16xi32>
      %add3A_540 = arith.constant 64 : i32
      %add3A_541 = arith.addi %mul3A_473, %add3A_540 : i32
      %add3A_542 = arith.constant 90000 : i32
      %add3A_543 = arith.addi %add3A_542, %add3A_541 : i32
      %get3A_544 = arith.index_cast %add3A_543 : i32 to index
      %get3A_545 = tpu.vector_load %arg5[%get3A_544] {strides = array<i32>} : memref<100000xf32, #tpu.memory_space<vmem>>, vector<16xf32>,
      %get3A_546 = arith.index_cast %add3A_541 : i32 to index
      %get3A_547 = tpu.vector_load %arg7[%get3A_546] {strides = array<i32>} : memref<10000xf32, #tpu.memory_space<vmem>>, vector<16xf32>,
      %mul3A_548 = arith.mulf %get3A_545, %div3A_254 : vector<16xf32>
      %add3A_549 = arith.addf %mul3A_548, %get3A_547 : vector<16xf32>
      %add3A_550 = arith.constant 90000 : i32
      %add3A_551 = arith.addi %add3A_550, %add3A_541 : i32
      %add3A_552 = vector.broadcast %add3A_551 : i32 to vector<16xi32>
      %add3A_553 = arith.addi %iota3A, %add3A_552 : vector<16xi32>
      %gt3A_554 = arith.cmpf ogt, %add3A_549, %select_n3A_538 : vector<16xf32>
      %select_n3A_555 = arith.select %gt3A_554, %add3A_549, %select_n3A_538 : vector<16xi1>, vector<16xf32>
      %select_n3A_556 = arith.select %gt3A_554, %add3A_553, %select_n3A_539 : vector<16xi1>, vector<16xi32>
      scf.yield %select_n3A_555, %select_n3A_556 : vector<16xf32>, vector<16xi32>
    }
    %scan3A_438 = arith.constant 125 : i32
    %reduce_max3A_439 = arith.constant true
    %reduce_max3A_440 = vector.broadcast %reduce_max3A_439 : i1 to vector<16xi1>
    %reduce_max3A_441 = tpu.scan <max>, %scan3A_437#0 masked %reduce_max3A_440 : vector<16xf32>, vector<16xi1> -> vector<16xf32>
    %reduce_max3A_442 = vector.extract %reduce_max3A_441[15] : f32 from vector<16xf32>
    %eq3A_443 = vector.broadcast %reduce_max3A_442 : f32 to vector<16xf32>
    %eq3A_444 = arith.cmpf oeq, %scan3A_437#0, %eq3A_443 : vector<16xf32>
    %jit3A_445 = arith.constant 2147483647 : i32
    %broadcast_in_dim3A_446 = vector.broadcast %jit3A_445 : i32 to vector<16xi32>
    %select_n3A_447 = arith.select %eq3A_444, %scan3A_437#1, %broadcast_in_dim3A_446 : vector<16xi1>, vector<16xi32>
    %reduce_min3A_448 = arith.constant true
    %reduce_min3A_449 = vector.broadcast %reduce_min3A_448 : i1 to vector<16xi1>
    %reduce_min3A_450 = arith.constant -2147483648 : i32
    %reduce_min3A_451 = vector.broadcast %reduce_min3A_450 : i32 to vector<16xi32>
    %reduce_min3A_452 = arith.xori %select_n3A_447, %reduce_min3A_451 : vector<16xi32>
    %reduce_min3A_453 = tpu.scan <min>, %reduce_min3A_452 masked %reduce_min3A_449 : vector<16xi32>, vector<16xi1> -> vector<16xi32>
    %reduce_min3A_454 = arith.xori %reduce_min3A_453, %reduce_min3A_451 : vector<16xi32>
    %reduce_min3A_455 = vector.extract %reduce_min3A_454[15] : i32 from vector<16xi32>
    %broadcast_in_dim3A_456 = arith.constant 0 : i32
    %broadcast_in_dim3A_457 = vector.broadcast %broadcast_in_dim3A_456 : i32 to vector<16xi32>
    %eq3A_458 = arith.constant 0 : i32
    %eq3A_459 = vector.broadcast %eq3A_458 : i32 to vector<16xi32>
    %eq3A_460 = arith.cmpi eq, %iota3A, %eq3A_459 : vector<16xi32>
    %broadcast_in_dim3A_461 = vector.broadcast %reduce_min3A_222 : i32 to vector<16xi32>
    %select_n3A_462 = arith.select %eq3A_460, %broadcast_in_dim3A_461, %broadcast_in_dim3A_457 : vector<16xi1>, vector<16xi32>
    %eq3A_463 = arith.constant 1 : i32
    %eq3A_464 = vector.broadcast %eq3A_463 : i32 to vector<16xi32>
    %eq3A_465 = arith.cmpi eq, %iota3A, %eq3A_464 : vector<16xi32>
    %broadcast_in_dim3A_466 = vector.broadcast %reduce_min3A_455 : i32 to vector<16xi32>
    %select_n3A_467 = arith.select %eq3A_465, %broadcast_in_dim3A_466, %select_n3A_462 : vector<16xi1>, vector<16xi32>
    %swap3A = arith.constant 0 : index
    %swap3A_468 = tpu.vector_load %arg8[%swap3A] {strides = array<i32>} : memref<16xi32, #tpu.memory_space<vmem>>, vector<16xi32>,
    tpu.vector_store %arg8[%swap3A], %select_n3A_467 {strides = array<i32>} : memref<16xi32, #tpu.memory_space<vmem>>, vector<16xi32>,
    "tpu.region"() ({
      %run_scoped3A = tpu.sem_alloc : memref<!tpu.dma_semaphore, #tpu.memory_space<semaphore_mem>>
      %dma_start3A_469 = arith.constant 0 : i32
      %dma_start3A_470 = tpu.memref_slice %arg4[%add3A, %dma_start3A_469] : memref<32x16xi32, #tpu.memory_space<hbm>> -> memref<1x16xi32, #tpu.memory_space<hbm>>
      %dma_start3A_471 = tpu.memref_squeeze %dma_start3A_470 : memref<1x16xi32, #tpu.memory_space<hbm>> -> memref<16xi32, #tpu.memory_space<hbm>>
      %dma_start3A_472 = arith.constant 0 : i32
      %dma_start3A_473 = tpu.memref_slice %arg4[%add3A, %dma_start3A_472] : memref<32x16xi32, #tpu.memory_space<hbm>> -> memref<1x16xi32, #tpu.memory_space<hbm>>
      %dma_start3A_474 = tpu.memref_squeeze %dma_start3A_473 : memref<1x16xi32, #tpu.memory_space<hbm>> -> memref<16xi32, #tpu.memory_space<hbm>>
      tpu.enqueue_dma source(%arg8 : memref<16xi32, #tpu.memory_space<vmem>>) target(%dma_start3A_474 : memref<16xi32, #tpu.memory_space<hbm>>) target_semaphore(%run_scoped3A : memref<!tpu.dma_semaphore, #tpu.memory_space<semaphore_mem>>)
      %dma_wait3A_475 = arith.constant 0 : i32
      %dma_wait3A_476 = tpu.memref_slice %arg4[%add3A, %dma_wait3A_475] : memref<32x16xi32, #tpu.memory_space<hbm>> -> memref<1x16xi32, #tpu.memory_space<hbm>>
      %dma_wait3A_477 = tpu.memref_squeeze %dma_wait3A_476 : memref<1x16xi32, #tpu.memory_space<hbm>> -> memref<16xi32, #tpu.memory_space<hbm>>
      %dma_wait3A_478 = arith.constant 0 : i32
      %dma_wait3A_479 = tpu.memref_slice %arg4[%add3A, %dma_wait3A_478] : memref<32x16xi32, #tpu.memory_space<hbm>> -> memref<1x16xi32, #tpu.memory_space<hbm>>
      %dma_wait3A_480 = tpu.memref_squeeze %dma_wait3A_479 : memref<1x16xi32, #tpu.memory_space<hbm>> -> memref<16xi32, #tpu.memory_space<hbm>>
      tpu.wait_dma2 semaphore(%run_scoped3A : memref<!tpu.dma_semaphore, #tpu.memory_space<semaphore_mem>>) src(%arg8 : memref<16xi32, #tpu.memory_space<vmem>>) dst(%dma_wait3A_480 : memref<16xi32, #tpu.memory_space<hbm>>)
      tpu.yield
    }) : () -> ()
    return
  }
}

</mosaic_0001>

<sc_bundles>
// kernel: kernel.3.cloned.1.call-start
scs
__scs_entry_jumppad:
0x0: {  	(pc) =	sbr.rel $0x88, $3  }
0x1: {  	(tag) =	ssettag $0x0;
	lr =	simm.s32 $0x1  }
0x2: {  	[smem:$0x3FA0] =	sst lr;
	_ =	strace $0xD0000000  }
0x3: {  	_ = 	snop  }
0x4: {  	_ = 	snop  }
0x5: {  	_ = 	snop  }
0x6: {  	_ = 	snop  }
0x7: {  	_ = 	snop  }
__scs_overlays_trampoline_lowered:
0x8: {  	[smem:$0x3FAF] =	sst s0  }
0x9: {  	[smem:$0x3FB0] =	sst s1  }
0xa: {  	[smem:$0x3FB1] =	sst s2  }
0xb: {  	[smem:$0x3FB2] =	sst s3  }
0xc: {  	[smem:$0x3FB3] =	sst s4  }
0xd: {  	[smem:$0x3FB4] =	sst s5  }
0xe: {  	[smem:$0x3FB5] =	sst s6  }
0xf: {  	[smem:$0x3FB6] =	sst s7  }
0x10: {  	[smem:$0x3FB7] =	sst s8  }
0x11: {  	[smem:$0x3FB8] =	sst s9;
	s0 =	simm.s32 @!p0 $0x0  }
0x12: {  	s1 =	sld [smem:$0x3F9E];
	s0 =	simm.s32 @p0 $0x1  }
0x13: {  	[smem:$0x3FB9] =	sst s0;
	s0 =	simm.s32 @!p1 $0x0  }
0x14: {  	s2 =	sld [smem:$0x3F9D];
	s0 =	simm.s32 @p1 $0x1  }
0x15: {  	[smem:$0x3FBA] =	sst s0;
	s0 =	simm.s32 @!p2 $0x0  }
0x16: {  	s3 =	sld [smem:$0x3FDB];
	s0 =	simm.s32 @p2 $0x1  }
0x17: {  	s4 =	simm.s32 $0x1BF5;
	[smem:$0x3FBC] =	sst s0  }
0x18: {  	s0 =	sld [smem:$0x3F9F];
	_ =	swait.ge [sflag:s4], $0x0  }
0x19: {  	s7 =	sld [smem:$0x3FA0]  }
0x1a: {  	s8 =	sadd.s32 $0xFFFFE003, lr  }
0x1b: {  	s9 =	sadd.s32 $0xFFFFFEF7, lr;
	s5 =	simm.s32 $0xFFFFFFFF;
	p2 =	slt.u32 s8, $0xFFFFF086  }
0x1c: {  	p1 =	slt.u32 s9, $0xF7A;
	s5 =	simm.s32 @!p2 $0x0  }
0x1d: {  	s5 =	simm.s32 @p1 $0x1;
	p0 =	seq.s32 s7, s2  }
0x1e: {  	s7 =	smul.u32 @!p0 $0xF7A, s2;
	p2 =	seq.s32 @!p0 s5, $0x0  }
0x1f: {  	s9 =	smul.u32 $0xF7A, s1;
	s8 =	simm.s32 @!p0 $0x1BF5;
	p2 =	por !p2, p0  }
0x20: {  	[sflag:s8] =	ssyncset.s32 @!p0 $0xFFFFF086;
	s6 =	sadd.s32 @!p0 s3, s7;
	s7 =	simm.s32 @!p0 $0x108  }
0x21: {  	s3 =	sadd.s32 s3, s9;
	s6 =	sadd.s32 @!p0 $0x88, s6;
	s7 =	simm.s32 @p2 $0x1082  }
0x22: {  	[simem:s7], [sflag:s8] =	dma.local @!p0 [hbm:s6], $0xF7A  }
0x23: {  	s9 =	sor.u32 $0xD0000000, s2;
	s6 =	simm.s32 $0x108;
	_ =	swait.ge @!p0 [sflag:s8], $0x0  }
0x24: {  	s3 =	sadd.s32 $0x88, s3;
	s6 =	simm.s32 @!p1 $0x1082;
	[sflag:s4] =	ssyncset.s32 $0xFFFFF086  }
0x25: {  	[simem:s6], [sflag:s4] =	dma.local [hbm:s3], $0xF7A  }
0x26: {  	[smem:$0x3FA0] =	sst s1;
	(tag) =	ssettag s2;
	_ =	strace s9  }
0x27: {  	s1 =	sld [smem:$0x3FB0]  }
0x28: {  	s2 =	sld [smem:$0x3FB1]  }
0x29: {  	s4 =	sld [smem:$0x3FB3]  }
0x2a: {  	p0 =	seq.s32 s5, $0x0;
	s5 =	sld [smem:$0x3FB4]  }
0x2b: {  	s6 =	sld [smem:$0x3FB5]  }
0x2c: {  	s7 =	sld [smem:$0x3FB6]  }
0x2d: {  	s3 =	simm.s32 $0x108;
	s8 =	sld [smem:$0x3FB7]  }
0x2e: {  	s3 =	simm.s32 @!p0 $0x1082;
	s9 =	sld [smem:$0x3FB8]  }
0x2f: {  	lr =	sadd.s32 s0, s3;
	s0 =	sld [smem:$0x3FAF]  }
0x30: {  	s3 =	sld [smem:$0x3FB2]  }
0x31: {  	[smem:$0x3FBB] =	sst s10  }
0x32: {  	s10 =	sld [smem:$0x3FB9];
	_ =	sdelay $0x3  }
0x33: {  	p0 =	seq.s32 s10, $0x1;
	s10 =	sld [smem:$0x3FBB];
	_ =	sdelay $0x3  }
0x34: {  	[smem:$0x3FBB] =	sst s10  }
0x35: {  	s10 =	sld [smem:$0x3FBA];
	_ =	sdelay $0x3  }
0x36: {  	p1 =	seq.s32 s10, $0x1;
	s10 =	sld [smem:$0x3FBB];
	_ =	sdelay $0x3  }
0x37: {  	[smem:$0x3FBB] =	sst s10  }
0x38: {  	s10 =	sld [smem:$0x3FBC]  }
0x39: {  	_ = 	snop;
	(pc) =	sbr.ind lr, $3  }
0x3a: {  	_ = 	snop  }
0x3b: {  	_ = 	snop  }
0x3c: {  	p2 =	seq.s32 s10, $0x1;
	s10 =	sld [smem:$0x3FBB]  }
0x3d: {  	_ =	shalt  }
0x3e: {  	_ =	shalt  }
0x3f: {  	_ =	shalt  }
0x40: {  	_ =	shalt  }
0x41: {  	_ =	shalt  }
0x42: {  	_ =	shalt  }
0x43: {  	_ =	shalt  }
0x44: {  	_ =	shalt  }
0x45: {  	_ =	shalt  }
0x46: {  	_ =	shalt  }
0x47: {  	_ =	shalt  }
0x48: {  	_ =	shalt  }
0x49: {  	_ =	shalt  }
0x4a: {  	_ =	shalt  }
0x4b: {  	_ =	shalt  }
0x4c: {  	_ =	shalt  }
0x4d: {  	_ =	shalt  }
0x4e: {  	_ =	shalt  }
0x4f: {  	_ =	shalt  }
0x50: {  	_ =	shalt  }
0x51: {  	_ =	shalt  }
0x52: {  	_ =	shalt  }
0x53: {  	_ =	shalt  }
0x54: {  	_ =	shalt  }
0x55: {  	_ =	shalt  }
0x56: {  	_ =	shalt  }
0x57: {  	_ =	shalt  }
0x58: {  	_ =	shalt  }
0x59: {  	_ =	shalt  }
0x5a: {  	_ =	shalt  }
0x5b: {  	_ =	shalt  }
0x5c: {  	_ =	shalt  }
0x5d: {  	_ =	shalt  }
0x5e: {  	_ =	shalt  }
0x5f: {  	_ =	shalt  }
0x60: {  	_ =	shalt  }
0x61: {  	_ =	shalt  }
0x62: {  	_ =	shalt  }
0x63: {  	_ =	shalt  }
0x64: {  	_ =	shalt  }
0x65: {  	_ =	shalt  }
0x66: {  	_ =	shalt  }
0x67: {  	_ =	shalt  }
0x68: {  	_ =	shalt  }
0x69: {  	_ =	shalt  }
0x6a: {  	_ =	shalt  }
0x6b: {  	_ =	shalt  }
0x6c: {  	_ =	shalt  }
0x6d: {  	_ =	shalt  }
0x6e: {  	_ =	shalt  }
0x6f: {  	_ =	shalt  }
0x70: {  	_ =	shalt  }
0x71: {  	_ =	shalt  }
0x72: {  	_ =	shalt  }
0x73: {  	_ =	shalt  }
0x74: {  	_ =	shalt  }
0x75: {  	_ =	shalt  }
0x76: {  	_ =	shalt  }
0x77: {  	_ =	shalt  }
0x78: {  	_ =	shalt  }
0x79: {  	_ =	shalt  }
0x7a: {  	_ =	shalt  }
0x7b: {  	_ =	shalt  }
0x7c: {  	_ =	shalt  }
0x7d: {  	_ =	shalt  }
0x7e: {  	_ =	shalt  }
0x7f: {  	_ =	shalt  }
0x80: {  	_ =	shalt  }
0x81: {  	_ =	shalt  }
0x82: {  	_ =	shalt  }
0x83: {  	_ =	shalt  }
0x84: {  	_ =	shalt  }
0x85: {  	_ =	shalt  }
0x86: {  	_ =	shalt  }
0x87: {  	_ =	shalt  }
.Lfunc_end0:
.L_simem_size_0:
called_computation_lowered:
.L_overlay_start_0:
0x88: {  	s2 =	sld [smem:$0x3FD9]  }
0x89: {  	s3 =	sld [smem:$0x3FFE];
	_ =	sdelay $0x1  }
0x8a: {  	s1 =	srdreg.scid  }
0x8b: {  	s0 =	sand.u32 $0x1, s1  }
0x8c: {  	s16 =	sshll.u32 s0, $0xA;
	s2 =	sadd.s32 s3, s2  }
0x8d: {  	s2 =	sadd.s32 s2, s16  }
0x8e: {  	[smem:$0x3FC7] =	sst s2  }
0x8f: {  	_ = 	snop  }
0x90: {  	(tm) =	ssettm $0x1  }
0x91: {  	s17 =	sld [smem:$0x3FFB];
	_ =	sdelay $0x3  }
0x92: {  	_ =	strace s17  }
0x93: {  	s2 =	sld [smem:$0x3FFC];
	_ =	sdelay $0x3  }
0x94: {  	_ =	strace s2  }
0x95: {  	s2 =	sld [smem:$0x3FFD];
	_ =	sdelay $0x3  }
0x96: {  	_ =	strace s2  }
0x97: {  	_ =	strace $0x8FFFFFFF  }
0x98: {  	s18 =	sld [smem:$0x3FDB];
	_ =	sdelay $0x1  }
0x99: {  	s19 =	simm.s32 $_scs_section_size  }
0x9a: {  	s4 =	simm.s32 $_size__tile_overlayer_lowered;
	s5 =	simm.s32 $_tile_overlayer_lowered  }
0x9b: {  	s22 =	simm.s32 $0x1BFF;
	s21 =	sshll.u32 s5, $0x1;
	s2 =	sadd.s32 s19, s18  }
0x9c: {  	s6 =	simm.s32 $0x0;
	s20 =	sshll.u32 s4, $0x1;
	s4 =	sadd.s32 s21, s2  }
0x9d: {  	[timem:s6], [sflag:s22] =	dma.local [hbm:s4], s20  }
0x9e: {  	_ =	swait.ge [sflag:s22], s20  }
0x9f: {  	s3 =	ssub.s32 $0x0, s20;
	[sflag:s22] =	ssyncset.done $0x0  }
0xa0: {  	[sflag:s22] =	ssyncadd.s32 s3;
	_ =	sdelay $0x1  }
0xa1: {  	s23 =	simm.s32 $0x1B8B  }
0xa2: {  	_ =	swait.ge [sflag:s23], $0x1  }
0xa3: {  	[sflag:s23] =	ssyncset.done $0x0  }
0xa4: {  	s25 =	simm.s32 $0x1B8E;
	s24 =	sld [smem:$0x3FFE];
	[sflag:s23] =	ssyncadd.s32 $0xFFFFFFFF  }
0xa5: {  	s26 =	simm.s32 $execute0_lowered;
	[smem:$0x3FD2] =	sst s25  }
0xa6: {  	s4 =	sshll.u32 s26, $0x1;
	_ =	strace $0x80000046;
	[dreg:$0x1] =	wrdreg $0xFFFFFFFF  }
0xa7: {  	s28 =	simm.s32 $_size_execute0_lowered;
	s2 =	sadd.s32 s2, s4;
	[dreg:$0x0] =	wrdreg $0x0  }
0xa8: {  	s4 =	sshll.u32 s28, $0x1;
	[dreg:$0x2] =	wrdreg s2  }
0xa9: {  	[dreg:$0x3] =	wrdreg s4  }
0xaa: {  	[dreg:$0x4] =	wrdreg $0xC0  }
0xab: {  	_ =	task [dreg:s6], $0x5FFFF  }
0xac: {  	[dreg:$0x1] =	wrdreg $0xFFFFFFFF  }
0xad: {  	[dreg:$0x0] =	wrdreg $0x60  }
0xae: {  	[dreg:$0x2] =	wrdreg s24  }
0xaf: {  	[dreg:$0x3] =	wrdreg $0x9  }
0xb0: {  	_ =	task.clear_ibuf [dreg:s6], $0x4FFFF;
	_ =	strace $0x90000046  }
0xb1: {  	s29 =	simm.s32 $0x9;
	_ =	strace $0x80000048  }
0xb2: {  	_ =	swait.ge [sflag:s29], $0x1  }
0xb3: {  	[sflag:s29] =	ssyncadd.s32 $0xFFFFFFFF  }
0xb4: {  	_ =	strace $0x90000048  }
0xb5: {  	_ =	sfence  }
0xb6: {  	s30 =	sld [smem:$0x0];
	_ =	sdelay $0x2  }
0xb7: {  	s31 =	sshll.u32 s1, $0xD;
	s1 =	sshrl.u32 s1, $0x2  }
0xb8: {  	s3 =	sand.u32 $0x4000, s31;
	s1 =	sadd.s32 s1, s30  }
0xb9: {  	s0 =	sor.u32 s3, s0;
	s1 =	sshll.u32 s1, $0x11  }
0xba: {  	s0 =	sor.u32 s1, s0  }
0xbb: {  	s0 =	sadd.s32 $0x8F2B, s0  }
0xbc: {  	[sflag:s0] =	ssyncadd.remote.s32 $0x1  }
0xbd: {  	_ =	sfence.sel $0xFFFF  }
0xbe: {  	[dreg:$0x0] =	wrdreg $0xFFFFFFFF;
	(pc) =	sbr.abs _section_cstart, $3  }
0xbf: {  	[dreg:$0x1] =	wrdreg $0xFFFFFFFF  }
0xc0: {  	_ =	task.clear_ibuf [dreg:s6], $0x2FFFF;
	_ =	strace $0x9FFFFFFF  }
0xc1: {  	(tm) =	ssettm $0x7FFFFFFF  }
tec
execute0_lowered:
.L_overlay_start_1:
0x0: {  	(tag) =	ssettag $0x1  }
0x1: {  	s0 =	rddreg [dreg:$0x0]  }
0x2: {  	s1 =	srdreg.scid;
	s3 =	stileid.u32;
	s2 =	simm.s32 $0x0  }
0x3: {  	s28 =	simm.s32 $0x3;
	s29 =	simm.s32 $0x186A0;
	s30 =	simm.s32 $0x1ADB0  }
0x4: {  	s31 =	simm.s32 $0x1;
	s1 =	sand.u32 $0x1, s1;
	s3 =	sshll.u32 s3, $0x1  }
0x5: {  	[smem:$0x7FF] =	sst s2;
	s5 =	sadd.s32 $0xC3C00, s0;
	s3 =	sor.u32 s1, s3  }
0x6: {  	s6 =	sadd.s32 $0x600, s0;
	s1 =	ssub.s32 $0x2, s1;
	s4 =	smul.u32 $0x30D40, s3  }
0x7: {  	_ =	strace $0x80000047;
	s3 =	sshll.u32 s3, $0x1;
	s19 =	sshrl.u32 s1, $0x1  }
0x8: {  	s0 =	sadd.s32 s3, s0;
	s1 =	ssub.s32 s1, s19;
	s7 =	sshrl.u32 s4, $0x3  }
0x9: {  	s20 =	sadd.s32 s5, s7;
	s4 =	sadd.s32 s6, s7;
	s26 =	sadd.s32 $0x30D4, s7  }
0xa: {  	[dreg:$0x2] =	wrdreg s20;
	s21 =	sadd.s32 $0x4E2, s4;
	s22 =	sadd.s32 $0x9C4, s4  }
0xb: {  	s23 =	sadd.s32 $0xEA6, s4;
	s24 =	sadd.s32 $0x1388, s4;
	s25 =	sadd.s32 $0x186A, s4  }
0xc: {  	s10 =	sadd.s32 $0x1D4C, s4;
	s11 =	sadd.s32 $0x222E, s4;
	s12 =	sadd.s32 $0x2710, s4  }
0xd: {  	s13 =	sadd.s32 $0x2BF2, s4;
	s14 =	sadd.s32 s5, s26;
	[dreg:$0x3] =	wrdreg s21  }
0xe: {  	s15 =	sadd.s32 s6, s26;
	s16 =	sadd.s32 $0x35B6, s4;
	[dreg:$0x4] =	wrdreg s22  }
0xf: {  	s17 =	sadd.s32 $0x3A98, s4;
	s18 =	sadd.s32 $0x3F7A, s4;
	[dreg:$0x5] =	wrdreg s23  }
0x10: {  	s19 =	sadd.s32 $0x445C, s4;
	s20 =	sadd.s32 $0x493E, s4;
	[dreg:$0x6] =	wrdreg s24  }
0x11: {  	s26 =	sadd.s32 $0x5CC6, s4;
	[dreg:$0x7] =	wrdreg s25;
	s21 =	sadd.s32 $0x4E20, s4  }
0x12: {  	s22 =	sadd.s32 $0x5302, s4;
	s23 =	sadd.s32 $0x57E4, s4;
	s24 =	sadd.s32 $0x187200, s0  }
0x13: {  	v0 =	vlaneseq.u32;
	vm0 =	vcmask $0x300;
	vm1 =	vcmask $0x704;
	s25 =	smax.u32 s1, $0x1;
	s0 =	simm.s32 $0x2;
	s1 =	simm.s32 $0x0  }
.LBB2_1:
0x14: {  	s3 =	rddreg [dreg:$0x2]  }
0x15: {  	[tilespmem:s2], [sflag:$0x3] =	stream.linear.gather [hbm4b:s3+s2], $0x186A0, $0x38;
	[tilespmem:$0x1D4D0] =	vst v63  }
0x16: {  	_ =	swait.ge [sflag:s28], $0x186A0  }
0x17: {  	[sflag:s28] =	ssyncset.done $0x0  }
0x18: {  	s6 =	simm.s32 $0x0;
	[sflag:s28] =	ssyncadd.s32 $0xFFFE7960  }
0x19: {  	v1 =	vld [tilespmem:s6+$0x0]  }
0x1a: {  	v2 =	vld [tilespmem:s6+$0x10]  }
0x1b: {  	v3 =	vld [tilespmem:s6+$0x20]  }
0x1c: {  	v4 =	vld [tilespmem:s6+$0x30]  }
0x1d: {  	v5 =	vimm.f32 $-Inf;
	v6 =	vld [tilespmem:s6+$0x40]  }
0x1e: {  	v5 =	vmax.f32 v5, v1;
	v1 =	vld [tilespmem:s6+$0x50]  }
0x1f: {  	v5 =	vmax.f32 v5, v2;
	v2 =	vld [tilespmem:s6+$0x60]  }
0x20: {  	v5 =	vmax.f32 v5, v3;
	v3 =	vld [tilespmem:s6+$0x70]  }
0x21: {  	v5 =	vmax.f32 v5, v4;
	v4 =	vld [tilespmem:s6+$0x80]  }
0x22: {  	s5 =	simm.s32 $0x500;
	s3 =	simm.s32 $0xA0;
	v6 =	vmax.f32 v5, v6;
	v5 =	vld [tilespmem:s6+$0x90]  }
.LBB2_2:
0x23: {  	p0 =	sne.s32 s5, $0x61800;
	v7 =	vld [tilespmem:s3+$0x0];
	v1 =	vmax.f32 v6, v1  }
0x24: {  	v6 =	vld [tilespmem:s3+$0x10];
	v1 =	vmax.f32 v1, v2  }
0x25: {  	v8 =	vld [tilespmem:s3+$0x20];
	v1 =	vmax.f32 v1, v3  }
0x26: {  	v9 =	vld [tilespmem:s3+$0x30];
	v1 =	vmax.f32 v1, v4  }
0x27: {  	v10 =	vld [tilespmem:s3+$0x40];
	v1 =	vmax.f32 v1, v5  }
.Ltmp0:
0x28: {  	v2 =	vmax.f32 v1, v7;
	v1 =	vld [tilespmem:s3+$0x50];
	(pc) =	sbr.rel @p0 .LBB2_2-.Ltmp0, $4  }
0x29: {  	v3 =	vmax.f32 v2, v6;
	v2 =	vld [tilespmem:s3+$0x60]  }
0x2a: {  	v4 =	vmax.f32 v3, v8;
	v3 =	vld [tilespmem:s3+$0x70]  }
0x2b: {  	v5 =	vmax.f32 v4, v9;
	v4 =	vld [tilespmem:s3+$0x80]  }
0x2c: {  	v6 =	vmax.f32 v5, v10;
	v5 =	vld [tilespmem:s3+$0x90];
	s3 =	sshra.s32 s5, $0x2;
	s5 =	sadd.s32 $0x280, s5  }
0x2d: {  	v7 =	vld [tilespmem:s3+$0x0];
	v1 =	vmax.f32 v6, v1  }
0x2e: {  	v6 =	vld [tilespmem:s3+$0x10];
	v1 =	vmax.f32 v1, v2  }
0x2f: {  	v2 =	vld [tilespmem:s3+$0x20];
	v1 =	vmax.f32 v1, v3  }
0x30: {  	v3 =	vld [tilespmem:s3+$0x30];
	v1 =	vmax.f32 v1, v4  }
0x31: {  	v4 =	vld [tilespmem:s3+$0x40];
	v1 =	vmax.f32 v1, v5  }
0x32: {  	v5 =	vld [tilespmem:s3+$0x50];
	v1 =	vmax.f32 v1, v7  }
0x33: {  	v1 =	vmax.f32 v1, v6;
	v6 =	vld [tilespmem:s3+$0x60]  }
0x34: {  	v1 =	vmax.f32 v1, v2;
	v2 =	vld [tilespmem:s3+$0x70]  }
0x35: {  	v1 =	vmax.f32 v1, v3;
	v3 =	vld [tilespmem:s3+$0x80]  }
0x36: {  	v1 =	vmax.f32 v1, v4;
	v4 =	vld [tilespmem:s3+$0x90]  }
0x37: {  	v1 =	vmax.f32 v1, v5  }
0x38: {  	v1 =	vmax.f32 v1, v6  }
0x39: {  	v1 =	vmax.f32 v1, v2  }
0x3a: {  	v1 =	vmax.f32 v1, v3  }
0x3b: {  	v1 =	vmax.f32 v1, v4  }
0x3c: {  	(xrf0) =	vmax.scan.msk.f32 $0xffff, v1;
	_ =	sdelay $0x2  }
0x3d: {  	s5 =	simm.s32 $0x0  }
0x3e: {  	v2 =	vld [tilespmem:s5+$0x0]  }
0x3f: {  	v3 =	vld [tilespmem:s5+$0x10]  }
0x40: {  	v1, _, _ =	vpop (xrf0)  }
0x41: {  	v4 =	vld [tilespmem:s5+$0x20];
	v1 =	vbroadcast v1, $0xF  }
0x42: {  	v5 =	vld [tilespmem:s5+$0x30]  }
0x43: {  	v6 =	vld [tilespmem:s5+$0x90];
	v2 =	vsub.f32 v2, v1  }
0x44: {  	v3 =	vsub.f32 v3, v1  }
0x45: {  	v2 =	vmul.f32 $1.442695020e+00, v2  }
0x46: {  	v4 =	vsub.f32 v4, v1;
	v3 =	vmul.f32 $1.442695020e+00, v3  }
0x47: {  	v5 =	vsub.f32 v5, v1;
	(erf) = vpow2.f32 v2;
	v2 =	vld [tilespmem:s5+$0x80]  }
0x48: {  	v6 =	vsub.f32 v6, v1;
	v4 =	vmul.f32 $1.442695020e+00, v4;
	(erf) = vpow2.f32 v3;
	v3 =	vld [tilespmem:s5+$0x70]  }
0x49: {  	v5 =	vmul.f32 $1.442695020e+00, v5  }
0x4a: {  	v6 =	vmul.f32 $1.442695020e+00, v6;
	(erf) = vpow2.f32 v4;
	v4 =	vld [tilespmem:s5+$0x60]  }
0x4b: {  	(erf) = vpow2.f32 v5;
	v5 =	vld [tilespmem:s5+$0x40]  }
0x4c: {  	(erf) = vpow2.f32 v6;
	v6 =	vld [tilespmem:s5+$0x50];
	v2 =	vsub.f32 v2, v1  }
0x4d: {  	v3 =	vsub.f32 v3, v1  }
0x4e: {  	v2 =	vmul.f32 $1.442695020e+00, v2  }
0x4f: {  	v4 =	vsub.f32 v4, v1;
	v3 =	vmul.f32 $1.442695020e+00, v3  }
0x50: {  	v7 =	vpop (erf);
	(erf) = vpow2.f32 v2;
	v2 =	vsub.f32 v5, v1  }
0x51: {  	v4 =	vmul.f32 $1.442695020e+00, v4;
	v6 =	vsub.f32 v6, v1  }
0x52: {  	v8 =	vpop (erf);
	(erf) = vpow2.f32 v3;
	v2 =	vmul.f32 $1.442695020e+00, v2  }
0x53: {  	v6 =	vmul.f32 $1.442695020e+00, v6;
	v3 =	vpop (erf);
	(erf) = vpow2.f32 v4  }
0x54: {  	(erf) = vpow2.f32 v2  }
0x55: {  	v12 =	vimm.f32 $0.0e+00;
	s3 =	simm.s32 $0xA0;
	[tilespmem:s5+$0x0] =	vst v7;
	(erf) = vpow2.f32 v6  }
0x56: {  	v9 =	vld [tilespmem:s3+$0x0];
	[tilespmem:s5+$0x10] =	vst v8;
	v6 =	vadd.f32 v7, v12  }
0x57: {  	v5 =	vld [tilespmem:s3+$0x10];
	[tilespmem:s5+$0x20] =	vst v3;
	v4 =	vpop (erf)  }
0x58: {  	v10 =	vld [tilespmem:s3+$0x20];
	[tilespmem:s5+$0x30] =	vst v4;
	v2 =	vpop (erf);
	v6 =	vadd.f32 v8, v6  }
0x59: {  	v11 =	vld [tilespmem:s3+$0x30];
	[tilespmem:s5+$0x90] =	vst v2  }
0x5a: {  	v7 =	vld [tilespmem:s3+$0x90];
	v60 =	vpop (erf);
	v3 =	vadd.f32 v3, v6  }
0x5b: {  	v9 =	vsub.f32 v9, v1;
	[tilespmem:s5+$0x80] =	vst v60;
	v8 =	vpop (erf)  }
0x5c: {  	v5 =	vsub.f32 v5, v1;
	v13 =	vld [tilespmem:s3+$0x80];
	[tilespmem:s5+$0x70] =	vst v8;
	v3 =	vadd.f32 v4, v3;
	v6 =	vpop (erf)  }
0x5d: {  	v9 =	vmul.f32 $1.442695020e+00, v9;
	v10 =	vsub.f32 v10, v1;
	v14 =	vld [tilespmem:s3+$0x70];
	[tilespmem:s5+$0x60] =	vst v6;
	v4 =	vpop (erf)  }
0x5e: {  	v5 =	vmul.f32 $1.442695020e+00, v5;
	v11 =	vsub.f32 v11, v1;
	v15 =	vld [tilespmem:s3+$0x60];
	[tilespmem:s5+$0x40] =	vst v4;
	v3 =	vadd.f32 v4, v3;
	v4 =	vpop (erf)  }
0x5f: {  	(erf) = vpow2.f32 v9;
	v10 =	vmul.f32 $1.442695020e+00, v10;
	v7 =	vsub.f32 v7, v1;
	v16 =	vld [tilespmem:s3+$0x40];
	[tilespmem:s5+$0x50] =	vst v4  }
0x60: {  	(erf) = vpow2.f32 v5;
	v61 =	vmul.f32 $1.442695020e+00, v11;
	v62 =	vld [tilespmem:s3+$0x50];
	v3 =	vadd.f32 v4, v3  }
0x61: {  	(erf) = vpow2.f32 v10;
	v5 =	vmul.f32 $1.442695020e+00, v7;
	v4 =	vsub.f32 v13, v1  }
0x62: {  	(erf) = vpow2.f32 v61;
	v7 =	vsub.f32 v14, v1;
	v3 =	vadd.f32 v6, v3  }
0x63: {  	(erf) = vpow2.f32 v5;
	v4 =	vmul.f32 $1.442695020e+00, v4;
	v6 =	vsub.f32 v15, v1  }
0x64: {  	v7 =	vmul.f32 $1.442695020e+00, v7;
	v63 =	vsub.f32 v16, v1;
	v8 =	vadd.f32 v8, v3  }
0x65: {  	(erf) = vpow2.f32 v4;
	v3 =	vsub.f32 v62, v1;
	v5 =	vmul.f32 $1.442695020e+00, v6  }
0x66: {  	s5 =	simm.s32 $0x500;
	(erf) = vpow2.f32 v7;
	v4 =	vmul.f32 $1.442695020e+00, v63;
	v6 =	vadd.f32 v60, v8  }
.LBB2_4:
0x67: {  	p0 =	sne.s32 s5, $0x61800;
	v3 =	vmul.f32 $1.442695020e+00, v3;
	(erf) = vpow2.f32 v5;
	s6 =	smov.u32 s5;
	s5 =	sadd.s32 $0x280, s5  }
0x68: {  	v5 =	vpop (erf);
	(erf) = vpow2.f32 v4;
	v2 =	vadd.f32 v2, v6  }
0x69: {  	s6 =	sshra.s32 s6, $0x2;
	[tilespmem:s3+$0x0] =	vst v5;
	v4 =	vpop (erf);
	(erf) = vpow2.f32 v3  }
0x6a: {  	v3 =	vld [tilespmem:s6+$0x0];
	v9 =	vadd.f32 v5, v2;
	[tilespmem:s3+$0x10] =	vst v4;
	v5 =	vpop (erf)  }
0x6b: {  	v6 =	vld [tilespmem:s6+$0x10];
	[tilespmem:s3+$0x20] =	vst v5;
	v7 =	vpop (erf)  }
0x6c: {  	v8 =	vld [tilespmem:s6+$0x20];
	v4 =	vadd.f32 v4, v9;
	[tilespmem:s3+$0x30] =	vst v7;
	v2 =	vpop (erf)  }
0x6d: {  	v9 =	vld [tilespmem:s6+$0x30];
	[tilespmem:s3+$0x90] =	vst v2  }
0x6e: {  	v10 =	vld [tilespmem:s6+$0x90];
	v4 =	vadd.f32 v5, v4;
	v11 =	vpop (erf)  }
0x6f: {  	v3 =	vsub.f32 v3, v1;
	[tilespmem:s3+$0x80] =	vst v11;
	v5 =	vpop (erf)  }
0x70: {  	v6 =	vsub.f32 v6, v1;
	v12 =	vld [tilespmem:s6+$0x80];
	v4 =	vadd.f32 v7, v4;
	[tilespmem:s3+$0x70] =	vst v5;
	v7 =	vpop (erf)  }
0x71: {  	v3 =	vmul.f32 $1.442695020e+00, v3;
	v8 =	vsub.f32 v8, v1;
	v13 =	vld [tilespmem:s6+$0x70];
	[tilespmem:s3+$0x60] =	vst v7;
	v14 =	vpop (erf)  }
0x72: {  	v6 =	vmul.f32 $1.442695020e+00, v6;
	v9 =	vsub.f32 v9, v1;
	v15 =	vld [tilespmem:s6+$0x60];
	[tilespmem:s3+$0x40] =	vst v14;
	v4 =	vadd.f32 v14, v4;
	v14 =	vpop (erf)  }
0x73: {  	v8 =	vmul.f32 $1.442695020e+00, v8;
	v16 =	vld [tilespmem:s6+$0x40];
	v10 =	vsub.f32 v10, v1;
	(erf) = vpow2.f32 v3;
	[tilespmem:s3+$0x50] =	vst v14;
	s3 =	smov.u32 s6  }
0x74: {  	v3 =	vmul.f32 $1.442695020e+00, v9;
	v9 =	vld [tilespmem:s3+$0x50];
	(erf) = vpow2.f32 v6;
	v4 =	vadd.f32 v14, v4  }
0x75: {  	v6 =	vsub.f32 v12, v1;
	v10 =	vmul.f32 $1.442695020e+00, v10;
	(erf) = vpow2.f32 v8  }
.Ltmp1:
0x76: {  	v8 =	vsub.f32 v13, v1;
	(erf) = vpow2.f32 v3;
	v3 =	vadd.f32 v7, v4;
	(pc) =	sbr.rel @p0 .LBB2_4-.Ltmp1, $4  }
0x77: {  	v4 =	vsub.f32 v15, v1;
	v6 =	vmul.f32 $1.442695020e+00, v6;
	(erf) = vpow2.f32 v10  }
0x78: {  	v7 =	vsub.f32 v16, v1;
	v8 =	vmul.f32 $1.442695020e+00, v8;
	v10 =	vadd.f32 v5, v3  }
0x79: {  	v3 =	vsub.f32 v9, v1;
	v5 =	vmul.f32 $1.442695020e+00, v4;
	(erf) = vpow2.f32 v6  }
0x7a: {  	v4 =	vmul.f32 $1.442695020e+00, v7;
	(erf) = vpow2.f32 v8;
	v6 =	vadd.f32 v11, v10  }
0x7b: {  	_ = 	snop  }
0x7c: {  	(erf) = vpow2.f32 v5;
	v2 =	vadd.f32 v2, v6  }
0x7d: {  	v1 =	vmul.f32 $1.442695020e+00, v3;
	(erf) = vpow2.f32 v4  }
0x7e: {  	v3 =	vpop (erf)  }
0x7f: {  	v4 =	vpop (erf);
	(erf) = vpow2.f32 v1;
	v1 =	vadd.f32 v3, v2  }
0x80: {  	v2 =	vpop (erf)  }
0x81: {  	v1 =	vadd.f32 v4, v1;
	v5 =	vpop (erf)  }
0x82: {  	v6 =	vpop (erf)  }
0x83: {  	v1 =	vadd.f32 v2, v1;
	v7 =	vpop (erf)  }
0x84: {  	v8 =	vpop (erf)  }
0x85: {  	v1 =	vadd.f32 v5, v1;
	v9 =	vpop (erf)  }
0x86: {  	v10 =	vpop (erf)  }
0x87: {  	v1 =	vadd.f32 v10, v1  }
0x88: {  	v11 =	vpop (erf)  }
0x89: {  	v1 =	vadd.f32 v11, v1;
	_ =	sdelay $0x1  }
0x8a: {  	v1 =	vadd.f32 v9, v1;
	_ =	sdelay $0x1  }
0x8b: {  	v1 =	vadd.f32 v8, v1;
	_ =	sdelay $0x1  }
0x8c: {  	v1 =	vadd.f32 v7, v1;
	_ =	sdelay $0x1  }
0x8d: {  	v1 =	vadd.f32 v6, v1;
	_ =	sdelay $0x1  }
0x8e: {  	(xrf2) =	vadd.scan.msk.f32 $0xffff, v1;
	_ =	sdelay $0x9  }
0x8f: {  	[tilespmem:s3+$0x0] =	vst v3;
	v1, _, _ =	vpop (xrf2)  }
0x90: {  	[tilespmem:s3+$0x10] =	vst v4;
	v1 =	vbroadcast v1, $0xF  }
0x91: {  	[tilespmem:s3+$0x20] =	vst v2  }
0x92: {  	[tilespmem:s3+$0x30] =	vst v5;
	(erf) = vrcp.f32 v1  }
0x93: {  	[tilespmem:s3+$0x90] =	vst v6  }
0x94: {  	[tilespmem:s3+$0x80] =	vst v7  }
0x95: {  	[tilespmem:s3+$0x70] =	vst v8  }
0x96: {  	[tilespmem:s3+$0x60] =	vst v9  }
0x97: {  	[tilespmem:s3+$0x40] =	vst v10  }
0x98: {  	[tilespmem:s3+$0x50] =	vst v11  }
0x99: {  	[tilespmem:s29], [sflag:$0x1] =	stream.linear.gather [hbm4b:s4+s2], $0x2710, $0x38;
	[tilespmem:$0x1D4D0] =	vst v63  }
0x9a: {  	s8 =	rddreg [dreg:$0x3]  }
0x9b: {  	[tilespmem:s30], [sflag:$0x2] =	stream.linear.gather [hbm4b:s8+s2], $0x2710, $0x38;
	v1 =	vpop (erf);
	[tilespmem:$0x1D4D0] =	vst v63  }
0x9c: {  	_ =	swait.ge [sflag:s31], $0x2710  }
0x9d: {  	[sflag:s31] =	ssyncset.done $0x0  }
0x9e: {  	s9 =	simm.s32 $0x20;
	[sflag:s31] =	ssyncadd.s32 $0xFFFFD8F0  }
0x9f: {  	s5 =	simm.s32 $0x186C0;
	v2 =	vld [tilespmem:s9+$0xFFFFFFE0]  }
0xa0: {  	v3 =	vld [tilespmem:s5+$0xFFFFFFE0]  }
0xa1: {  	v4 =	vld [tilespmem:s9+$0xFFFFFFF0]  }
0xa2: {  	v7 =	vld [tilespmem:s5+$0xFFFFFFF0]  }
0xa3: {  	v9 =	vld [tilespmem:s9+$0x0]  }
0xa4: {  	v5 =	vld [tilespmem:s9+$0x10];
	v6 =	vmul.f32 v2, v1  }
0xa5: {  	v2 =	vld [tilespmem:s5+$0x0]  }
0xa6: {  	s6 =	simm.s32 $0x0;
	v4 =	vmul.f32 v4, v1;
	v10 =	vadd.f32 v3, v6;
	v3 =	vld [tilespmem:s5+$0x10]  }
0xa7: {  	v12 =	vimm.s32 $0x0;
	v13 =	vor.u32 s6, v0;
	v11 =	vimm.f32 $-Inf;
	v6 =	vld [tilespmem:s9+$0x20]  }
0xa8: {  	s7 =	simm.s32 $0x10;
	s6 =	simm.s32 $0x70;
	s3 =	simm.s32 $0x40;
	v9 =	vmul.f32 v9, v1;
	v8 =	vadd.f32 v7, v4;
	v4 =	vld [tilespmem:s5+$0x20];
	vm2 =	vgt.f32 v10, v11  }
0xa9: {  	s8 =	simm.s32 $0xE0;
	s5 =	simm.s32 $0x90;
	v7 =	vld [tilespmem:s6+$0xFFFFFFE0];
	v10 =	vsel vm2, v10, v11;
	v11 =	vsel vm2, v13, v12;
	v12 =	vor.u32 s7, v0;
	s7 =	simm.s32 $0x18710  }
.LBB2_6:
0xaa: {  	p0 =	sne.s32 s8, $0x2700;
	v13 =	vld [tilespmem:s7+$0xFFFFFFE0];
	vm2 =	vgt.f32 v8, v10;
	s9 =	sadd.s32 $0xFFFFFFE0, s3;
	v2 =	vadd.f32 v2, v9;
	v5 =	vmul.f32 v5, v1  }
0xab: {  	v9 =	vld [tilespmem:s6+$0xFFFFFFF0];
	v8 =	vsel vm2, v8, v10;
	v10 =	vsel vm2, v12, v11;
	v11 =	vor.u32 s9, v0  }
0xac: {  	s9 =	sadd.s32 $0xFFFFFFF0, s3;
	v12 =	vld [tilespmem:s7+$0xFFFFFFF0];
	vm2 =	vgt.f32 v2, v8;
	v3 =	vadd.f32 v3, v5;
	v5 =	vmul.f32 v6, v1  }
0xad: {  	v14 =	vld [tilespmem:s6+$0x0];
	v6 =	vsel vm2, v2, v8;
	v8 =	vsel vm2, v11, v10;
	v10 =	vor.u32 s9, v0  }
0xae: {  	v7 =	vmul.f32 v7, v1;
	v2 =	vld [tilespmem:s7+$0x0];
	vm2 =	vgt.f32 v3, v6;
	v4 =	vadd.f32 v4, v5  }
.Ltmp2:
0xaf: {  	v5 =	vld [tilespmem:s6+$0x10];
	v11 =	vsel vm2, v3, v6;
	v8 =	vsel vm2, v10, v8;
	v10 =	vor.u32 s3, v0;
	s3 =	smov.u32 s5;
	s5 =	smov.u32 s8;
	(pc) =	sbr.rel @p0 .LBB2_6-.Ltmp2, $4  }
0xb0: {  	s9 =	sadd.s32 $0xFFFFFFC0, s3;
	v13 =	vadd.f32 v13, v7;
	v7 =	vmul.f32 v9, v1;
	v3 =	vld [tilespmem:s7+$0x10];
	vm2 =	vgt.f32 v4, v11  }
0xb1: {  	v15 =	vor.u32 s9, v0;
	v6 =	vld [tilespmem:s6+$0x20];
	v11 =	vsel vm2, v4, v11;
	v16 =	vsel vm2, v10, v8  }
0xb2: {  	s9 =	sadd.s32 $0xFFFFFFD0, s3;
	s6 =	sadd.s32 $0x50, s6;
	vm2 =	vgt.f32 v13, v11;
	v8 =	vadd.f32 v12, v7;
	v9 =	vmul.f32 v14, v1;
	v4 =	vld [tilespmem:s7+$0x20]  }
0xb3: {  	s8 =	sadd.s32 $0x50, s8;
	v12 =	vor.u32 s9, v0;
	s7 =	sadd.s32 $0x50, s7;
	v7 =	vld [tilespmem:s6+$0xFFFFFFE0];
	v10 =	vsel vm2, v13, v11;
	v11 =	vsel vm2, v15, v16  }
0xb4: {  	v13 =	vld [tilespmem:s7+$0xFFFFFFE0]  }
0xb5: {  	v14 =	vld [tilespmem:s6+$0xFFFFFFF0]  }
0xb6: {  	v15 =	vld [tilespmem:s7+$0xFFFFFFF0]  }
0xb7: {  	v16 =	vld [tilespmem:s6+$0x0];
	vm2 =	vgt.f32 v8, v10;
	s8 =	sadd.s32 $0xFFFFFFE0, s3;
	v2 =	vadd.f32 v2, v9;
	v5 =	vmul.f32 v5, v1  }
0xb8: {  	v9 =	vld [tilespmem:s7+$0x0];
	v8 =	vsel vm2, v8, v10;
	v10 =	vsel vm2, v12, v11;
	v11 =	vor.u32 s8, v0  }
0xb9: {  	s9 =	sadd.s32 $0xFFFFFFF0, s3;
	v12 =	vld [tilespmem:s6+$0x10];
	vm2 =	vgt.f32 v2, v8;
	v3 =	vadd.f32 v3, v5;
	v5 =	vmul.f32 v6, v1  }
0xba: {  	v6 =	vld [tilespmem:s7+$0x10];
	v2 =	vsel vm2, v2, v8;
	v8 =	vsel vm2, v11, v10;
	v11 =	vor.u32 s9, v0  }
0xbb: {  	v10 =	vld [tilespmem:s6+$0x20];
	s9 =	rddreg [dreg:$0x4];
	v7 =	vmul.f32 v7, v1;
	vm2 =	vgt.f32 v3, v2;
	v4 =	vadd.f32 v4, v5  }
0xbc: {  	v5 =	vld [tilespmem:s7+$0x20];
	[tilespmem:s29], [sflag:$0x1] =	stream.linear.gather [hbm4b:s9+s2], $0x2710, $0x38;
	v2 =	vsel vm2, v3, v2;
	v3 =	vsel vm2, v11, v8;
	v8 =	vor.u32 s3, v0  }
0xbd: {  	s6 =	sadd.s32 $0xFFFFFFC0, s5;
	v11 =	vmul.f32 v14, v1;
	_ =	swait.ge [sflag:s0], $0x2710;
	v7 =	vadd.f32 v13, v7;
	vm2 =	vgt.f32 v4, v2  }
0xbe: {  	[sflag:s0] =	ssyncset.done $0x0;
	v2 =	vsel vm2, v4, v2;
	v4 =	vor.u32 s6, v0;
	v3 =	vsel vm2, v8, v3  }
0xbf: {  	s7 =	sadd.s32 $0xFFFFFFD0, s5;
	s3 =	simm.s32 $0x2750;
	v8 =	vadd.f32 v15, v11;
	v11 =	vmul.f32 v16, v1;
	[sflag:s0] =	ssyncadd.s32 $0xFFFFD8F0;
	vm2 =	vgt.f32 v7, v2  }
0xc0: {  	v2 =	vsel vm2, v7, v2;
	v3 =	vsel vm2, v4, v3;
	v4 =	vor.u32 s7, v0;
	s7 =	simm.s32 $0x1ADD0;
	v7 =	vld [tilespmem:s3+$0xFFFFFFC0]  }
0xc1: {  	v9 =	vadd.f32 v9, v11;
	v11 =	vmul.f32 v12, v1;
	vm2 =	vgt.f32 v8, v2;
	v12 =	vld [tilespmem:s7+$0xFFFFFFE0]  }
0xc2: {  	s8 =	sadd.s32 $0xFFFFFFE0, s5;
	v10 =	vmul.f32 v10, v1;
	v2 =	vsel vm2, v8, v2;
	v3 =	vsel vm2, v4, v3;
	v8 =	vld [tilespmem:s3+$0xFFFFFFD0]  }
0xc3: {  	v13 =	vld [tilespmem:s3+$0xFFFFFFE0];
	v4 =	vor.u32 s8, v0;
	v6 =	vadd.f32 v6, v11;
	vm2 =	vgt.f32 v9, v2  }
0xc4: {  	s9 =	sadd.s32 $0xFFFFFFF0, s5;
	v10 =	vadd.f32 v5, v10;
	v11 =	vld [tilespmem:s7+$0xFFFFFFF0];
	v9 =	vsel vm2, v9, v2;
	v3 =	vsel vm2, v4, v3  }
0xc5: {  	v5 =	vld [tilespmem:s3+$0xFFFFFFF0];
	v4 =	vor.u32 s9, v0;
	vm2 =	vgt.f32 v6, v9;
	v7 =	vmul.f32 v7, v1  }
0xc6: {  	v2 =	vld [tilespmem:s7+$0x0];
	v6 =	vsel vm2, v6, v9;
	v4 =	vsel vm2, v4, v3;
	v9 =	vor.u32 s5, v0  }
0xc7: {  	s8 =	simm.s32 $0x2710;
	v3 =	vld [tilespmem:s7+$0x10];
	vm2 =	vgt.f32 v10, v6;
	v12 =	vadd.f32 v12, v7;
	v7 =	vmul.f32 v8, v1  }
0xc8: {  	v15 =	vor.u32 s8, v0;
	v10 =	vsel vm2, v10, v6;
	v14 =	vsel vm2, v9, v4;
	v6 =	vld [tilespmem:s3+$0x0]  }
0xc9: {  	s6 =	simm.s32 $0x27A0;
	s9 =	simm.s32 $0x2720;
	v9 =	vmul.f32 v13, v1;
	v4 =	vld [tilespmem:s7+$0x20];
	vm2 =	vgt.f32 v12, v10;
	v8 =	vadd.f32 v11, v7  }
0xca: {  	s8 =	simm.s32 $0x27F0;
	s5 =	simm.s32 $0x27A0;
	s7 =	simm.s32 $0x1AE20;
	v7 =	vld [tilespmem:s6+$0xFFFFFFC0];
	v10 =	vsel vm2, v12, v10;
	v11 =	vsel vm2, v15, v14;
	v12 =	vor.u32 s9, v0  }
.LBB2_8:
0xcb: {  	p0 =	sne.s32 s8, $0x4E10;
	v13 =	vld [tilespmem:s7+$0xFFFFFFE0];
	vm2 =	vgt.f32 v8, v10;
	s9 =	sadd.s32 $0xFFFFFFE0, s3;
	v2 =	vadd.f32 v2, v9;
	v5 =	vmul.f32 v5, v1  }
0xcc: {  	v9 =	vld [tilespmem:s6+$0xFFFFFFD0];
	v8 =	vsel vm2, v8, v10;
	v10 =	vsel vm2, v12, v11;
	v11 =	vor.u32 s9, v0  }
0xcd: {  	s9 =	sadd.s32 $0xFFFFFFF0, s3;
	v12 =	vld [tilespmem:s7+$0xFFFFFFF0];
	vm2 =	vgt.f32 v2, v8;
	v3 =	vadd.f32 v3, v5;
	v5 =	vmul.f32 v6, v1  }
0xce: {  	v14 =	vld [tilespmem:s6+$0xFFFFFFE0];
	v6 =	vsel vm2, v2, v8;
	v8 =	vsel vm2, v11, v10;
	v10 =	vor.u32 s9, v0  }
0xcf: {  	v7 =	vmul.f32 v7, v1;
	v2 =	vld [tilespmem:s7+$0x0];
	vm2 =	vgt.f32 v3, v6;
	v4 =	vadd.f32 v4, v5  }
.Ltmp3:
0xd0: {  	v5 =	vld [tilespmem:s6+$0xFFFFFFF0];
	v11 =	vsel vm2, v3, v6;
	v8 =	vsel vm2, v10, v8;
	v10 =	vor.u32 s3, v0;
	s3 =	smov.u32 s5;
	s5 =	smov.u32 s8;
	(pc) =	sbr.rel @p0 .LBB2_8-.Ltmp3, $4  }
0xd1: {  	s9 =	sadd.s32 $0xFFFFFFC0, s3;
	v13 =	vadd.f32 v13, v7;
	v7 =	vmul.f32 v9, v1;
	v3 =	vld [tilespmem:s7+$0x10];
	vm2 =	vgt.f32 v4, v11  }
0xd2: {  	v15 =	vor.u32 s9, v0;
	v6 =	vld [tilespmem:s6+$0x0];
	v11 =	vsel vm2, v4, v11;
	v16 =	vsel vm2, v10, v8  }
0xd3: {  	s9 =	sadd.s32 $0xFFFFFFD0, s3;
	s6 =	sadd.s32 $0x50, s6;
	vm2 =	vgt.f32 v13, v11;
	v8 =	vadd.f32 v12, v7;
	v9 =	vmul.f32 v14, v1;
	v4 =	vld [tilespmem:s7+$0x20]  }
0xd4: {  	s8 =	sadd.s32 $0x50, s8;
	v12 =	vor.u32 s9, v0;
	s7 =	sadd.s32 $0x50, s7;
	v7 =	vld [tilespmem:s6+$0xFFFFFFC0];
	v10 =	vsel vm2, v13, v11;
	v11 =	vsel vm2, v15, v16  }
0xd5: {  	v13 =	vld [tilespmem:s7+$0xFFFFFFE0]  }
0xd6: {  	v14 =	vld [tilespmem:s6+$0xFFFFFFD0]  }
0xd7: {  	v15 =	vld [tilespmem:s7+$0xFFFFFFF0]  }
0xd8: {  	v16 =	vld [tilespmem:s6+$0xFFFFFFE0];
	vm2 =	vgt.f32 v8, v10;
	s8 =	sadd.s32 $0xFFFFFFE0, s3;
	v2 =	vadd.f32 v2, v9;
	v5 =	vmul.f32 v5, v1  }
0xd9: {  	v9 =	vld [tilespmem:s7+$0x0];
	v8 =	vsel vm2, v8, v10;
	v10 =	vsel vm2, v12, v11;
	v11 =	vor.u32 s8, v0  }
0xda: {  	s9 =	sadd.s32 $0xFFFFFFF0, s3;
	v12 =	vld [tilespmem:s6+$0xFFFFFFF0];
	vm2 =	vgt.f32 v2, v8;
	v3 =	vadd.f32 v3, v5;
	v5 =	vmul.f32 v6, v1  }
0xdb: {  	v6 =	vld [tilespmem:s7+$0x10];
	v2 =	vsel vm2, v2, v8;
	v8 =	vsel vm2, v11, v10;
	v11 =	vor.u32 s9, v0  }
0xdc: {  	s8 =	rddreg [dreg:$0x5];
	v7 =	vmul.f32 v7, v1;
	vm2 =	vgt.f32 v3, v2;
	v4 =	vadd.f32 v4, v5;
	v5 =	vld [tilespmem:s7+$0x20];
	s7 =	simm.s32 $0x0  }
0xdd: {  	v10 =	vld [tilespmem:s6+$0x0];
	v2 =	vsel vm2, v3, v2;
	v3 =	vsel vm2, v11, v8;
	[tilespmem:s30], [sflag:$0x2] =	stream.linear.gather [hbm4b:s8+s7], $0x2710, $0x38;
	v8 =	vor.u32 s3, v0  }
0xde: {  	s9 =	sadd.s32 $0xFFFFFFC0, s5;
	v11 =	vmul.f32 v14, v1;
	v7 =	vadd.f32 v13, v7;
	vm2 =	vgt.f32 v4, v2;
	_ =	swait.ge [sflag:s31], $0x2710  }
0xdf: {  	v2 =	vsel vm2, v4, v2;
	v4 =	vor.u32 s9, v0;
	v3 =	vsel vm2, v8, v3;
	[sflag:s31] =	ssyncset.done $0x0  }
0xe0: {  	s6 =	sadd.s32 $0xFFFFFFD0, s5;
	s8 =	simm.s32 $0x0;
	v8 =	vadd.f32 v15, v11;
	v11 =	vmul.f32 v16, v1;
	vm2 =	vgt.f32 v7, v2;
	[sflag:s31] =	ssyncadd.s32 $0xFFFFD8F0  }
0xe1: {  	v2 =	vsel vm2, v7, v2;
	v3 =	vsel vm2, v4, v3;
	v4 =	vor.u32 s6, v0;
	v7 =	vld [tilespmem:s8+$0x4E20]  }
0xe2: {  	v9 =	vadd.f32 v9, v11;
	v11 =	vmul.f32 v12, v1;
	v12 =	vld [tilespmem:s8+$0x186A0];
	vm2 =	vgt.f32 v8, v2  }
0xe3: {  	s7 =	sadd.s32 $0xFFFFFFE0, s5;
	v10 =	vmul.f32 v10, v1;
	v2 =	vsel vm2, v8, v2;
	v3 =	vsel vm2, v4, v3;
	v8 =	vld [tilespmem:s8+$0x4E30]  }
0xe4: {  	v14 =	vld [tilespmem:s8+$0x4E40];
	v4 =	vor.u32 s7, v0;
	v6 =	vadd.f32 v6, v11;
	vm2 =	vgt.f32 v9, v2  }
0xe5: {  	s9 =	sadd.s32 $0xFFFFFFF0, s5;
	v13 =	vld [tilespmem:s8+$0x186B0];
	v10 =	vadd.f32 v5, v10;
	v9 =	vsel vm2, v9, v2;
	v3 =	vsel vm2, v4, v3  }
0xe6: {  	v5 =	vld [tilespmem:s8+$0x4E50];
	v4 =	vor.u32 s9, v0;
	vm2 =	vgt.f32 v6, v9;
	v7 =	vmul.f32 v7, v1  }
0xe7: {  	v2 =	vld [tilespmem:s8+$0x186C0];
	v6 =	vsel vm2, v6, v9;
	v4 =	vsel vm2, v4, v3;
	v9 =	vor.u32 s5, v0  }
0xe8: {  	v3 =	vld [tilespmem:s8+$0x186D0];
	vm2 =	vgt.f32 v10, v6;
	v7 =	vadd.f32 v12, v7;
	v8 =	vmul.f32 v8, v1  }
0xe9: {  	s3 =	simm.s32 $0x4E20;
	v12 =	vmul.f32 v14, v1;
	v10 =	vsel vm2, v10, v6;
	v11 =	vsel vm2, v9, v4;
	v6 =	vld [tilespmem:s8+$0x4E60]  }
0xea: {  	s6 =	simm.s32 $0x280;
	s7 =	simm.s32 $0x4E30;
	s5 =	simm.s32 $0x50;
	v9 =	vor.u32 s3, v0;
	v4 =	vld [tilespmem:s8+$0x186E0];
	vm2 =	vgt.f32 v7, v10;
	v8 =	vadd.f32 v13, v8  }
.LBB2_10:
0xeb: {  	p0 =	sne.s32 s6, $0x9B00;
	v13 =	vld [tilespmem:s5+$0x4E20];
	v7 =	vsel vm2, v7, v10;
	v9 =	vsel vm2, v9, v11;
	v10 =	vor.u32 s7, v0  }
0xec: {  	s7 =	sadd.s32 $0x20, s3;
	v11 =	vld [tilespmem:s5+$0x186A0];
	vm2 =	vgt.f32 v8, v7;
	v2 =	vadd.f32 v2, v12;
	v5 =	vmul.f32 v5, v1  }
0xed: {  	v12 =	vld [tilespmem:s5+$0x4E30];
	v7 =	vsel vm2, v8, v7;
	v8 =	vsel vm2, v10, v9;
	v9 =	vor.u32 s7, v0  }
0xee: {  	s7 =	sadd.s32 $0x30, s3;
	v14 =	vld [tilespmem:s5+$0x186B0];
	vm2 =	vgt.f32 v2, v7;
	v3 =	vadd.f32 v3, v5;
	v5 =	vmul.f32 v6, v1  }
0xef: {  	v15 =	vld [tilespmem:s5+$0x4E40];
	v6 =	vsel vm2, v2, v7;
	v7 =	vsel vm2, v9, v8;
	v8 =	vor.u32 s7, v0  }
.Ltmp4:
0xf0: {  	s7 =	sadd.s32 $0x40, s3;
	v9 =	vmul.f32 v13, v1;
	v2 =	vld [tilespmem:s5+$0x186C0];
	vm2 =	vgt.f32 v3, v6;
	v4 =	vadd.f32 v4, v5;
	(pc) =	sbr.rel @p0 .LBB2_10-.Ltmp4, $4  }
0xf1: {  	v13 =	vor.u32 s7, v0;
	v5 =	vld [tilespmem:s5+$0x4E50];
	v10 =	vsel vm2, v3, v6;
	v8 =	vsel vm2, v8, v7  }
0xf2: {  	s3 =	sadd.s32 $0x50, s3;
	v7 =	vadd.f32 v11, v9;
	v12 =	vmul.f32 v12, v1;
	v3 =	vld [tilespmem:s5+$0x186D0];
	vm2 =	vgt.f32 v4, v10  }
0xf3: {  	v9 =	vor.u32 s3, v0;
	v6 =	vld [tilespmem:s5+$0x4E60];
	v10 =	vsel vm2, v4, v10;
	v11 =	vsel vm2, v13, v8  }
0xf4: {  	s7 =	sadd.s32 $0x10, s3;
	vm2 =	vgt.f32 v7, v10;
	v8 =	vadd.f32 v14, v12;
	v12 =	vmul.f32 v15, v1;
	v4 =	vld [tilespmem:s5+$0x186E0];
	s5 =	sshra.s32 s6, $0x2;
	s6 =	sadd.s32 $0x140, s6  }
0xf5: {  	v13 =	vld [tilespmem:s5+$0x4E20]  }
0xf6: {  	v14 =	vld [tilespmem:s5+$0x186A0]  }
0xf7: {  	v15 =	vld [tilespmem:s5+$0x4E30]  }
0xf8: {  	v16 =	vld [tilespmem:s5+$0x186B0];
	v7 =	vsel vm2, v7, v10;
	v9 =	vsel vm2, v9, v11;
	v10 =	vor.u32 s7, v0  }
0xf9: {  	v11 =	vld [tilespmem:s5+$0x4E40];
	s6 =	sadd.s32 $0x20, s3;
	vm2 =	vgt.f32 v8, v7;
	v2 =	vadd.f32 v2, v12;
	v5 =	vmul.f32 v5, v1  }
0xfa: {  	v12 =	vld [tilespmem:s5+$0x186C0];
	v7 =	vsel vm2, v8, v7;
	v8 =	vsel vm2, v10, v9;
	v9 =	vor.u32 s6, v0  }
0xfb: {  	v10 =	vld [tilespmem:s5+$0x4E50];
	vm2 =	vgt.f32 v2, v7;
	v3 =	vadd.f32 v3, v5;
	v5 =	vmul.f32 v6, v1  }
0xfc: {  	s7 =	sadd.s32 $0x30, s3;
	v6 =	vld [tilespmem:s5+$0x186D0];
	v2 =	vsel vm2, v2, v7;
	v7 =	vsel vm2, v9, v8;
	v8 =	vmul.f32 v13, v1  }
0xfd: {  	s8 =	simm.s32 $0x0;
	s9 =	rddreg [dreg:$0x6];
	v9 =	vld [tilespmem:s5+$0x4E60];
	v13 =	vor.u32 s7, v0;
	vm2 =	vgt.f32 v3, v2;
	v4 =	vadd.f32 v4, v5  }
0xfe: {  	v5 =	vld [tilespmem:s5+$0x186E0];
	[tilespmem:s29], [sflag:$0x1] =	stream.linear.gather [hbm4b:s9+s8], $0x2710, $0x38;
	v11 =	vmul.f32 v11, v1;
	v2 =	vsel vm2, v3, v2;
	v3 =	vsel vm2, v13, v7  }
0xff: {  	s6 =	sadd.s32 $0x40, s3;
	v13 =	vmul.f32 v15, v1;
	_ =	swait.ge [sflag:s0], $0x2710;
	v7 =	vadd.f32 v14, v8;
	vm2 =	vgt.f32 v4, v2  }
0x100: {  	v8 =	vor.u32 s6, v0;
	[sflag:s0] =	ssyncset.done $0x0;
	v10 =	vmul.f32 v10, v1;
	v2 =	vsel vm2, v4, v2  }
0x101: {  	s3 =	sadd.s32 $0x50, s3;
	s8 =	simm.s32 $0x0;
	v3 =	vsel vm2, v8, v3;
	v8 =	vadd.f32 v16, v13;
	[sflag:s0] =	ssyncadd.s32 $0xFFFFD8F0;
	vm2 =	vgt.f32 v7, v2  }
0x102: {  	v11 =	vadd.f32 v12, v11;
	v4 =	vor.u32 s3, v0;
	v2 =	vsel vm2, v7, v2;
	v7 =	vld [tilespmem:s8+$0x7530]  }
0x103: {  	s6 =	sadd.s32 $0x10, s3;
	v12 =	vld [tilespmem:s8+$0x1ADB0];
	v6 =	vadd.f32 v6, v10;
	v3 =	vsel vm2, v4, v3;
	vm2 =	vgt.f32 v8, v2  }
0x104: {  	s7 =	sadd.s32 $0x20, s3;
	v9 =	vmul.f32 v9, v1;
	v4 =	vor.u32 s6, v0;
	v2 =	vsel vm2, v8, v2;
	v8 =	vld [tilespmem:s8+$0x7540]  }
0x105: {  	v14 =	vld [tilespmem:s8+$0x7550];
	v3 =	vsel vm2, v4, v3;
	v4 =	vor.u32 s7, v0;
	vm2 =	vgt.f32 v11, v2  }
0x106: {  	s9 =	sadd.s32 $0x30, s3;
	v13 =	vld [tilespmem:s8+$0x1ADC0];
	v9 =	vadd.f32 v5, v9;
	v10 =	vsel vm2, v11, v2;
	v3 =	vsel vm2, v4, v3  }
0x107: {  	s3 =	sadd.s32 $0x40, s3;
	v5 =	vld [tilespmem:s8+$0x7560];
	v4 =	vor.u32 s9, v0;
	vm2 =	vgt.f32 v6, v10;
	v7 =	vmul.f32 v7, v1  }
0x108: {  	v2 =	vld [tilespmem:s8+$0x1ADD0];
	v11 =	vor.u32 s3, v0;
	v6 =	vsel vm2, v6, v10;
	v4 =	vsel vm2, v4, v3  }
0x109: {  	v3 =	vld [tilespmem:s8+$0x1ADE0];
	vm2 =	vgt.f32 v9, v6;
	v7 =	vadd.f32 v12, v7;
	v8 =	vmul.f32 v8, v1  }
0x10a: {  	s3 =	simm.s32 $0x7530;
	v12 =	vmul.f32 v14, v1;
	v10 =	vsel vm2, v9, v6;
	v11 =	vsel vm2, v11, v4;
	v6 =	vld [tilespmem:s8+$0x7570]  }
0x10b: {  	s5 =	simm.s32 $0x50;
	s6 =	simm.s32 $0x280;
	s7 =	simm.s32 $0x7540;
	v9 =	vor.u32 s3, v0;
	v4 =	vld [tilespmem:s8+$0x1ADF0];
	vm2 =	vgt.f32 v7, v10;
	v8 =	vadd.f32 v13, v8  }
.LBB2_12:
0x10c: {  	p0 =	sne.s32 s6, $0x9B00;
	v13 =	vld [tilespmem:s5+$0x7530];
	v7 =	vsel vm2, v7, v10;
	v9 =	vsel vm2, v9, v11;
	v10 =	vor.u32 s7, v0  }
0x10d: {  	s7 =	sadd.s32 $0x20, s3;
	v11 =	vld [tilespmem:s5+$0x1ADB0];
	vm2 =	vgt.f32 v8, v7;
	v2 =	vadd.f32 v2, v12;
	v5 =	vmul.f32 v5, v1  }
0x10e: {  	v12 =	vld [tilespmem:s5+$0x7540];
	v7 =	vsel vm2, v8, v7;
	v8 =	vsel vm2, v10, v9;
	v9 =	vor.u32 s7, v0  }
0x10f: {  	s7 =	sadd.s32 $0x30, s3;
	v14 =	vld [tilespmem:s5+$0x1ADC0];
	vm2 =	vgt.f32 v2, v7;
	v3 =	vadd.f32 v3, v5;
	v5 =	vmul.f32 v6, v1  }
0x110: {  	v15 =	vld [tilespmem:s5+$0x7550];
	v6 =	vsel vm2, v2, v7;
	v7 =	vsel vm2, v9, v8;
	v8 =	vor.u32 s7, v0  }
.Ltmp5:
0x111: {  	s7 =	sadd.s32 $0x40, s3;
	v9 =	vmul.f32 v13, v1;
	v2 =	vld [tilespmem:s5+$0x1ADD0];
	vm2 =	vgt.f32 v3, v6;
	v4 =	vadd.f32 v4, v5;
	(pc) =	sbr.rel @p0 .LBB2_12-.Ltmp5, $4  }
0x112: {  	v13 =	vor.u32 s7, v0;
	v5 =	vld [tilespmem:s5+$0x7560];
	v10 =	vsel vm2, v3, v6;
	v8 =	vsel vm2, v8, v7  }
0x113: {  	s3 =	sadd.s32 $0x50, s3;
	v7 =	vadd.f32 v11, v9;
	v12 =	vmul.f32 v12, v1;
	v3 =	vld [tilespmem:s5+$0x1ADE0];
	vm2 =	vgt.f32 v4, v10  }
0x114: {  	v9 =	vor.u32 s3, v0;
	v6 =	vld [tilespmem:s5+$0x7570];
	v10 =	vsel vm2, v4, v10;
	v11 =	vsel vm2, v13, v8  }
0x115: {  	s7 =	sadd.s32 $0x10, s3;
	vm2 =	vgt.f32 v7, v10;
	v8 =	vadd.f32 v14, v12;
	v12 =	vmul.f32 v15, v1;
	v4 =	vld [tilespmem:s5+$0x1ADF0];
	s5 =	sshra.s32 s6, $0x2;
	s6 =	sadd.s32 $0x140, s6  }
0x116: {  	v13 =	vld [tilespmem:s5+$0x7530]  }
0x117: {  	v14 =	vld [tilespmem:s5+$0x1ADB0]  }
0x118: {  	v15 =	vld [tilespmem:s5+$0x7540]  }
0x119: {  	v16 =	vld [tilespmem:s5+$0x1ADC0];
	v7 =	vsel vm2, v7, v10;
	v9 =	vsel vm2, v9, v11;
	v10 =	vor.u32 s7, v0  }
0x11a: {  	v11 =	vld [tilespmem:s5+$0x7550];
	s6 =	sadd.s32 $0x20, s3;
	vm2 =	vgt.f32 v8, v7;
	v2 =	vadd.f32 v2, v12;
	v5 =	vmul.f32 v5, v1  }
0x11b: {  	v12 =	vld [tilespmem:s5+$0x1ADD0];
	v7 =	vsel vm2, v8, v7;
	v8 =	vsel vm2, v10, v9;
	v9 =	vor.u32 s6, v0  }
0x11c: {  	v10 =	vld [tilespmem:s5+$0x7560];
	vm2 =	vgt.f32 v2, v7;
	v3 =	vadd.f32 v3, v5;
	v5 =	vmul.f32 v6, v1  }
0x11d: {  	s7 =	sadd.s32 $0x30, s3;
	v6 =	vld [tilespmem:s5+$0x1ADE0];
	v2 =	vsel vm2, v2, v7;
	v7 =	vsel vm2, v9, v8;
	v8 =	vmul.f32 v13, v1  }
0x11e: {  	s8 =	simm.s32 $0x0;
	s9 =	rddreg [dreg:$0x7];
	v9 =	vld [tilespmem:s5+$0x7570];
	v13 =	vor.u32 s7, v0;
	vm2 =	vgt.f32 v3, v2;
	v4 =	vadd.f32 v4, v5  }
0x11f: {  	v5 =	vld [tilespmem:s5+$0x1ADF0];
	[tilespmem:s30], [sflag:$0x2] =	stream.linear.gather [hbm4b:s9+s8], $0x2710, $0x38;
	v11 =	vmul.f32 v11, v1;
	v2 =	vsel vm2, v3, v2;
	v3 =	vsel vm2, v13, v7  }
0x120: {  	s6 =	sadd.s32 $0x40, s3;
	v13 =	vmul.f32 v15, v1;
	_ =	swait.ge [sflag:s31], $0x2710;
	v7 =	vadd.f32 v14, v8;
	vm2 =	vgt.f32 v4, v2  }
0x121: {  	v8 =	vor.u32 s6, v0;
	[sflag:s31] =	ssyncset.done $0x0;
	v10 =	vmul.f32 v10, v1;
	v2 =	vsel vm2, v4, v2  }
0x122: {  	s3 =	sadd.s32 $0x50, s3;
	s8 =	simm.s32 $0x0;
	v3 =	vsel vm2, v8, v3;
	v8 =	vadd.f32 v16, v13;
	[sflag:s31] =	ssyncadd.s32 $0xFFFFD8F0;
	vm2 =	vgt.f32 v7, v2  }
0x123: {  	v11 =	vadd.f32 v12, v11;
	v4 =	vor.u32 s3, v0;
	v2 =	vsel vm2, v7, v2;
	v7 =	vld [tilespmem:s8+$0x9C40]  }
0x124: {  	s6 =	sadd.s32 $0x10, s3;
	v12 =	vld [tilespmem:s8+$0x186A0];
	v6 =	vadd.f32 v6, v10;
	v3 =	vsel vm2, v4, v3;
	vm2 =	vgt.f32 v8, v2  }
0x125: {  	s7 =	sadd.s32 $0x20, s3;
	v9 =	vmul.f32 v9, v1;
	v4 =	vor.u32 s6, v0;
	v2 =	vsel vm2, v8, v2;
	v8 =	vld [tilespmem:s8+$0x9C50]  }
0x126: {  	v14 =	vld [tilespmem:s8+$0x9C60];
	v3 =	vsel vm2, v4, v3;
	v4 =	vor.u32 s7, v0;
	vm2 =	vgt.f32 v11, v2  }
0x127: {  	s9 =	sadd.s32 $0x30, s3;
	v13 =	vld [tilespmem:s8+$0x186B0];
	v9 =	vadd.f32 v5, v9;
	v10 =	vsel vm2, v11, v2;
	v3 =	vsel vm2, v4, v3  }
0x128: {  	s3 =	sadd.s32 $0x40, s3;
	v5 =	vld [tilespmem:s8+$0x9C70];
	v4 =	vor.u32 s9, v0;
	vm2 =	vgt.f32 v6, v10;
	v7 =	vmul.f32 v7, v1  }
0x129: {  	v2 =	vld [tilespmem:s8+$0x186C0];
	v11 =	vor.u32 s3, v0;
	v6 =	vsel vm2, v6, v10;
	v4 =	vsel vm2, v4, v3  }
0x12a: {  	v3 =	vld [tilespmem:s8+$0x186D0];
	vm2 =	vgt.f32 v9, v6;
	v7 =	vadd.f32 v12, v7;
	v8 =	vmul.f32 v8, v1  }
0x12b: {  	s3 =	simm.s32 $0x9C40;
	v12 =	vmul.f32 v14, v1;
	v10 =	vsel vm2, v9, v6;
	v11 =	vsel vm2, v11, v4;
	v6 =	vld [tilespmem:s8+$0x9C80]  }
0x12c: {  	s5 =	simm.s32 $0x50;
	s6 =	simm.s32 $0x280;
	s7 =	simm.s32 $0x9C50;
	v9 =	vor.u32 s3, v0;
	v4 =	vld [tilespmem:s8+$0x186E0];
	vm2 =	vgt.f32 v7, v10;
	v8 =	vadd.f32 v13, v8  }
.LBB2_14:
0x12d: {  	p0 =	sne.s32 s6, $0x9B00;
	v13 =	vld [tilespmem:s5+$0x9C40];
	v7 =	vsel vm2, v7, v10;
	v9 =	vsel vm2, v9, v11;
	v10 =	vor.u32 s7, v0  }
0x12e: {  	s7 =	sadd.s32 $0x20, s3;
	v11 =	vld [tilespmem:s5+$0x186A0];
	vm2 =	vgt.f32 v8, v7;
	v2 =	vadd.f32 v2, v12;
	v5 =	vmul.f32 v5, v1  }
0x12f: {  	v12 =	vld [tilespmem:s5+$0x9C50];
	v7 =	vsel vm2, v8, v7;
	v8 =	vsel vm2, v10, v9;
	v9 =	vor.u32 s7, v0  }
0x130: {  	s7 =	sadd.s32 $0x30, s3;
	v14 =	vld [tilespmem:s5+$0x186B0];
	vm2 =	vgt.f32 v2, v7;
	v3 =	vadd.f32 v3, v5;
	v5 =	vmul.f32 v6, v1  }
0x131: {  	v15 =	vld [tilespmem:s5+$0x9C60];
	v6 =	vsel vm2, v2, v7;
	v7 =	vsel vm2, v9, v8;
	v8 =	vor.u32 s7, v0  }
.Ltmp6:
0x132: {  	s7 =	sadd.s32 $0x40, s3;
	v9 =	vmul.f32 v13, v1;
	v2 =	vld [tilespmem:s5+$0x186C0];
	vm2 =	vgt.f32 v3, v6;
	v4 =	vadd.f32 v4, v5;
	(pc) =	sbr.rel @p0 .LBB2_14-.Ltmp6, $4  }
0x133: {  	v13 =	vor.u32 s7, v0;
	v5 =	vld [tilespmem:s5+$0x9C70];
	v10 =	vsel vm2, v3, v6;
	v8 =	vsel vm2, v8, v7  }
0x134: {  	s3 =	sadd.s32 $0x50, s3;
	v7 =	vadd.f32 v11, v9;
	v12 =	vmul.f32 v12, v1;
	v3 =	vld [tilespmem:s5+$0x186D0];
	vm2 =	vgt.f32 v4, v10  }
0x135: {  	v9 =	vor.u32 s3, v0;
	v6 =	vld [tilespmem:s5+$0x9C80];
	v10 =	vsel vm2, v4, v10;
	v11 =	vsel vm2, v13, v8  }
0x136: {  	s7 =	sadd.s32 $0x10, s3;
	vm2 =	vgt.f32 v7, v10;
	v8 =	vadd.f32 v14, v12;
	v12 =	vmul.f32 v15, v1;
	v4 =	vld [tilespmem:s5+$0x186E0];
	s5 =	sshra.s32 s6, $0x2;
	s6 =	sadd.s32 $0x140, s6  }
0x137: {  	v13 =	vld [tilespmem:s5+$0x9C40]  }
0x138: {  	v14 =	vld [tilespmem:s5+$0x186A0]  }
0x139: {  	v15 =	vld [tilespmem:s5+$0x9C50]  }
0x13a: {  	v16 =	vld [tilespmem:s5+$0x186B0];
	v7 =	vsel vm2, v7, v10;
	v9 =	vsel vm2, v9, v11;
	v10 =	vor.u32 s7, v0  }
0x13b: {  	v11 =	vld [tilespmem:s5+$0x9C60];
	s6 =	sadd.s32 $0x20, s3;
	vm2 =	vgt.f32 v8, v7;
	v2 =	vadd.f32 v2, v12;
	v5 =	vmul.f32 v5, v1  }
0x13c: {  	v12 =	vld [tilespmem:s5+$0x186C0];
	v7 =	vsel vm2, v8, v7;
	v8 =	vsel vm2, v10, v9;
	v9 =	vor.u32 s6, v0  }
0x13d: {  	v10 =	vld [tilespmem:s5+$0x9C70];
	vm2 =	vgt.f32 v2, v7;
	v3 =	vadd.f32 v3, v5;
	v5 =	vmul.f32 v6, v1  }
0x13e: {  	s7 =	sadd.s32 $0x30, s3;
	v6 =	vld [tilespmem:s5+$0x186D0];
	v2 =	vsel vm2, v2, v7;
	v7 =	vsel vm2, v9, v8;
	v8 =	vmul.f32 v13, v1  }
0x13f: {  	s9 =	simm.s32 $0x0;
	v9 =	vld [tilespmem:s5+$0x9C80];
	v13 =	vor.u32 s7, v0;
	vm2 =	vgt.f32 v3, v2;
	v4 =	vadd.f32 v4, v5  }
0x140: {  	v5 =	vld [tilespmem:s5+$0x186E0];
	[tilespmem:s29], [sflag:$0x1] =	stream.linear.gather [hbm4b:s10+s9], $0x2710, $0x38;
	v11 =	vmul.f32 v11, v1;
	v2 =	vsel vm2, v3, v2;
	v3 =	vsel vm2, v13, v7  }
0x141: {  	s8 =	sadd.s32 $0x40, s3;
	v13 =	vmul.f32 v15, v1;
	_ =	swait.ge [sflag:s0], $0x2710;
	v7 =	vadd.f32 v14, v8;
	vm2 =	vgt.f32 v4, v2  }
0x142: {  	v8 =	vor.u32 s8, v0;
	[sflag:s0] =	ssyncset.done $0x0;
	v10 =	vmul.f32 v10, v1;
	v2 =	vsel vm2, v4, v2  }
0x143: {  	s3 =	sadd.s32 $0x50, s3;
	s8 =	simm.s32 $0x0;
	v3 =	vsel vm2, v8, v3;
	v8 =	vadd.f32 v16, v13;
	[sflag:s0] =	ssyncadd.s32 $0xFFFFD8F0;
	vm2 =	vgt.f32 v7, v2  }
0x144: {  	v11 =	vadd.f32 v12, v11;
	v4 =	vor.u32 s3, v0;
	v2 =	vsel vm2, v7, v2;
	v7 =	vld [tilespmem:s8+$0xC350]  }
0x145: {  	s6 =	sadd.s32 $0x10, s3;
	v12 =	vld [tilespmem:s8+$0x1ADB0];
	v6 =	vadd.f32 v6, v10;
	v3 =	vsel vm2, v4, v3;
	vm2 =	vgt.f32 v8, v2  }
0x146: {  	s7 =	sadd.s32 $0x20, s3;
	v9 =	vmul.f32 v9, v1;
	v4 =	vor.u32 s6, v0;
	v2 =	vsel vm2, v8, v2;
	v8 =	vld [tilespmem:s8+$0xC360]  }
0x147: {  	v14 =	vld [tilespmem:s8+$0xC370];
	v3 =	vsel vm2, v4, v3;
	v4 =	vor.u32 s7, v0;
	vm2 =	vgt.f32 v11, v2  }
0x148: {  	s9 =	sadd.s32 $0x30, s3;
	v13 =	vld [tilespmem:s8+$0x1ADC0];
	v9 =	vadd.f32 v5, v9;
	v10 =	vsel vm2, v11, v2;
	v3 =	vsel vm2, v4, v3  }
0x149: {  	s3 =	sadd.s32 $0x40, s3;
	v5 =	vld [tilespmem:s8+$0xC380];
	v4 =	vor.u32 s9, v0;
	vm2 =	vgt.f32 v6, v10;
	v7 =	vmul.f32 v7, v1  }
0x14a: {  	v2 =	vld [tilespmem:s8+$0x1ADD0];
	v11 =	vor.u32 s3, v0;
	v6 =	vsel vm2, v6, v10;
	v4 =	vsel vm2, v4, v3  }
0x14b: {  	v3 =	vld [tilespmem:s8+$0x1ADE0];
	vm2 =	vgt.f32 v9, v6;
	v7 =	vadd.f32 v12, v7;
	v8 =	vmul.f32 v8, v1  }
0x14c: {  	s3 =	simm.s32 $0xC350;
	v12 =	vmul.f32 v14, v1;
	v10 =	vsel vm2, v9, v6;
	v11 =	vsel vm2, v11, v4;
	v6 =	vld [tilespmem:s8+$0xC390]  }
0x14d: {  	s5 =	simm.s32 $0x50;
	s6 =	simm.s32 $0x280;
	s7 =	simm.s32 $0xC360;
	v9 =	vor.u32 s3, v0;
	v4 =	vld [tilespmem:s8+$0x1ADF0];
	vm2 =	vgt.f32 v7, v10;
	v8 =	vadd.f32 v13, v8  }
.LBB2_16:
0x14e: {  	p0 =	sne.s32 s6, $0x9B00;
	v13 =	vld [tilespmem:s5+$0xC350];
	v7 =	vsel vm2, v7, v10;
	v9 =	vsel vm2, v9, v11;
	v10 =	vor.u32 s7, v0  }
0x14f: {  	s7 =	sadd.s32 $0x20, s3;
	v11 =	vld [tilespmem:s5+$0x1ADB0];
	vm2 =	vgt.f32 v8, v7;
	v2 =	vadd.f32 v2, v12;
	v5 =	vmul.f32 v5, v1  }
0x150: {  	v12 =	vld [tilespmem:s5+$0xC360];
	v7 =	vsel vm2, v8, v7;
	v8 =	vsel vm2, v10, v9;
	v9 =	vor.u32 s7, v0  }
0x151: {  	s7 =	sadd.s32 $0x30, s3;
	v14 =	vld [tilespmem:s5+$0x1ADC0];
	vm2 =	vgt.f32 v2, v7;
	v3 =	vadd.f32 v3, v5;
	v5 =	vmul.f32 v6, v1  }
0x152: {  	v15 =	vld [tilespmem:s5+$0xC370];
	v6 =	vsel vm2, v2, v7;
	v7 =	vsel vm2, v9, v8;
	v8 =	vor.u32 s7, v0  }
.Ltmp7:
0x153: {  	s7 =	sadd.s32 $0x40, s3;
	v9 =	vmul.f32 v13, v1;
	v2 =	vld [tilespmem:s5+$0x1ADD0];
	vm2 =	vgt.f32 v3, v6;
	v4 =	vadd.f32 v4, v5;
	(pc) =	sbr.rel @p0 .LBB2_16-.Ltmp7, $4  }
0x154: {  	v13 =	vor.u32 s7, v0;
	v5 =	vld [tilespmem:s5+$0xC380];
	v10 =	vsel vm2, v3, v6;
	v8 =	vsel vm2, v8, v7  }
0x155: {  	s3 =	sadd.s32 $0x50, s3;
	v7 =	vadd.f32 v11, v9;
	v12 =	vmul.f32 v12, v1;
	v3 =	vld [tilespmem:s5+$0x1ADE0];
	vm2 =	vgt.f32 v4, v10  }
0x156: {  	v9 =	vor.u32 s3, v0;
	v6 =	vld [tilespmem:s5+$0xC390];
	v10 =	vsel vm2, v4, v10;
	v11 =	vsel vm2, v13, v8  }
0x157: {  	s7 =	sadd.s32 $0x10, s3;
	vm2 =	vgt.f32 v7, v10;
	v8 =	vadd.f32 v14, v12;
	v12 =	vmul.f32 v15, v1;
	v4 =	vld [tilespmem:s5+$0x1ADF0];
	s5 =	sshra.s32 s6, $0x2;
	s6 =	sadd.s32 $0x140, s6  }
0x158: {  	v13 =	vld [tilespmem:s5+$0xC350]  }
0x159: {  	v14 =	vld [tilespmem:s5+$0x1ADB0]  }
0x15a: {  	v15 =	vld [tilespmem:s5+$0xC360]  }
0x15b: {  	v16 =	vld [tilespmem:s5+$0x1ADC0];
	v7 =	vsel vm2, v7, v10;
	v9 =	vsel vm2, v9, v11;
	v10 =	vor.u32 s7, v0  }
0x15c: {  	v11 =	vld [tilespmem:s5+$0xC370];
	s6 =	sadd.s32 $0x20, s3;
	vm2 =	vgt.f32 v8, v7;
	v2 =	vadd.f32 v2, v12;
	v5 =	vmul.f32 v5, v1  }
0x15d: {  	v12 =	vld [tilespmem:s5+$0x1ADD0];
	v7 =	vsel vm2, v8, v7;
	v8 =	vsel vm2, v10, v9;
	v9 =	vor.u32 s6, v0  }
0x15e: {  	v10 =	vld [tilespmem:s5+$0xC380];
	vm2 =	vgt.f32 v2, v7;
	v3 =	vadd.f32 v3, v5;
	v5 =	vmul.f32 v6, v1  }
0x15f: {  	s7 =	sadd.s32 $0x30, s3;
	v6 =	vld [tilespmem:s5+$0x1ADE0];
	v2 =	vsel vm2, v2, v7;
	v7 =	vsel vm2, v9, v8;
	v8 =	vmul.f32 v13, v1  }
0x160: {  	s9 =	simm.s32 $0x0;
	v9 =	vld [tilespmem:s5+$0xC390];
	v13 =	vor.u32 s7, v0;
	vm2 =	vgt.f32 v3, v2;
	v4 =	vadd.f32 v4, v5  }
0x161: {  	v5 =	vld [tilespmem:s5+$0x1ADF0];
	[tilespmem:s30], [sflag:$0x2] =	stream.linear.gather [hbm4b:s11+s9], $0x2710, $0x38;
	v11 =	vmul.f32 v11, v1;
	v2 =	vsel vm2, v3, v2;
	v3 =	vsel vm2, v13, v7  }
0x162: {  	s8 =	sadd.s32 $0x40, s3;
	v13 =	vmul.f32 v15, v1;
	_ =	swait.ge [sflag:s31], $0x2710;
	v7 =	vadd.f32 v14, v8;
	vm2 =	vgt.f32 v4, v2  }
0x163: {  	v8 =	vor.u32 s8, v0;
	[sflag:s31] =	ssyncset.done $0x0;
	v10 =	vmul.f32 v10, v1;
	v2 =	vsel vm2, v4, v2  }
0x164: {  	s3 =	sadd.s32 $0x50, s3;
	s8 =	simm.s32 $0x0;
	v3 =	vsel vm2, v8, v3;
	v8 =	vadd.f32 v16, v13;
	[sflag:s31] =	ssyncadd.s32 $0xFFFFD8F0;
	vm2 =	vgt.f32 v7, v2  }
0x165: {  	v11 =	vadd.f32 v12, v11;
	v4 =	vor.u32 s3, v0;
	v2 =	vsel vm2, v7, v2;
	v7 =	vld [tilespmem:s8+$0xEA60]  }
0x166: {  	s6 =	sadd.s32 $0x10, s3;
	v12 =	vld [tilespmem:s8+$0x186A0];
	v6 =	vadd.f32 v6, v10;
	v3 =	vsel vm2, v4, v3;
	vm2 =	vgt.f32 v8, v2  }
0x167: {  	s7 =	sadd.s32 $0x20, s3;
	v9 =	vmul.f32 v9, v1;
	v4 =	vor.u32 s6, v0;
	v2 =	vsel vm2, v8, v2;
	v8 =	vld [tilespmem:s8+$0xEA70]  }
0x168: {  	v14 =	vld [tilespmem:s8+$0xEA80];
	v3 =	vsel vm2, v4, v3;
	v4 =	vor.u32 s7, v0;
	vm2 =	vgt.f32 v11, v2  }
0x169: {  	s9 =	sadd.s32 $0x30, s3;
	v13 =	vld [tilespmem:s8+$0x186B0];
	v9 =	vadd.f32 v5, v9;
	v10 =	vsel vm2, v11, v2;
	v3 =	vsel vm2, v4, v3  }
0x16a: {  	s3 =	sadd.s32 $0x40, s3;
	v5 =	vld [tilespmem:s8+$0xEA90];
	v4 =	vor.u32 s9, v0;
	vm2 =	vgt.f32 v6, v10;
	v7 =	vmul.f32 v7, v1  }
0x16b: {  	v2 =	vld [tilespmem:s8+$0x186C0];
	v11 =	vor.u32 s3, v0;
	v6 =	vsel vm2, v6, v10;
	v4 =	vsel vm2, v4, v3  }
0x16c: {  	v3 =	vld [tilespmem:s8+$0x186D0];
	vm2 =	vgt.f32 v9, v6;
	v7 =	vadd.f32 v12, v7;
	v8 =	vmul.f32 v8, v1  }
0x16d: {  	s3 =	simm.s32 $0xEA60;
	v12 =	vmul.f32 v14, v1;
	v10 =	vsel vm2, v9, v6;
	v11 =	vsel vm2, v11, v4;
	v6 =	vld [tilespmem:s8+$0xEAA0]  }
0x16e: {  	s5 =	simm.s32 $0x50;
	s6 =	simm.s32 $0x280;
	s7 =	simm.s32 $0xEA70;
	v9 =	vor.u32 s3, v0;
	v4 =	vld [tilespmem:s8+$0x186E0];
	vm2 =	vgt.f32 v7, v10;
	v8 =	vadd.f32 v13, v8  }
.LBB2_18:
0x16f: {  	p0 =	sne.s32 s6, $0x9B00;
	v13 =	vld [tilespmem:s5+$0xEA60];
	v7 =	vsel vm2, v7, v10;
	v9 =	vsel vm2, v9, v11;
	v10 =	vor.u32 s7, v0  }
0x170: {  	s7 =	sadd.s32 $0x20, s3;
	v11 =	vld [tilespmem:s5+$0x186A0];
	vm2 =	vgt.f32 v8, v7;
	v2 =	vadd.f32 v2, v12;
	v5 =	vmul.f32 v5, v1  }
0x171: {  	v12 =	vld [tilespmem:s5+$0xEA70];
	v7 =	vsel vm2, v8, v7;
	v8 =	vsel vm2, v10, v9;
	v9 =	vor.u32 s7, v0  }
0x172: {  	s7 =	sadd.s32 $0x30, s3;
	v14 =	vld [tilespmem:s5+$0x186B0];
	vm2 =	vgt.f32 v2, v7;
	v3 =	vadd.f32 v3, v5;
	v5 =	vmul.f32 v6, v1  }
0x173: {  	v15 =	vld [tilespmem:s5+$0xEA80];
	v6 =	vsel vm2, v2, v7;
	v7 =	vsel vm2, v9, v8;
	v8 =	vor.u32 s7, v0  }
.Ltmp8:
0x174: {  	s7 =	sadd.s32 $0x40, s3;
	v9 =	vmul.f32 v13, v1;
	v2 =	vld [tilespmem:s5+$0x186C0];
	vm2 =	vgt.f32 v3, v6;
	v4 =	vadd.f32 v4, v5;
	(pc) =	sbr.rel @p0 .LBB2_18-.Ltmp8, $4  }
0x175: {  	v13 =	vor.u32 s7, v0;
	v5 =	vld [tilespmem:s5+$0xEA90];
	v10 =	vsel vm2, v3, v6;
	v8 =	vsel vm2, v8, v7  }
0x176: {  	s3 =	sadd.s32 $0x50, s3;
	v7 =	vadd.f32 v11, v9;
	v12 =	vmul.f32 v12, v1;
	v3 =	vld [tilespmem:s5+$0x186D0];
	vm2 =	vgt.f32 v4, v10  }
0x177: {  	v9 =	vor.u32 s3, v0;
	v6 =	vld [tilespmem:s5+$0xEAA0];
	v10 =	vsel vm2, v4, v10;
	v11 =	vsel vm2, v13, v8  }
0x178: {  	s7 =	sadd.s32 $0x10, s3;
	vm2 =	vgt.f32 v7, v10;
	v8 =	vadd.f32 v14, v12;
	v12 =	vmul.f32 v15, v1;
	v4 =	vld [tilespmem:s5+$0x186E0];
	s5 =	sshra.s32 s6, $0x2;
	s6 =	sadd.s32 $0x140, s6  }
0x179: {  	v13 =	vld [tilespmem:s5+$0xEA60]  }
0x17a: {  	v14 =	vld [tilespmem:s5+$0x186A0]  }
0x17b: {  	v15 =	vld [tilespmem:s5+$0xEA70]  }
0x17c: {  	v16 =	vld [tilespmem:s5+$0x186B0];
	v7 =	vsel vm2, v7, v10;
	v9 =	vsel vm2, v9, v11;
	v10 =	vor.u32 s7, v0  }
0x17d: {  	v11 =	vld [tilespmem:s5+$0xEA80];
	s6 =	sadd.s32 $0x20, s3;
	vm2 =	vgt.f32 v8, v7;
	v2 =	vadd.f32 v2, v12;
	v5 =	vmul.f32 v5, v1  }
0x17e: {  	v12 =	vld [tilespmem:s5+$0x186C0];
	v7 =	vsel vm2, v8, v7;
	v8 =	vsel vm2, v10, v9;
	v9 =	vor.u32 s6, v0  }
0x17f: {  	v10 =	vld [tilespmem:s5+$0xEA90];
	vm2 =	vgt.f32 v2, v7;
	v3 =	vadd.f32 v3, v5;
	v5 =	vmul.f32 v6, v1  }
0x180: {  	s7 =	sadd.s32 $0x30, s3;
	v6 =	vld [tilespmem:s5+$0x186D0];
	v2 =	vsel vm2, v2, v7;
	v7 =	vsel vm2, v9, v8;
	v8 =	vmul.f32 v13, v1  }
0x181: {  	s9 =	simm.s32 $0x0;
	v9 =	vld [tilespmem:s5+$0xEAA0];
	v13 =	vor.u32 s7, v0;
	vm2 =	vgt.f32 v3, v2;
	v4 =	vadd.f32 v4, v5  }
0x182: {  	v5 =	vld [tilespmem:s5+$0x186E0];
	[tilespmem:s29], [sflag:$0x1] =	stream.linear.gather [hbm4b:s12+s9], $0x2710, $0x38;
	v11 =	vmul.f32 v11, v1;
	v2 =	vsel vm2, v3, v2;
	v3 =	vsel vm2, v13, v7  }
0x183: {  	s8 =	sadd.s32 $0x40, s3;
	v13 =	vmul.f32 v15, v1;
	_ =	swait.ge [sflag:s0], $0x2710;
	v7 =	vadd.f32 v14, v8;
	vm2 =	vgt.f32 v4, v2  }
0x184: {  	v8 =	vor.u32 s8, v0;
	[sflag:s0] =	ssyncset.done $0x0;
	v10 =	vmul.f32 v10, v1;
	v2 =	vsel vm2, v4, v2  }
0x185: {  	s3 =	sadd.s32 $0x50, s3;
	s8 =	simm.s32 $0x0;
	v3 =	vsel vm2, v8, v3;
	v8 =	vadd.f32 v16, v13;
	[sflag:s0] =	ssyncadd.s32 $0xFFFFD8F0;
	vm2 =	vgt.f32 v7, v2  }
0x186: {  	v11 =	vadd.f32 v12, v11;
	v4 =	vor.u32 s3, v0;
	v2 =	vsel vm2, v7, v2;
	v7 =	vld [tilespmem:s8+$0x11170]  }
0x187: {  	s6 =	sadd.s32 $0x10, s3;
	v12 =	vld [tilespmem:s8+$0x1ADB0];
	v6 =	vadd.f32 v6, v10;
	v3 =	vsel vm2, v4, v3;
	vm2 =	vgt.f32 v8, v2  }
0x188: {  	s7 =	sadd.s32 $0x20, s3;
	v9 =	vmul.f32 v9, v1;
	v4 =	vor.u32 s6, v0;
	v2 =	vsel vm2, v8, v2;
	v8 =	vld [tilespmem:s8+$0x11180]  }
0x189: {  	v14 =	vld [tilespmem:s8+$0x11190];
	v3 =	vsel vm2, v4, v3;
	v4 =	vor.u32 s7, v0;
	vm2 =	vgt.f32 v11, v2  }
0x18a: {  	s9 =	sadd.s32 $0x30, s3;
	v13 =	vld [tilespmem:s8+$0x1ADC0];
	v9 =	vadd.f32 v5, v9;
	v10 =	vsel vm2, v11, v2;
	v3 =	vsel vm2, v4, v3  }
0x18b: {  	s3 =	sadd.s32 $0x40, s3;
	v5 =	vld [tilespmem:s8+$0x111A0];
	v4 =	vor.u32 s9, v0;
	vm2 =	vgt.f32 v6, v10;
	v7 =	vmul.f32 v7, v1  }
0x18c: {  	v2 =	vld [tilespmem:s8+$0x1ADD0];
	v11 =	vor.u32 s3, v0;
	v6 =	vsel vm2, v6, v10;
	v4 =	vsel vm2, v4, v3  }
0x18d: {  	v3 =	vld [tilespmem:s8+$0x1ADE0];
	vm2 =	vgt.f32 v9, v6;
	v7 =	vadd.f32 v12, v7;
	v8 =	vmul.f32 v8, v1  }
0x18e: {  	s3 =	simm.s32 $0x11170;
	v12 =	vmul.f32 v14, v1;
	v10 =	vsel vm2, v9, v6;
	v11 =	vsel vm2, v11, v4;
	v6 =	vld [tilespmem:s8+$0x111B0]  }
0x18f: {  	s5 =	simm.s32 $0x50;
	s6 =	simm.s32 $0x280;
	s7 =	simm.s32 $0x11180;
	v9 =	vor.u32 s3, v0;
	v4 =	vld [tilespmem:s8+$0x1ADF0];
	vm2 =	vgt.f32 v7, v10;
	v8 =	vadd.f32 v13, v8  }
.LBB2_20:
0x190: {  	p0 =	sne.s32 s6, $0x9B00;
	v13 =	vld [tilespmem:s5+$0x11170];
	v7 =	vsel vm2, v7, v10;
	v9 =	vsel vm2, v9, v11;
	v10 =	vor.u32 s7, v0  }
0x191: {  	s7 =	sadd.s32 $0x20, s3;
	v11 =	vld [tilespmem:s5+$0x1ADB0];
	vm2 =	vgt.f32 v8, v7;
	v2 =	vadd.f32 v2, v12;
	v5 =	vmul.f32 v5, v1  }
0x192: {  	v12 =	vld [tilespmem:s5+$0x11180];
	v7 =	vsel vm2, v8, v7;
	v8 =	vsel vm2, v10, v9;
	v9 =	vor.u32 s7, v0  }
0x193: {  	s7 =	sadd.s32 $0x30, s3;
	v14 =	vld [tilespmem:s5+$0x1ADC0];
	vm2 =	vgt.f32 v2, v7;
	v3 =	vadd.f32 v3, v5;
	v5 =	vmul.f32 v6, v1  }
0x194: {  	v15 =	vld [tilespmem:s5+$0x11190];
	v6 =	vsel vm2, v2, v7;
	v7 =	vsel vm2, v9, v8;
	v8 =	vor.u32 s7, v0  }
.Ltmp9:
0x195: {  	s7 =	sadd.s32 $0x40, s3;
	v9 =	vmul.f32 v13, v1;
	v2 =	vld [tilespmem:s5+$0x1ADD0];
	vm2 =	vgt.f32 v3, v6;
	v4 =	vadd.f32 v4, v5;
	(pc) =	sbr.rel @p0 .LBB2_20-.Ltmp9, $4  }
0x196: {  	v13 =	vor.u32 s7, v0;
	v5 =	vld [tilespmem:s5+$0x111A0];
	v10 =	vsel vm2, v3, v6;
	v8 =	vsel vm2, v8, v7  }
0x197: {  	s3 =	sadd.s32 $0x50, s3;
	v7 =	vadd.f32 v11, v9;
	v12 =	vmul.f32 v12, v1;
	v3 =	vld [tilespmem:s5+$0x1ADE0];
	vm2 =	vgt.f32 v4, v10  }
0x198: {  	v9 =	vor.u32 s3, v0;
	v6 =	vld [tilespmem:s5+$0x111B0];
	v10 =	vsel vm2, v4, v10;
	v11 =	vsel vm2, v13, v8  }
0x199: {  	s7 =	sadd.s32 $0x10, s3;
	vm2 =	vgt.f32 v7, v10;
	v8 =	vadd.f32 v14, v12;
	v12 =	vmul.f32 v15, v1;
	v4 =	vld [tilespmem:s5+$0x1ADF0];
	s5 =	sshra.s32 s6, $0x2;
	s6 =	sadd.s32 $0x140, s6  }
0x19a: {  	v13 =	vld [tilespmem:s5+$0x11170]  }
0x19b: {  	v14 =	vld [tilespmem:s5+$0x1ADB0]  }
0x19c: {  	v15 =	vld [tilespmem:s5+$0x11180]  }
0x19d: {  	v16 =	vld [tilespmem:s5+$0x1ADC0];
	v7 =	vsel vm2, v7, v10;
	v9 =	vsel vm2, v9, v11;
	v10 =	vor.u32 s7, v0  }
0x19e: {  	v11 =	vld [tilespmem:s5+$0x11190];
	s6 =	sadd.s32 $0x20, s3;
	vm2 =	vgt.f32 v8, v7;
	v2 =	vadd.f32 v2, v12;
	v5 =	vmul.f32 v5, v1  }
0x19f: {  	v12 =	vld [tilespmem:s5+$0x1ADD0];
	v7 =	vsel vm2, v8, v7;
	v8 =	vsel vm2, v10, v9;
	v9 =	vor.u32 s6, v0  }
0x1a0: {  	v10 =	vld [tilespmem:s5+$0x111A0];
	vm2 =	vgt.f32 v2, v7;
	v3 =	vadd.f32 v3, v5;
	v5 =	vmul.f32 v6, v1  }
0x1a1: {  	s7 =	sadd.s32 $0x30, s3;
	v6 =	vld [tilespmem:s5+$0x1ADE0];
	v2 =	vsel vm2, v2, v7;
	v7 =	vsel vm2, v9, v8;
	v8 =	vmul.f32 v13, v1  }
0x1a2: {  	s9 =	simm.s32 $0x0;
	v9 =	vld [tilespmem:s5+$0x111B0];
	v13 =	vor.u32 s7, v0;
	vm2 =	vgt.f32 v3, v2;
	v4 =	vadd.f32 v4, v5  }
0x1a3: {  	v5 =	vld [tilespmem:s5+$0x1ADF0];
	[tilespmem:s30], [sflag:$0x2] =	stream.linear.gather [hbm4b:s13+s9], $0x2710, $0x38;
	v11 =	vmul.f32 v11, v1;
	v2 =	vsel vm2, v3, v2;
	v3 =	vsel vm2, v13, v7  }
0x1a4: {  	s8 =	sadd.s32 $0x40, s3;
	v13 =	vmul.f32 v15, v1;
	_ =	swait.ge [sflag:s31], $0x2710;
	v7 =	vadd.f32 v14, v8;
	vm2 =	vgt.f32 v4, v2  }
0x1a5: {  	v8 =	vor.u32 s8, v0;
	[sflag:s31] =	ssyncset.done $0x0;
	v10 =	vmul.f32 v10, v1;
	v2 =	vsel vm2, v4, v2  }
0x1a6: {  	s3 =	sadd.s32 $0x50, s3;
	s8 =	simm.s32 $0x0;
	v3 =	vsel vm2, v8, v3;
	v8 =	vadd.f32 v16, v13;
	[sflag:s31] =	ssyncadd.s32 $0xFFFFD8F0;
	vm2 =	vgt.f32 v7, v2  }
0x1a7: {  	v11 =	vadd.f32 v12, v11;
	v4 =	vor.u32 s3, v0;
	v2 =	vsel vm2, v7, v2;
	v7 =	vld [tilespmem:s8+$0x13880]  }
0x1a8: {  	s6 =	sadd.s32 $0x10, s3;
	v12 =	vld [tilespmem:s8+$0x186A0];
	v6 =	vadd.f32 v6, v10;
	v3 =	vsel vm2, v4, v3;
	vm2 =	vgt.f32 v8, v2  }
0x1a9: {  	s7 =	sadd.s32 $0x20, s3;
	v9 =	vmul.f32 v9, v1;
	v4 =	vor.u32 s6, v0;
	v2 =	vsel vm2, v8, v2;
	v8 =	vld [tilespmem:s8+$0x13890]  }
0x1aa: {  	v14 =	vld [tilespmem:s8+$0x138A0];
	v3 =	vsel vm2, v4, v3;
	v4 =	vor.u32 s7, v0;
	vm2 =	vgt.f32 v11, v2  }
0x1ab: {  	s9 =	sadd.s32 $0x30, s3;
	v13 =	vld [tilespmem:s8+$0x186B0];
	v9 =	vadd.f32 v5, v9;
	v10 =	vsel vm2, v11, v2;
	v3 =	vsel vm2, v4, v3  }
0x1ac: {  	s3 =	sadd.s32 $0x40, s3;
	v5 =	vld [tilespmem:s8+$0x138B0];
	v4 =	vor.u32 s9, v0;
	vm2 =	vgt.f32 v6, v10;
	v7 =	vmul.f32 v7, v1  }
0x1ad: {  	v2 =	vld [tilespmem:s8+$0x186C0];
	v11 =	vor.u32 s3, v0;
	v6 =	vsel vm2, v6, v10;
	v4 =	vsel vm2, v4, v3  }
0x1ae: {  	v3 =	vld [tilespmem:s8+$0x186D0];
	vm2 =	vgt.f32 v9, v6;
	v7 =	vadd.f32 v12, v7;
	v8 =	vmul.f32 v8, v1  }
0x1af: {  	s3 =	simm.s32 $0x13880;
	v12 =	vmul.f32 v14, v1;
	v10 =	vsel vm2, v9, v6;
	v11 =	vsel vm2, v11, v4;
	v6 =	vld [tilespmem:s8+$0x138C0]  }
0x1b0: {  	s5 =	simm.s32 $0x50;
	s6 =	simm.s32 $0x280;
	s7 =	simm.s32 $0x13890;
	v9 =	vor.u32 s3, v0;
	v4 =	vld [tilespmem:s8+$0x186E0];
	vm2 =	vgt.f32 v7, v10;
	v8 =	vadd.f32 v13, v8  }
.LBB2_22:
0x1b1: {  	p0 =	sne.s32 s6, $0x9B00;
	v13 =	vld [tilespmem:s5+$0x13880];
	v7 =	vsel vm2, v7, v10;
	v9 =	vsel vm2, v9, v11;
	v10 =	vor.u32 s7, v0  }
0x1b2: {  	s7 =	sadd.s32 $0x20, s3;
	v11 =	vld [tilespmem:s5+$0x186A0];
	vm2 =	vgt.f32 v8, v7;
	v2 =	vadd.f32 v2, v12;
	v5 =	vmul.f32 v5, v1  }
0x1b3: {  	v12 =	vld [tilespmem:s5+$0x13890];
	v7 =	vsel vm2, v8, v7;
	v8 =	vsel vm2, v10, v9;
	v9 =	vor.u32 s7, v0  }
0x1b4: {  	s7 =	sadd.s32 $0x30, s3;
	v14 =	vld [tilespmem:s5+$0x186B0];
	vm2 =	vgt.f32 v2, v7;
	v3 =	vadd.f32 v3, v5;
	v5 =	vmul.f32 v6, v1  }
0x1b5: {  	v15 =	vld [tilespmem:s5+$0x138A0];
	v6 =	vsel vm2, v2, v7;
	v7 =	vsel vm2, v9, v8;
	v8 =	vor.u32 s7, v0  }
.Ltmp10:
0x1b6: {  	s7 =	sadd.s32 $0x40, s3;
	v9 =	vmul.f32 v13, v1;
	v2 =	vld [tilespmem:s5+$0x186C0];
	vm2 =	vgt.f32 v3, v6;
	v4 =	vadd.f32 v4, v5;
	(pc) =	sbr.rel @p0 .LBB2_22-.Ltmp10, $4  }
0x1b7: {  	v13 =	vor.u32 s7, v0;
	v5 =	vld [tilespmem:s5+$0x138B0];
	v10 =	vsel vm2, v3, v6;
	v8 =	vsel vm2, v8, v7  }
0x1b8: {  	s3 =	sadd.s32 $0x50, s3;
	v7 =	vadd.f32 v11, v9;
	v12 =	vmul.f32 v12, v1;
	v3 =	vld [tilespmem:s5+$0x186D0];
	vm2 =	vgt.f32 v4, v10  }
0x1b9: {  	v9 =	vor.u32 s3, v0;
	v6 =	vld [tilespmem:s5+$0x138C0];
	v10 =	vsel vm2, v4, v10;
	v11 =	vsel vm2, v13, v8  }
0x1ba: {  	s7 =	sadd.s32 $0x10, s3;
	vm2 =	vgt.f32 v7, v10;
	v8 =	vadd.f32 v14, v12;
	v12 =	vmul.f32 v15, v1;
	v4 =	vld [tilespmem:s5+$0x186E0];
	s5 =	sshra.s32 s6, $0x2;
	s6 =	sadd.s32 $0x140, s6  }
0x1bb: {  	v13 =	vld [tilespmem:s5+$0x13880]  }
0x1bc: {  	v14 =	vld [tilespmem:s5+$0x186A0]  }
0x1bd: {  	v15 =	vld [tilespmem:s5+$0x13890];
	v7 =	vsel vm2, v7, v10;
	v9 =	vsel vm2, v9, v11;
	v10 =	vor.u32 s7, v0  }
0x1be: {  	v11 =	vld [tilespmem:s5+$0x186B0];
	s6 =	sadd.s32 $0x20, s3;
	vm2 =	vgt.f32 v8, v7;
	v2 =	vadd.f32 v2, v12;
	v5 =	vmul.f32 v5, v1  }
0x1bf: {  	v12 =	vld [tilespmem:s5+$0x138A0];
	v7 =	vsel vm2, v8, v7;
	v8 =	vsel vm2, v10, v9;
	v9 =	vor.u32 s6, v0  }
0x1c0: {  	v10 =	vld [tilespmem:s5+$0x186C0];
	vm2 =	vgt.f32 v2, v7;
	v3 =	vadd.f32 v3, v5;
	v5 =	vmul.f32 v6, v1  }
0x1c1: {  	s8 =	sadd.s32 $0x30, s3;
	v6 =	vld [tilespmem:s5+$0x138B0];
	v2 =	vsel vm2, v2, v7;
	v7 =	vsel vm2, v9, v8;
	v8 =	vmul.f32 v13, v1  }
0x1c2: {  	s9 =	sadd.s32 $0x40, s3;
	v9 =	vld [tilespmem:s5+$0x186D0];
	v13 =	vor.u32 s8, v0;
	vm2 =	vgt.f32 v3, v2;
	v4 =	vadd.f32 v4, v5  }
0x1c3: {  	v5 =	vld [tilespmem:s5+$0x138C0];
	v2 =	vsel vm2, v3, v2;
	v3 =	vsel vm2, v13, v7;
	v13 =	vor.u32 s9, v0  }
0x1c4: {  	s3 =	sadd.s32 $0x50, s3;
	v7 =	vadd.f32 v14, v8;
	v8 =	vld [tilespmem:s5+$0x186E0];
	v14 =	vmul.f32 v15, v1;
	vm2 =	vgt.f32 v4, v2;
	_ =	swait.ge [sflag:s0], $0x2710  }
0x1c5: {  	v12 =	vmul.f32 v12, v1;
	v2 =	vsel vm2, v4, v2;
	v4 =	vor.u32 s3, v0;
	[sflag:s0] =	ssyncset.done $0x0  }
0x1c6: {  	s8 =	simm.s32 $0x0;
	v3 =	vsel vm2, v13, v3;
	vm2 =	vgt.f32 v7, v2;
	v11 =	vadd.f32 v11, v14;
	[sflag:s0] =	ssyncadd.s32 $0xFFFFD8F0  }
0x1c7: {  	s6 =	sadd.s32 $0x10, s3;
	v10 =	vadd.f32 v10, v12;
	v6 =	vmul.f32 v6, v1;
	v2 =	vsel vm2, v7, v2;
	v7 =	vld [tilespmem:s8+$0x15F90]  }
0x1c8: {  	v3 =	vsel vm2, v4, v3;
	v4 =	vor.u32 s6, v0;
	v12 =	vld [tilespmem:s8+$0x1ADB0];
	vm2 =	vgt.f32 v11, v2  }
0x1c9: {  	s7 =	sadd.s32 $0x20, s3;
	v6 =	vadd.f32 v9, v6;
	v5 =	vmul.f32 v5, v1;
	v2 =	vsel vm2, v11, v2;
	v11 =	vld [tilespmem:s8+$0x15FA0]  }
0x1ca: {  	v13 =	vld [tilespmem:s8+$0x1ADC0];
	v3 =	vsel vm2, v4, v3;
	v4 =	vor.u32 s7, v0;
	vm2 =	vgt.f32 v10, v2  }
0x1cb: {  	s9 =	sadd.s32 $0x30, s3;
	v14 =	vld [tilespmem:s8+$0x15FB0];
	v8 =	vadd.f32 v8, v5;
	v9 =	vsel vm2, v10, v2;
	v3 =	vsel vm2, v4, v3  }
0x1cc: {  	s3 =	sadd.s32 $0x40, s3;
	v5 =	vld [tilespmem:s8+$0x15FC0];
	v4 =	vor.u32 s9, v0;
	vm2 =	vgt.f32 v6, v9;
	v7 =	vmul.f32 v7, v1  }
0x1cd: {  	v2 =	vld [tilespmem:s8+$0x1ADD0];
	v6 =	vsel vm2, v6, v9;
	v4 =	vsel vm2, v4, v3;
	v9 =	vor.u32 s3, v0  }
0x1ce: {  	s3 =	simm.s32 $0x15F90;
	v3 =	vld [tilespmem:s8+$0x1ADE0];
	vm2 =	vgt.f32 v8, v6;
	v7 =	vadd.f32 v12, v7;
	v12 =	vmul.f32 v11, v1  }
0x1cf: {  	v10 =	vsel vm2, v8, v6;
	v11 =	vsel vm2, v9, v4;
	v9 =	vor.u32 s3, v0;
	v6 =	vld [tilespmem:s8+$0x15FD0]  }
0x1d0: {  	s5 =	simm.s32 $0x50;
	s6 =	simm.s32 $0x280;
	s7 =	simm.s32 $0x15FA0;
	v4 =	vld [tilespmem:s8+$0x1ADF0];
	vm2 =	vgt.f32 v7, v10;
	v8 =	vadd.f32 v13, v12;
	v12 =	vmul.f32 v14, v1  }
.LBB2_24:
0x1d1: {  	p0 =	sne.s32 s6, $0x9B00;
	v13 =	vld [tilespmem:s5+$0x15F90];
	v7 =	vsel vm2, v7, v10;
	v9 =	vsel vm2, v9, v11;
	v10 =	vor.u32 s7, v0  }
0x1d2: {  	s7 =	sadd.s32 $0x20, s3;
	v11 =	vld [tilespmem:s5+$0x1ADB0];
	vm2 =	vgt.f32 v8, v7;
	v2 =	vadd.f32 v2, v12;
	v5 =	vmul.f32 v5, v1  }
0x1d3: {  	v12 =	vld [tilespmem:s5+$0x15FA0];
	v7 =	vsel vm2, v8, v7;
	v8 =	vsel vm2, v10, v9;
	v9 =	vor.u32 s7, v0  }
0x1d4: {  	s7 =	sadd.s32 $0x30, s3;
	v14 =	vld [tilespmem:s5+$0x1ADC0];
	vm2 =	vgt.f32 v2, v7;
	v3 =	vadd.f32 v3, v5;
	v5 =	vmul.f32 v6, v1  }
0x1d5: {  	v15 =	vld [tilespmem:s5+$0x15FB0];
	v6 =	vsel vm2, v2, v7;
	v7 =	vsel vm2, v9, v8;
	v8 =	vor.u32 s7, v0  }
.Ltmp11:
0x1d6: {  	s7 =	sadd.s32 $0x40, s3;
	v9 =	vmul.f32 v13, v1;
	v2 =	vld [tilespmem:s5+$0x1ADD0];
	vm2 =	vgt.f32 v3, v6;
	v4 =	vadd.f32 v4, v5;
	(pc) =	sbr.rel @p0 .LBB2_24-.Ltmp11, $4  }
0x1d7: {  	v13 =	vor.u32 s7, v0;
	v5 =	vld [tilespmem:s5+$0x15FC0];
	v10 =	vsel vm2, v3, v6;
	v8 =	vsel vm2, v8, v7  }
0x1d8: {  	s3 =	sadd.s32 $0x50, s3;
	v7 =	vadd.f32 v11, v9;
	v12 =	vmul.f32 v12, v1;
	v3 =	vld [tilespmem:s5+$0x1ADE0];
	vm2 =	vgt.f32 v4, v10  }
0x1d9: {  	v9 =	vor.u32 s3, v0;
	v6 =	vld [tilespmem:s5+$0x15FD0];
	v10 =	vsel vm2, v4, v10;
	v11 =	vsel vm2, v13, v8  }
0x1da: {  	s7 =	sadd.s32 $0x10, s3;
	vm2 =	vgt.f32 v7, v10;
	v8 =	vadd.f32 v14, v12;
	v12 =	vmul.f32 v15, v1;
	v4 =	vld [tilespmem:s5+$0x1ADF0];
	s5 =	sshra.s32 s6, $0x2;
	s6 =	sadd.s32 $0x140, s6  }
0x1db: {  	v13 =	vld [tilespmem:s5+$0x15F90]  }
0x1dc: {  	v14 =	vld [tilespmem:s5+$0x1ADB0]  }
0x1dd: {  	v15 =	vld [tilespmem:s5+$0x15FA0]  }
0x1de: {  	v16 =	vld [tilespmem:s5+$0x1ADC0];
	v7 =	vsel vm2, v7, v10;
	v9 =	vsel vm2, v9, v11;
	v10 =	vor.u32 s7, v0  }
0x1df: {  	v11 =	vld [tilespmem:s5+$0x15FB0];
	s6 =	sadd.s32 $0x20, s3;
	vm2 =	vgt.f32 v8, v7;
	v2 =	vadd.f32 v2, v12;
	v5 =	vmul.f32 v5, v1  }
0x1e0: {  	v58 =	vld [tilespmem:s5+$0x1ADD0];
	v7 =	vsel vm2, v8, v7;
	v8 =	vsel vm2, v10, v9;
	v9 =	vor.u32 s6, v0  }
0x1e1: {  	v10 =	vld [tilespmem:s5+$0x15FC0];
	vm2 =	vgt.f32 v2, v7;
	v3 =	vadd.f32 v3, v5;
	v5 =	vmul.f32 v6, v1  }
0x1e2: {  	v6 =	vld [tilespmem:s5+$0x1ADE0];
	v2 =	vsel vm2, v2, v7;
	v7 =	vsel vm2, v9, v8  }
0x1e3: {  	s7 =	sadd.s32 $0x30, s3;
	s9 =	simm.s32 $0x0;
	v9 =	vld [tilespmem:s5+$0x15FD0];
	v8 =	vmul.f32 v13, v1;
	vm2 =	vgt.f32 v3, v2;
	v4 =	vadd.f32 v4, v5  }
0x1e4: {  	v59 =	vor.u32 s7, v0;
	v5 =	vld [tilespmem:s5+$0x1ADF0];
	[tilespmem:s9], [sflag:$0x3] =	stream.linear.gather [hbm4b:s14+s9], $0x186A0, $0x38;
	v60 =	vmul.f32 v15, v1;
	v2 =	vsel vm2, v3, v2  }
0x1e5: {  	s8 =	sadd.s32 $0x40, s3;
	v3 =	vsel vm2, v59, v7;
	_ =	swait.ge [sflag:s28], $0x186A0;
	v7 =	vadd.f32 v14, v8;
	vm2 =	vgt.f32 v4, v2  }
0x1e6: {  	v11 =	vmul.f32 v11, v1;
	v8 =	vor.u32 s8, v0;
	[sflag:s28] =	ssyncset.done $0x0;
	v2 =	vsel vm2, v4, v2  }
0x1e7: {  	s3 =	sadd.s32 $0x50, s3;
	s7 =	simm.s32 $0x0;
	v3 =	vsel vm2, v8, v3;
	v8 =	vadd.f32 v16, v60;
	[sflag:s28] =	ssyncadd.s32 $0xFFFE7960;
	vm2 =	vgt.f32 v7, v2  }
0x1e8: {  	v10 =	vmul.f32 v10, v1;
	v4 =	vor.u32 s3, v0;
	v2 =	vsel vm2, v7, v2;
	v7 =	vld [tilespmem:s7+$0x0]  }
0x1e9: {  	s6 =	sadd.s32 $0x10, s3;
	v11 =	vadd.f32 v58, v11;
	v61 =	vld [tilespmem:s7+$0x10];
	v3 =	vsel vm2, v4, v3;
	vm2 =	vgt.f32 v8, v2  }
0x1ea: {  	v6 =	vadd.f32 v6, v10;
	v4 =	vor.u32 s6, v0;
	v2 =	vsel vm2, v8, v2;
	v8 =	vld [tilespmem:s7+$0x20]  }
0x1eb: {  	s8 =	sadd.s32 $0x20, s3;
	v10 =	vld [tilespmem:s7+$0x30];
	v1 =	vmul.f32 v9, v1;
	v3 =	vsel vm2, v4, v3;
	vm2 =	vgt.f32 v11, v2  }
0x1ec: {  	s9 =	sadd.s32 $0x30, s3;
	v9 =	vimm.f32 $-Inf;
	v4 =	vor.u32 s8, v0;
	v2 =	vsel vm2, v11, v2;
	v11 =	vld [tilespmem:s7+$0x40]  }
0x1ed: {  	v63 =	vor.u32 s9, v0;
	v62 =	vsel vm2, v4, v3;
	v3 =	vld [tilespmem:s7+$0x50];
	v4 =	vmax.f32 v9, v7  }
0x1ee: {  	v1 =	vadd.f32 v5, v1;
	vm2 =	vgt.f32 v6, v2;
	v5 =	vmax.f32 v4, v61;
	v4 =	vld [tilespmem:s7+$0x60]  }
0x1ef: {  	s3 =	sadd.s32 $0x40, s3;
	v2 =	vsel vm2, v6, v2;
	v7 =	vsel vm2, v63, v62;
	v6 =	vmax.f32 v5, v8;
	v5 =	vld [tilespmem:s7+$0x70]  }
0x1f0: {  	v8 =	vor.u32 s3, v0;
	vm2 =	vgt.f32 v1, v2;
	v9 =	vmax.f32 v6, v10;
	v6 =	vld [tilespmem:s7+$0x80]  }
0x1f1: {  	s5 =	simm.s32 $0x500;
	s3 =	simm.s32 $0xA0;
	v1 =	vsel vm2, v1, v2;
	v2 =	vsel vm2, v8, v7;
	v7 =	vld [tilespmem:s7+$0x90];
	v8 =	vmax.f32 v9, v11  }
.LBB2_26:
0x1f2: {  	p0 =	sne.s32 s5, $0x61800;
	v9 =	vld [tilespmem:s3+$0x0];
	v3 =	vmax.f32 v8, v3  }
0x1f3: {  	v8 =	vld [tilespmem:s3+$0x10];
	v3 =	vmax.f32 v3, v4  }
0x1f4: {  	v10 =	vld [tilespmem:s3+$0x20];
	v3 =	vmax.f32 v3, v5  }
0x1f5: {  	v11 =	vld [tilespmem:s3+$0x30];
	v3 =	vmax.f32 v3, v6  }
0x1f6: {  	v12 =	vld [tilespmem:s3+$0x40];
	v3 =	vmax.f32 v3, v7  }
.Ltmp12:
0x1f7: {  	v4 =	vmax.f32 v3, v9;
	v3 =	vld [tilespmem:s3+$0x50];
	(pc) =	sbr.rel @p0 .LBB2_26-.Ltmp12, $4  }
0x1f8: {  	v5 =	vmax.f32 v4, v8;
	v4 =	vld [tilespmem:s3+$0x60]  }
0x1f9: {  	v6 =	vmax.f32 v5, v10;
	v5 =	vld [tilespmem:s3+$0x70]  }
0x1fa: {  	v7 =	vmax.f32 v6, v11;
	v6 =	vld [tilespmem:s3+$0x80]  }
0x1fb: {  	v8 =	vmax.f32 v7, v12;
	v7 =	vld [tilespmem:s3+$0x90];
	s3 =	sshra.s32 s5, $0x2;
	s5 =	sadd.s32 $0x280, s5  }
0x1fc: {  	v9 =	vld [tilespmem:s3+$0x0];
	v3 =	vmax.f32 v8, v3  }
0x1fd: {  	v8 =	vld [tilespmem:s3+$0x10];
	v3 =	vmax.f32 v3, v4  }
0x1fe: {  	v4 =	vld [tilespmem:s3+$0x20];
	v3 =	vmax.f32 v3, v5  }
0x1ff: {  	v5 =	vld [tilespmem:s3+$0x30];
	v3 =	vmax.f32 v3, v6  }
0x200: {  	v6 =	vld [tilespmem:s3+$0x40];
	v3 =	vmax.f32 v3, v7  }
0x201: {  	v7 =	vld [tilespmem:s3+$0x50];
	v3 =	vmax.f32 v3, v9  }
0x202: {  	v3 =	vmax.f32 v3, v8;
	v8 =	vld [tilespmem:s3+$0x60]  }
0x203: {  	v3 =	vmax.f32 v3, v4;
	v4 =	vld [tilespmem:s3+$0x70]  }
0x204: {  	v3 =	vmax.f32 v3, v5;
	v5 =	vld [tilespmem:s3+$0x80]  }
0x205: {  	v3 =	vmax.f32 v3, v6;
	v6 =	vld [tilespmem:s3+$0x90]  }
0x206: {  	v3 =	vmax.f32 v3, v7  }
0x207: {  	v3 =	vmax.f32 v3, v8  }
0x208: {  	v3 =	vmax.f32 v3, v4  }
0x209: {  	v3 =	vmax.f32 v3, v5  }
0x20a: {  	v3 =	vmax.f32 v3, v6  }
0x20b: {  	(xrf0) =	vmax.scan.msk.f32 $0xffff, v3;
	_ =	sdelay $0x2  }
0x20c: {  	s5 =	simm.s32 $0x0  }
0x20d: {  	v4 =	vld [tilespmem:s5+$0x0]  }
0x20e: {  	v5 =	vld [tilespmem:s5+$0x10]  }
0x20f: {  	v3, _, _ =	vpop (xrf0)  }
0x210: {  	v6 =	vld [tilespmem:s5+$0x20];
	v3 =	vbroadcast v3, $0xF  }
0x211: {  	v7 =	vld [tilespmem:s5+$0x30]  }
0x212: {  	v8 =	vld [tilespmem:s5+$0x90];
	v4 =	vsub.f32 v4, v3  }
0x213: {  	v5 =	vsub.f32 v5, v3  }
0x214: {  	v4 =	vmul.f32 $1.442695020e+00, v4  }
0x215: {  	v6 =	vsub.f32 v6, v3;
	v5 =	vmul.f32 $1.442695020e+00, v5  }
0x216: {  	v7 =	vsub.f32 v7, v3;
	(erf) = vpow2.f32 v4;
	v4 =	vld [tilespmem:s5+$0x80]  }
0x217: {  	v8 =	vsub.f32 v8, v3;
	v6 =	vmul.f32 $1.442695020e+00, v6;
	(erf) = vpow2.f32 v5;
	v5 =	vld [tilespmem:s5+$0x70]  }
0x218: {  	v7 =	vmul.f32 $1.442695020e+00, v7  }
0x219: {  	v8 =	vmul.f32 $1.442695020e+00, v8;
	(erf) = vpow2.f32 v6;
	v6 =	vld [tilespmem:s5+$0x60]  }
0x21a: {  	(erf) = vpow2.f32 v7;
	v7 =	vld [tilespmem:s5+$0x40]  }
0x21b: {  	(erf) = vpow2.f32 v8;
	v8 =	vld [tilespmem:s5+$0x50];
	v4 =	vsub.f32 v4, v3  }
0x21c: {  	v5 =	vsub.f32 v5, v3  }
0x21d: {  	v4 =	vmul.f32 $1.442695020e+00, v4  }
0x21e: {  	v6 =	vsub.f32 v6, v3;
	v5 =	vmul.f32 $1.442695020e+00, v5  }
0x21f: {  	v9 =	vpop (erf);
	(erf) = vpow2.f32 v4;
	v4 =	vsub.f32 v7, v3  }
0x220: {  	v6 =	vmul.f32 $1.442695020e+00, v6;
	v8 =	vsub.f32 v8, v3  }
0x221: {  	v10 =	vpop (erf);
	(erf) = vpow2.f32 v5;
	v4 =	vmul.f32 $1.442695020e+00, v4  }
0x222: {  	v8 =	vmul.f32 $1.442695020e+00, v8;
	v5 =	vpop (erf);
	(erf) = vpow2.f32 v6  }
0x223: {  	(erf) = vpow2.f32 v4  }
0x224: {  	v14 =	vimm.f32 $0.0e+00;
	s3 =	simm.s32 $0xA0;
	[tilespmem:s5+$0x0] =	vst v9;
	(erf) = vpow2.f32 v8  }
0x225: {  	v11 =	vld [tilespmem:s3+$0x0];
	[tilespmem:s5+$0x10] =	vst v10;
	v8 =	vadd.f32 v9, v14  }
0x226: {  	v7 =	vld [tilespmem:s3+$0x10];
	[tilespmem:s5+$0x20] =	vst v5;
	v6 =	vpop (erf)  }
0x227: {  	v12 =	vld [tilespmem:s3+$0x20];
	[tilespmem:s5+$0x30] =	vst v6;
	v4 =	vpop (erf);
	v8 =	vadd.f32 v10, v8  }
0x228: {  	v13 =	vld [tilespmem:s3+$0x30];
	[tilespmem:s5+$0x90] =	vst v4  }
0x229: {  	v9 =	vld [tilespmem:s3+$0x90];
	v62 =	vpop (erf);
	v5 =	vadd.f32 v5, v8  }
0x22a: {  	v11 =	vsub.f32 v11, v3;
	[tilespmem:s5+$0x80] =	vst v62;
	v10 =	vpop (erf)  }
0x22b: {  	v7 =	vsub.f32 v7, v3;
	v15 =	vld [tilespmem:s3+$0x80];
	[tilespmem:s5+$0x70] =	vst v10;
	v5 =	vadd.f32 v6, v5;
	v8 =	vpop (erf)  }
0x22c: {  	v11 =	vmul.f32 $1.442695020e+00, v11;
	v12 =	vsub.f32 v12, v3;
	v16 =	vld [tilespmem:s3+$0x70];
	[tilespmem:s5+$0x60] =	vst v8;
	v6 =	vpop (erf)  }
0x22d: {  	v7 =	vmul.f32 $1.442695020e+00, v7;
	v13 =	vsub.f32 v13, v3;
	v17 =	vld [tilespmem:s3+$0x60];
	[tilespmem:s5+$0x40] =	vst v6;
	v5 =	vadd.f32 v6, v5;
	v6 =	vpop (erf)  }
0x22e: {  	(erf) = vpow2.f32 v11;
	v12 =	vmul.f32 $1.442695020e+00, v12;
	v9 =	vsub.f32 v9, v3;
	v18 =	vld [tilespmem:s3+$0x40];
	[tilespmem:s5+$0x50] =	vst v6  }
0x22f: {  	(erf) = vpow2.f32 v7;
	v11 =	vmul.f32 $1.442695020e+00, v13;
	v63 =	vld [tilespmem:s3+$0x50];
	v5 =	vadd.f32 v6, v5  }
0x230: {  	(erf) = vpow2.f32 v12;
	v7 =	vmul.f32 $1.442695020e+00, v9;
	v6 =	vsub.f32 v15, v3  }
0x231: {  	(erf) = vpow2.f32 v11;
	v9 =	vsub.f32 v16, v3;
	v5 =	vadd.f32 v8, v5  }
0x232: {  	(erf) = vpow2.f32 v7;
	v6 =	vmul.f32 $1.442695020e+00, v6;
	v8 =	vsub.f32 v17, v3  }
0x233: {  	v9 =	vmul.f32 $1.442695020e+00, v9;
	v11 =	vsub.f32 v18, v3;
	v10 =	vadd.f32 v10, v5  }
0x234: {  	(erf) = vpow2.f32 v6;
	v5 =	vsub.f32 v63, v3;
	v7 =	vmul.f32 $1.442695020e+00, v8  }
0x235: {  	s5 =	simm.s32 $0x500;
	(erf) = vpow2.f32 v9;
	v6 =	vmul.f32 $1.442695020e+00, v11;
	v8 =	vadd.f32 v62, v10  }
.LBB2_28:
0x236: {  	p0 =	sne.s32 s5, $0x61800;
	v5 =	vmul.f32 $1.442695020e+00, v5;
	(erf) = vpow2.f32 v7;
	s6 =	smov.u32 s5;
	s5 =	sadd.s32 $0x280, s5  }
0x237: {  	v7 =	vpop (erf);
	(erf) = vpow2.f32 v6;
	v4 =	vadd.f32 v4, v8  }
0x238: {  	s6 =	sshra.s32 s6, $0x2;
	[tilespmem:s3+$0x0] =	vst v7;
	v6 =	vpop (erf);
	(erf) = vpow2.f32 v5  }
0x239: {  	v5 =	vld [tilespmem:s6+$0x0];
	v11 =	vadd.f32 v7, v4;
	[tilespmem:s3+$0x10] =	vst v6;
	v7 =	vpop (erf)  }
0x23a: {  	v8 =	vld [tilespmem:s6+$0x10];
	[tilespmem:s3+$0x20] =	vst v7;
	v9 =	vpop (erf)  }
0x23b: {  	v10 =	vld [tilespmem:s6+$0x20];
	v6 =	vadd.f32 v6, v11;
	[tilespmem:s3+$0x30] =	vst v9;
	v4 =	vpop (erf)  }
0x23c: {  	v11 =	vld [tilespmem:s6+$0x30];
	[tilespmem:s3+$0x90] =	vst v4  }
0x23d: {  	v12 =	vld [tilespmem:s6+$0x90];
	v6 =	vadd.f32 v7, v6;
	v13 =	vpop (erf)  }
0x23e: {  	v5 =	vsub.f32 v5, v3;
	[tilespmem:s3+$0x80] =	vst v13;
	v7 =	vpop (erf)  }
0x23f: {  	v8 =	vsub.f32 v8, v3;
	v14 =	vld [tilespmem:s6+$0x80];
	v6 =	vadd.f32 v9, v6;
	[tilespmem:s3+$0x70] =	vst v7;
	v9 =	vpop (erf)  }
0x240: {  	v5 =	vmul.f32 $1.442695020e+00, v5;
	v10 =	vsub.f32 v10, v3;
	v15 =	vld [tilespmem:s6+$0x70];
	[tilespmem:s3+$0x60] =	vst v9;
	v16 =	vpop (erf)  }
0x241: {  	v8 =	vmul.f32 $1.442695020e+00, v8;
	v11 =	vsub.f32 v11, v3;
	v17 =	vld [tilespmem:s6+$0x60];
	[tilespmem:s3+$0x40] =	vst v16;
	v6 =	vadd.f32 v16, v6;
	v16 =	vpop (erf)  }
0x242: {  	v10 =	vmul.f32 $1.442695020e+00, v10;
	v18 =	vld [tilespmem:s6+$0x40];
	v12 =	vsub.f32 v12, v3;
	(erf) = vpow2.f32 v5;
	[tilespmem:s3+$0x50] =	vst v16;
	s3 =	smov.u32 s6  }
0x243: {  	v5 =	vmul.f32 $1.442695020e+00, v11;
	v11 =	vld [tilespmem:s3+$0x50];
	(erf) = vpow2.f32 v8;
	v6 =	vadd.f32 v16, v6  }
0x244: {  	v8 =	vsub.f32 v14, v3;
	v12 =	vmul.f32 $1.442695020e+00, v12;
	(erf) = vpow2.f32 v10  }
.Ltmp13:
0x245: {  	v10 =	vsub.f32 v15, v3;
	(erf) = vpow2.f32 v5;
	v5 =	vadd.f32 v9, v6;
	(pc) =	sbr.rel @p0 .LBB2_28-.Ltmp13, $4  }
0x246: {  	v6 =	vsub.f32 v17, v3;
	v8 =	vmul.f32 $1.442695020e+00, v8;
	(erf) = vpow2.f32 v12  }
0x247: {  	v9 =	vsub.f32 v18, v3;
	v10 =	vmul.f32 $1.442695020e+00, v10;
	v12 =	vadd.f32 v7, v5  }
0x248: {  	v5 =	vsub.f32 v11, v3;
	v7 =	vmul.f32 $1.442695020e+00, v6;
	(erf) = vpow2.f32 v8  }
0x249: {  	v6 =	vmul.f32 $1.442695020e+00, v9;
	(erf) = vpow2.f32 v10;
	v8 =	vadd.f32 v13, v12  }
0x24a: {  	_ = 	snop  }
0x24b: {  	(erf) = vpow2.f32 v7;
	v4 =	vadd.f32 v4, v8  }
0x24c: {  	v3 =	vmul.f32 $1.442695020e+00, v5;
	(erf) = vpow2.f32 v6  }
0x24d: {  	v5 =	vpop (erf)  }
0x24e: {  	v6 =	vpop (erf);
	(erf) = vpow2.f32 v3;
	v3 =	vadd.f32 v5, v4  }
0x24f: {  	v4 =	vpop (erf)  }
0x250: {  	v3 =	vadd.f32 v6, v3;
	v7 =	vpop (erf)  }
0x251: {  	v8 =	vpop (erf)  }
0x252: {  	v3 =	vadd.f32 v4, v3;
	v9 =	vpop (erf)  }
0x253: {  	v10 =	vpop (erf)  }
0x254: {  	v3 =	vadd.f32 v7, v3;
	v11 =	vpop (erf)  }
0x255: {  	v12 =	vpop (erf)  }
0x256: {  	v3 =	vadd.f32 v12, v3  }
0x257: {  	v13 =	vpop (erf)  }
0x258: {  	v3 =	vadd.f32 v13, v3;
	_ =	sdelay $0x1  }
0x259: {  	v3 =	vadd.f32 v11, v3;
	_ =	sdelay $0x1  }
0x25a: {  	v3 =	vadd.f32 v10, v3;
	_ =	sdelay $0x1  }
0x25b: {  	v3 =	vadd.f32 v9, v3;
	_ =	sdelay $0x1  }
0x25c: {  	v3 =	vadd.f32 v8, v3;
	_ =	sdelay $0x1  }
0x25d: {  	(xrf2) =	vadd.scan.msk.f32 $0xffff, v3;
	_ =	sdelay $0x9  }
0x25e: {  	[tilespmem:s3+$0x0] =	vst v5;
	v3, _, _ =	vpop (xrf2)  }
0x25f: {  	[tilespmem:s3+$0x10] =	vst v6;
	v3 =	vbroadcast v3, $0xF  }
0x260: {  	[tilespmem:s3+$0x20] =	vst v4  }
0x261: {  	[tilespmem:s3+$0x30] =	vst v7;
	(erf) = vrcp.f32 v3  }
0x262: {  	[tilespmem:s3+$0x90] =	vst v8  }
0x263: {  	[tilespmem:s3+$0x80] =	vst v9  }
0x264: {  	[tilespmem:s3+$0x70] =	vst v10  }
0x265: {  	[tilespmem:s3+$0x60] =	vst v11  }
0x266: {  	[tilespmem:s3+$0x40] =	vst v12  }
0x267: {  	[tilespmem:s3+$0x50] =	vst v13  }
0x268: {  	[tilespmem:s29], [sflag:$0x1] =	stream.linear.gather [hbm4b:s15+s2], $0x2710, $0x38;
	[tilespmem:$0x1D4D0] =	vst v63  }
0x269: {  	_ = 	snop  }
0x26a: {  	[tilespmem:s30], [sflag:$0x2] =	stream.linear.gather [hbm4b:s16+s2], $0x2710, $0x38;
	v3 =	vpop (erf);
	[tilespmem:$0x1D4D0] =	vst v63  }
0x26b: {  	_ =	swait.ge [sflag:s31], $0x2710  }
0x26c: {  	[sflag:s31] =	ssyncset.done $0x0  }
0x26d: {  	s9 =	simm.s32 $0x20;
	[sflag:s31] =	ssyncadd.s32 $0xFFFFD8F0  }
0x26e: {  	s5 =	simm.s32 $0x186C0;
	v4 =	vld [tilespmem:s9+$0xFFFFFFE0]  }
0x26f: {  	v5 =	vld [tilespmem:s5+$0xFFFFFFE0]  }
0x270: {  	v6 =	vld [tilespmem:s9+$0xFFFFFFF0]  }
0x271: {  	v9 =	vld [tilespmem:s5+$0xFFFFFFF0]  }
0x272: {  	v11 =	vld [tilespmem:s9+$0x0]  }
0x273: {  	v7 =	vld [tilespmem:s9+$0x10];
	v8 =	vmul.f32 v4, v3  }
0x274: {  	v4 =	vld [tilespmem:s5+$0x0]  }
0x275: {  	s6 =	simm.s32 $0x0;
	v6 =	vmul.f32 v6, v3;
	v12 =	vadd.f32 v5, v8;
	v5 =	vld [tilespmem:s5+$0x10]  }
0x276: {  	v14 =	vimm.s32 $0x0;
	v15 =	vor.u32 s6, v0;
	v13 =	vimm.f32 $-Inf;
	v8 =	vld [tilespmem:s9+$0x20]  }
0x277: {  	s7 =	simm.s32 $0x10;
	s8 =	simm.s32 $0xE0;
	s6 =	simm.s32 $0x70;
	v11 =	vmul.f32 v11, v3;
	v10 =	vadd.f32 v9, v6;
	v6 =	vld [tilespmem:s5+$0x20];
	vm2 =	vgt.f32 v12, v13  }
0x278: {  	s3 =	simm.s32 $0x40;
	s5 =	simm.s32 $0x90;
	v9 =	vld [tilespmem:s6+$0xFFFFFFE0];
	v12 =	vsel vm2, v12, v13;
	v13 =	vsel vm2, v15, v14;
	v14 =	vor.u32 s7, v0;
	s7 =	simm.s32 $0x18710  }
.LBB2_30:
0x279: {  	p0 =	sne.s32 s8, $0x2700;
	v15 =	vld [tilespmem:s7+$0xFFFFFFE0];
	vm2 =	vgt.f32 v10, v12;
	s9 =	sadd.s32 $0xFFFFFFE0, s3;
	v4 =	vadd.f32 v4, v11;
	v7 =	vmul.f32 v7, v3  }
0x27a: {  	v11 =	vld [tilespmem:s6+$0xFFFFFFF0];
	v10 =	vsel vm2, v10, v12;
	v12 =	vsel vm2, v14, v13;
	v13 =	vor.u32 s9, v0  }
0x27b: {  	s9 =	sadd.s32 $0xFFFFFFF0, s3;
	v14 =	vld [tilespmem:s7+$0xFFFFFFF0];
	vm2 =	vgt.f32 v4, v10;
	v5 =	vadd.f32 v5, v7;
	v7 =	vmul.f32 v8, v3  }
0x27c: {  	v16 =	vld [tilespmem:s6+$0x0];
	v8 =	vsel vm2, v4, v10;
	v10 =	vsel vm2, v13, v12;
	v12 =	vor.u32 s9, v0  }
0x27d: {  	v9 =	vmul.f32 v9, v3;
	v4 =	vld [tilespmem:s7+$0x0];
	vm2 =	vgt.f32 v5, v8;
	v6 =	vadd.f32 v6, v7  }
.Ltmp14:
0x27e: {  	v7 =	vld [tilespmem:s6+$0x10];
	v13 =	vsel vm2, v5, v8;
	v10 =	vsel vm2, v12, v10;
	v12 =	vor.u32 s3, v0;
	s3 =	smov.u32 s5;
	s5 =	smov.u32 s8;
	(pc) =	sbr.rel @p0 .LBB2_30-.Ltmp14, $4  }
0x27f: {  	s9 =	sadd.s32 $0xFFFFFFC0, s3;
	v15 =	vadd.f32 v15, v9;
	v9 =	vmul.f32 v11, v3;
	v5 =	vld [tilespmem:s7+$0x10];
	vm2 =	vgt.f32 v6, v13  }
0x280: {  	v17 =	vor.u32 s9, v0;
	v8 =	vld [tilespmem:s6+$0x20];
	v13 =	vsel vm2, v6, v13;
	v18 =	vsel vm2, v12, v10  }
0x281: {  	s9 =	sadd.s32 $0xFFFFFFD0, s3;
	s6 =	sadd.s32 $0x50, s6;
	vm2 =	vgt.f32 v15, v13;
	v10 =	vadd.f32 v14, v9;
	v11 =	vmul.f32 v16, v3;
	v6 =	vld [tilespmem:s7+$0x20]  }
0x282: {  	s8 =	sadd.s32 $0x50, s8;
	v14 =	vor.u32 s9, v0;
	s7 =	sadd.s32 $0x50, s7;
	v9 =	vld [tilespmem:s6+$0xFFFFFFE0];
	v12 =	vsel vm2, v15, v13;
	v13 =	vsel vm2, v17, v18  }
0x283: {  	v15 =	vld [tilespmem:s7+$0xFFFFFFE0]  }
0x284: {  	v16 =	vld [tilespmem:s6+$0xFFFFFFF0]  }
0x285: {  	v17 =	vld [tilespmem:s7+$0xFFFFFFF0]  }
0x286: {  	v18 =	vld [tilespmem:s6+$0x0];
	vm2 =	vgt.f32 v10, v12;
	s8 =	sadd.s32 $0xFFFFFFE0, s3;
	v4 =	vadd.f32 v4, v11;
	v7 =	vmul.f32 v7, v3  }
0x287: {  	v11 =	vld [tilespmem:s7+$0x0];
	v10 =	vsel vm2, v10, v12;
	v12 =	vsel vm2, v14, v13;
	v13 =	vor.u32 s8, v0  }
0x288: {  	s9 =	sadd.s32 $0xFFFFFFF0, s3;
	v14 =	vld [tilespmem:s6+$0x10];
	vm2 =	vgt.f32 v4, v10;
	v5 =	vadd.f32 v5, v7;
	v7 =	vmul.f32 v8, v3  }
0x289: {  	v8 =	vld [tilespmem:s7+$0x10];
	v4 =	vsel vm2, v4, v10;
	v10 =	vsel vm2, v13, v12;
	v13 =	vor.u32 s9, v0  }
0x28a: {  	v12 =	vld [tilespmem:s6+$0x20];
	v9 =	vmul.f32 v9, v3;
	vm2 =	vgt.f32 v5, v4;
	v6 =	vadd.f32 v6, v7  }
0x28b: {  	v7 =	vld [tilespmem:s7+$0x20];
	[tilespmem:s29], [sflag:$0x1] =	stream.linear.gather [hbm4b:s17+s2], $0x2710, $0x38;
	v4 =	vsel vm2, v5, v4;
	v5 =	vsel vm2, v13, v10;
	v10 =	vor.u32 s3, v0  }
0x28c: {  	s6 =	sadd.s32 $0xFFFFFFC0, s5;
	v13 =	vmul.f32 v16, v3;
	_ =	swait.ge [sflag:s0], $0x2710;
	v9 =	vadd.f32 v15, v9;
	vm2 =	vgt.f32 v6, v4  }
0x28d: {  	[sflag:s0] =	ssyncset.done $0x0;
	v4 =	vsel vm2, v6, v4;
	v6 =	vor.u32 s6, v0;
	v5 =	vsel vm2, v10, v5  }
0x28e: {  	s7 =	sadd.s32 $0xFFFFFFD0, s5;
	s3 =	simm.s32 $0x2750;
	v10 =	vadd.f32 v17, v13;
	v13 =	vmul.f32 v18, v3;
	[sflag:s0] =	ssyncadd.s32 $0xFFFFD8F0;
	vm2 =	vgt.f32 v9, v4  }
0x28f: {  	v4 =	vsel vm2, v9, v4;
	v5 =	vsel vm2, v6, v5;
	v6 =	vor.u32 s7, v0;
	s7 =	simm.s32 $0x1ADD0;
	v9 =	vld [tilespmem:s3+$0xFFFFFFC0]  }
0x290: {  	v11 =	vadd.f32 v11, v13;
	v13 =	vmul.f32 v14, v3;
	vm2 =	vgt.f32 v10, v4;
	v14 =	vld [tilespmem:s7+$0xFFFFFFE0]  }
0x291: {  	s8 =	sadd.s32 $0xFFFFFFE0, s5;
	v12 =	vmul.f32 v12, v3;
	v4 =	vsel vm2, v10, v4;
	v5 =	vsel vm2, v6, v5;
	v10 =	vld [tilespmem:s3+$0xFFFFFFD0]  }
0x292: {  	v15 =	vld [tilespmem:s3+$0xFFFFFFE0];
	v6 =	vor.u32 s8, v0;
	v8 =	vadd.f32 v8, v13;
	vm2 =	vgt.f32 v11, v4  }
0x293: {  	s9 =	sadd.s32 $0xFFFFFFF0, s5;
	v12 =	vadd.f32 v7, v12;
	v13 =	vld [tilespmem:s7+$0xFFFFFFF0];
	v11 =	vsel vm2, v11, v4;
	v5 =	vsel vm2, v6, v5  }
0x294: {  	v7 =	vld [tilespmem:s3+$0xFFFFFFF0];
	v6 =	vor.u32 s9, v0;
	vm2 =	vgt.f32 v8, v11;
	v9 =	vmul.f32 v9, v3  }
0x295: {  	v4 =	vld [tilespmem:s7+$0x0];
	v8 =	vsel vm2, v8, v11;
	v6 =	vsel vm2, v6, v5;
	v11 =	vor.u32 s5, v0  }
0x296: {  	s8 =	simm.s32 $0x2710;
	v5 =	vld [tilespmem:s7+$0x10];
	vm2 =	vgt.f32 v12, v8;
	v14 =	vadd.f32 v14, v9;
	v9 =	vmul.f32 v10, v3  }
0x297: {  	v63 =	vor.u32 s8, v0;
	v12 =	vsel vm2, v12, v8;
	v62 =	vsel vm2, v11, v6;
	v8 =	vld [tilespmem:s3+$0x0]  }
0x298: {  	s6 =	simm.s32 $0x27A0;
	s9 =	simm.s32 $0x2720;
	v11 =	vmul.f32 v15, v3;
	v6 =	vld [tilespmem:s7+$0x20];
	vm2 =	vgt.f32 v14, v12;
	v10 =	vadd.f32 v13, v9  }
0x299: {  	s8 =	simm.s32 $0x27F0;
	s5 =	simm.s32 $0x27A0;
	s7 =	simm.s32 $0x1AE20;
	v9 =	vld [tilespmem:s6+$0xFFFFFFC0];
	v12 =	vsel vm2, v14, v12;
	v13 =	vsel vm2, v63, v62;
	v14 =	vor.u32 s9, v0  }
.LBB2_32:
0x29a: {  	p0 =	sne.s32 s8, $0x4E10;
	v15 =	vld [tilespmem:s7+$0xFFFFFFE0];
	vm2 =	vgt.f32 v10, v12;
	s9 =	sadd.s32 $0xFFFFFFE0, s3;
	v4 =	vadd.f32 v4, v11;
	v7 =	vmul.f32 v7, v3  }
0x29b: {  	v11 =	vld [tilespmem:s6+$0xFFFFFFD0];
	v10 =	vsel vm2, v10, v12;
	v12 =	vsel vm2, v14, v13;
	v13 =	vor.u32 s9, v0  }
0x29c: {  	s9 =	sadd.s32 $0xFFFFFFF0, s3;
	v14 =	vld [tilespmem:s7+$0xFFFFFFF0];
	vm2 =	vgt.f32 v4, v10;
	v5 =	vadd.f32 v5, v7;
	v7 =	vmul.f32 v8, v3  }
0x29d: {  	v16 =	vld [tilespmem:s6+$0xFFFFFFE0];
	v8 =	vsel vm2, v4, v10;
	v10 =	vsel vm2, v13, v12;
	v12 =	vor.u32 s9, v0  }
0x29e: {  	v9 =	vmul.f32 v9, v3;
	v4 =	vld [tilespmem:s7+$0x0];
	vm2 =	vgt.f32 v5, v8;
	v6 =	vadd.f32 v6, v7  }
.Ltmp15:
0x29f: {  	v7 =	vld [tilespmem:s6+$0xFFFFFFF0];
	v13 =	vsel vm2, v5, v8;
	v10 =	vsel vm2, v12, v10;
	v12 =	vor.u32 s3, v0;
	s3 =	smov.u32 s5;
	s5 =	smov.u32 s8;
	(pc) =	sbr.rel @p0 .LBB2_32-.Ltmp15, $4  }
0x2a0: {  	s9 =	sadd.s32 $0xFFFFFFC0, s3;
	v15 =	vadd.f32 v15, v9;
	v9 =	vmul.f32 v11, v3;
	v5 =	vld [tilespmem:s7+$0x10];
	vm2 =	vgt.f32 v6, v13  }
0x2a1: {  	v17 =	vor.u32 s9, v0;
	v8 =	vld [tilespmem:s6+$0x0];
	v13 =	vsel vm2, v6, v13;
	v18 =	vsel vm2, v12, v10  }
0x2a2: {  	s9 =	sadd.s32 $0xFFFFFFD0, s3;
	s6 =	sadd.s32 $0x50, s6;
	vm2 =	vgt.f32 v15, v13;
	v10 =	vadd.f32 v14, v9;
	v11 =	vmul.f32 v16, v3;
	v6 =	vld [tilespmem:s7+$0x20]  }
0x2a3: {  	s8 =	sadd.s32 $0x50, s8;
	v14 =	vor.u32 s9, v0;
	s7 =	sadd.s32 $0x50, s7;
	v9 =	vld [tilespmem:s6+$0xFFFFFFC0];
	v12 =	vsel vm2, v15, v13;
	v13 =	vsel vm2, v17, v18  }
0x2a4: {  	v15 =	vld [tilespmem:s7+$0xFFFFFFE0]  }
0x2a5: {  	v16 =	vld [tilespmem:s6+$0xFFFFFFD0]  }
0x2a6: {  	v17 =	vld [tilespmem:s7+$0xFFFFFFF0]  }
0x2a7: {  	v18 =	vld [tilespmem:s6+$0xFFFFFFE0];
	vm2 =	vgt.f32 v10, v12;
	s8 =	sadd.s32 $0xFFFFFFE0, s3;
	v4 =	vadd.f32 v4, v11;
	v7 =	vmul.f32 v7, v3  }
0x2a8: {  	v11 =	vld [tilespmem:s7+$0x0];
	v10 =	vsel vm2, v10, v12;
	v12 =	vsel vm2, v14, v13;
	v13 =	vor.u32 s8, v0  }
0x2a9: {  	s9 =	sadd.s32 $0xFFFFFFF0, s3;
	v14 =	vld [tilespmem:s6+$0xFFFFFFF0];
	vm2 =	vgt.f32 v4, v10;
	v5 =	vadd.f32 v5, v7;
	v7 =	vmul.f32 v8, v3  }
0x2aa: {  	v8 =	vld [tilespmem:s7+$0x10];
	v4 =	vsel vm2, v4, v10;
	v10 =	vsel vm2, v13, v12;
	v13 =	vor.u32 s9, v0  }
0x2ab: {  	s8 =	simm.s32 $0x0;
	v12 =	vld [tilespmem:s6+$0x0];
	v9 =	vmul.f32 v9, v3;
	vm2 =	vgt.f32 v5, v4;
	v6 =	vadd.f32 v6, v7  }
0x2ac: {  	v7 =	vld [tilespmem:s7+$0x20];
	[tilespmem:s30], [sflag:$0x2] =	stream.linear.gather [hbm4b:s18+s8], $0x2710, $0x38;
	v4 =	vsel vm2, v5, v4;
	v5 =	vsel vm2, v13, v10;
	v10 =	vor.u32 s3, v0  }
0x2ad: {  	s9 =	sadd.s32 $0xFFFFFFC0, s5;
	v13 =	vmul.f32 v16, v3;
	_ =	swait.ge [sflag:s31], $0x2710;
	v9 =	vadd.f32 v15, v9;
	vm2 =	vgt.f32 v6, v4  }
0x2ae: {  	[sflag:s31] =	ssyncset.done $0x0;
	v4 =	vsel vm2, v6, v4;
	v6 =	vor.u32 s9, v0;
	v5 =	vsel vm2, v10, v5  }
0x2af: {  	s6 =	sadd.s32 $0xFFFFFFD0, s5;
	s8 =	simm.s32 $0x0;
	v10 =	vadd.f32 v17, v13;
	v13 =	vmul.f32 v18, v3;
	[sflag:s31] =	ssyncadd.s32 $0xFFFFD8F0;
	vm2 =	vgt.f32 v9, v4  }
0x2b0: {  	v4 =	vsel vm2, v9, v4;
	v5 =	vsel vm2, v6, v5;
	v6 =	vor.u32 s6, v0;
	v9 =	vld [tilespmem:s8+$0x4E20]  }
0x2b1: {  	v11 =	vadd.f32 v11, v13;
	v13 =	vmul.f32 v14, v3;
	v14 =	vld [tilespmem:s8+$0x186A0];
	vm2 =	vgt.f32 v10, v4  }
0x2b2: {  	s7 =	sadd.s32 $0xFFFFFFE0, s5;
	v12 =	vmul.f32 v12, v3;
	v4 =	vsel vm2, v10, v4;
	v5 =	vsel vm2, v6, v5;
	v10 =	vld [tilespmem:s8+$0x4E30]  }
0x2b3: {  	v63 =	vld [tilespmem:s8+$0x4E40];
	v6 =	vor.u32 s7, v0;
	v8 =	vadd.f32 v8, v13;
	vm2 =	vgt.f32 v11, v4  }
0x2b4: {  	s9 =	sadd.s32 $0xFFFFFFF0, s5;
	v15 =	vld [tilespmem:s8+$0x186B0];
	v12 =	vadd.f32 v7, v12;
	v11 =	vsel vm2, v11, v4;
	v5 =	vsel vm2, v6, v5  }
0x2b5: {  	v7 =	vld [tilespmem:s8+$0x4E50];
	v6 =	vor.u32 s9, v0;
	vm2 =	vgt.f32 v8, v11;
	v9 =	vmul.f32 v9, v3  }
0x2b6: {  	v4 =	vld [tilespmem:s8+$0x186C0];
	v8 =	vsel vm2, v8, v11;
	v6 =	vsel vm2, v6, v5;
	v11 =	vor.u32 s5, v0  }
0x2b7: {  	v5 =	vld [tilespmem:s8+$0x186D0];
	vm2 =	vgt.f32 v12, v8;
	v9 =	vadd.f32 v14, v9;
	v10 =	vmul.f32 v10, v3  }
0x2b8: {  	s3 =	simm.s32 $0x4E20;
	v14 =	vmul.f32 v63, v3;
	v12 =	vsel vm2, v12, v8;
	v13 =	vsel vm2, v11, v6;
	v8 =	vld [tilespmem:s8+$0x4E60]  }
0x2b9: {  	s6 =	simm.s32 $0x280;
	s7 =	simm.s32 $0x4E30;
	s5 =	simm.s32 $0x50;
	v11 =	vor.u32 s3, v0;
	v6 =	vld [tilespmem:s8+$0x186E0];
	vm2 =	vgt.f32 v9, v12;
	v10 =	vadd.f32 v15, v10  }
.LBB2_34:
0x2ba: {  	p0 =	sne.s32 s6, $0x9B00;
	v15 =	vld [tilespmem:s5+$0x4E20];
	v9 =	vsel vm2, v9, v12;
	v11 =	vsel vm2, v11, v13;
	v12 =	vor.u32 s7, v0  }
0x2bb: {  	s7 =	sadd.s32 $0x20, s3;
	v13 =	vld [tilespmem:s5+$0x186A0];
	vm2 =	vgt.f32 v10, v9;
	v4 =	vadd.f32 v4, v14;
	v7 =	vmul.f32 v7, v3  }
0x2bc: {  	v14 =	vld [tilespmem:s5+$0x4E30];
	v9 =	vsel vm2, v10, v9;
	v10 =	vsel vm2, v12, v11;
	v11 =	vor.u32 s7, v0  }
0x2bd: {  	s7 =	sadd.s32 $0x30, s3;
	v16 =	vld [tilespmem:s5+$0x186B0];
	vm2 =	vgt.f32 v4, v9;
	v5 =	vadd.f32 v5, v7;
	v7 =	vmul.f32 v8, v3  }
0x2be: {  	v17 =	vld [tilespmem:s5+$0x4E40];
	v8 =	vsel vm2, v4, v9;
	v9 =	vsel vm2, v11, v10;
	v10 =	vor.u32 s7, v0  }
.Ltmp16:
0x2bf: {  	s7 =	sadd.s32 $0x40, s3;
	v11 =	vmul.f32 v15, v3;
	v4 =	vld [tilespmem:s5+$0x186C0];
	vm2 =	vgt.f32 v5, v8;
	v6 =	vadd.f32 v6, v7;
	(pc) =	sbr.rel @p0 .LBB2_34-.Ltmp16, $4  }
0x2c0: {  	v15 =	vor.u32 s7, v0;
	v7 =	vld [tilespmem:s5+$0x4E50];
	v12 =	vsel vm2, v5, v8;
	v10 =	vsel vm2, v10, v9  }
0x2c1: {  	s3 =	sadd.s32 $0x50, s3;
	v9 =	vadd.f32 v13, v11;
	v14 =	vmul.f32 v14, v3;
	v5 =	vld [tilespmem:s5+$0x186D0];
	vm2 =	vgt.f32 v6, v12  }
0x2c2: {  	v11 =	vor.u32 s3, v0;
	v8 =	vld [tilespmem:s5+$0x4E60];
	v12 =	vsel vm2, v6, v12;
	v13 =	vsel vm2, v15, v10  }
0x2c3: {  	s7 =	sadd.s32 $0x10, s3;
	vm2 =	vgt.f32 v9, v12;
	v10 =	vadd.f32 v16, v14;
	v14 =	vmul.f32 v17, v3;
	v6 =	vld [tilespmem:s5+$0x186E0];
	s5 =	sshra.s32 s6, $0x2;
	s6 =	sadd.s32 $0x140, s6  }
0x2c4: {  	v15 =	vld [tilespmem:s5+$0x4E20]  }
0x2c5: {  	v16 =	vld [tilespmem:s5+$0x186A0]  }
0x2c6: {  	v17 =	vld [tilespmem:s5+$0x4E30]  }
0x2c7: {  	v18 =	vld [tilespmem:s5+$0x186B0];
	v9 =	vsel vm2, v9, v12;
	v11 =	vsel vm2, v11, v13;
	v12 =	vor.u32 s7, v0  }
0x2c8: {  	v13 =	vld [tilespmem:s5+$0x4E40];
	s6 =	sadd.s32 $0x20, s3;
	vm2 =	vgt.f32 v10, v9;
	v4 =	vadd.f32 v4, v14;
	v7 =	vmul.f32 v7, v3  }
0x2c9: {  	v14 =	vld [tilespmem:s5+$0x186C0];
	v9 =	vsel vm2, v10, v9;
	v10 =	vsel vm2, v12, v11;
	v11 =	vor.u32 s6, v0  }
0x2ca: {  	v12 =	vld [tilespmem:s5+$0x4E50];
	vm2 =	vgt.f32 v4, v9;
	v5 =	vadd.f32 v5, v7;
	v7 =	vmul.f32 v8, v3  }
0x2cb: {  	s7 =	sadd.s32 $0x30, s3;
	v8 =	vld [tilespmem:s5+$0x186D0];
	v4 =	vsel vm2, v4, v9;
	v9 =	vsel vm2, v11, v10;
	v10 =	vmul.f32 v15, v3  }
0x2cc: {  	s9 =	simm.s32 $0x0;
	v11 =	vld [tilespmem:s5+$0x4E60];
	v15 =	vor.u32 s7, v0;
	vm2 =	vgt.f32 v5, v4;
	v6 =	vadd.f32 v6, v7  }
0x2cd: {  	v7 =	vld [tilespmem:s5+$0x186E0];
	[tilespmem:s29], [sflag:$0x1] =	stream.linear.gather [hbm4b:s19+s9], $0x2710, $0x38;
	v13 =	vmul.f32 v13, v3;
	v4 =	vsel vm2, v5, v4;
	v5 =	vsel vm2, v15, v9  }
0x2ce: {  	s8 =	sadd.s32 $0x40, s3;
	v15 =	vmul.f32 v17, v3;
	_ =	swait.ge [sflag:s0], $0x2710;
	v9 =	vadd.f32 v16, v10;
	vm2 =	vgt.f32 v6, v4  }
0x2cf: {  	v10 =	vor.u32 s8, v0;
	[sflag:s0] =	ssyncset.done $0x0;
	v12 =	vmul.f32 v12, v3;
	v4 =	vsel vm2, v6, v4  }
0x2d0: {  	s3 =	sadd.s32 $0x50, s3;
	s8 =	simm.s32 $0x0;
	v5 =	vsel vm2, v10, v5;
	v10 =	vadd.f32 v18, v15;
	[sflag:s0] =	ssyncadd.s32 $0xFFFFD8F0;
	vm2 =	vgt.f32 v9, v4  }
0x2d1: {  	v13 =	vadd.f32 v14, v13;
	v6 =	vor.u32 s3, v0;
	v4 =	vsel vm2, v9, v4;
	v9 =	vld [tilespmem:s8+$0x7530]  }
0x2d2: {  	s6 =	sadd.s32 $0x10, s3;
	v14 =	vld [tilespmem:s8+$0x1ADB0];
	v8 =	vadd.f32 v8, v12;
	v5 =	vsel vm2, v6, v5;
	vm2 =	vgt.f32 v10, v4  }
0x2d3: {  	s7 =	sadd.s32 $0x20, s3;
	v11 =	vmul.f32 v11, v3;
	v6 =	vor.u32 s6, v0;
	v4 =	vsel vm2, v10, v4;
	v10 =	vld [tilespmem:s8+$0x7540]  }
0x2d4: {  	v63 =	vld [tilespmem:s8+$0x7550];
	v5 =	vsel vm2, v6, v5;
	v6 =	vor.u32 s7, v0;
	vm2 =	vgt.f32 v13, v4  }
0x2d5: {  	s9 =	sadd.s32 $0x30, s3;
	v15 =	vld [tilespmem:s8+$0x1ADC0];
	v11 =	vadd.f32 v7, v11;
	v12 =	vsel vm2, v13, v4;
	v5 =	vsel vm2, v6, v5  }
0x2d6: {  	s3 =	sadd.s32 $0x40, s3;
	v7 =	vld [tilespmem:s8+$0x7560];
	v6 =	vor.u32 s9, v0;
	vm2 =	vgt.f32 v8, v12;
	v9 =	vmul.f32 v9, v3  }
0x2d7: {  	v4 =	vld [tilespmem:s8+$0x1ADD0];
	v13 =	vor.u32 s3, v0;
	v8 =	vsel vm2, v8, v12;
	v6 =	vsel vm2, v6, v5  }
0x2d8: {  	v5 =	vld [tilespmem:s8+$0x1ADE0];
	vm2 =	vgt.f32 v11, v8;
	v9 =	vadd.f32 v14, v9;
	v10 =	vmul.f32 v10, v3  }
0x2d9: {  	s3 =	simm.s32 $0x7530;
	v14 =	vmul.f32 v63, v3;
	v12 =	vsel vm2, v11, v8;
	v13 =	vsel vm2, v13, v6;
	v8 =	vld [tilespmem:s8+$0x7570]  }
0x2da: {  	s5 =	simm.s32 $0x50;
	s6 =	simm.s32 $0x280;
	s7 =	simm.s32 $0x7540;
	v11 =	vor.u32 s3, v0;
	v6 =	vld [tilespmem:s8+$0x1ADF0];
	vm2 =	vgt.f32 v9, v12;
	v10 =	vadd.f32 v15, v10  }
.LBB2_36:
0x2db: {  	p0 =	sne.s32 s6, $0x9B00;
	v15 =	vld [tilespmem:s5+$0x7530];
	v9 =	vsel vm2, v9, v12;
	v11 =	vsel vm2, v11, v13;
	v12 =	vor.u32 s7, v0  }
0x2dc: {  	s7 =	sadd.s32 $0x20, s3;
	v13 =	vld [tilespmem:s5+$0x1ADB0];
	vm2 =	vgt.f32 v10, v9;
	v4 =	vadd.f32 v4, v14;
	v7 =	vmul.f32 v7, v3  }
0x2dd: {  	v14 =	vld [tilespmem:s5+$0x7540];
	v9 =	vsel vm2, v10, v9;
	v10 =	vsel vm2, v12, v11;
	v11 =	vor.u32 s7, v0  }
0x2de: {  	s7 =	sadd.s32 $0x30, s3;
	v16 =	vld [tilespmem:s5+$0x1ADC0];
	vm2 =	vgt.f32 v4, v9;
	v5 =	vadd.f32 v5, v7;
	v7 =	vmul.f32 v8, v3  }
0x2df: {  	v17 =	vld [tilespmem:s5+$0x7550];
	v8 =	vsel vm2, v4, v9;
	v9 =	vsel vm2, v11, v10;
	v10 =	vor.u32 s7, v0  }
.Ltmp17:
0x2e0: {  	s7 =	sadd.s32 $0x40, s3;
	v11 =	vmul.f32 v15, v3;
	v4 =	vld [tilespmem:s5+$0x1ADD0];
	vm2 =	vgt.f32 v5, v8;
	v6 =	vadd.f32 v6, v7;
	(pc) =	sbr.rel @p0 .LBB2_36-.Ltmp17, $4  }
0x2e1: {  	v15 =	vor.u32 s7, v0;
	v7 =	vld [tilespmem:s5+$0x7560];
	v12 =	vsel vm2, v5, v8;
	v10 =	vsel vm2, v10, v9  }
0x2e2: {  	s3 =	sadd.s32 $0x50, s3;
	v9 =	vadd.f32 v13, v11;
	v14 =	vmul.f32 v14, v3;
	v5 =	vld [tilespmem:s5+$0x1ADE0];
	vm2 =	vgt.f32 v6, v12  }
0x2e3: {  	v11 =	vor.u32 s3, v0;
	v8 =	vld [tilespmem:s5+$0x7570];
	v12 =	vsel vm2, v6, v12;
	v13 =	vsel vm2, v15, v10  }
0x2e4: {  	s7 =	sadd.s32 $0x10, s3;
	vm2 =	vgt.f32 v9, v12;
	v10 =	vadd.f32 v16, v14;
	v14 =	vmul.f32 v17, v3;
	v6 =	vld [tilespmem:s5+$0x1ADF0];
	s5 =	sshra.s32 s6, $0x2;
	s6 =	sadd.s32 $0x140, s6  }
0x2e5: {  	v15 =	vld [tilespmem:s5+$0x7530]  }
0x2e6: {  	v16 =	vld [tilespmem:s5+$0x1ADB0]  }
0x2e7: {  	v17 =	vld [tilespmem:s5+$0x7540]  }
0x2e8: {  	v18 =	vld [tilespmem:s5+$0x1ADC0];
	v9 =	vsel vm2, v9, v12;
	v11 =	vsel vm2, v11, v13;
	v12 =	vor.u32 s7, v0  }
0x2e9: {  	v13 =	vld [tilespmem:s5+$0x7550];
	s6 =	sadd.s32 $0x20, s3;
	vm2 =	vgt.f32 v10, v9;
	v4 =	vadd.f32 v4, v14;
	v7 =	vmul.f32 v7, v3  }
0x2ea: {  	v14 =	vld [tilespmem:s5+$0x1ADD0];
	v9 =	vsel vm2, v10, v9;
	v10 =	vsel vm2, v12, v11;
	v11 =	vor.u32 s6, v0  }
0x2eb: {  	v12 =	vld [tilespmem:s5+$0x7560];
	vm2 =	vgt.f32 v4, v9;
	v5 =	vadd.f32 v5, v7;
	v7 =	vmul.f32 v8, v3  }
0x2ec: {  	s7 =	sadd.s32 $0x30, s3;
	v8 =	vld [tilespmem:s5+$0x1ADE0];
	v4 =	vsel vm2, v4, v9;
	v9 =	vsel vm2, v11, v10;
	v10 =	vmul.f32 v15, v3  }
0x2ed: {  	s9 =	simm.s32 $0x0;
	v11 =	vld [tilespmem:s5+$0x7570];
	v15 =	vor.u32 s7, v0;
	vm2 =	vgt.f32 v5, v4;
	v6 =	vadd.f32 v6, v7  }
0x2ee: {  	v7 =	vld [tilespmem:s5+$0x1ADF0];
	[tilespmem:s30], [sflag:$0x2] =	stream.linear.gather [hbm4b:s20+s9], $0x2710, $0x38;
	v13 =	vmul.f32 v13, v3;
	v4 =	vsel vm2, v5, v4;
	v5 =	vsel vm2, v15, v9  }
0x2ef: {  	s8 =	sadd.s32 $0x40, s3;
	v15 =	vmul.f32 v17, v3;
	_ =	swait.ge [sflag:s31], $0x2710;
	v9 =	vadd.f32 v16, v10;
	vm2 =	vgt.f32 v6, v4  }
0x2f0: {  	v10 =	vor.u32 s8, v0;
	[sflag:s31] =	ssyncset.done $0x0;
	v12 =	vmul.f32 v12, v3;
	v4 =	vsel vm2, v6, v4  }
0x2f1: {  	s3 =	sadd.s32 $0x50, s3;
	s8 =	simm.s32 $0x0;
	v5 =	vsel vm2, v10, v5;
	v10 =	vadd.f32 v18, v15;
	[sflag:s31] =	ssyncadd.s32 $0xFFFFD8F0;
	vm2 =	vgt.f32 v9, v4  }
0x2f2: {  	v13 =	vadd.f32 v14, v13;
	v6 =	vor.u32 s3, v0;
	v4 =	vsel vm2, v9, v4;
	v9 =	vld [tilespmem:s8+$0x9C40]  }
0x2f3: {  	s6 =	sadd.s32 $0x10, s3;
	v14 =	vld [tilespmem:s8+$0x186A0];
	v8 =	vadd.f32 v8, v12;
	v5 =	vsel vm2, v6, v5;
	vm2 =	vgt.f32 v10, v4  }
0x2f4: {  	s7 =	sadd.s32 $0x20, s3;
	v11 =	vmul.f32 v11, v3;
	v6 =	vor.u32 s6, v0;
	v4 =	vsel vm2, v10, v4;
	v10 =	vld [tilespmem:s8+$0x9C50]  }
0x2f5: {  	v63 =	vld [tilespmem:s8+$0x9C60];
	v5 =	vsel vm2, v6, v5;
	v6 =	vor.u32 s7, v0;
	vm2 =	vgt.f32 v13, v4  }
0x2f6: {  	s9 =	sadd.s32 $0x30, s3;
	v15 =	vld [tilespmem:s8+$0x186B0];
	v11 =	vadd.f32 v7, v11;
	v12 =	vsel vm2, v13, v4;
	v5 =	vsel vm2, v6, v5  }
0x2f7: {  	s3 =	sadd.s32 $0x40, s3;
	v7 =	vld [tilespmem:s8+$0x9C70];
	v6 =	vor.u32 s9, v0;
	vm2 =	vgt.f32 v8, v12;
	v9 =	vmul.f32 v9, v3  }
0x2f8: {  	v4 =	vld [tilespmem:s8+$0x186C0];
	v13 =	vor.u32 s3, v0;
	v8 =	vsel vm2, v8, v12;
	v6 =	vsel vm2, v6, v5  }
0x2f9: {  	v5 =	vld [tilespmem:s8+$0x186D0];
	vm2 =	vgt.f32 v11, v8;
	v9 =	vadd.f32 v14, v9;
	v10 =	vmul.f32 v10, v3  }
0x2fa: {  	s3 =	simm.s32 $0x9C40;
	v14 =	vmul.f32 v63, v3;
	v12 =	vsel vm2, v11, v8;
	v13 =	vsel vm2, v13, v6;
	v8 =	vld [tilespmem:s8+$0x9C80]  }
0x2fb: {  	s5 =	simm.s32 $0x50;
	s6 =	simm.s32 $0x280;
	s7 =	simm.s32 $0x9C50;
	v11 =	vor.u32 s3, v0;
	v6 =	vld [tilespmem:s8+$0x186E0];
	vm2 =	vgt.f32 v9, v12;
	v10 =	vadd.f32 v15, v10  }
.LBB2_38:
0x2fc: {  	p0 =	sne.s32 s6, $0x9B00;
	v15 =	vld [tilespmem:s5+$0x9C40];
	v9 =	vsel vm2, v9, v12;
	v11 =	vsel vm2, v11, v13;
	v12 =	vor.u32 s7, v0  }
0x2fd: {  	s7 =	sadd.s32 $0x20, s3;
	v13 =	vld [tilespmem:s5+$0x186A0];
	vm2 =	vgt.f32 v10, v9;
	v4 =	vadd.f32 v4, v14;
	v7 =	vmul.f32 v7, v3  }
0x2fe: {  	v14 =	vld [tilespmem:s5+$0x9C50];
	v9 =	vsel vm2, v10, v9;
	v10 =	vsel vm2, v12, v11;
	v11 =	vor.u32 s7, v0  }
0x2ff: {  	s7 =	sadd.s32 $0x30, s3;
	v16 =	vld [tilespmem:s5+$0x186B0];
	vm2 =	vgt.f32 v4, v9;
	v5 =	vadd.f32 v5, v7;
	v7 =	vmul.f32 v8, v3  }
0x300: {  	v17 =	vld [tilespmem:s5+$0x9C60];
	v8 =	vsel vm2, v4, v9;
	v9 =	vsel vm2, v11, v10;
	v10 =	vor.u32 s7, v0  }
.Ltmp18:
0x301: {  	s7 =	sadd.s32 $0x40, s3;
	v11 =	vmul.f32 v15, v3;
	v4 =	vld [tilespmem:s5+$0x186C0];
	vm2 =	vgt.f32 v5, v8;
	v6 =	vadd.f32 v6, v7;
	(pc) =	sbr.rel @p0 .LBB2_38-.Ltmp18, $4  }
0x302: {  	v15 =	vor.u32 s7, v0;
	v7 =	vld [tilespmem:s5+$0x9C70];
	v12 =	vsel vm2, v5, v8;
	v10 =	vsel vm2, v10, v9  }
0x303: {  	s3 =	sadd.s32 $0x50, s3;
	v9 =	vadd.f32 v13, v11;
	v14 =	vmul.f32 v14, v3;
	v5 =	vld [tilespmem:s5+$0x186D0];
	vm2 =	vgt.f32 v6, v12  }
0x304: {  	v11 =	vor.u32 s3, v0;
	v8 =	vld [tilespmem:s5+$0x9C80];
	v12 =	vsel vm2, v6, v12;
	v13 =	vsel vm2, v15, v10  }
0x305: {  	s7 =	sadd.s32 $0x10, s3;
	vm2 =	vgt.f32 v9, v12;
	v10 =	vadd.f32 v16, v14;
	v14 =	vmul.f32 v17, v3;
	v6 =	vld [tilespmem:s5+$0x186E0];
	s5 =	sshra.s32 s6, $0x2;
	s6 =	sadd.s32 $0x140, s6  }
0x306: {  	v15 =	vld [tilespmem:s5+$0x9C40]  }
0x307: {  	v16 =	vld [tilespmem:s5+$0x186A0]  }
0x308: {  	v17 =	vld [tilespmem:s5+$0x9C50]  }
0x309: {  	v18 =	vld [tilespmem:s5+$0x186B0];
	v9 =	vsel vm2, v9, v12;
	v11 =	vsel vm2, v11, v13;
	v12 =	vor.u32 s7, v0  }
0x30a: {  	v13 =	vld [tilespmem:s5+$0x9C60];
	s6 =	sadd.s32 $0x20, s3;
	vm2 =	vgt.f32 v10, v9;
	v4 =	vadd.f32 v4, v14;
	v7 =	vmul.f32 v7, v3  }
0x30b: {  	v14 =	vld [tilespmem:s5+$0x186C0];
	v9 =	vsel vm2, v10, v9;
	v10 =	vsel vm2, v12, v11;
	v11 =	vor.u32 s6, v0  }
0x30c: {  	v12 =	vld [tilespmem:s5+$0x9C70];
	vm2 =	vgt.f32 v4, v9;
	v5 =	vadd.f32 v5, v7;
	v7 =	vmul.f32 v8, v3  }
0x30d: {  	s7 =	sadd.s32 $0x30, s3;
	v8 =	vld [tilespmem:s5+$0x186D0];
	v4 =	vsel vm2, v4, v9;
	v9 =	vsel vm2, v11, v10;
	v10 =	vmul.f32 v15, v3  }
0x30e: {  	s9 =	simm.s32 $0x0;
	v11 =	vld [tilespmem:s5+$0x9C80];
	v15 =	vor.u32 s7, v0;
	vm2 =	vgt.f32 v5, v4;
	v6 =	vadd.f32 v6, v7  }
0x30f: {  	v7 =	vld [tilespmem:s5+$0x186E0];
	[tilespmem:s29], [sflag:$0x1] =	stream.linear.gather [hbm4b:s21+s9], $0x2710, $0x38;
	v13 =	vmul.f32 v13, v3;
	v4 =	vsel vm2, v5, v4;
	v5 =	vsel vm2, v15, v9  }
0x310: {  	s8 =	sadd.s32 $0x40, s3;
	v15 =	vmul.f32 v17, v3;
	_ =	swait.ge [sflag:s0], $0x2710;
	v9 =	vadd.f32 v16, v10;
	vm2 =	vgt.f32 v6, v4  }
0x311: {  	v10 =	vor.u32 s8, v0;
	[sflag:s0] =	ssyncset.done $0x0;
	v12 =	vmul.f32 v12, v3;
	v4 =	vsel vm2, v6, v4  }
0x312: {  	s3 =	sadd.s32 $0x50, s3;
	s8 =	simm.s32 $0x0;
	v5 =	vsel vm2, v10, v5;
	v10 =	vadd.f32 v18, v15;
	[sflag:s0] =	ssyncadd.s32 $0xFFFFD8F0;
	vm2 =	vgt.f32 v9, v4  }
0x313: {  	v13 =	vadd.f32 v14, v13;
	v6 =	vor.u32 s3, v0;
	v4 =	vsel vm2, v9, v4;
	v9 =	vld [tilespmem:s8+$0xC350]  }
0x314: {  	s6 =	sadd.s32 $0x10, s3;
	v14 =	vld [tilespmem:s8+$0x1ADB0];
	v8 =	vadd.f32 v8, v12;
	v5 =	vsel vm2, v6, v5;
	vm2 =	vgt.f32 v10, v4  }
0x315: {  	s7 =	sadd.s32 $0x20, s3;
	v11 =	vmul.f32 v11, v3;
	v6 =	vor.u32 s6, v0;
	v4 =	vsel vm2, v10, v4;
	v10 =	vld [tilespmem:s8+$0xC360]  }
0x316: {  	v63 =	vld [tilespmem:s8+$0xC370];
	v5 =	vsel vm2, v6, v5;
	v6 =	vor.u32 s7, v0;
	vm2 =	vgt.f32 v13, v4  }
0x317: {  	s9 =	sadd.s32 $0x30, s3;
	v15 =	vld [tilespmem:s8+$0x1ADC0];
	v11 =	vadd.f32 v7, v11;
	v12 =	vsel vm2, v13, v4;
	v5 =	vsel vm2, v6, v5  }
0x318: {  	s3 =	sadd.s32 $0x40, s3;
	v7 =	vld [tilespmem:s8+$0xC380];
	v6 =	vor.u32 s9, v0;
	vm2 =	vgt.f32 v8, v12;
	v9 =	vmul.f32 v9, v3  }
0x319: {  	v4 =	vld [tilespmem:s8+$0x1ADD0];
	v13 =	vor.u32 s3, v0;
	v8 =	vsel vm2, v8, v12;
	v6 =	vsel vm2, v6, v5  }
0x31a: {  	v5 =	vld [tilespmem:s8+$0x1ADE0];
	vm2 =	vgt.f32 v11, v8;
	v9 =	vadd.f32 v14, v9;
	v10 =	vmul.f32 v10, v3  }
0x31b: {  	s3 =	simm.s32 $0xC350;
	v14 =	vmul.f32 v63, v3;
	v12 =	vsel vm2, v11, v8;
	v13 =	vsel vm2, v13, v6;
	v8 =	vld [tilespmem:s8+$0xC390]  }
0x31c: {  	s5 =	simm.s32 $0x50;
	s6 =	simm.s32 $0x280;
	s7 =	simm.s32 $0xC360;
	v11 =	vor.u32 s3, v0;
	v6 =	vld [tilespmem:s8+$0x1ADF0];
	vm2 =	vgt.f32 v9, v12;
	v10 =	vadd.f32 v15, v10  }
.LBB2_40:
0x31d: {  	p0 =	sne.s32 s6, $0x9B00;
	v15 =	vld [tilespmem:s5+$0xC350];
	v9 =	vsel vm2, v9, v12;
	v11 =	vsel vm2, v11, v13;
	v12 =	vor.u32 s7, v0  }
0x31e: {  	s7 =	sadd.s32 $0x20, s3;
	v13 =	vld [tilespmem:s5+$0x1ADB0];
	vm2 =	vgt.f32 v10, v9;
	v4 =	vadd.f32 v4, v14;
	v7 =	vmul.f32 v7, v3  }
0x31f: {  	v14 =	vld [tilespmem:s5+$0xC360];
	v9 =	vsel vm2, v10, v9;
	v10 =	vsel vm2, v12, v11;
	v11 =	vor.u32 s7, v0  }
0x320: {  	s7 =	sadd.s32 $0x30, s3;
	v16 =	vld [tilespmem:s5+$0x1ADC0];
	vm2 =	vgt.f32 v4, v9;
	v5 =	vadd.f32 v5, v7;
	v7 =	vmul.f32 v8, v3  }
0x321: {  	v17 =	vld [tilespmem:s5+$0xC370];
	v8 =	vsel vm2, v4, v9;
	v9 =	vsel vm2, v11, v10;
	v10 =	vor.u32 s7, v0  }
.Ltmp19:
0x322: {  	s7 =	sadd.s32 $0x40, s3;
	v11 =	vmul.f32 v15, v3;
	v4 =	vld [tilespmem:s5+$0x1ADD0];
	vm2 =	vgt.f32 v5, v8;
	v6 =	vadd.f32 v6, v7;
	(pc) =	sbr.rel @p0 .LBB2_40-.Ltmp19, $4  }
0x323: {  	v15 =	vor.u32 s7, v0;
	v7 =	vld [tilespmem:s5+$0xC380];
	v12 =	vsel vm2, v5, v8;
	v10 =	vsel vm2, v10, v9  }
0x324: {  	s3 =	sadd.s32 $0x50, s3;
	v9 =	vadd.f32 v13, v11;
	v14 =	vmul.f32 v14, v3;
	v5 =	vld [tilespmem:s5+$0x1ADE0];
	vm2 =	vgt.f32 v6, v12  }
0x325: {  	v11 =	vor.u32 s3, v0;
	v8 =	vld [tilespmem:s5+$0xC390];
	v12 =	vsel vm2, v6, v12;
	v13 =	vsel vm2, v15, v10  }
0x326: {  	s7 =	sadd.s32 $0x10, s3;
	vm2 =	vgt.f32 v9, v12;
	v10 =	vadd.f32 v16, v14;
	v14 =	vmul.f32 v17, v3;
	v6 =	vld [tilespmem:s5+$0x1ADF0];
	s5 =	sshra.s32 s6, $0x2;
	s6 =	sadd.s32 $0x140, s6  }
0x327: {  	v15 =	vld [tilespmem:s5+$0xC350]  }
0x328: {  	v16 =	vld [tilespmem:s5+$0x1ADB0]  }
0x329: {  	v17 =	vld [tilespmem:s5+$0xC360]  }
0x32a: {  	v18 =	vld [tilespmem:s5+$0x1ADC0];
	v9 =	vsel vm2, v9, v12;
	v11 =	vsel vm2, v11, v13;
	v12 =	vor.u32 s7, v0  }
0x32b: {  	v13 =	vld [tilespmem:s5+$0xC370];
	s6 =	sadd.s32 $0x20, s3;
	vm2 =	vgt.f32 v10, v9;
	v4 =	vadd.f32 v4, v14;
	v7 =	vmul.f32 v7, v3  }
0x32c: {  	v14 =	vld [tilespmem:s5+$0x1ADD0];
	v9 =	vsel vm2, v10, v9;
	v10 =	vsel vm2, v12, v11;
	v11 =	vor.u32 s6, v0  }
0x32d: {  	v12 =	vld [tilespmem:s5+$0xC380];
	vm2 =	vgt.f32 v4, v9;
	v5 =	vadd.f32 v5, v7;
	v7 =	vmul.f32 v8, v3  }
0x32e: {  	s7 =	sadd.s32 $0x30, s3;
	v8 =	vld [tilespmem:s5+$0x1ADE0];
	v4 =	vsel vm2, v4, v9;
	v9 =	vsel vm2, v11, v10;
	v10 =	vmul.f32 v15, v3  }
0x32f: {  	s9 =	simm.s32 $0x0;
	v11 =	vld [tilespmem:s5+$0xC390];
	v15 =	vor.u32 s7, v0;
	vm2 =	vgt.f32 v5, v4;
	v6 =	vadd.f32 v6, v7  }
0x330: {  	v7 =	vld [tilespmem:s5+$0x1ADF0];
	[tilespmem:s30], [sflag:$0x2] =	stream.linear.gather [hbm4b:s22+s9], $0x2710, $0x38;
	v13 =	vmul.f32 v13, v3;
	v4 =	vsel vm2, v5, v4;
	v5 =	vsel vm2, v15, v9  }
0x331: {  	s8 =	sadd.s32 $0x40, s3;
	v15 =	vmul.f32 v17, v3;
	_ =	swait.ge [sflag:s31], $0x2710;
	v9 =	vadd.f32 v16, v10;
	vm2 =	vgt.f32 v6, v4  }
0x332: {  	v10 =	vor.u32 s8, v0;
	[sflag:s31] =	ssyncset.done $0x0;
	v12 =	vmul.f32 v12, v3;
	v4 =	vsel vm2, v6, v4  }
0x333: {  	s3 =	sadd.s32 $0x50, s3;
	s8 =	simm.s32 $0x0;
	v5 =	vsel vm2, v10, v5;
	v10 =	vadd.f32 v18, v15;
	[sflag:s31] =	ssyncadd.s32 $0xFFFFD8F0;
	vm2 =	vgt.f32 v9, v4  }
0x334: {  	v13 =	vadd.f32 v14, v13;
	v6 =	vor.u32 s3, v0;
	v4 =	vsel vm2, v9, v4;
	v9 =	vld [tilespmem:s8+$0xEA60]  }
0x335: {  	s6 =	sadd.s32 $0x10, s3;
	v14 =	vld [tilespmem:s8+$0x186A0];
	v8 =	vadd.f32 v8, v12;
	v5 =	vsel vm2, v6, v5;
	vm2 =	vgt.f32 v10, v4  }
0x336: {  	s7 =	sadd.s32 $0x20, s3;
	v11 =	vmul.f32 v11, v3;
	v6 =	vor.u32 s6, v0;
	v4 =	vsel vm2, v10, v4;
	v10 =	vld [tilespmem:s8+$0xEA70]  }
0x337: {  	v63 =	vld [tilespmem:s8+$0xEA80];
	v5 =	vsel vm2, v6, v5;
	v6 =	vor.u32 s7, v0;
	vm2 =	vgt.f32 v13, v4  }
0x338: {  	s9 =	sadd.s32 $0x30, s3;
	v15 =	vld [tilespmem:s8+$0x186B0];
	v11 =	vadd.f32 v7, v11;
	v12 =	vsel vm2, v13, v4;
	v5 =	vsel vm2, v6, v5  }
0x339: {  	s3 =	sadd.s32 $0x40, s3;
	v7 =	vld [tilespmem:s8+$0xEA90];
	v6 =	vor.u32 s9, v0;
	vm2 =	vgt.f32 v8, v12;
	v9 =	vmul.f32 v9, v3  }
0x33a: {  	v4 =	vld [tilespmem:s8+$0x186C0];
	v13 =	vor.u32 s3, v0;
	v8 =	vsel vm2, v8, v12;
	v6 =	vsel vm2, v6, v5  }
0x33b: {  	v5 =	vld [tilespmem:s8+$0x186D0];
	vm2 =	vgt.f32 v11, v8;
	v9 =	vadd.f32 v14, v9;
	v10 =	vmul.f32 v10, v3  }
0x33c: {  	s3 =	simm.s32 $0xEA60;
	v14 =	vmul.f32 v63, v3;
	v12 =	vsel vm2, v11, v8;
	v13 =	vsel vm2, v13, v6;
	v8 =	vld [tilespmem:s8+$0xEAA0]  }
0x33d: {  	s5 =	simm.s32 $0x50;
	s6 =	simm.s32 $0x280;
	s7 =	simm.s32 $0xEA70;
	v11 =	vor.u32 s3, v0;
	v6 =	vld [tilespmem:s8+$0x186E0];
	vm2 =	vgt.f32 v9, v12;
	v10 =	vadd.f32 v15, v10  }
.LBB2_42:
0x33e: {  	p0 =	sne.s32 s6, $0x9B00;
	v15 =	vld [tilespmem:s5+$0xEA60];
	v9 =	vsel vm2, v9, v12;
	v11 =	vsel vm2, v11, v13;
	v12 =	vor.u32 s7, v0  }
0x33f: {  	s7 =	sadd.s32 $0x20, s3;
	v13 =	vld [tilespmem:s5+$0x186A0];
	vm2 =	vgt.f32 v10, v9;
	v4 =	vadd.f32 v4, v14;
	v7 =	vmul.f32 v7, v3  }
0x340: {  	v14 =	vld [tilespmem:s5+$0xEA70];
	v9 =	vsel vm2, v10, v9;
	v10 =	vsel vm2, v12, v11;
	v11 =	vor.u32 s7, v0  }
0x341: {  	s7 =	sadd.s32 $0x30, s3;
	v16 =	vld [tilespmem:s5+$0x186B0];
	vm2 =	vgt.f32 v4, v9;
	v5 =	vadd.f32 v5, v7;
	v7 =	vmul.f32 v8, v3  }
0x342: {  	v17 =	vld [tilespmem:s5+$0xEA80];
	v8 =	vsel vm2, v4, v9;
	v9 =	vsel vm2, v11, v10;
	v10 =	vor.u32 s7, v0  }
.Ltmp20:
0x343: {  	s7 =	sadd.s32 $0x40, s3;
	v11 =	vmul.f32 v15, v3;
	v4 =	vld [tilespmem:s5+$0x186C0];
	vm2 =	vgt.f32 v5, v8;
	v6 =	vadd.f32 v6, v7;
	(pc) =	sbr.rel @p0 .LBB2_42-.Ltmp20, $4  }
0x344: {  	v15 =	vor.u32 s7, v0;
	v7 =	vld [tilespmem:s5+$0xEA90];
	v12 =	vsel vm2, v5, v8;
	v10 =	vsel vm2, v10, v9  }
0x345: {  	s3 =	sadd.s32 $0x50, s3;
	v9 =	vadd.f32 v13, v11;
	v14 =	vmul.f32 v14, v3;
	v5 =	vld [tilespmem:s5+$0x186D0];
	vm2 =	vgt.f32 v6, v12  }
0x346: {  	v11 =	vor.u32 s3, v0;
	v8 =	vld [tilespmem:s5+$0xEAA0];
	v12 =	vsel vm2, v6, v12;
	v13 =	vsel vm2, v15, v10  }
0x347: {  	s7 =	sadd.s32 $0x10, s3;
	vm2 =	vgt.f32 v9, v12;
	v10 =	vadd.f32 v16, v14;
	v14 =	vmul.f32 v17, v3;
	v6 =	vld [tilespmem:s5+$0x186E0];
	s5 =	sshra.s32 s6, $0x2;
	s6 =	sadd.s32 $0x140, s6  }
0x348: {  	v15 =	vld [tilespmem:s5+$0xEA60]  }
0x349: {  	v16 =	vld [tilespmem:s5+$0x186A0]  }
0x34a: {  	v17 =	vld [tilespmem:s5+$0xEA70]  }
0x34b: {  	v18 =	vld [tilespmem:s5+$0x186B0];
	v9 =	vsel vm2, v9, v12;
	v11 =	vsel vm2, v11, v13;
	v12 =	vor.u32 s7, v0  }
0x34c: {  	v13 =	vld [tilespmem:s5+$0xEA80];
	s6 =	sadd.s32 $0x20, s3;
	vm2 =	vgt.f32 v10, v9;
	v4 =	vadd.f32 v4, v14;
	v7 =	vmul.f32 v7, v3  }
0x34d: {  	v14 =	vld [tilespmem:s5+$0x186C0];
	v9 =	vsel vm2, v10, v9;
	v10 =	vsel vm2, v12, v11;
	v11 =	vor.u32 s6, v0  }
0x34e: {  	v12 =	vld [tilespmem:s5+$0xEA90];
	vm2 =	vgt.f32 v4, v9;
	v5 =	vadd.f32 v5, v7;
	v7 =	vmul.f32 v8, v3  }
0x34f: {  	s7 =	sadd.s32 $0x30, s3;
	v8 =	vld [tilespmem:s5+$0x186D0];
	v4 =	vsel vm2, v4, v9;
	v9 =	vsel vm2, v11, v10;
	v10 =	vmul.f32 v15, v3  }
0x350: {  	s9 =	simm.s32 $0x0;
	v11 =	vld [tilespmem:s5+$0xEAA0];
	v15 =	vor.u32 s7, v0;
	vm2 =	vgt.f32 v5, v4;
	v6 =	vadd.f32 v6, v7  }
0x351: {  	v7 =	vld [tilespmem:s5+$0x186E0];
	[tilespmem:s29], [sflag:$0x1] =	stream.linear.gather [hbm4b:s23+s9], $0x2710, $0x38;
	v13 =	vmul.f32 v13, v3;
	v4 =	vsel vm2, v5, v4;
	v5 =	vsel vm2, v15, v9  }
0x352: {  	s8 =	sadd.s32 $0x40, s3;
	v15 =	vmul.f32 v17, v3;
	_ =	swait.ge [sflag:s0], $0x2710;
	v9 =	vadd.f32 v16, v10;
	vm2 =	vgt.f32 v6, v4  }
0x353: {  	v10 =	vor.u32 s8, v0;
	[sflag:s0] =	ssyncset.done $0x0;
	v12 =	vmul.f32 v12, v3;
	v4 =	vsel vm2, v6, v4  }
0x354: {  	s3 =	sadd.s32 $0x50, s3;
	s8 =	simm.s32 $0x0;
	v5 =	vsel vm2, v10, v5;
	v10 =	vadd.f32 v18, v15;
	[sflag:s0] =	ssyncadd.s32 $0xFFFFD8F0;
	vm2 =	vgt.f32 v9, v4  }
0x355: {  	v13 =	vadd.f32 v14, v13;
	v6 =	vor.u32 s3, v0;
	v4 =	vsel vm2, v9, v4;
	v9 =	vld [tilespmem:s8+$0x11170]  }
0x356: {  	s6 =	sadd.s32 $0x10, s3;
	v14 =	vld [tilespmem:s8+$0x1ADB0];
	v8 =	vadd.f32 v8, v12;
	v5 =	vsel vm2, v6, v5;
	vm2 =	vgt.f32 v10, v4  }
0x357: {  	s7 =	sadd.s32 $0x20, s3;
	v11 =	vmul.f32 v11, v3;
	v6 =	vor.u32 s6, v0;
	v4 =	vsel vm2, v10, v4;
	v10 =	vld [tilespmem:s8+$0x11180]  }
0x358: {  	v63 =	vld [tilespmem:s8+$0x11190];
	v5 =	vsel vm2, v6, v5;
	v6 =	vor.u32 s7, v0;
	vm2 =	vgt.f32 v13, v4  }
0x359: {  	s9 =	sadd.s32 $0x30, s3;
	v15 =	vld [tilespmem:s8+$0x1ADC0];
	v11 =	vadd.f32 v7, v11;
	v12 =	vsel vm2, v13, v4;
	v5 =	vsel vm2, v6, v5  }
0x35a: {  	s3 =	sadd.s32 $0x40, s3;
	v7 =	vld [tilespmem:s8+$0x111A0];
	v6 =	vor.u32 s9, v0;
	vm2 =	vgt.f32 v8, v12;
	v9 =	vmul.f32 v9, v3  }
0x35b: {  	v4 =	vld [tilespmem:s8+$0x1ADD0];
	v13 =	vor.u32 s3, v0;
	v8 =	vsel vm2, v8, v12;
	v6 =	vsel vm2, v6, v5  }
0x35c: {  	v5 =	vld [tilespmem:s8+$0x1ADE0];
	vm2 =	vgt.f32 v11, v8;
	v9 =	vadd.f32 v14, v9;
	v10 =	vmul.f32 v10, v3  }
0x35d: {  	s3 =	simm.s32 $0x11170;
	v14 =	vmul.f32 v63, v3;
	v12 =	vsel vm2, v11, v8;
	v13 =	vsel vm2, v13, v6;
	v8 =	vld [tilespmem:s8+$0x111B0]  }
0x35e: {  	s5 =	simm.s32 $0x50;
	s6 =	simm.s32 $0x280;
	s7 =	simm.s32 $0x11180;
	v11 =	vor.u32 s3, v0;
	v6 =	vld [tilespmem:s8+$0x1ADF0];
	vm2 =	vgt.f32 v9, v12;
	v10 =	vadd.f32 v15, v10  }
.LBB2_44:
0x35f: {  	p0 =	sne.s32 s6, $0x9B00;
	v15 =	vld [tilespmem:s5+$0x11170];
	v9 =	vsel vm2, v9, v12;
	v11 =	vsel vm2, v11, v13;
	v12 =	vor.u32 s7, v0  }
0x360: {  	s7 =	sadd.s32 $0x20, s3;
	v13 =	vld [tilespmem:s5+$0x1ADB0];
	vm2 =	vgt.f32 v10, v9;
	v4 =	vadd.f32 v4, v14;
	v7 =	vmul.f32 v7, v3  }
0x361: {  	v14 =	vld [tilespmem:s5+$0x11180];
	v9 =	vsel vm2, v10, v9;
	v10 =	vsel vm2, v12, v11;
	v11 =	vor.u32 s7, v0  }
0x362: {  	s7 =	sadd.s32 $0x30, s3;
	v16 =	vld [tilespmem:s5+$0x1ADC0];
	vm2 =	vgt.f32 v4, v9;
	v5 =	vadd.f32 v5, v7;
	v7 =	vmul.f32 v8, v3  }
0x363: {  	v17 =	vld [tilespmem:s5+$0x11190];
	v8 =	vsel vm2, v4, v9;
	v9 =	vsel vm2, v11, v10;
	v10 =	vor.u32 s7, v0  }
.Ltmp21:
0x364: {  	s7 =	sadd.s32 $0x40, s3;
	v11 =	vmul.f32 v15, v3;
	v4 =	vld [tilespmem:s5+$0x1ADD0];
	vm2 =	vgt.f32 v5, v8;
	v6 =	vadd.f32 v6, v7;
	(pc) =	sbr.rel @p0 .LBB2_44-.Ltmp21, $4  }
0x365: {  	v15 =	vor.u32 s7, v0;
	v7 =	vld [tilespmem:s5+$0x111A0];
	v12 =	vsel vm2, v5, v8;
	v10 =	vsel vm2, v10, v9  }
0x366: {  	s3 =	sadd.s32 $0x50, s3;
	v9 =	vadd.f32 v13, v11;
	v14 =	vmul.f32 v14, v3;
	v5 =	vld [tilespmem:s5+$0x1ADE0];
	vm2 =	vgt.f32 v6, v12  }
0x367: {  	v11 =	vor.u32 s3, v0;
	v8 =	vld [tilespmem:s5+$0x111B0];
	v12 =	vsel vm2, v6, v12;
	v13 =	vsel vm2, v15, v10  }
0x368: {  	s7 =	sadd.s32 $0x10, s3;
	vm2 =	vgt.f32 v9, v12;
	v10 =	vadd.f32 v16, v14;
	v14 =	vmul.f32 v17, v3;
	v6 =	vld [tilespmem:s5+$0x1ADF0];
	s5 =	sshra.s32 s6, $0x2;
	s6 =	sadd.s32 $0x140, s6  }
0x369: {  	v15 =	vld [tilespmem:s5+$0x11170]  }
0x36a: {  	v16 =	vld [tilespmem:s5+$0x1ADB0]  }
0x36b: {  	v17 =	vld [tilespmem:s5+$0x11180]  }
0x36c: {  	v18 =	vld [tilespmem:s5+$0x1ADC0];
	v9 =	vsel vm2, v9, v12;
	v11 =	vsel vm2, v11, v13;
	v12 =	vor.u32 s7, v0  }
0x36d: {  	v13 =	vld [tilespmem:s5+$0x11190];
	s6 =	sadd.s32 $0x20, s3;
	vm2 =	vgt.f32 v10, v9;
	v4 =	vadd.f32 v4, v14;
	v7 =	vmul.f32 v7, v3  }
0x36e: {  	v14 =	vld [tilespmem:s5+$0x1ADD0];
	v9 =	vsel vm2, v10, v9;
	v10 =	vsel vm2, v12, v11;
	v11 =	vor.u32 s6, v0  }
0x36f: {  	v12 =	vld [tilespmem:s5+$0x111A0];
	vm2 =	vgt.f32 v4, v9;
	v5 =	vadd.f32 v5, v7;
	v7 =	vmul.f32 v8, v3  }
0x370: {  	s7 =	sadd.s32 $0x30, s3;
	v8 =	vld [tilespmem:s5+$0x1ADE0];
	v4 =	vsel vm2, v4, v9;
	v9 =	vsel vm2, v11, v10;
	v10 =	vmul.f32 v15, v3  }
0x371: {  	s9 =	simm.s32 $0x0;
	v11 =	vld [tilespmem:s5+$0x111B0];
	v15 =	vor.u32 s7, v0;
	vm2 =	vgt.f32 v5, v4;
	v6 =	vadd.f32 v6, v7  }
0x372: {  	v7 =	vld [tilespmem:s5+$0x1ADF0];
	[tilespmem:s30], [sflag:$0x2] =	stream.linear.gather [hbm4b:s26+s9], $0x2710, $0x38;
	v13 =	vmul.f32 v13, v3;
	v4 =	vsel vm2, v5, v4;
	v5 =	vsel vm2, v15, v9  }
0x373: {  	s8 =	sadd.s32 $0x40, s3;
	v15 =	vmul.f32 v17, v3;
	_ =	swait.ge [sflag:s31], $0x2710;
	v9 =	vadd.f32 v16, v10;
	vm2 =	vgt.f32 v6, v4  }
0x374: {  	v10 =	vor.u32 s8, v0;
	[sflag:s31] =	ssyncset.done $0x0;
	v12 =	vmul.f32 v12, v3;
	v4 =	vsel vm2, v6, v4  }
0x375: {  	s3 =	sadd.s32 $0x50, s3;
	s8 =	simm.s32 $0x0;
	v5 =	vsel vm2, v10, v5;
	v10 =	vadd.f32 v18, v15;
	[sflag:s31] =	ssyncadd.s32 $0xFFFFD8F0;
	vm2 =	vgt.f32 v9, v4  }
0x376: {  	v13 =	vadd.f32 v14, v13;
	v6 =	vor.u32 s3, v0;
	v4 =	vsel vm2, v9, v4;
	v9 =	vld [tilespmem:s8+$0x13880]  }
0x377: {  	s6 =	sadd.s32 $0x10, s3;
	v14 =	vld [tilespmem:s8+$0x186A0];
	v8 =	vadd.f32 v8, v12;
	v5 =	vsel vm2, v6, v5;
	vm2 =	vgt.f32 v10, v4  }
0x378: {  	s7 =	sadd.s32 $0x20, s3;
	v11 =	vmul.f32 v11, v3;
	v6 =	vor.u32 s6, v0;
	v4 =	vsel vm2, v10, v4;
	v10 =	vld [tilespmem:s8+$0x13890]  }
0x379: {  	v63 =	vld [tilespmem:s8+$0x138A0];
	v5 =	vsel vm2, v6, v5;
	v6 =	vor.u32 s7, v0;
	vm2 =	vgt.f32 v13, v4  }
0x37a: {  	s9 =	sadd.s32 $0x30, s3;
	v15 =	vld [tilespmem:s8+$0x186B0];
	v11 =	vadd.f32 v7, v11;
	v12 =	vsel vm2, v13, v4;
	v5 =	vsel vm2, v6, v5  }
0x37b: {  	s3 =	sadd.s32 $0x40, s3;
	v7 =	vld [tilespmem:s8+$0x138B0];
	v6 =	vor.u32 s9, v0;
	vm2 =	vgt.f32 v8, v12;
	v9 =	vmul.f32 v9, v3  }
0x37c: {  	v4 =	vld [tilespmem:s8+$0x186C0];
	v13 =	vor.u32 s3, v0;
	v8 =	vsel vm2, v8, v12;
	v6 =	vsel vm2, v6, v5  }
0x37d: {  	v5 =	vld [tilespmem:s8+$0x186D0];
	vm2 =	vgt.f32 v11, v8;
	v9 =	vadd.f32 v14, v9;
	v10 =	vmul.f32 v10, v3  }
0x37e: {  	s3 =	simm.s32 $0x13880;
	v14 =	vmul.f32 v63, v3;
	v12 =	vsel vm2, v11, v8;
	v13 =	vsel vm2, v13, v6;
	v8 =	vld [tilespmem:s8+$0x138C0]  }
0x37f: {  	s5 =	simm.s32 $0x50;
	s6 =	simm.s32 $0x280;
	s7 =	simm.s32 $0x13890;
	v11 =	vor.u32 s3, v0;
	v6 =	vld [tilespmem:s8+$0x186E0];
	vm2 =	vgt.f32 v9, v12;
	v10 =	vadd.f32 v15, v10  }
.LBB2_46:
0x380: {  	p0 =	sne.s32 s6, $0x9B00;
	v15 =	vld [tilespmem:s5+$0x13880];
	v9 =	vsel vm2, v9, v12;
	v11 =	vsel vm2, v11, v13;
	v12 =	vor.u32 s7, v0  }
0x381: {  	s7 =	sadd.s32 $0x20, s3;
	v13 =	vld [tilespmem:s5+$0x186A0];
	vm2 =	vgt.f32 v10, v9;
	v4 =	vadd.f32 v4, v14;
	v7 =	vmul.f32 v7, v3  }
0x382: {  	v14 =	vld [tilespmem:s5+$0x13890];
	v9 =	vsel vm2, v10, v9;
	v10 =	vsel vm2, v12, v11;
	v11 =	vor.u32 s7, v0  }
0x383: {  	s7 =	sadd.s32 $0x30, s3;
	v16 =	vld [tilespmem:s5+$0x186B0];
	vm2 =	vgt.f32 v4, v9;
	v5 =	vadd.f32 v5, v7;
	v7 =	vmul.f32 v8, v3  }
0x384: {  	v17 =	vld [tilespmem:s5+$0x138A0];
	v8 =	vsel vm2, v4, v9;
	v9 =	vsel vm2, v11, v10;
	v10 =	vor.u32 s7, v0  }
.Ltmp22:
0x385: {  	s7 =	sadd.s32 $0x40, s3;
	v11 =	vmul.f32 v15, v3;
	v4 =	vld [tilespmem:s5+$0x186C0];
	vm2 =	vgt.f32 v5, v8;
	v6 =	vadd.f32 v6, v7;
	(pc) =	sbr.rel @p0 .LBB2_46-.Ltmp22, $4  }
0x386: {  	v15 =	vor.u32 s7, v0;
	v7 =	vld [tilespmem:s5+$0x138B0];
	v12 =	vsel vm2, v5, v8;
	v10 =	vsel vm2, v10, v9  }
0x387: {  	s3 =	sadd.s32 $0x50, s3;
	v9 =	vadd.f32 v13, v11;
	v14 =	vmul.f32 v14, v3;
	v5 =	vld [tilespmem:s5+$0x186D0];
	vm2 =	vgt.f32 v6, v12  }
0x388: {  	v11 =	vor.u32 s3, v0;
	v8 =	vld [tilespmem:s5+$0x138C0];
	v12 =	vsel vm2, v6, v12;
	v13 =	vsel vm2, v15, v10  }
0x389: {  	s7 =	sadd.s32 $0x10, s3;
	vm2 =	vgt.f32 v9, v12;
	v10 =	vadd.f32 v16, v14;
	v14 =	vmul.f32 v17, v3;
	v6 =	vld [tilespmem:s5+$0x186E0];
	s5 =	sshra.s32 s6, $0x2;
	s6 =	sadd.s32 $0x140, s6  }
0x38a: {  	v15 =	vld [tilespmem:s5+$0x13880]  }
0x38b: {  	v16 =	vld [tilespmem:s5+$0x186A0]  }
0x38c: {  	v17 =	vld [tilespmem:s5+$0x13890];
	v9 =	vsel vm2, v9, v12;
	v11 =	vsel vm2, v11, v13;
	v12 =	vor.u32 s7, v0  }
0x38d: {  	v13 =	vld [tilespmem:s5+$0x186B0];
	s6 =	sadd.s32 $0x20, s3;
	vm2 =	vgt.f32 v10, v9;
	v4 =	vadd.f32 v4, v14;
	v7 =	vmul.f32 v7, v3  }
0x38e: {  	v14 =	vld [tilespmem:s5+$0x138A0];
	v9 =	vsel vm2, v10, v9;
	v10 =	vsel vm2, v12, v11;
	v11 =	vor.u32 s6, v0  }
0x38f: {  	v12 =	vld [tilespmem:s5+$0x186C0];
	vm2 =	vgt.f32 v4, v9;
	v5 =	vadd.f32 v5, v7;
	v7 =	vmul.f32 v8, v3  }
0x390: {  	s8 =	sadd.s32 $0x30, s3;
	v8 =	vld [tilespmem:s5+$0x138B0];
	v4 =	vsel vm2, v4, v9;
	v9 =	vsel vm2, v11, v10;
	v10 =	vmul.f32 v15, v3  }
0x391: {  	v11 =	vld [tilespmem:s5+$0x186D0];
	v15 =	vor.u32 s8, v0;
	vm2 =	vgt.f32 v5, v4;
	v6 =	vadd.f32 v6, v7  }
0x392: {  	s9 =	sadd.s32 $0x40, s3;
	v7 =	vld [tilespmem:s5+$0x138C0];
	v62 =	vmul.f32 v17, v3;
	v4 =	vsel vm2, v5, v4;
	v5 =	vsel vm2, v15, v9  }
0x393: {  	v15 =	vor.u32 s9, v0;
	v9 =	vadd.f32 v16, v10;
	v10 =	vld [tilespmem:s5+$0x186E0];
	vm2 =	vgt.f32 v6, v4;
	_ =	swait.ge [sflag:s0], $0x2710  }
0x394: {  	s3 =	sadd.s32 $0x50, s3;
	v14 =	vmul.f32 v14, v3;
	v13 =	vadd.f32 v13, v62;
	v4 =	vsel vm2, v6, v4;
	[sflag:s0] =	ssyncset.done $0x0  }
0x395: {  	s8 =	simm.s32 $0x0;
	v6 =	vor.u32 s3, v0;
	v5 =	vsel vm2, v15, v5;
	vm2 =	vgt.f32 v9, v4;
	[sflag:s0] =	ssyncadd.s32 $0xFFFFD8F0  }
0x396: {  	s6 =	sadd.s32 $0x10, s3;
	v12 =	vadd.f32 v12, v14;
	v8 =	vmul.f32 v8, v3;
	v4 =	vsel vm2, v9, v4;
	v9 =	vld [tilespmem:s8+$0x15F90]  }
0x397: {  	v5 =	vsel vm2, v6, v5;
	v6 =	vor.u32 s6, v0;
	v14 =	vld [tilespmem:s8+$0x1ADB0];
	vm2 =	vgt.f32 v13, v4  }
0x398: {  	s9 =	sadd.s32 $0x30, s3;
	v8 =	vadd.f32 v11, v8;
	v7 =	vmul.f32 v7, v3;
	v4 =	vsel vm2, v13, v4;
	v13 =	vld [tilespmem:s8+$0x15FA0]  }
0x399: {  	s7 =	sadd.s32 $0x20, s3;
	v11 =	vor.u32 s9, v0;
	v63 =	vld [tilespmem:s8+$0x15FB0];
	v5 =	vsel vm2, v6, v5;
	vm2 =	vgt.f32 v12, v4  }
0x39a: {  	v15 =	vld [tilespmem:s8+$0x1ADC0];
	v6 =	vor.u32 s7, v0;
	v10 =	vadd.f32 v10, v7;
	v4 =	vsel vm2, v12, v4  }
0x39b: {  	s3 =	sadd.s32 $0x40, s3;
	v5 =	vsel vm2, v6, v5;
	v6 =	vld [tilespmem:s8+$0x1ADD0];
	vm2 =	vgt.f32 v8, v4;
	v7 =	vmul.f32 v9, v3  }
0x39c: {  	v9 =	vor.u32 s3, v0;
	v4 =	vsel vm2, v8, v4;
	v5 =	vsel vm2, v11, v5;
	v8 =	vld [tilespmem:s8+$0x15FC0]  }
0x39d: {  	vm2 =	vgt.f32 v10, v4;
	v11 =	vadd.f32 v14, v7;
	v12 =	vmul.f32 v13, v3;
	v7 =	vld [tilespmem:s8+$0x1ADE0]  }
0x39e: {  	s3 =	simm.s32 $0x15F90;
	v14 =	vmul.f32 v63, v3;
	v13 =	vsel vm2, v10, v4;
	v5 =	vsel vm2, v9, v5;
	v10 =	vld [tilespmem:s8+$0x15FD0]  }
0x39f: {  	s5 =	simm.s32 $0x50;
	s6 =	simm.s32 $0x15FA0;
	s7 =	simm.s32 $0x280;
	v4 =	vor.u32 s3, v0;
	v9 =	vld [tilespmem:s8+$0x1ADF0];
	vm2 =	vgt.f32 v11, v13;
	v12 =	vadd.f32 v15, v12  }
.LBB2_48:
0x3a0: {  	p0 =	sne.s32 s7, $0x9B00;
	v15 =	vld [tilespmem:s5+$0x15F90];
	v11 =	vsel vm2, v11, v13;
	v4 =	vsel vm2, v4, v5;
	v5 =	vor.u32 s6, v0  }
0x3a1: {  	s6 =	sadd.s32 $0x20, s3;
	v13 =	vld [tilespmem:s5+$0x1ADB0];
	vm2 =	vgt.f32 v12, v11;
	v6 =	vadd.f32 v6, v14;
	v8 =	vmul.f32 v8, v3  }
0x3a2: {  	v14 =	vld [tilespmem:s5+$0x15FA0];
	v11 =	vsel vm2, v12, v11;
	v4 =	vsel vm2, v5, v4;
	v5 =	vor.u32 s6, v0  }
0x3a3: {  	s6 =	sadd.s32 $0x30, s3;
	v12 =	vld [tilespmem:s5+$0x1ADC0];
	vm2 =	vgt.f32 v6, v11;
	v7 =	vadd.f32 v7, v8;
	v8 =	vmul.f32 v10, v3  }
0x3a4: {  	v16 =	vld [tilespmem:s5+$0x15FB0];
	v10 =	vsel vm2, v6, v11;
	v4 =	vsel vm2, v5, v4;
	v5 =	vor.u32 s6, v0  }
.Ltmp23:
0x3a5: {  	s6 =	sadd.s32 $0x40, s3;
	v11 =	vmul.f32 v15, v3;
	v6 =	vld [tilespmem:s5+$0x1ADD0];
	vm2 =	vgt.f32 v7, v10;
	v9 =	vadd.f32 v9, v8;
	(pc) =	sbr.rel @p0 .LBB2_48-.Ltmp23, $4  }
0x3a6: {  	v17 =	vor.u32 s6, v0;
	v8 =	vld [tilespmem:s5+$0x15FC0];
	v15 =	vsel vm2, v7, v10;
	v5 =	vsel vm2, v5, v4  }
0x3a7: {  	s3 =	sadd.s32 $0x50, s3;
	v11 =	vadd.f32 v13, v11;
	v14 =	vmul.f32 v14, v3;
	v7 =	vld [tilespmem:s5+$0x1ADE0];
	vm2 =	vgt.f32 v9, v15  }
0x3a8: {  	v4 =	vor.u32 s3, v0;
	v10 =	vld [tilespmem:s5+$0x15FD0];
	v13 =	vsel vm2, v9, v15;
	v5 =	vsel vm2, v17, v5  }
0x3a9: {  	s6 =	sadd.s32 $0x10, s3;
	vm2 =	vgt.f32 v11, v13;
	v12 =	vadd.f32 v12, v14;
	v14 =	vmul.f32 v16, v3;
	v9 =	vld [tilespmem:s5+$0x1ADF0];
	s5 =	sshra.s32 s7, $0x2;
	s7 =	sadd.s32 $0x140, s7  }
0x3aa: {  	v15 =	vld [tilespmem:s5+$0x15F90];
	v11 =	vsel vm2, v11, v13  }
0x3ab: {  	v47 =	vld [tilespmem:s5+$0x1ADB0];
	vm3 =	vgt.f32 v12, v11;
	v6 =	vadd.f32 v6, v14;
	v8 =	vmul.f32 v8, v3  }
0x3ac: {  	v48 =	vld [tilespmem:s5+$0x15FA0];
	v11 =	vsel vm3, v12, v11  }
0x3ad: {  	v49 =	vld [tilespmem:s5+$0x1ADC0];
	vm4 =	vgt.f32 v6, v11;
	v7 =	vadd.f32 v7, v8;
	v50 =	vmul.f32 v10, v3  }
0x3ae: {  	v51 =	vld [tilespmem:s5+$0x15FB0];
	v6 =	vsel vm4, v6, v11  }
0x3af: {  	v53 =	vld [tilespmem:s5+$0x1ADD0];
	v52 =	vmul.f32 v15, v3;
	vm5 =	vgt.f32 v7, v6;
	v8 =	vadd.f32 v9, v50  }
0x3b0: {  	v54 =	vld [tilespmem:s5+$0x15FC0];
	v6 =	vsel vm5, v7, v6  }
0x3b1: {  	v57 =	vld [tilespmem:s5+$0x1ADE0];
	(xrf0) =	vmax.scan.msk.f32 $0xffff, v1;
	v56 =	vmul.f32 v48, v3;
	v55 =	vadd.f32 v47, v52;
	vm6 =	vgt.f32 v8, v6  }
0x3b2: {  	v58 =	vld [tilespmem:s5+$0x15FD0];
	v6 =	vsel vm6, v8, v6  }
0x3b3: {  	v10 =	vmul.f32 v51, v3;
	v11 =	vadd.f32 v49, v56;
	vm7 =	vgt.f32 v55, v6  }
0x3b4: {  	v59 =	vld [tilespmem:s5+$0x1ADF0];
	v6 =	vsel vm7, v55, v6  }
0x3b5: {  	v9 =	vmul.f32 v54, v3;
	v10 =	vadd.f32 v53, v10;
	vm8 =	vgt.f32 v11, v6  }
0x3b6: {  	v6 =	vsel vm8, v11, v6  }
0x3b7: {  	v3 =	vmul.f32 v58, v3;
	v60, _, _ =	vpop (xrf0);
	v9 =	vadd.f32 v57, v9;
	vm9 =	vgt.f32 v10, v6  }
0x3b8: {  	v8 =	vbroadcast v60, $0xF;
	v6 =	vsel vm9, v10, v6  }
0x3b9: {  	v3 =	vadd.f32 v59, v3;
	vm10 =	vgt.f32 v9, v6  }
0x3ba: {  	vm11 =	veq.f32 v1, v8;
	v1 =	vxor.u32 $0x80000000, v2;
	v6 =	vsel vm10, v9, v6  }
0x3bb: {  	v1 =	vnsel vm11, $0xFFFFFFFF, v1;
	vm15 =	vgt.f32 v3, v6  }
0x3bc: {  	v61 =	vor.u32 s6, v0;
	s7 =	sadd.s32 $0x20, s3;
	v2 =	vsel vm2, v4, v5;
	(xrf0) =	vmin.scan.msk.u32 $0xffff, v1;
	v3 =	vsel vm15, v3, v6  }
0x3bd: {  	s8 =	sadd.s32 $0x30, s3;
	v1 =	vsel vm3, v61, v2;
	v2 =	vor.u32 s7, v0;
	(xrf0) =	vmax.scan.msk.f32 $0xffff, v3  }
0x3be: {  	s9 =	sadd.s32 $0x40, s3;
	v1 =	vsel vm4, v2, v1;
	v2 =	vor.u32 s8, v0  }
0x3bf: {  	s6 =	sadd.s32 $0x50, s3;
	v1 =	vsel vm5, v2, v1;
	v2 =	vor.u32 s9, v0  }
0x3c0: {  	s7 =	sadd.s32 $0x10, s6;
	v1 =	vsel vm6, v2, v1;
	v2 =	vor.u32 s6, v0  }
0x3c1: {  	s8 =	sadd.s32 $0x20, s6;
	v1 =	vsel vm7, v2, v1;
	v2 =	vor.u32 s7, v0  }
0x3c2: {  	s9 =	sadd.s32 $0x30, s6;
	v1 =	vsel vm8, v2, v1;
	v2 =	vor.u32 s8, v0;
	v62, _, _ =	vpop (xrf0)  }
0x3c3: {  	s3 =	sadd.s32 $0x40, s6;
	v1 =	vsel vm9, v2, v1;
	v2 =	vor.u32 s9, v0;
	v63, _, _ =	vpop (xrf0)  }
0x3c4: {  	v1 =	vsel vm10, v2, v1;
	v2 =	vor.u32 s3, v0;
	v5 =	vbroadcast v63, $0xF  }
0x3c5: {  	v1 =	vsel vm15, v2, v1  }
0x3c6: {  	v1 =	vxor.u32 $0x80000000, v1;
	vm2 =	veq.f32 v3, v5  }
0x3c7: {  	v1 =	vnsel vm2, $0xFFFFFFFF, v1  }
0x3c8: {  	(xrf0) =	vmin.scan.msk.u32 $0xffff, v1;
	_ =	sdelay $0x4  }
0x3c9: {  	(v2sf) =	vpush v62, $0xF  }
0x3ca: {  	v1, _, _ =	vpop (xrf0)  }
0x3cb: {  	(v2sf) =	vpush v1, $0xF;
	_ =	sdelay $0xc  }
0x3cc: {  	s6 =	spop (v2sf)  }
0x3cd: {  	s3 =	sxor.u32 $0x80000000, s6  }
0x3ce: {  	v1 =	vmov s3;
	s7 =	spop (v2sf)  }
0x3cf: {  	s1 =	sadd.s32 $0x1, s1;
	v1 =	vnsel vm0, $0x0, v1;
	s8 =	sxor.u32 $0x80000000, s7  }
0x3d0: {  	p0 =	sne.s32 s1, s25;
	v1 =	vsel vm1, s8, v1  }
.Ltmp24:
0x3d1: {  	s9 =	simm.s32 $0x1D4C0;
	[tilespmem:$0x1D4C0] =	vst v1;
	(pc) =	sbr.rel @p0 .LBB2_1-.Ltmp24, $4  }
0x3d2: {  	[hbm4b:s24+s2] =	stream.linear.scatter [tilespmem:s9], [sflag:$0x3], $0x10, $0x38;
	[tilespmem:$0x1D4D0] =	vst v63  }
0x3d3: {  	_ =	swait.ge [sflag:s28], $0x10  }
0x3d4: {  	[sflag:s28] =	ssyncset.done $0x0  }
0x3d5: {  	[sflag:s28] =	ssyncadd.s32 $0xFFFFFFF0  }
0x3d6: {  	_ =	sfence.sel $0x180000  }
0x3d7: {  	[bflag:$0x0] =	sbarrier.arrive $0xFFFF  }
0x3d8: {  	_ =	strace $0x90000047  }
0x3d9: {  	s0 =	stileid.u32;
	[bflag:$0x2] =	sbarrier.arrive $0xFFFF  }
0x3da: {  	p0 =	sne.s32 s0, $0x0;
	s0 =	rddreg [dreg:$0x1]  }
0x3db: {  	s0 =	sadd.s32 @!p0 $0x100000, s0  }
0x3dc: {  	[sflag:s0] =	ssyncadd.tile.s32 @!p0 $0x1;
	_ =	shalt  }
.Lfunc_end2:
_tile_overlayer_lowered:
.L_overlay_start_2:
0x3dd: {  	(tag) =	ssettag $0x2  }
0x3de: {  	s0 =	rddreg [dreg:$0x0];
	s2 =	stileid.u32  }
0x3df: {  	s1 =	rddreg [dreg:$0x1];
	p0 =	sne.s32 s2, $0x0  }
0x3e0: {  	s3 =	rddreg [dreg:$0x2];
	[bflag:$0x3] =	sbarrier.arrive $0xFFFF;
	s2 =	simm.s32 @!p0 $0x1C03  }
0x3e1: {  	[timem:s3], [sflag:s2] =	dma.local @!p0 [hbm:s0], s1  }
0x3e2: {  	s0 =	simm.s32 @!p0 $0x3  }
0x3e3: {  	_ =	swait.ge @!p0 [sflag:s0], s1  }
0x3e4: {  	s1 =	ssub.s32 @!p0 $0x0, s1;
	[sflag:s0] =	ssyncset.done @!p0 $0x0  }
0x3e5: {  	[sflag:s0] =	ssyncadd.s32 @!p0 s1  }
0x3e6: {  	[bflag:$0x3] =	sbarrier.arrive $0xFFFF  }
0x3e7: {  	_ =	shalt  }

</sc_bundles>
